<compile_context>
chip_gen: v7x
topology: tpu7x:2x2x1
jax: 0.10.2.dev20260603
libtpu: 0.0.44.dev20260713+nightly
codegen_flags: <defaults>
</compile_context>

<pallas_src>
import functools

import jax
import jax.numpy as jnp
from jax import lax
from jax.experimental import pallas as pl
from jax.experimental.pallas import tpu as pltpu
from jax.experimental.pallas import tpu_sc as plsc

N_NODES = 10000
F = 128
FH = 64

NC = 2
NS = 16
BLK = 128
PER_TILE = 21504
NBLK = PER_TILE // BLK
NPAD = 10240
ROWS_PER_TILE = NPAD // NS


def _linear_body(feat_ref, ws_ref, wn_ref, b_ref, hs_ref, fn_ref):
    x = feat_ref[...]
    dn = (((1,), (1,)), ((), ()))
    hs_ref[...] = lax.dot_general(x, ws_ref[...], dn,
                                  preferred_element_type=jnp.float32)
    fn = lax.dot_general(x, wn_ref[...], dn,
                         preferred_element_type=jnp.float32) + b_ref[...]
    fn_ref[0] = fn[:, 0:FH]
    fn_ref[1] = fn[:, FH:F]


def _linear(feat, w_self, w_neigh, b_row):
    m = feat.shape[0]
    bm = 1000
    grid = (m // bm,)
    return pl.pallas_call(
        _linear_body,
        grid=grid,
        in_specs=[
            pl.BlockSpec((bm, F), lambda i: (i, 0)),
            pl.BlockSpec((F, F), lambda i: (0, 0)),
            pl.BlockSpec((F, F), lambda i: (0, 0)),
            pl.BlockSpec((1, F), lambda i: (0, 0)),
        ],
        out_specs=[
            pl.BlockSpec((bm, F), lambda i: (i, 0)),
            pl.BlockSpec((NC, bm, FH), lambda i: (0, i, 0)),
        ],
        out_shape=[
            jax.ShapeDtypeStruct((m, F), jnp.float32),
            jax.ShapeDtypeStruct((NC, m, FH), jnp.float32),
        ],
    )(feat, w_self, w_neigh, b_row)


_mesh = plsc.VectorSubcoreMesh(core_axis_name="c", subcore_axis_name="s")


CHB = 12
NCHUNK = NBLK // CHB
N_PER_TILE = N_NODES // NS


@functools.partial(
    pl.kernel,
    mesh=_mesh,
    out_type=[
        jax.ShapeDtypeStruct((NC, NPAD, FH), jnp.float32),
        jax.ShapeDtypeStruct((NC, NPAD, 16), jnp.float32),
    ],
    scratch_types=[
        [pltpu.VMEM((CHB, BLK), jnp.int32)] * 2,
        [pltpu.VMEM((CHB, BLK), jnp.int32)] * 2,
        pltpu.VMEM((3, BLK, FH), jnp.float32),
        pltpu.VMEM((BLK, 16), jnp.float32),
        pltpu.VMEM((BLK, 16), jnp.float32),
        pltpu.VMEM_SHARED((N_NODES, FH), jnp.float32),
        pltpu.VMEM_SHARED((NPAD, FH), jnp.float32),
        pltpu.VMEM_SHARED((NPAD, 16), jnp.float32),
        [pltpu.SemaphoreType.DMA] * 3,
        [pltpu.SemaphoreType.DMA] * 3,
        [pltpu.SemaphoreType.DMA] * 2,
        [pltpu.SemaphoreType.DMA] * 2,
    ],
    compiler_params=pltpu.CompilerParams(use_tc_tiling_on_sc=False),
)
def _aggregate(fn_hbm, src_hbm, dst_hbm, acc_out, deg_out,
               src_ck, dst_ck, rows_v, ones_v, zdeg_v, fn_sh, acc_sh, deg_sh,
               gsems, ssems, isems, dsems):
    c = lax.axis_index("c")
    s = lax.axis_index("s")

    zeros16 = jnp.zeros((16,), jnp.float32)
    ones16 = jnp.ones((16,), jnp.float32)

    def _zrow(i, carry):
        for l in range(FH // 16):
            rows_v[0, i, pl.ds(l * 16, 16)] = zeros16
        return carry
    lax.fori_loop(0, BLK, _zrow, 0)

    def _zdeg(i, carry):
        zdeg_v[i, pl.ds(0, 16)] = zeros16
        ones_v[i, pl.ds(0, 16)] = ones16
        return carry
    lax.fori_loop(0, BLK, _zdeg, 0)

    for k in range(ROWS_PER_TILE // BLK):
        pltpu.sync_copy(rows_v.at[0],
                        acc_sh.at[pl.ds(s * ROWS_PER_TILE + k * BLK, BLK)])
        pltpu.sync_copy(zdeg_v,
                        deg_sh.at[pl.ds(s * ROWS_PER_TILE + k * BLK, BLK)])
    pltpu.sync_copy(fn_hbm.at[c, pl.ds(s * N_PER_TILE, N_PER_TILE)],
                    fn_sh.at[pl.ds(s * N_PER_TILE, N_PER_TILE)])
    plsc.subcore_barrier()

    def _idx_load(ch, p):
        return (pltpu.make_async_copy(src_hbm.at[s, pl.ds(ch * CHB, CHB)],
                                      src_ck[p], isems[p]),
                pltpu.make_async_copy(dst_hbm.at[s, pl.ds(ch * CHB, CHB)],
                                      dst_ck[p], isems[p]))

    def _gather(jj, p, b):
        return pltpu.make_async_copy(fn_sh.at[src_ck[p].at[jj]], rows_v.at[b],
                                     gsems[b])

    def _scatter_wait_desc(p, b):
        return pltpu.make_async_copy(rows_v.at[b], acc_sh.at[dst_ck[p].at[0]],
                                     ssems[b])

    def _deg_desc(p, jj, b):
        return pltpu.make_async_copy(ones_v, deg_sh.at[dst_ck[p].at[jj]],
                                     dsems[b])

    deg_lo = c * (NBLK // 2)
    deg_hi = deg_lo + (NBLK // 2)

    pltpu.sync_copy(src_hbm.at[s, pl.ds(0, CHB)], src_ck[0])
    pltpu.sync_copy(dst_hbm.at[s, pl.ds(0, CHB)], dst_ck[0])
    _gather(0, 0, 0).start()
    _gather(1, 0, 1).start()

    def _chunk_pair(cp, carry):
        for p in range(2):
            ch = cp * 2 + p
            q = 1 - p
            for jj in range(CHB):
                j = ch * CHB + jj
                b = jj % 3
                _gather(jj, p, b).wait()
                pltpu.async_copy(rows_v.at[b], acc_sh.at[dst_ck[p].at[jj]],
                                 ssems[b], add=True)

                @pl.when(jnp.logical_and(j >= deg_lo, j < deg_hi))
                def _():
                    pltpu.async_copy(ones_v, deg_sh.at[dst_ck[p].at[jj]],
                                     dsems[jj % 2], add=True)

                @pl.when(jnp.logical_and(j >= deg_lo + 2, j < deg_hi))
                def _():
                    _deg_desc(p, jj, jj % 2).wait()

                if jj == 2:
                    @pl.when(ch + 1 < NCHUNK)
                    def _():
                        a, d = _idx_load(ch + 1, q)
                        a.start()
                        d.start()

                if jj == CHB - 2:
                    @pl.when(ch + 1 < NCHUNK)
                    def _():
                        a, d = _idx_load(ch + 1, q)
                        a.wait()
                        d.wait()

                @pl.when(j >= 1)
                def _():
                    _scatter_wait_desc(p, (jj + 2) % 3).wait()

                if jj < CHB - 2:
                    @pl.when(j + 2 < NBLK)
                    def _():
                        _gather(jj + 2, p, (jj + 2) % 3).start()
                else:
                    @pl.when(j + 2 < NBLK)
                    def _():
                        _gather(jj + 2 - CHB, q, (jj + 2) % 3).start()
        return carry
    lax.fori_loop(0, NCHUNK // 2, _chunk_pair, 0)
    _scatter_wait_desc(1, (NBLK - 1) % 3).wait()
    _deg_desc(1, 0, 0).wait()
    _deg_desc(1, 0, 1).wait()

    plsc.subcore_barrier()

    lo = s * ROWS_PER_TILE
    pltpu.sync_copy(acc_sh.at[pl.ds(lo, ROWS_PER_TILE)],
                    acc_out.at[c, pl.ds(lo, ROWS_PER_TILE)])
    pltpu.sync_copy(deg_sh.at[pl.ds(lo, ROWS_PER_TILE)],
                    deg_out.at[c, pl.ds(lo, ROWS_PER_TILE)])


def _combine_body(hs_ref, parts_ref, deg_ref, out_ref):
    d = deg_ref[0, :, 0:1] + deg_ref[1, :, 0:1]
    scale = 1.0 / jnp.maximum(d, 1.0)
    hs = hs_ref[...]
    out_ref[:, 0:FH] = hs[:, 0:FH] + parts_ref[0] * scale
    out_ref[:, FH:F] = hs[:, FH:F] + parts_ref[1] * scale


def _combine(h_self, parts, deg):
    m = h_self.shape[0]
    bm = 1000
    grid = (m // bm,)
    return pl.pallas_call(
        _combine_body,
        grid=grid,
        in_specs=[
            pl.BlockSpec((bm, F), lambda i: (i, 0)),
            pl.BlockSpec((NC, bm, FH), lambda i: (0, i, 0)),
            pl.BlockSpec((NC, bm, 16), lambda i: (0, i, 0)),
        ],
        out_specs=pl.BlockSpec((bm, F), lambda i: (i, 0)),
        out_shape=jax.ShapeDtypeStruct((m, F), jnp.float32),
    )(h_self, parts, deg)


def kernel(feat, edge_index, W_self, W_neigh, b_neigh):
    feat = feat.astype(jnp.float32)
    ei = edge_index.astype(jnp.int32)
    src = ei[0]
    dst = ei[1]
    n_edges = src.shape[0]
    pad = NS * PER_TILE - n_edges
    src_p = jnp.concatenate([src, jnp.zeros((pad,), jnp.int32)])
    dst_p = jnp.concatenate([dst, jnp.full((pad,), N_NODES, jnp.int32)])
    n = feat.shape[0]
    src_p = src_p.reshape(NS, NBLK, BLK)
    dst_p = dst_p.reshape(NS, NBLK, BLK)

    h_self, fn_halves = _linear(feat, W_self, W_neigh,
                                b_neigh.reshape(1, F).astype(jnp.float32))
    parts, deg16 = _aggregate(fn_halves, src_p, dst_p)
    return _combine(h_self, parts, deg16)

# --- scband reference (transcript-rebuilt; emitter-appended) ---
"""Pipeline reference for scband-max-ksageconv-2259152798562 (READ-ONLY COPY).

The authoritative reference and input builder live on the scoring server;
editing this copy changes nothing except your own understanding.
"""

import jax, jax.numpy as jnp
import numpy as np

N_NODES = 10000
N_EDGES = 320000
IN_FEATS = 128
OUT_FEATS = 128


def setup_inputs(seed: int = 0) -> dict:
    key = jax.random.key(seed)
    k1, k2, k3, k4 = jax.random.split(key, 4)
    feat = jax.random.normal(k1, (N_NODES, IN_FEATS), dtype=jnp.float32)
    edge_index = jax.random.randint(k2, (2, N_EDGES), 0, N_NODES, dtype=jnp.int64)
    # xavier_uniform with gain = calculate_gain('relu') = sqrt(2)
    gain = float(np.sqrt(2.0))
    bound = gain * float(np.sqrt(6.0 / (IN_FEATS + OUT_FEATS)))
    W_self = jax.random.uniform(k3, (OUT_FEATS, IN_FEATS), minval=-bound, maxval=bound, dtype=jnp.float32)
    W_neigh = jax.random.uniform(k4, (OUT_FEATS, IN_FEATS), minval=-bound, maxval=bound, dtype=jnp.float32)
    b_neigh = jnp.zeros((OUT_FEATS,), dtype=jnp.float32)
    return {"feat": feat, "edge_index": edge_index, "W_self": W_self, "W_neigh": W_neigh, "b_neigh": b_neigh}


def reference(feat, edge_index, W_self, W_neigh, b_neigh):
    # feat_drop with p=0.0 is identity
    src = edge_index[0]
    dst = edge_index[1]
    # h_self = fc_self(feat)
    h_self = feat @ W_self.T
    # feat_neigh = fc_neigh(feat)
    feat_neigh = feat @ W_neigh.T + b_neigh
    # copy_u + mean aggregation over in-edges (gather from src, scatter-mean to dst)
    msg = feat_neigh[src]
    h_sum = jax.ops.segment_sum(msg, dst, num_segments=N_NODES)
    deg = jax.ops.segment_sum(jnp.ones((N_EDGES,), dtype=jnp.float32), dst, num_segments=N_NODES)
    deg = jnp.clip(deg, 1.0, None)
    h_neigh = h_sum / deg[:, None]
    h = h_self + h_neigh
    return h

if __name__ == "__main__":
    import jax
    _d = setup_inputs()
    print(jax.jit(kernel)(*tuple(_d.values())))

</pallas_src>

<mosaic_0001>
#map = affine_map<(d0, d1) -> (0, 0, 0)>
module attributes {stable_mosaic.version = 14 : i64} {
  func.func @_aggregate(%arg0: i32, %arg1: i32, %arg2: memref<2x10000x64xf32, #tpu.memory_space<hbm>>, %arg3: memref<16x168x128xi32, #tpu.memory_space<hbm>>, %arg4: memref<16x168x128xi32, #tpu.memory_space<hbm>>, %arg5: memref<2x10240x64xf32, #tpu.memory_space<hbm>>, %arg6: memref<2x10240x16xf32, #tpu.memory_space<hbm>>, %arg7: memref<12x128xi32, #tpu.memory_space<vmem>>, %arg8: memref<12x128xi32, #tpu.memory_space<vmem>>, %arg9: memref<12x128xi32, #tpu.memory_space<vmem>>, %arg10: memref<12x128xi32, #tpu.memory_space<vmem>>, %arg11: memref<3x128x64xf32, #tpu.memory_space<vmem>>, %arg12: memref<128x16xf32, #tpu.memory_space<vmem>>, %arg13: memref<128x16xf32, #tpu.memory_space<vmem>>, %arg14: memref<10000x64xf32, #tpu.memory_space<vmem_shared>>, %arg15: memref<10240x64xf32, #tpu.memory_space<vmem_shared>>, %arg16: memref<10240x16xf32, #tpu.memory_space<vmem_shared>>, %arg17: memref<!tpu.dma_semaphore, #tpu.memory_space<semaphore_mem>>, %arg18: memref<!tpu.dma_semaphore, #tpu.memory_space<semaphore_mem>>, %arg19: memref<!tpu.dma_semaphore, #tpu.memory_space<semaphore_mem>>, %arg20: memref<!tpu.dma_semaphore, #tpu.memory_space<semaphore_mem>>, %arg21: memref<!tpu.dma_semaphore, #tpu.memory_space<semaphore_mem>>, %arg22: memref<!tpu.dma_semaphore, #tpu.memory_space<semaphore_mem>>, %arg23: memref<!tpu.dma_semaphore, #tpu.memory_space<semaphore_mem>>, %arg24: memref<!tpu.dma_semaphore, #tpu.memory_space<semaphore_mem>>, %arg25: memref<!tpu.dma_semaphore, #tpu.memory_space<semaphore_mem>>, %arg26: memref<!tpu.dma_semaphore, #tpu.memory_space<semaphore_mem>>) attributes {dimension_semantics = [#tpu.dimension_semantics<core_parallel>, #tpu.dimension_semantics<subcore_parallel>], iteration_bounds = array<i64: 2, 16>, scalar_prefetch = 0 : i64, scratch_operands = 20 : i64, tpu.core_type = #tpu.core_type<sc_vector_subcore>, window_params = [{transform_indices = #map}, {transform_indices = #map}, {transform_indices = #map}, {transform_indices = #map}, {transform_indices = #map}]} {
    %broadcast_in_dim3A = arith.constant 0.000000e+00 : f32
    %broadcast_in_dim3A_0 = vector.broadcast %broadcast_in_dim3A : f32 to vector<16xf32>
    %broadcast_in_dim3A_1 = arith.constant 1.000000e+00 : f32
    %broadcast_in_dim3A_2 = vector.broadcast %broadcast_in_dim3A_1 : f32 to vector<16xf32>
    %scan3A = arith.constant 0 : i32
    %scan3A_3 = arith.constant 0 : i32
    %scan3A_4 = arith.constant 128 : i32
    %scan3A_5 = arith.addi %scan3A_3, %scan3A_4 : i32
    %scan3A_6 = arith.constant 1 : i32
    scf.for %scan3A_121 = %scan3A_3 to %scan3A_5 step %scan3A_6  : i32 {
      %swap3A = arith.constant 0 : i32
      %swap3A_122 = arith.index_cast %swap3A : i32 to index
      %swap3A_123 = arith.index_cast %scan3A_121 : i32 to index
      %swap3A_124 = arith.constant 0 : index
      %swap3A_125 = tpu.vector_load %arg11[%swap3A_122, %swap3A_123, %swap3A_124] {strides = array<i32>} : memref<3x128x64xf32, #tpu.memory_space<vmem>>, vector<1x1x16xf32>,
      %swap3A_126 = vector.shape_cast %swap3A_125 : vector<1x1x16xf32> to vector<16xf32>
      %swap3A_127 = vector.shape_cast %broadcast_in_dim3A_0 : vector<16xf32> to vector<1x1x16xf32>
      tpu.vector_store %arg11[%swap3A_122, %swap3A_123, %swap3A_124], %swap3A_127 {strides = array<i32>} : memref<3x128x64xf32, #tpu.memory_space<vmem>>, vector<1x1x16xf32>,
      %swap3A_128 = arith.constant 0 : i32
      %swap3A_129 = arith.index_cast %swap3A_128 : i32 to index
      %swap3A_130 = arith.index_cast %scan3A_121 : i32 to index
      %swap3A_131 = arith.constant 16 : index
      %swap3A_132 = tpu.vector_load %arg11[%swap3A_129, %swap3A_130, %swap3A_131] {strides = array<i32>} : memref<3x128x64xf32, #tpu.memory_space<vmem>>, vector<1x1x16xf32>,
      %swap3A_133 = vector.shape_cast %swap3A_132 : vector<1x1x16xf32> to vector<16xf32>
      %swap3A_134 = vector.shape_cast %broadcast_in_dim3A_0 : vector<16xf32> to vector<1x1x16xf32>
      tpu.vector_store %arg11[%swap3A_129, %swap3A_130, %swap3A_131], %swap3A_134 {strides = array<i32>} : memref<3x128x64xf32, #tpu.memory_space<vmem>>, vector<1x1x16xf32>,
      %swap3A_135 = arith.constant 0 : i32
      %swap3A_136 = arith.index_cast %swap3A_135 : i32 to index
      %swap3A_137 = arith.index_cast %scan3A_121 : i32 to index
      %swap3A_138 = arith.constant 32 : index
      %swap3A_139 = tpu.vector_load %arg11[%swap3A_136, %swap3A_137, %swap3A_138] {strides = array<i32>} : memref<3x128x64xf32, #tpu.memory_space<vmem>>, vector<1x1x16xf32>,
      %swap3A_140 = vector.shape_cast %swap3A_139 : vector<1x1x16xf32> to vector<16xf32>
      %swap3A_141 = vector.shape_cast %broadcast_in_dim3A_0 : vector<16xf32> to vector<1x1x16xf32>
      tpu.vector_store %arg11[%swap3A_136, %swap3A_137, %swap3A_138], %swap3A_141 {strides = array<i32>} : memref<3x128x64xf32, #tpu.memory_space<vmem>>, vector<1x1x16xf32>,
      %swap3A_142 = arith.constant 0 : i32
      %swap3A_143 = arith.index_cast %swap3A_142 : i32 to index
      %swap3A_144 = arith.index_cast %scan3A_121 : i32 to index
      %swap3A_145 = arith.constant 48 : index
      %swap3A_146 = tpu.vector_load %arg11[%swap3A_143, %swap3A_144, %swap3A_145] {strides = array<i32>} : memref<3x128x64xf32, #tpu.memory_space<vmem>>, vector<1x1x16xf32>,
      %swap3A_147 = vector.shape_cast %swap3A_146 : vector<1x1x16xf32> to vector<16xf32>
      %swap3A_148 = vector.shape_cast %broadcast_in_dim3A_0 : vector<16xf32> to vector<1x1x16xf32>
      tpu.vector_store %arg11[%swap3A_143, %swap3A_144, %swap3A_145], %swap3A_148 {strides = array<i32>} : memref<3x128x64xf32, #tpu.memory_space<vmem>>, vector<1x1x16xf32>,
    }
    %scan3A_7 = arith.constant 128 : i32
    %scan3A_8 = arith.constant 0 : i32
    %scan3A_9 = arith.constant 0 : i32
    %scan3A_10 = arith.constant 128 : i32
    %scan3A_11 = arith.addi %scan3A_9, %scan3A_10 : i32
    %scan3A_12 = arith.constant 1 : i32
    scf.for %scan3A_121 = %scan3A_9 to %scan3A_11 step %scan3A_12  : i32 {
      %swap3A = arith.index_cast %scan3A_121 : i32 to index
      %swap3A_122 = arith.constant 0 : index
      %swap3A_123 = tpu.vector_load %arg13[%swap3A, %swap3A_122] {strides = array<i32>} : memref<128x16xf32, #tpu.memory_space<vmem>>, vector<1x16xf32>,
      %swap3A_124 = vector.shape_cast %swap3A_123 : vector<1x16xf32> to vector<16xf32>
      %swap3A_125 = vector.shape_cast %broadcast_in_dim3A_0 : vector<16xf32> to vector<1x16xf32>
      tpu.vector_store %arg13[%swap3A, %swap3A_122], %swap3A_125 {strides = array<i32>} : memref<128x16xf32, #tpu.memory_space<vmem>>, vector<1x16xf32>,
      %swap3A_126 = arith.index_cast %scan3A_121 : i32 to index
      %swap3A_127 = arith.constant 0 : index
      %swap3A_128 = tpu.vector_load %arg12[%swap3A_126, %swap3A_127] {strides = array<i32>} : memref<128x16xf32, #tpu.memory_space<vmem>>, vector<1x16xf32>,
      %swap3A_129 = vector.shape_cast %swap3A_128 : vector<1x16xf32> to vector<16xf32>
      %swap3A_130 = vector.shape_cast %broadcast_in_dim3A_2 : vector<16xf32> to vector<1x16xf32>
      tpu.vector_store %arg12[%swap3A_126, %swap3A_127], %swap3A_130 {strides = array<i32>} : memref<128x16xf32, #tpu.memory_space<vmem>>, vector<1x16xf32>,
    }
    %scan3A_13 = arith.constant 128 : i32
    %mul3A = arith.constant 640 : i32
    %mul3A_14 = arith.muli %arg1, %mul3A : i32
    %add3A = arith.constant 0 : i32
    %add3A_15 = arith.addi %mul3A_14, %add3A : i32
    %run_scoped3A = arith.constant 0 : i32
    "tpu.region"() ({
      %run_scoped3A_121 = tpu.sem_alloc : memref<!tpu.dma_semaphore, #tpu.memory_space<semaphore_mem>>
      %dma_start3A_122 = arith.constant 0 : i32
      %dma_start3A_123 = arith.constant 0 : i32
      %dma_start3A_124 = tpu.memref_slice %arg11[%run_scoped3A, %dma_start3A_122, %dma_start3A_123] : memref<3x128x64xf32, #tpu.memory_space<vmem>> -> memref<1x128x64xf32, #tpu.memory_space<vmem>>
      %dma_start3A_125 = tpu.memref_squeeze %dma_start3A_124 : memref<1x128x64xf32, #tpu.memory_space<vmem>> -> memref<128x64xf32, #tpu.memory_space<vmem>>
      %dma_start3A_126 = arith.constant 0 : i32
      %dma_start3A_127 = tpu.memref_slice %arg15[%add3A_15, %dma_start3A_126] : memref<10240x64xf32, #tpu.memory_space<vmem_shared>> -> memref<128x64xf32, #tpu.memory_space<vmem_shared>>
      %dma_start3A_128 = arith.constant 0 : i32
      %dma_start3A_129 = tpu.memref_slice %arg15[%add3A_15, %dma_start3A_128] : memref<10240x64xf32, #tpu.memory_space<vmem_shared>> -> memref<128x64xf32, #tpu.memory_space<vmem_shared>>
      %dma_start3A_130 = arith.constant 0 : i32
      %dma_start3A_131 = arith.constant 0 : i32
      %dma_start3A_132 = tpu.memref_slice %arg11[%run_scoped3A, %dma_start3A_130, %dma_start3A_131] : memref<3x128x64xf32, #tpu.memory_space<vmem>> -> memref<1x128x64xf32, #tpu.memory_space<vmem>>
      %dma_start3A_133 = tpu.memref_squeeze %dma_start3A_132 : memref<1x128x64xf32, #tpu.memory_space<vmem>> -> memref<128x64xf32, #tpu.memory_space<vmem>>
      tpu.enqueue_dma source(%dma_start3A_133 : memref<128x64xf32, #tpu.memory_space<vmem>>) target(%dma_start3A_129 : memref<128x64xf32, #tpu.memory_space<vmem_shared>>) target_semaphore(%run_scoped3A_121 : memref<!tpu.dma_semaphore, #tpu.memory_space<semaphore_mem>>)
      %dma_wait3A_134 = arith.constant 0 : i32
      %dma_wait3A_135 = arith.constant 0 : i32
      %dma_wait3A_136 = tpu.memref_slice %arg11[%run_scoped3A, %dma_wait3A_134, %dma_wait3A_135] : memref<3x128x64xf32, #tpu.memory_space<vmem>> -> memref<1x128x64xf32, #tpu.memory_space<vmem>>
      %dma_wait3A_137 = tpu.memref_squeeze %dma_wait3A_136 : memref<1x128x64xf32, #tpu.memory_space<vmem>> -> memref<128x64xf32, #tpu.memory_space<vmem>>
      %dma_wait3A_138 = arith.constant 0 : i32
      %dma_wait3A_139 = tpu.memref_slice %arg15[%add3A_15, %dma_wait3A_138] : memref<10240x64xf32, #tpu.memory_space<vmem_shared>> -> memref<128x64xf32, #tpu.memory_space<vmem_shared>>
      %dma_wait3A_140 = arith.constant 0 : i32
      %dma_wait3A_141 = tpu.memref_slice %arg15[%add3A_15, %dma_wait3A_140] : memref<10240x64xf32, #tpu.memory_space<vmem_shared>> -> memref<128x64xf32, #tpu.memory_space<vmem_shared>>
      %dma_wait3A_142 = arith.constant 0 : i32
      %dma_wait3A_143 = arith.constant 0 : i32
      %dma_wait3A_144 = tpu.memref_slice %arg11[%run_scoped3A, %dma_wait3A_142, %dma_wait3A_143] : memref<3x128x64xf32, #tpu.memory_space<vmem>> -> memref<1x128x64xf32, #tpu.memory_space<vmem>>
      %dma_wait3A_145 = tpu.memref_squeeze %dma_wait3A_144 : memref<1x128x64xf32, #tpu.memory_space<vmem>> -> memref<128x64xf32, #tpu.memory_space<vmem>>
      tpu.wait_dma2 semaphore(%run_scoped3A_121 : memref<!tpu.dma_semaphore, #tpu.memory_space<semaphore_mem>>) src(%dma_wait3A_145 : memref<128x64xf32, #tpu.memory_space<vmem>>) dst(%dma_wait3A_141 : memref<128x64xf32, #tpu.memory_space<vmem_shared>>)
      tpu.yield
    }) : () -> ()
    %mul3A_16 = arith.constant 640 : i32
    %mul3A_17 = arith.muli %arg1, %mul3A_16 : i32
    %add3A_18 = arith.constant 0 : i32
    %add3A_19 = arith.addi %mul3A_17, %add3A_18 : i32
    "tpu.region"() ({
      %run_scoped3A_121 = tpu.sem_alloc : memref<!tpu.dma_semaphore, #tpu.memory_space<semaphore_mem>>
      %dma_start3A_122 = arith.constant 0 : i32
      %dma_start3A_123 = tpu.memref_slice %arg16[%add3A_19, %dma_start3A_122] : memref<10240x16xf32, #tpu.memory_space<vmem_shared>> -> memref<128x16xf32, #tpu.memory_space<vmem_shared>>
      %dma_start3A_124 = arith.constant 0 : i32
      %dma_start3A_125 = tpu.memref_slice %arg16[%add3A_19, %dma_start3A_124] : memref<10240x16xf32, #tpu.memory_space<vmem_shared>> -> memref<128x16xf32, #tpu.memory_space<vmem_shared>>
      tpu.enqueue_dma source(%arg13 : memref<128x16xf32, #tpu.memory_space<vmem>>) target(%dma_start3A_125 : memref<128x16xf32, #tpu.memory_space<vmem_shared>>) target_semaphore(%run_scoped3A_121 : memref<!tpu.dma_semaphore, #tpu.memory_space<semaphore_mem>>)
      %dma_wait3A_126 = arith.constant 0 : i32
      %dma_wait3A_127 = tpu.memref_slice %arg16[%add3A_19, %dma_wait3A_126] : memref<10240x16xf32, #tpu.memory_space<vmem_shared>> -> memref<128x16xf32, #tpu.memory_space<vmem_shared>>
      %dma_wait3A_128 = arith.constant 0 : i32
      %dma_wait3A_129 = tpu.memref_slice %arg16[%add3A_19, %dma_wait3A_128] : memref<10240x16xf32, #tpu.memory_space<vmem_shared>> -> memref<128x16xf32, #tpu.memory_space<vmem_shared>>
      tpu.wait_dma2 semaphore(%run_scoped3A_121 : memref<!tpu.dma_semaphore, #tpu.memory_space<semaphore_mem>>) src(%arg13 : memref<128x16xf32, #tpu.memory_space<vmem>>) dst(%dma_wait3A_129 : memref<128x16xf32, #tpu.memory_space<vmem_shared>>)
      tpu.yield
    }) : () -> ()
    %mul3A_20 = arith.constant 640 : i32
    %mul3A_21 = arith.muli %arg1, %mul3A_20 : i32
    %add3A_22 = arith.constant 128 : i32
    %add3A_23 = arith.addi %mul3A_21, %add3A_22 : i32
    %run_scoped3A_24 = arith.constant 0 : i32
    "tpu.region"() ({
      %run_scoped3A_121 = tpu.sem_alloc : memref<!tpu.dma_semaphore, #tpu.memory_space<semaphore_mem>>
      %dma_start3A_122 = arith.constant 0 : i32
      %dma_start3A_123 = arith.constant 0 : i32
      %dma_start3A_124 = tpu.memref_slice %arg11[%run_scoped3A_24, %dma_start3A_122, %dma_start3A_123] : memref<3x128x64xf32, #tpu.memory_space<vmem>> -> memref<1x128x64xf32, #tpu.memory_space<vmem>>
      %dma_start3A_125 = tpu.memref_squeeze %dma_start3A_124 : memref<1x128x64xf32, #tpu.memory_space<vmem>> -> memref<128x64xf32, #tpu.memory_space<vmem>>
      %dma_start3A_126 = arith.constant 0 : i32
      %dma_start3A_127 = tpu.memref_slice %arg15[%add3A_23, %dma_start3A_126] : memref<10240x64xf32, #tpu.memory_space<vmem_shared>> -> memref<128x64xf32, #tpu.memory_space<vmem_shared>>
      %dma_start3A_128 = arith.constant 0 : i32
      %dma_start3A_129 = tpu.memref_slice %arg15[%add3A_23, %dma_start3A_128] : memref<10240x64xf32, #tpu.memory_space<vmem_shared>> -> memref<128x64xf32, #tpu.memory_space<vmem_shared>>
      %dma_start3A_130 = arith.constant 0 : i32
      %dma_start3A_131 = arith.constant 0 : i32
      %dma_start3A_132 = tpu.memref_slice %arg11[%run_scoped3A_24, %dma_start3A_130, %dma_start3A_131] : memref<3x128x64xf32, #tpu.memory_space<vmem>> -> memref<1x128x64xf32, #tpu.memory_space<vmem>>
      %dma_start3A_133 = tpu.memref_squeeze %dma_start3A_132 : memref<1x128x64xf32, #tpu.memory_space<vmem>> -> memref<128x64xf32, #tpu.memory_space<vmem>>
      tpu.enqueue_dma source(%dma_start3A_133 : memref<128x64xf32, #tpu.memory_space<vmem>>) target(%dma_start3A_129 : memref<128x64xf32, #tpu.memory_space<vmem_shared>>) target_semaphore(%run_scoped3A_121 : memref<!tpu.dma_semaphore, #tpu.memory_space<semaphore_mem>>)
      %dma_wait3A_134 = arith.constant 0 : i32
      %dma_wait3A_135 = arith.constant 0 : i32
      %dma_wait3A_136 = tpu.memref_slice %arg11[%run_scoped3A_24, %dma_wait3A_134, %dma_wait3A_135] : memref<3x128x64xf32, #tpu.memory_space<vmem>> -> memref<1x128x64xf32, #tpu.memory_space<vmem>>
      %dma_wait3A_137 = tpu.memref_squeeze %dma_wait3A_136 : memref<1x128x64xf32, #tpu.memory_space<vmem>> -> memref<128x64xf32, #tpu.memory_space<vmem>>
      %dma_wait3A_138 = arith.constant 0 : i32
      %dma_wait3A_139 = tpu.memref_slice %arg15[%add3A_23, %dma_wait3A_138] : memref<10240x64xf32, #tpu.memory_space<vmem_shared>> -> memref<128x64xf32, #tpu.memory_space<vmem_shared>>
      %dma_wait3A_140 = arith.constant 0 : i32
      %dma_wait3A_141 = tpu.memref_slice %arg15[%add3A_23, %dma_wait3A_140] : memref<10240x64xf32, #tpu.memory_space<vmem_shared>> -> memref<128x64xf32, #tpu.memory_space<vmem_shared>>
      %dma_wait3A_142 = arith.constant 0 : i32
      %dma_wait3A_143 = arith.constant 0 : i32
      %dma_wait3A_144 = tpu.memref_slice %arg11[%run_scoped3A_24, %dma_wait3A_142, %dma_wait3A_143] : memref<3x128x64xf32, #tpu.memory_space<vmem>> -> memref<1x128x64xf32, #tpu.memory_space<vmem>>
      %dma_wait3A_145 = tpu.memref_squeeze %dma_wait3A_144 : memref<1x128x64xf32, #tpu.memory_space<vmem>> -> memref<128x64xf32, #tpu.memory_space<vmem>>
      tpu.wait_dma2 semaphore(%run_scoped3A_121 : memref<!tpu.dma_semaphore, #tpu.memory_space<semaphore_mem>>) src(%dma_wait3A_145 : memref<128x64xf32, #tpu.memory_space<vmem>>) dst(%dma_wait3A_141 : memref<128x64xf32, #tpu.memory_space<vmem_shared>>)
      tpu.yield
    }) : () -> ()
    %mul3A_25 = arith.constant 640 : i32
    %mul3A_26 = arith.muli %arg1, %mul3A_25 : i32
    %add3A_27 = arith.constant 128 : i32
    %add3A_28 = arith.addi %mul3A_26, %add3A_27 : i32
    "tpu.region"() ({
      %run_scoped3A_121 = tpu.sem_alloc : memref<!tpu.dma_semaphore, #tpu.memory_space<semaphore_mem>>
      %dma_start3A_122 = arith.constant 0 : i32
      %dma_start3A_123 = tpu.memref_slice %arg16[%add3A_28, %dma_start3A_122] : memref<10240x16xf32, #tpu.memory_space<vmem_shared>> -> memref<128x16xf32, #tpu.memory_space<vmem_shared>>
      %dma_start3A_124 = arith.constant 0 : i32
      %dma_start3A_125 = tpu.memref_slice %arg16[%add3A_28, %dma_start3A_124] : memref<10240x16xf32, #tpu.memory_space<vmem_shared>> -> memref<128x16xf32, #tpu.memory_space<vmem_shared>>
      tpu.enqueue_dma source(%arg13 : memref<128x16xf32, #tpu.memory_space<vmem>>) target(%dma_start3A_125 : memref<128x16xf32, #tpu.memory_space<vmem_shared>>) target_semaphore(%run_scoped3A_121 : memref<!tpu.dma_semaphore, #tpu.memory_space<semaphore_mem>>)
      %dma_wait3A_126 = arith.constant 0 : i32
      %dma_wait3A_127 = tpu.memref_slice %arg16[%add3A_28, %dma_wait3A_126] : memref<10240x16xf32, #tpu.memory_space<vmem_shared>> -> memref<128x16xf32, #tpu.memory_space<vmem_shared>>
      %dma_wait3A_128 = arith.constant 0 : i32
      %dma_wait3A_129 = tpu.memref_slice %arg16[%add3A_28, %dma_wait3A_128] : memref<10240x16xf32, #tpu.memory_space<vmem_shared>> -> memref<128x16xf32, #tpu.memory_space<vmem_shared>>
      tpu.wait_dma2 semaphore(%run_scoped3A_121 : memref<!tpu.dma_semaphore, #tpu.memory_space<semaphore_mem>>) src(%arg13 : memref<128x16xf32, #tpu.memory_space<vmem>>) dst(%dma_wait3A_129 : memref<128x16xf32, #tpu.memory_space<vmem_shared>>)
      tpu.yield
    }) : () -> ()
    %mul3A_29 = arith.constant 640 : i32
    %mul3A_30 = arith.muli %arg1, %mul3A_29 : i32
    %add3A_31 = arith.constant 256 : i32
    %add3A_32 = arith.addi %mul3A_30, %add3A_31 : i32
    %run_scoped3A_33 = arith.constant 0 : i32
    "tpu.region"() ({
      %run_scoped3A_121 = tpu.sem_alloc : memref<!tpu.dma_semaphore, #tpu.memory_space<semaphore_mem>>
      %dma_start3A_122 = arith.constant 0 : i32
      %dma_start3A_123 = arith.constant 0 : i32
      %dma_start3A_124 = tpu.memref_slice %arg11[%run_scoped3A_33, %dma_start3A_122, %dma_start3A_123] : memref<3x128x64xf32, #tpu.memory_space<vmem>> -> memref<1x128x64xf32, #tpu.memory_space<vmem>>
      %dma_start3A_125 = tpu.memref_squeeze %dma_start3A_124 : memref<1x128x64xf32, #tpu.memory_space<vmem>> -> memref<128x64xf32, #tpu.memory_space<vmem>>
      %dma_start3A_126 = arith.constant 0 : i32
      %dma_start3A_127 = tpu.memref_slice %arg15[%add3A_32, %dma_start3A_126] : memref<10240x64xf32, #tpu.memory_space<vmem_shared>> -> memref<128x64xf32, #tpu.memory_space<vmem_shared>>
      %dma_start3A_128 = arith.constant 0 : i32
      %dma_start3A_129 = tpu.memref_slice %arg15[%add3A_32, %dma_start3A_128] : memref<10240x64xf32, #tpu.memory_space<vmem_shared>> -> memref<128x64xf32, #tpu.memory_space<vmem_shared>>
      %dma_start3A_130 = arith.constant 0 : i32
      %dma_start3A_131 = arith.constant 0 : i32
      %dma_start3A_132 = tpu.memref_slice %arg11[%run_scoped3A_33, %dma_start3A_130, %dma_start3A_131] : memref<3x128x64xf32, #tpu.memory_space<vmem>> -> memref<1x128x64xf32, #tpu.memory_space<vmem>>
      %dma_start3A_133 = tpu.memref_squeeze %dma_start3A_132 : memref<1x128x64xf32, #tpu.memory_space<vmem>> -> memref<128x64xf32, #tpu.memory_space<vmem>>
      tpu.enqueue_dma source(%dma_start3A_133 : memref<128x64xf32, #tpu.memory_space<vmem>>) target(%dma_start3A_129 : memref<128x64xf32, #tpu.memory_space<vmem_shared>>) target_semaphore(%run_scoped3A_121 : memref<!tpu.dma_semaphore, #tpu.memory_space<semaphore_mem>>)
      %dma_wait3A_134 = arith.constant 0 : i32
      %dma_wait3A_135 = arith.constant 0 : i32
      %dma_wait3A_136 = tpu.memref_slice %arg11[%run_scoped3A_33, %dma_wait3A_134, %dma_wait3A_135] : memref<3x128x64xf32, #tpu.memory_space<vmem>> -> memref<1x128x64xf32, #tpu.memory_space<vmem>>
      %dma_wait3A_137 = tpu.memref_squeeze %dma_wait3A_136 : memref<1x128x64xf32, #tpu.memory_space<vmem>> -> memref<128x64xf32, #tpu.memory_space<vmem>>
      %dma_wait3A_138 = arith.constant 0 : i32
      %dma_wait3A_139 = tpu.memref_slice %arg15[%add3A_32, %dma_wait3A_138] : memref<10240x64xf32, #tpu.memory_space<vmem_shared>> -> memref<128x64xf32, #tpu.memory_space<vmem_shared>>
      %dma_wait3A_140 = arith.constant 0 : i32
      %dma_wait3A_141 = tpu.memref_slice %arg15[%add3A_32, %dma_wait3A_140] : memref<10240x64xf32, #tpu.memory_space<vmem_shared>> -> memref<128x64xf32, #tpu.memory_space<vmem_shared>>
      %dma_wait3A_142 = arith.constant 0 : i32
      %dma_wait3A_143 = arith.constant 0 : i32
      %dma_wait3A_144 = tpu.memref_slice %arg11[%run_scoped3A_33, %dma_wait3A_142, %dma_wait3A_143] : memref<3x128x64xf32, #tpu.memory_space<vmem>> -> memref<1x128x64xf32, #tpu.memory_space<vmem>>
      %dma_wait3A_145 = tpu.memref_squeeze %dma_wait3A_144 : memref<1x128x64xf32, #tpu.memory_space<vmem>> -> memref<128x64xf32, #tpu.memory_space<vmem>>
      tpu.wait_dma2 semaphore(%run_scoped3A_121 : memref<!tpu.dma_semaphore, #tpu.memory_space<semaphore_mem>>) src(%dma_wait3A_145 : memref<128x64xf32, #tpu.memory_space<vmem>>) dst(%dma_wait3A_141 : memref<128x64xf32, #tpu.memory_space<vmem_shared>>)
      tpu.yield
    }) : () -> ()
    %mul3A_34 = arith.constant 640 : i32
    %mul3A_35 = arith.muli %arg1, %mul3A_34 : i32
    %add3A_36 = arith.constant 256 : i32
    %add3A_37 = arith.addi %mul3A_35, %add3A_36 : i32
    "tpu.region"() ({
      %run_scoped3A_121 = tpu.sem_alloc : memref<!tpu.dma_semaphore, #tpu.memory_space<semaphore_mem>>
      %dma_start3A_122 = arith.constant 0 : i32
      %dma_start3A_123 = tpu.memref_slice %arg16[%add3A_37, %dma_start3A_122] : memref<10240x16xf32, #tpu.memory_space<vmem_shared>> -> memref<128x16xf32, #tpu.memory_space<vmem_shared>>
      %dma_start3A_124 = arith.constant 0 : i32
      %dma_start3A_125 = tpu.memref_slice %arg16[%add3A_37, %dma_start3A_124] : memref<10240x16xf32, #tpu.memory_space<vmem_shared>> -> memref<128x16xf32, #tpu.memory_space<vmem_shared>>
      tpu.enqueue_dma source(%arg13 : memref<128x16xf32, #tpu.memory_space<vmem>>) target(%dma_start3A_125 : memref<128x16xf32, #tpu.memory_space<vmem_shared>>) target_semaphore(%run_scoped3A_121 : memref<!tpu.dma_semaphore, #tpu.memory_space<semaphore_mem>>)
      %dma_wait3A_126 = arith.constant 0 : i32
      %dma_wait3A_127 = tpu.memref_slice %arg16[%add3A_37, %dma_wait3A_126] : memref<10240x16xf32, #tpu.memory_space<vmem_shared>> -> memref<128x16xf32, #tpu.memory_space<vmem_shared>>
      %dma_wait3A_128 = arith.constant 0 : i32
      %dma_wait3A_129 = tpu.memref_slice %arg16[%add3A_37, %dma_wait3A_128] : memref<10240x16xf32, #tpu.memory_space<vmem_shared>> -> memref<128x16xf32, #tpu.memory_space<vmem_shared>>
      tpu.wait_dma2 semaphore(%run_scoped3A_121 : memref<!tpu.dma_semaphore, #tpu.memory_space<semaphore_mem>>) src(%arg13 : memref<128x16xf32, #tpu.memory_space<vmem>>) dst(%dma_wait3A_129 : memref<128x16xf32, #tpu.memory_space<vmem_shared>>)
      tpu.yield
    }) : () -> ()
    %mul3A_38 = arith.constant 640 : i32
    %mul3A_39 = arith.muli %arg1, %mul3A_38 : i32
    %add3A_40 = arith.constant 384 : i32
    %add3A_41 = arith.addi %mul3A_39, %add3A_40 : i32
    %run_scoped3A_42 = arith.constant 0 : i32
    "tpu.region"() ({
      %run_scoped3A_121 = tpu.sem_alloc : memref<!tpu.dma_semaphore, #tpu.memory_space<semaphore_mem>>
      %dma_start3A_122 = arith.constant 0 : i32
      %dma_start3A_123 = arith.constant 0 : i32
      %dma_start3A_124 = tpu.memref_slice %arg11[%run_scoped3A_42, %dma_start3A_122, %dma_start3A_123] : memref<3x128x64xf32, #tpu.memory_space<vmem>> -> memref<1x128x64xf32, #tpu.memory_space<vmem>>
      %dma_start3A_125 = tpu.memref_squeeze %dma_start3A_124 : memref<1x128x64xf32, #tpu.memory_space<vmem>> -> memref<128x64xf32, #tpu.memory_space<vmem>>
      %dma_start3A_126 = arith.constant 0 : i32
      %dma_start3A_127 = tpu.memref_slice %arg15[%add3A_41, %dma_start3A_126] : memref<10240x64xf32, #tpu.memory_space<vmem_shared>> -> memref<128x64xf32, #tpu.memory_space<vmem_shared>>
      %dma_start3A_128 = arith.constant 0 : i32
      %dma_start3A_129 = tpu.memref_slice %arg15[%add3A_41, %dma_start3A_128] : memref<10240x64xf32, #tpu.memory_space<vmem_shared>> -> memref<128x64xf32, #tpu.memory_space<vmem_shared>>
      %dma_start3A_130 = arith.constant 0 : i32
      %dma_start3A_131 = arith.constant 0 : i32
      %dma_start3A_132 = tpu.memref_slice %arg11[%run_scoped3A_42, %dma_start3A_130, %dma_start3A_131] : memref<3x128x64xf32, #tpu.memory_space<vmem>> -> memref<1x128x64xf32, #tpu.memory_space<vmem>>
      %dma_start3A_133 = tpu.memref_squeeze %dma_start3A_132 : memref<1x128x64xf32, #tpu.memory_space<vmem>> -> memref<128x64xf32, #tpu.memory_space<vmem>>
      tpu.enqueue_dma source(%dma_start3A_133 : memref<128x64xf32, #tpu.memory_space<vmem>>) target(%dma_start3A_129 : memref<128x64xf32, #tpu.memory_space<vmem_shared>>) target_semaphore(%run_scoped3A_121 : memref<!tpu.dma_semaphore, #tpu.memory_space<semaphore_mem>>)
      %dma_wait3A_134 = arith.constant 0 : i32
      %dma_wait3A_135 = arith.constant 0 : i32
      %dma_wait3A_136 = tpu.memref_slice %arg11[%run_scoped3A_42, %dma_wait3A_134, %dma_wait3A_135] : memref<3x128x64xf32, #tpu.memory_space<vmem>> -> memref<1x128x64xf32, #tpu.memory_space<vmem>>
      %dma_wait3A_137 = tpu.memref_squeeze %dma_wait3A_136 : memref<1x128x64xf32, #tpu.memory_space<vmem>> -> memref<128x64xf32, #tpu.memory_space<vmem>>
      %dma_wait3A_138 = arith.constant 0 : i32
      %dma_wait3A_139 = tpu.memref_slice %arg15[%add3A_41, %dma_wait3A_138] : memref<10240x64xf32, #tpu.memory_space<vmem_shared>> -> memref<128x64xf32, #tpu.memory_space<vmem_shared>>
      %dma_wait3A_140 = arith.constant 0 : i32
      %dma_wait3A_141 = tpu.memref_slice %arg15[%add3A_41, %dma_wait3A_140] : memref<10240x64xf32, #tpu.memory_space<vmem_shared>> -> memref<128x64xf32, #tpu.memory_space<vmem_shared>>
      %dma_wait3A_142 = arith.constant 0 : i32
      %dma_wait3A_143 = arith.constant 0 : i32
      %dma_wait3A_144 = tpu.memref_slice %arg11[%run_scoped3A_42, %dma_wait3A_142, %dma_wait3A_143] : memref<3x128x64xf32, #tpu.memory_space<vmem>> -> memref<1x128x64xf32, #tpu.memory_space<vmem>>
      %dma_wait3A_145 = tpu.memref_squeeze %dma_wait3A_144 : memref<1x128x64xf32, #tpu.memory_space<vmem>> -> memref<128x64xf32, #tpu.memory_space<vmem>>
      tpu.wait_dma2 semaphore(%run_scoped3A_121 : memref<!tpu.dma_semaphore, #tpu.memory_space<semaphore_mem>>) src(%dma_wait3A_145 : memref<128x64xf32, #tpu.memory_space<vmem>>) dst(%dma_wait3A_141 : memref<128x64xf32, #tpu.memory_space<vmem_shared>>)
      tpu.yield
    }) : () -> ()
    %mul3A_43 = arith.constant 640 : i32
    %mul3A_44 = arith.muli %arg1, %mul3A_43 : i32
    %add3A_45 = arith.constant 384 : i32
    %add3A_46 = arith.addi %mul3A_44, %add3A_45 : i32
    "tpu.region"() ({
      %run_scoped3A_121 = tpu.sem_alloc : memref<!tpu.dma_semaphore, #tpu.memory_space<semaphore_mem>>
      %dma_start3A_122 = arith.constant 0 : i32
      %dma_start3A_123 = tpu.memref_slice %arg16[%add3A_46, %dma_start3A_122] : memref<10240x16xf32, #tpu.memory_space<vmem_shared>> -> memref<128x16xf32, #tpu.memory_space<vmem_shared>>
      %dma_start3A_124 = arith.constant 0 : i32
      %dma_start3A_125 = tpu.memref_slice %arg16[%add3A_46, %dma_start3A_124] : memref<10240x16xf32, #tpu.memory_space<vmem_shared>> -> memref<128x16xf32, #tpu.memory_space<vmem_shared>>
      tpu.enqueue_dma source(%arg13 : memref<128x16xf32, #tpu.memory_space<vmem>>) target(%dma_start3A_125 : memref<128x16xf32, #tpu.memory_space<vmem_shared>>) target_semaphore(%run_scoped3A_121 : memref<!tpu.dma_semaphore, #tpu.memory_space<semaphore_mem>>)
      %dma_wait3A_126 = arith.constant 0 : i32
      %dma_wait3A_127 = tpu.memref_slice %arg16[%add3A_46, %dma_wait3A_126] : memref<10240x16xf32, #tpu.memory_space<vmem_shared>> -> memref<128x16xf32, #tpu.memory_space<vmem_shared>>
      %dma_wait3A_128 = arith.constant 0 : i32
      %dma_wait3A_129 = tpu.memref_slice %arg16[%add3A_46, %dma_wait3A_128] : memref<10240x16xf32, #tpu.memory_space<vmem_shared>> -> memref<128x16xf32, #tpu.memory_space<vmem_shared>>
      tpu.wait_dma2 semaphore(%run_scoped3A_121 : memref<!tpu.dma_semaphore, #tpu.memory_space<semaphore_mem>>) src(%arg13 : memref<128x16xf32, #tpu.memory_space<vmem>>) dst(%dma_wait3A_129 : memref<128x16xf32, #tpu.memory_space<vmem_shared>>)
      tpu.yield
    }) : () -> ()
    %mul3A_47 = arith.constant 640 : i32
    %mul3A_48 = arith.muli %arg1, %mul3A_47 : i32
    %add3A_49 = arith.constant 512 : i32
    %add3A_50 = arith.addi %mul3A_48, %add3A_49 : i32
    %run_scoped3A_51 = arith.constant 0 : i32
    "tpu.region"() ({
      %run_scoped3A_121 = tpu.sem_alloc : memref<!tpu.dma_semaphore, #tpu.memory_space<semaphore_mem>>
      %dma_start3A_122 = arith.constant 0 : i32
      %dma_start3A_123 = arith.constant 0 : i32
      %dma_start3A_124 = tpu.memref_slice %arg11[%run_scoped3A_51, %dma_start3A_122, %dma_start3A_123] : memref<3x128x64xf32, #tpu.memory_space<vmem>> -> memref<1x128x64xf32, #tpu.memory_space<vmem>>
      %dma_start3A_125 = tpu.memref_squeeze %dma_start3A_124 : memref<1x128x64xf32, #tpu.memory_space<vmem>> -> memref<128x64xf32, #tpu.memory_space<vmem>>
      %dma_start3A_126 = arith.constant 0 : i32
      %dma_start3A_127 = tpu.memref_slice %arg15[%add3A_50, %dma_start3A_126] : memref<10240x64xf32, #tpu.memory_space<vmem_shared>> -> memref<128x64xf32, #tpu.memory_space<vmem_shared>>
      %dma_start3A_128 = arith.constant 0 : i32
      %dma_start3A_129 = tpu.memref_slice %arg15[%add3A_50, %dma_start3A_128] : memref<10240x64xf32, #tpu.memory_space<vmem_shared>> -> memref<128x64xf32, #tpu.memory_space<vmem_shared>>
      %dma_start3A_130 = arith.constant 0 : i32
      %dma_start3A_131 = arith.constant 0 : i32
      %dma_start3A_132 = tpu.memref_slice %arg11[%run_scoped3A_51, %dma_start3A_130, %dma_start3A_131] : memref<3x128x64xf32, #tpu.memory_space<vmem>> -> memref<1x128x64xf32, #tpu.memory_space<vmem>>
      %dma_start3A_133 = tpu.memref_squeeze %dma_start3A_132 : memref<1x128x64xf32, #tpu.memory_space<vmem>> -> memref<128x64xf32, #tpu.memory_space<vmem>>
      tpu.enqueue_dma source(%dma_start3A_133 : memref<128x64xf32, #tpu.memory_space<vmem>>) target(%dma_start3A_129 : memref<128x64xf32, #tpu.memory_space<vmem_shared>>) target_semaphore(%run_scoped3A_121 : memref<!tpu.dma_semaphore, #tpu.memory_space<semaphore_mem>>)
      %dma_wait3A_134 = arith.constant 0 : i32
      %dma_wait3A_135 = arith.constant 0 : i32
      %dma_wait3A_136 = tpu.memref_slice %arg11[%run_scoped3A_51, %dma_wait3A_134, %dma_wait3A_135] : memref<3x128x64xf32, #tpu.memory_space<vmem>> -> memref<1x128x64xf32, #tpu.memory_space<vmem>>
      %dma_wait3A_137 = tpu.memref_squeeze %dma_wait3A_136 : memref<1x128x64xf32, #tpu.memory_space<vmem>> -> memref<128x64xf32, #tpu.memory_space<vmem>>
      %dma_wait3A_138 = arith.constant 0 : i32
      %dma_wait3A_139 = tpu.memref_slice %arg15[%add3A_50, %dma_wait3A_138] : memref<10240x64xf32, #tpu.memory_space<vmem_shared>> -> memref<128x64xf32, #tpu.memory_space<vmem_shared>>
      %dma_wait3A_140 = arith.constant 0 : i32
      %dma_wait3A_141 = tpu.memref_slice %arg15[%add3A_50, %dma_wait3A_140] : memref<10240x64xf32, #tpu.memory_space<vmem_shared>> -> memref<128x64xf32, #tpu.memory_space<vmem_shared>>
      %dma_wait3A_142 = arith.constant 0 : i32
      %dma_wait3A_143 = arith.constant 0 : i32
      %dma_wait3A_144 = tpu.memref_slice %arg11[%run_scoped3A_51, %dma_wait3A_142, %dma_wait3A_143] : memref<3x128x64xf32, #tpu.memory_space<vmem>> -> memref<1x128x64xf32, #tpu.memory_space<vmem>>
      %dma_wait3A_145 = tpu.memref_squeeze %dma_wait3A_144 : memref<1x128x64xf32, #tpu.memory_space<vmem>> -> memref<128x64xf32, #tpu.memory_space<vmem>>
      tpu.wait_dma2 semaphore(%run_scoped3A_121 : memref<!tpu.dma_semaphore, #tpu.memory_space<semaphore_mem>>) src(%dma_wait3A_145 : memref<128x64xf32, #tpu.memory_space<vmem>>) dst(%dma_wait3A_141 : memref<128x64xf32, #tpu.memory_space<vmem_shared>>)
      tpu.yield
    }) : () -> ()
    %mul3A_52 = arith.constant 640 : i32
    %mul3A_53 = arith.muli %arg1, %mul3A_52 : i32
    %add3A_54 = arith.constant 512 : i32
    %add3A_55 = arith.addi %mul3A_53, %add3A_54 : i32
    "tpu.region"() ({
      %run_scoped3A_121 = tpu.sem_alloc : memref<!tpu.dma_semaphore, #tpu.memory_space<semaphore_mem>>
      %dma_start3A_122 = arith.constant 0 : i32
      %dma_start3A_123 = tpu.memref_slice %arg16[%add3A_55, %dma_start3A_122] : memref<10240x16xf32, #tpu.memory_space<vmem_shared>> -> memref<128x16xf32, #tpu.memory_space<vmem_shared>>
      %dma_start3A_124 = arith.constant 0 : i32
      %dma_start3A_125 = tpu.memref_slice %arg16[%add3A_55, %dma_start3A_124] : memref<10240x16xf32, #tpu.memory_space<vmem_shared>> -> memref<128x16xf32, #tpu.memory_space<vmem_shared>>
      tpu.enqueue_dma source(%arg13 : memref<128x16xf32, #tpu.memory_space<vmem>>) target(%dma_start3A_125 : memref<128x16xf32, #tpu.memory_space<vmem_shared>>) target_semaphore(%run_scoped3A_121 : memref<!tpu.dma_semaphore, #tpu.memory_space<semaphore_mem>>)
      %dma_wait3A_126 = arith.constant 0 : i32
      %dma_wait3A_127 = tpu.memref_slice %arg16[%add3A_55, %dma_wait3A_126] : memref<10240x16xf32, #tpu.memory_space<vmem_shared>> -> memref<128x16xf32, #tpu.memory_space<vmem_shared>>
      %dma_wait3A_128 = arith.constant 0 : i32
      %dma_wait3A_129 = tpu.memref_slice %arg16[%add3A_55, %dma_wait3A_128] : memref<10240x16xf32, #tpu.memory_space<vmem_shared>> -> memref<128x16xf32, #tpu.memory_space<vmem_shared>>
      tpu.wait_dma2 semaphore(%run_scoped3A_121 : memref<!tpu.dma_semaphore, #tpu.memory_space<semaphore_mem>>) src(%arg13 : memref<128x16xf32, #tpu.memory_space<vmem>>) dst(%dma_wait3A_129 : memref<128x16xf32, #tpu.memory_space<vmem_shared>>)
      tpu.yield
    }) : () -> ()
    %mul3A_56 = arith.constant 625 : i32
    %mul3A_57 = arith.muli %arg1, %mul3A_56 : i32
    %mul3A_58 = arith.constant 625 : i32
    %mul3A_59 = arith.muli %arg1, %mul3A_58 : i32
    "tpu.region"() ({
      %run_scoped3A_121 = tpu.sem_alloc : memref<!tpu.dma_semaphore, #tpu.memory_space<semaphore_mem>>
      %dma_start3A_122 = arith.constant 0 : i32
      %dma_start3A_123 = tpu.memref_slice %arg14[%mul3A_59, %dma_start3A_122] : memref<10000x64xf32, #tpu.memory_space<vmem_shared>> -> memref<625x64xf32, #tpu.memory_space<vmem_shared>>
      %dma_start3A_124 = arith.constant 0 : i32
      %dma_start3A_125 = tpu.memref_slice %arg2[%arg0, %mul3A_57, %dma_start3A_124] : memref<2x10000x64xf32, #tpu.memory_space<hbm>> -> memref<1x625x64xf32, #tpu.memory_space<hbm>>
      %dma_start3A_126 = tpu.memref_squeeze %dma_start3A_125 : memref<1x625x64xf32, #tpu.memory_space<hbm>> -> memref<625x64xf32, #tpu.memory_space<hbm>>
      tpu.enqueue_dma source(%dma_start3A_126 : memref<625x64xf32, #tpu.memory_space<hbm>>) target(%dma_start3A_123 : memref<625x64xf32, #tpu.memory_space<vmem_shared>>) target_semaphore(%run_scoped3A_121 : memref<!tpu.dma_semaphore, #tpu.memory_space<semaphore_mem>>)
      %dma_wait3A_127 = arith.constant 0 : i32
      %dma_wait3A_128 = tpu.memref_slice %arg14[%mul3A_59, %dma_wait3A_127] : memref<10000x64xf32, #tpu.memory_space<vmem_shared>> -> memref<625x64xf32, #tpu.memory_space<vmem_shared>>
      %dma_wait3A_129 = arith.constant 0 : i32
      %dma_wait3A_130 = tpu.memref_slice %arg2[%arg0, %mul3A_57, %dma_wait3A_129] : memref<2x10000x64xf32, #tpu.memory_space<hbm>> -> memref<1x625x64xf32, #tpu.memory_space<hbm>>
      %dma_wait3A_131 = tpu.memref_squeeze %dma_wait3A_130 : memref<1x625x64xf32, #tpu.memory_space<hbm>> -> memref<625x64xf32, #tpu.memory_space<hbm>>
      tpu.wait_dma2 semaphore(%run_scoped3A_121 : memref<!tpu.dma_semaphore, #tpu.memory_space<semaphore_mem>>) src(%dma_wait3A_131 : memref<625x64xf32, #tpu.memory_space<hbm>>) dst(%dma_wait3A_128 : memref<625x64xf32, #tpu.memory_space<vmem_shared>>)
      tpu.yield
    }) : () -> ()
    %barrier3A = arith.constant 0 : index
    tpu.barrier barrier_id(%barrier3A)
    %mul3A_60 = arith.constant 84 : i32
    %mul3A_61 = arith.muli %arg0, %mul3A_60 : i32
    %add3A_62 = arith.constant 84 : i32
    %add3A_63 = arith.addi %mul3A_61, %add3A_62 : i32
    "tpu.region"() ({
      %run_scoped3A_121 = tpu.sem_alloc : memref<!tpu.dma_semaphore, #tpu.memory_space<semaphore_mem>>
      %dma_start3A_122 = arith.constant 0 : i32
      %dma_start3A_123 = arith.constant 0 : i32
      %dma_start3A_124 = tpu.memref_slice %arg3[%arg1, %dma_start3A_122, %dma_start3A_123] : memref<16x168x128xi32, #tpu.memory_space<hbm>> -> memref<1x12x128xi32, #tpu.memory_space<hbm>>
      %dma_start3A_125 = tpu.memref_squeeze %dma_start3A_124 : memref<1x12x128xi32, #tpu.memory_space<hbm>> -> memref<12x128xi32, #tpu.memory_space<hbm>>
      %dma_start3A_126 = arith.constant 0 : i32
      %dma_start3A_127 = arith.constant 0 : i32
      %dma_start3A_128 = tpu.memref_slice %arg3[%arg1, %dma_start3A_126, %dma_start3A_127] : memref<16x168x128xi32, #tpu.memory_space<hbm>> -> memref<1x12x128xi32, #tpu.memory_space<hbm>>
      %dma_start3A_129 = tpu.memref_squeeze %dma_start3A_128 : memref<1x12x128xi32, #tpu.memory_space<hbm>> -> memref<12x128xi32, #tpu.memory_space<hbm>>
      tpu.enqueue_dma source(%dma_start3A_129 : memref<12x128xi32, #tpu.memory_space<hbm>>) target(%arg7 : memref<12x128xi32, #tpu.memory_space<vmem>>) target_semaphore(%run_scoped3A_121 : memref<!tpu.dma_semaphore, #tpu.memory_space<semaphore_mem>>)
      %dma_wait3A_130 = arith.constant 0 : i32
      %dma_wait3A_131 = arith.constant 0 : i32
      %dma_wait3A_132 = tpu.memref_slice %arg3[%arg1, %dma_wait3A_130, %dma_wait3A_131] : memref<16x168x128xi32, #tpu.memory_space<hbm>> -> memref<1x12x128xi32, #tpu.memory_space<hbm>>
      %dma_wait3A_133 = tpu.memref_squeeze %dma_wait3A_132 : memref<1x12x128xi32, #tpu.memory_space<hbm>> -> memref<12x128xi32, #tpu.memory_space<hbm>>
      %dma_wait3A_134 = arith.constant 0 : i32
      %dma_wait3A_135 = arith.constant 0 : i32
      %dma_wait3A_136 = tpu.memref_slice %arg3[%arg1, %dma_wait3A_134, %dma_wait3A_135] : memref<16x168x128xi32, #tpu.memory_space<hbm>> -> memref<1x12x128xi32, #tpu.memory_space<hbm>>
      %dma_wait3A_137 = tpu.memref_squeeze %dma_wait3A_136 : memref<1x12x128xi32, #tpu.memory_space<hbm>> -> memref<12x128xi32, #tpu.memory_space<hbm>>
      tpu.wait_dma2 semaphore(%run_scoped3A_121 : memref<!tpu.dma_semaphore, #tpu.memory_space<semaphore_mem>>) src(%dma_wait3A_137 : memref<12x128xi32, #tpu.memory_space<hbm>>) dst(%arg7 : memref<12x128xi32, #tpu.memory_space<vmem>>)
      tpu.yield
    }) : () -> ()
    "tpu.region"() ({
      %run_scoped3A_121 = tpu.sem_alloc : memref<!tpu.dma_semaphore, #tpu.memory_space<semaphore_mem>>
      %dma_start3A_122 = arith.constant 0 : i32
      %dma_start3A_123 = arith.constant 0 : i32
      %dma_start3A_124 = tpu.memref_slice %arg4[%arg1, %dma_start3A_122, %dma_start3A_123] : memref<16x168x128xi32, #tpu.memory_space<hbm>> -> memref<1x12x128xi32, #tpu.memory_space<hbm>>
      %dma_start3A_125 = tpu.memref_squeeze %dma_start3A_124 : memref<1x12x128xi32, #tpu.memory_space<hbm>> -> memref<12x128xi32, #tpu.memory_space<hbm>>
      %dma_start3A_126 = arith.constant 0 : i32
      %dma_start3A_127 = arith.constant 0 : i32
      %dma_start3A_128 = tpu.memref_slice %arg4[%arg1, %dma_start3A_126, %dma_start3A_127] : memref<16x168x128xi32, #tpu.memory_space<hbm>> -> memref<1x12x128xi32, #tpu.memory_space<hbm>>
      %dma_start3A_129 = tpu.memref_squeeze %dma_start3A_128 : memref<1x12x128xi32, #tpu.memory_space<hbm>> -> memref<12x128xi32, #tpu.memory_space<hbm>>
      tpu.enqueue_dma source(%dma_start3A_129 : memref<12x128xi32, #tpu.memory_space<hbm>>) target(%arg9 : memref<12x128xi32, #tpu.memory_space<vmem>>) target_semaphore(%run_scoped3A_121 : memref<!tpu.dma_semaphore, #tpu.memory_space<semaphore_mem>>)
      %dma_wait3A_130 = arith.constant 0 : i32
      %dma_wait3A_131 = arith.constant 0 : i32
      %dma_wait3A_132 = tpu.memref_slice %arg4[%arg1, %dma_wait3A_130, %dma_wait3A_131] : memref<16x168x128xi32, #tpu.memory_space<hbm>> -> memref<1x12x128xi32, #tpu.memory_space<hbm>>
      %dma_wait3A_133 = tpu.memref_squeeze %dma_wait3A_132 : memref<1x12x128xi32, #tpu.memory_space<hbm>> -> memref<12x128xi32, #tpu.memory_space<hbm>>
      %dma_wait3A_134 = arith.constant 0 : i32
      %dma_wait3A_135 = arith.constant 0 : i32
      %dma_wait3A_136 = tpu.memref_slice %arg4[%arg1, %dma_wait3A_134, %dma_wait3A_135] : memref<16x168x128xi32, #tpu.memory_space<hbm>> -> memref<1x12x128xi32, #tpu.memory_space<hbm>>
      %dma_wait3A_137 = tpu.memref_squeeze %dma_wait3A_136 : memref<1x12x128xi32, #tpu.memory_space<hbm>> -> memref<12x128xi32, #tpu.memory_space<hbm>>
      tpu.wait_dma2 semaphore(%run_scoped3A_121 : memref<!tpu.dma_semaphore, #tpu.memory_space<semaphore_mem>>) src(%dma_wait3A_137 : memref<12x128xi32, #tpu.memory_space<hbm>>) dst(%arg9 : memref<12x128xi32, #tpu.memory_space<vmem>>)
      tpu.yield
    }) : () -> ()
    %dma_start3A = arith.constant 0 : i32
    %dma_start3A_64 = arith.constant 0 : i32
    %dma_start3A_65 = arith.constant 0 : i32
    %dma_start3A_66 = arith.constant 0 : i32
    %dma_start3A_67 = tpu.memref_slice %arg11[%dma_start3A_64, %dma_start3A_65, %dma_start3A_66] : memref<3x128x64xf32, #tpu.memory_space<vmem>> -> memref<1x128x64xf32, #tpu.memory_space<vmem>>
    %dma_start3A_68 = tpu.memref_squeeze %dma_start3A_67 : memref<1x128x64xf32, #tpu.memory_space<vmem>> -> memref<128x64xf32, #tpu.memory_space<vmem>>
    %dma_start3A_69 = arith.constant 0 : i32
    %dma_start3A_70 = tpu.memref_slice %arg7[%dma_start3A, %dma_start3A_69] : memref<12x128xi32, #tpu.memory_space<vmem>> -> memref<1x128xi32, #tpu.memory_space<vmem>>
    %dma_start3A_71 = tpu.memref_squeeze %dma_start3A_70 : memref<1x128xi32, #tpu.memory_space<vmem>> -> memref<128xi32, #tpu.memory_space<vmem>>
    %dma_start3A_72 = arith.constant 0 : i32
    %dma_start3A_73 = arith.constant 0 : i32
    %dma_start3A_74 = tpu.memref_slice %arg14[%dma_start3A_72, %dma_start3A_73] : memref<10000x64xf32, #tpu.memory_space<vmem_shared>> -> memref<10000x64xf32, #tpu.memory_space<vmem_shared>>
    tpu.enqueue_indirect_dma source(%dma_start3A_74 : memref<10000x64xf32, #tpu.memory_space<vmem_shared>>) target(%dma_start3A_68 : memref<128x64xf32, #tpu.memory_space<vmem>>) offsets(%dma_start3A_71 : memref<128xi32, #tpu.memory_space<vmem>>) semaphore(%arg17 : memref<!tpu.dma_semaphore, #tpu.memory_space<semaphore_mem>>)
    %dma_start3A_75 = arith.constant 1 : i32
    %dma_start3A_76 = arith.constant 1 : i32
    %dma_start3A_77 = arith.constant 0 : i32
    %dma_start3A_78 = arith.constant 0 : i32
    %dma_start3A_79 = tpu.memref_slice %arg11[%dma_start3A_76, %dma_start3A_77, %dma_start3A_78] : memref<3x128x64xf32, #tpu.memory_space<vmem>> -> memref<1x128x64xf32, #tpu.memory_space<vmem>>
    %dma_start3A_80 = tpu.memref_squeeze %dma_start3A_79 : memref<1x128x64xf32, #tpu.memory_space<vmem>> -> memref<128x64xf32, #tpu.memory_space<vmem>>
    %dma_start3A_81 = arith.constant 0 : i32
    %dma_start3A_82 = tpu.memref_slice %arg7[%dma_start3A_75, %dma_start3A_81] : memref<12x128xi32, #tpu.memory_space<vmem>> -> memref<1x128xi32, #tpu.memory_space<vmem>>
    %dma_start3A_83 = tpu.memref_squeeze %dma_start3A_82 : memref<1x128xi32, #tpu.memory_space<vmem>> -> memref<128xi32, #tpu.memory_space<vmem>>
    %dma_start3A_84 = arith.constant 0 : i32
    %dma_start3A_85 = arith.constant 0 : i32
    %dma_start3A_86 = tpu.memref_slice %arg14[%dma_start3A_84, %dma_start3A_85] : memref<10000x64xf32, #tpu.memory_space<vmem_shared>> -> memref<10000x64xf32, #tpu.memory_space<vmem_shared>>
    tpu.enqueue_indirect_dma source(%dma_start3A_86 : memref<10000x64xf32, #tpu.memory_space<vmem_shared>>) target(%dma_start3A_80 : memref<128x64xf32, #tpu.memory_space<vmem>>) offsets(%dma_start3A_83 : memref<128xi32, #tpu.memory_space<vmem>>) semaphore(%arg18 : memref<!tpu.dma_semaphore, #tpu.memory_space<semaphore_mem>>)
    %scan3A_87 = arith.constant 0 : i32
    %scan3A_88 = arith.constant 0 : i32
    %scan3A_89 = arith.constant 7 : i32
    %scan3A_90 = arith.addi %scan3A_88, %scan3A_89 : i32
    %scan3A_91 = arith.constant 1 : i32
    scf.for %scan3A_121 = %scan3A_88 to %scan3A_90 step %scan3A_91  : i32 {
      %mul3A_122 = arith.constant 2 : i32
      %mul3A_123 = arith.muli %scan3A_121, %mul3A_122 : i32
      %add3A_124 = arith.constant 0 : i32
      %add3A_125 = arith.addi %mul3A_123, %add3A_124 : i32
      %mul3A_126 = arith.constant 12 : i32
      %mul3A_127 = arith.muli %add3A_125, %mul3A_126 : i32
      %add3A_128 = arith.constant 0 : i32
      %add3A_129 = arith.addi %mul3A_127, %add3A_128 : i32
      %dma_wait3A_130 = arith.constant 0 : i32
      %dma_wait3A_131 = arith.constant 0 : i32
      %dma_wait3A_132 = arith.constant 0 : i32
      %dma_wait3A_133 = arith.constant 0 : i32
      %dma_wait3A_134 = tpu.memref_slice %arg11[%dma_wait3A_131, %dma_wait3A_132, %dma_wait3A_133] : memref<3x128x64xf32, #tpu.memory_space<vmem>> -> memref<1x128x64xf32, #tpu.memory_space<vmem>>
      %dma_wait3A_135 = tpu.memref_squeeze %dma_wait3A_134 : memref<1x128x64xf32, #tpu.memory_space<vmem>> -> memref<128x64xf32, #tpu.memory_space<vmem>>
      %dma_wait3A_136 = arith.constant 0 : i32
      %dma_wait3A_137 = tpu.memref_slice %arg7[%dma_wait3A_130, %dma_wait3A_136] : memref<12x128xi32, #tpu.memory_space<vmem>> -> memref<1x128xi32, #tpu.memory_space<vmem>>
      %dma_wait3A_138 = tpu.memref_squeeze %dma_wait3A_137 : memref<1x128xi32, #tpu.memory_space<vmem>> -> memref<128xi32, #tpu.memory_space<vmem>>
      %dma_wait3A_139 = arith.constant 0 : i32
      %dma_wait3A_140 = arith.constant 0 : i32
      %dma_wait3A_141 = tpu.memref_slice %arg14[%dma_wait3A_139, %dma_wait3A_140] : memref<10000x64xf32, #tpu.memory_space<vmem_shared>> -> memref<10000x64xf32, #tpu.memory_space<vmem_shared>>
      tpu.wait_indirect_dma semaphore(%arg17 : memref<!tpu.dma_semaphore, #tpu.memory_space<semaphore_mem>>) src(%dma_wait3A_141 : memref<10000x64xf32, #tpu.memory_space<vmem_shared>>) dst(%dma_wait3A_135 : memref<128x64xf32, #tpu.memory_space<vmem>>)
      %dma_start3A_142 = arith.constant 0 : i32
      %dma_start3A_143 = arith.constant 0 : i32
      %dma_start3A_144 = arith.constant 0 : i32
      %dma_start3A_145 = arith.constant 0 : i32
      %dma_start3A_146 = tpu.memref_slice %arg11[%dma_start3A_142, %dma_start3A_144, %dma_start3A_145] : memref<3x128x64xf32, #tpu.memory_space<vmem>> -> memref<1x128x64xf32, #tpu.memory_space<vmem>>
      %dma_start3A_147 = tpu.memref_squeeze %dma_start3A_146 : memref<1x128x64xf32, #tpu.memory_space<vmem>> -> memref<128x64xf32, #tpu.memory_space<vmem>>
      %dma_start3A_148 = arith.constant 0 : i32
      %dma_start3A_149 = tpu.memref_slice %arg9[%dma_start3A_143, %dma_start3A_148] : memref<12x128xi32, #tpu.memory_space<vmem>> -> memref<1x128xi32, #tpu.memory_space<vmem>>
      %dma_start3A_150 = tpu.memref_squeeze %dma_start3A_149 : memref<1x128xi32, #tpu.memory_space<vmem>> -> memref<128xi32, #tpu.memory_space<vmem>>
      %dma_start3A_151 = arith.constant 0 : i32
      %dma_start3A_152 = arith.constant 0 : i32
      %dma_start3A_153 = tpu.memref_slice %arg15[%dma_start3A_151, %dma_start3A_152] : memref<10240x64xf32, #tpu.memory_space<vmem_shared>> -> memref<10240x64xf32, #tpu.memory_space<vmem_shared>>
      tpu.enqueue_indirect_dma source(%dma_start3A_147 : memref<128x64xf32, #tpu.memory_space<vmem>>) target(%dma_start3A_153 : memref<10240x64xf32, #tpu.memory_space<vmem_shared>>) offsets(%dma_start3A_150 : memref<128xi32, #tpu.memory_space<vmem>>) semaphore(%arg20 : memref<!tpu.dma_semaphore, #tpu.memory_space<semaphore_mem>>) {add = true}
      %ge3A = arith.cmpi sge, %add3A_129, %mul3A_61 : i32
      %lt3A = arith.cmpi slt, %add3A_129, %add3A_63 : i32
      %and3A = arith.andi %ge3A, %lt3A : i1
      %convert_element_type3A = arith.extui %and3A : i1 to i32
      %cond3A = arith.constant 0 : i32
      %cond3A_154 = arith.cmpi ne, %convert_element_type3A, %cond3A : i32
      scf.if %cond3A_154 {
        %dma_start3A_1449 = arith.constant 0 : i32
        %dma_start3A_1450 = arith.constant 0 : i32
        %dma_start3A_1451 = tpu.memref_slice %arg9[%dma_start3A_1449, %dma_start3A_1450] : memref<12x128xi32, #tpu.memory_space<vmem>> -> memref<1x128xi32, #tpu.memory_space<vmem>>
        %dma_start3A_1452 = tpu.memref_squeeze %dma_start3A_1451 : memref<1x128xi32, #tpu.memory_space<vmem>> -> memref<128xi32, #tpu.memory_space<vmem>>
        %dma_start3A_1453 = arith.constant 0 : i32
        %dma_start3A_1454 = arith.constant 0 : i32
        %dma_start3A_1455 = tpu.memref_slice %arg16[%dma_start3A_1453, %dma_start3A_1454] : memref<10240x16xf32, #tpu.memory_space<vmem_shared>> -> memref<10240x16xf32, #tpu.memory_space<vmem_shared>>
        tpu.enqueue_indirect_dma source(%arg12 : memref<128x16xf32, #tpu.memory_space<vmem>>) target(%dma_start3A_1455 : memref<10240x16xf32, #tpu.memory_space<vmem_shared>>) offsets(%dma_start3A_1452 : memref<128xi32, #tpu.memory_space<vmem>>) semaphore(%arg25 : memref<!tpu.dma_semaphore, #tpu.memory_space<semaphore_mem>>) {add = true}
      } else {
      }
      %add3A_155 = arith.constant 2 : i32
      %add3A_156 = arith.addi %mul3A_61, %add3A_155 : i32
      %ge3A_157 = arith.cmpi sge, %add3A_129, %add3A_156 : i32
      %lt3A_158 = arith.cmpi slt, %add3A_129, %add3A_63 : i32
      %and3A_159 = arith.andi %ge3A_157, %lt3A_158 : i1
      %convert_element_type3A_160 = arith.extui %and3A_159 : i1 to i32
      %cond3A_161 = arith.constant 0 : i32
      %cond3A_162 = arith.cmpi ne, %convert_element_type3A_160, %cond3A_161 : i32
      scf.if %cond3A_162 {
        %dma_wait3A_1449 = arith.constant 0 : i32
        %dma_wait3A_1450 = arith.constant 0 : i32
        %dma_wait3A_1451 = tpu.memref_slice %arg9[%dma_wait3A_1449, %dma_wait3A_1450] : memref<12x128xi32, #tpu.memory_space<vmem>> -> memref<1x128xi32, #tpu.memory_space<vmem>>
        %dma_wait3A_1452 = tpu.memref_squeeze %dma_wait3A_1451 : memref<1x128xi32, #tpu.memory_space<vmem>> -> memref<128xi32, #tpu.memory_space<vmem>>
        %dma_wait3A_1453 = arith.constant 0 : i32
        %dma_wait3A_1454 = arith.constant 0 : i32
        %dma_wait3A_1455 = tpu.memref_slice %arg16[%dma_wait3A_1453, %dma_wait3A_1454] : memref<10240x16xf32, #tpu.memory_space<vmem_shared>> -> memref<10240x16xf32, #tpu.memory_space<vmem_shared>>
        tpu.wait_indirect_dma semaphore(%arg25 : memref<!tpu.dma_semaphore, #tpu.memory_space<semaphore_mem>>) src(%arg12 : memref<128x16xf32, #tpu.memory_space<vmem>>) dst(%dma_wait3A_1455 : memref<10240x16xf32, #tpu.memory_space<vmem_shared>>)
      } else {
      }
      %ge3A_163 = arith.constant 1 : i32
      %ge3A_164 = arith.cmpi sge, %add3A_129, %ge3A_163 : i32
      %convert_element_type3A_165 = arith.extui %ge3A_164 : i1 to i32
      %cond3A_166 = arith.constant 0 : i32
      %cond3A_167 = arith.cmpi ne, %convert_element_type3A_165, %cond3A_166 : i32
      scf.if %cond3A_167 {
        %dma_wait3A_1449 = arith.constant 2 : i32
        %dma_wait3A_1450 = arith.constant 0 : i32
        %dma_wait3A_1451 = arith.constant 0 : i32
        %dma_wait3A_1452 = arith.constant 0 : i32
        %dma_wait3A_1453 = tpu.memref_slice %arg11[%dma_wait3A_1449, %dma_wait3A_1451, %dma_wait3A_1452] : memref<3x128x64xf32, #tpu.memory_space<vmem>> -> memref<1x128x64xf32, #tpu.memory_space<vmem>>
        %dma_wait3A_1454 = tpu.memref_squeeze %dma_wait3A_1453 : memref<1x128x64xf32, #tpu.memory_space<vmem>> -> memref<128x64xf32, #tpu.memory_space<vmem>>
        %dma_wait3A_1455 = arith.constant 0 : i32
        %dma_wait3A_1456 = tpu.memref_slice %arg9[%dma_wait3A_1450, %dma_wait3A_1455] : memref<12x128xi32, #tpu.memory_space<vmem>> -> memref<1x128xi32, #tpu.memory_space<vmem>>
        %dma_wait3A_1457 = tpu.memref_squeeze %dma_wait3A_1456 : memref<1x128xi32, #tpu.memory_space<vmem>> -> memref<128xi32, #tpu.memory_space<vmem>>
        %dma_wait3A_1458 = arith.constant 0 : i32
        %dma_wait3A_1459 = arith.constant 0 : i32
        %dma_wait3A_1460 = tpu.memref_slice %arg15[%dma_wait3A_1458, %dma_wait3A_1459] : memref<10240x64xf32, #tpu.memory_space<vmem_shared>> -> memref<10240x64xf32, #tpu.memory_space<vmem_shared>>
        tpu.wait_indirect_dma semaphore(%arg22 : memref<!tpu.dma_semaphore, #tpu.memory_space<semaphore_mem>>) src(%dma_wait3A_1454 : memref<128x64xf32, #tpu.memory_space<vmem>>) dst(%dma_wait3A_1460 : memref<10240x64xf32, #tpu.memory_space<vmem_shared>>)
      } else {
      }
      %add3A_168 = arith.constant 2 : i32
      %add3A_169 = arith.addi %add3A_129, %add3A_168 : i32
      %lt3A_170 = arith.constant 168 : i32
      %lt3A_171 = arith.cmpi slt, %add3A_169, %lt3A_170 : i32
      %convert_element_type3A_172 = arith.extui %lt3A_171 : i1 to i32
      %cond3A_173 = arith.constant 0 : i32
      %cond3A_174 = arith.cmpi ne, %convert_element_type3A_172, %cond3A_173 : i32
      scf.if %cond3A_174 {
        %dma_start3A_1449 = arith.constant 2 : i32
        %dma_start3A_1450 = arith.constant 2 : i32
        %dma_start3A_1451 = arith.constant 0 : i32
        %dma_start3A_1452 = arith.constant 0 : i32
        %dma_start3A_1453 = tpu.memref_slice %arg11[%dma_start3A_1450, %dma_start3A_1451, %dma_start3A_1452] : memref<3x128x64xf32, #tpu.memory_space<vmem>> -> memref<1x128x64xf32, #tpu.memory_space<vmem>>
        %dma_start3A_1454 = tpu.memref_squeeze %dma_start3A_1453 : memref<1x128x64xf32, #tpu.memory_space<vmem>> -> memref<128x64xf32, #tpu.memory_space<vmem>>
        %dma_start3A_1455 = arith.constant 0 : i32
        %dma_start3A_1456 = tpu.memref_slice %arg7[%dma_start3A_1449, %dma_start3A_1455] : memref<12x128xi32, #tpu.memory_space<vmem>> -> memref<1x128xi32, #tpu.memory_space<vmem>>
        %dma_start3A_1457 = tpu.memref_squeeze %dma_start3A_1456 : memref<1x128xi32, #tpu.memory_space<vmem>> -> memref<128xi32, #tpu.memory_space<vmem>>
        %dma_start3A_1458 = arith.constant 0 : i32
        %dma_start3A_1459 = arith.constant 0 : i32
        %dma_start3A_1460 = tpu.memref_slice %arg14[%dma_start3A_1458, %dma_start3A_1459] : memref<10000x64xf32, #tpu.memory_space<vmem_shared>> -> memref<10000x64xf32, #tpu.memory_space<vmem_shared>>
        tpu.enqueue_indirect_dma source(%dma_start3A_1460 : memref<10000x64xf32, #tpu.memory_space<vmem_shared>>) target(%dma_start3A_1454 : memref<128x64xf32, #tpu.memory_space<vmem>>) offsets(%dma_start3A_1457 : memref<128xi32, #tpu.memory_space<vmem>>) semaphore(%arg19 : memref<!tpu.dma_semaphore, #tpu.memory_space<semaphore_mem>>)
      } else {
      }
      %mul3A_175 = arith.constant 12 : i32
      %mul3A_176 = arith.muli %add3A_125, %mul3A_175 : i32
      %add3A_177 = arith.constant 1 : i32
      %add3A_178 = arith.addi %mul3A_176, %add3A_177 : i32
      %dma_wait3A_179 = arith.constant 1 : i32
      %dma_wait3A_180 = arith.constant 1 : i32
      %dma_wait3A_181 = arith.constant 0 : i32
      %dma_wait3A_182 = arith.constant 0 : i32
      %dma_wait3A_183 = tpu.memref_slice %arg11[%dma_wait3A_180, %dma_wait3A_181, %dma_wait3A_182] : memref<3x128x64xf32, #tpu.memory_space<vmem>> -> memref<1x128x64xf32, #tpu.memory_space<vmem>>
      %dma_wait3A_184 = tpu.memref_squeeze %dma_wait3A_183 : memref<1x128x64xf32, #tpu.memory_space<vmem>> -> memref<128x64xf32, #tpu.memory_space<vmem>>
      %dma_wait3A_185 = arith.constant 0 : i32
      %dma_wait3A_186 = tpu.memref_slice %arg7[%dma_wait3A_179, %dma_wait3A_185] : memref<12x128xi32, #tpu.memory_space<vmem>> -> memref<1x128xi32, #tpu.memory_space<vmem>>
      %dma_wait3A_187 = tpu.memref_squeeze %dma_wait3A_186 : memref<1x128xi32, #tpu.memory_space<vmem>> -> memref<128xi32, #tpu.memory_space<vmem>>
      %dma_wait3A_188 = arith.constant 0 : i32
      %dma_wait3A_189 = arith.constant 0 : i32
      %dma_wait3A_190 = tpu.memref_slice %arg14[%dma_wait3A_188, %dma_wait3A_189] : memref<10000x64xf32, #tpu.memory_space<vmem_shared>> -> memref<10000x64xf32, #tpu.memory_space<vmem_shared>>
      tpu.wait_indirect_dma semaphore(%arg18 : memref<!tpu.dma_semaphore, #tpu.memory_space<semaphore_mem>>) src(%dma_wait3A_190 : memref<10000x64xf32, #tpu.memory_space<vmem_shared>>) dst(%dma_wait3A_184 : memref<128x64xf32, #tpu.memory_space<vmem>>)
      %dma_start3A_191 = arith.constant 1 : i32
      %dma_start3A_192 = arith.constant 1 : i32
      %dma_start3A_193 = arith.constant 0 : i32
      %dma_start3A_194 = arith.constant 0 : i32
      %dma_start3A_195 = tpu.memref_slice %arg11[%dma_start3A_191, %dma_start3A_193, %dma_start3A_194] : memref<3x128x64xf32, #tpu.memory_space<vmem>> -> memref<1x128x64xf32, #tpu.memory_space<vmem>>
      %dma_start3A_196 = tpu.memref_squeeze %dma_start3A_195 : memref<1x128x64xf32, #tpu.memory_space<vmem>> -> memref<128x64xf32, #tpu.memory_space<vmem>>
      %dma_start3A_197 = arith.constant 0 : i32
      %dma_start3A_198 = tpu.memref_slice %arg9[%dma_start3A_192, %dma_start3A_197] : memref<12x128xi32, #tpu.memory_space<vmem>> -> memref<1x128xi32, #tpu.memory_space<vmem>>
      %dma_start3A_199 = tpu.memref_squeeze %dma_start3A_198 : memref<1x128xi32, #tpu.memory_space<vmem>> -> memref<128xi32, #tpu.memory_space<vmem>>
      %dma_start3A_200 = arith.constant 0 : i32
      %dma_start3A_201 = arith.constant 0 : i32
      %dma_start3A_202 = tpu.memref_slice %arg15[%dma_start3A_200, %dma_start3A_201] : memref<10240x64xf32, #tpu.memory_space<vmem_shared>> -> memref<10240x64xf32, #tpu.memory_space<vmem_shared>>
      tpu.enqueue_indirect_dma source(%dma_start3A_196 : memref<128x64xf32, #tpu.memory_space<vmem>>) target(%dma_start3A_202 : memref<10240x64xf32, #tpu.memory_space<vmem_shared>>) offsets(%dma_start3A_199 : memref<128xi32, #tpu.memory_space<vmem>>) semaphore(%arg21 : memref<!tpu.dma_semaphore, #tpu.memory_space<semaphore_mem>>) {add = true}
      %ge3A_203 = arith.cmpi sge, %add3A_178, %mul3A_61 : i32
      %lt3A_204 = arith.cmpi slt, %add3A_178, %add3A_63 : i32
      %and3A_205 = arith.andi %ge3A_203, %lt3A_204 : i1
      %convert_element_type3A_206 = arith.extui %and3A_205 : i1 to i32
      %cond3A_207 = arith.constant 0 : i32
      %cond3A_208 = arith.cmpi ne, %convert_element_type3A_206, %cond3A_207 : i32
      scf.if %cond3A_208 {
        %dma_start3A_1449 = arith.constant 1 : i32
        %dma_start3A_1450 = arith.constant 0 : i32
        %dma_start3A_1451 = tpu.memref_slice %arg9[%dma_start3A_1449, %dma_start3A_1450] : memref<12x128xi32, #tpu.memory_space<vmem>> -> memref<1x128xi32, #tpu.memory_space<vmem>>
        %dma_start3A_1452 = tpu.memref_squeeze %dma_start3A_1451 : memref<1x128xi32, #tpu.memory_space<vmem>> -> memref<128xi32, #tpu.memory_space<vmem>>
        %dma_start3A_1453 = arith.constant 0 : i32
        %dma_start3A_1454 = arith.constant 0 : i32
        %dma_start3A_1455 = tpu.memref_slice %arg16[%dma_start3A_1453, %dma_start3A_1454] : memref<10240x16xf32, #tpu.memory_space<vmem_shared>> -> memref<10240x16xf32, #tpu.memory_space<vmem_shared>>
        tpu.enqueue_indirect_dma source(%arg12 : memref<128x16xf32, #tpu.memory_space<vmem>>) target(%dma_start3A_1455 : memref<10240x16xf32, #tpu.memory_space<vmem_shared>>) offsets(%dma_start3A_1452 : memref<128xi32, #tpu.memory_space<vmem>>) semaphore(%arg26 : memref<!tpu.dma_semaphore, #tpu.memory_space<semaphore_mem>>) {add = true}
      } else {
      }
      %add3A_209 = arith.constant 2 : i32
      %add3A_210 = arith.addi %mul3A_61, %add3A_209 : i32
      %ge3A_211 = arith.cmpi sge, %add3A_178, %add3A_210 : i32
      %lt3A_212 = arith.cmpi slt, %add3A_178, %add3A_63 : i32
      %and3A_213 = arith.andi %ge3A_211, %lt3A_212 : i1
      %convert_element_type3A_214 = arith.extui %and3A_213 : i1 to i32
      %cond3A_215 = arith.constant 0 : i32
      %cond3A_216 = arith.cmpi ne, %convert_element_type3A_214, %cond3A_215 : i32
      scf.if %cond3A_216 {
        %dma_wait3A_1449 = arith.constant 1 : i32
        %dma_wait3A_1450 = arith.constant 0 : i32
        %dma_wait3A_1451 = tpu.memref_slice %arg9[%dma_wait3A_1449, %dma_wait3A_1450] : memref<12x128xi32, #tpu.memory_space<vmem>> -> memref<1x128xi32, #tpu.memory_space<vmem>>
        %dma_wait3A_1452 = tpu.memref_squeeze %dma_wait3A_1451 : memref<1x128xi32, #tpu.memory_space<vmem>> -> memref<128xi32, #tpu.memory_space<vmem>>
        %dma_wait3A_1453 = arith.constant 0 : i32
        %dma_wait3A_1454 = arith.constant 0 : i32
        %dma_wait3A_1455 = tpu.memref_slice %arg16[%dma_wait3A_1453, %dma_wait3A_1454] : memref<10240x16xf32, #tpu.memory_space<vmem_shared>> -> memref<10240x16xf32, #tpu.memory_space<vmem_shared>>
        tpu.wait_indirect_dma semaphore(%arg26 : memref<!tpu.dma_semaphore, #tpu.memory_space<semaphore_mem>>) src(%arg12 : memref<128x16xf32, #tpu.memory_space<vmem>>) dst(%dma_wait3A_1455 : memref<10240x16xf32, #tpu.memory_space<vmem_shared>>)
      } else {
      }
      %ge3A_217 = arith.constant 1 : i32
      %ge3A_218 = arith.cmpi sge, %add3A_178, %ge3A_217 : i32
      %convert_element_type3A_219 = arith.extui %ge3A_218 : i1 to i32
      %cond3A_220 = arith.constant 0 : i32
      %cond3A_221 = arith.cmpi ne, %convert_element_type3A_219, %cond3A_220 : i32
      scf.if %cond3A_221 {
        %dma_wait3A_1449 = arith.constant 0 : i32
        %dma_wait3A_1450 = arith.constant 0 : i32
        %dma_wait3A_1451 = arith.constant 0 : i32
        %dma_wait3A_1452 = arith.constant 0 : i32
        %dma_wait3A_1453 = tpu.memref_slice %arg11[%dma_wait3A_1449, %dma_wait3A_1451, %dma_wait3A_1452] : memref<3x128x64xf32, #tpu.memory_space<vmem>> -> memref<1x128x64xf32, #tpu.memory_space<vmem>>
        %dma_wait3A_1454 = tpu.memref_squeeze %dma_wait3A_1453 : memref<1x128x64xf32, #tpu.memory_space<vmem>> -> memref<128x64xf32, #tpu.memory_space<vmem>>
        %dma_wait3A_1455 = arith.constant 0 : i32
        %dma_wait3A_1456 = tpu.memref_slice %arg9[%dma_wait3A_1450, %dma_wait3A_1455] : memref<12x128xi32, #tpu.memory_space<vmem>> -> memref<1x128xi32, #tpu.memory_space<vmem>>
        %dma_wait3A_1457 = tpu.memref_squeeze %dma_wait3A_1456 : memref<1x128xi32, #tpu.memory_space<vmem>> -> memref<128xi32, #tpu.memory_space<vmem>>
        %dma_wait3A_1458 = arith.constant 0 : i32
        %dma_wait3A_1459 = arith.constant 0 : i32
        %dma_wait3A_1460 = tpu.memref_slice %arg15[%dma_wait3A_1458, %dma_wait3A_1459] : memref<10240x64xf32, #tpu.memory_space<vmem_shared>> -> memref<10240x64xf32, #tpu.memory_space<vmem_shared>>
        tpu.wait_indirect_dma semaphore(%arg20 : memref<!tpu.dma_semaphore, #tpu.memory_space<semaphore_mem>>) src(%dma_wait3A_1454 : memref<128x64xf32, #tpu.memory_space<vmem>>) dst(%dma_wait3A_1460 : memref<10240x64xf32, #tpu.memory_space<vmem_shared>>)
      } else {
      }
      %add3A_222 = arith.constant 2 : i32
      %add3A_223 = arith.addi %add3A_178, %add3A_222 : i32
      %lt3A_224 = arith.constant 168 : i32
      %lt3A_225 = arith.cmpi slt, %add3A_223, %lt3A_224 : i32
      %convert_element_type3A_226 = arith.extui %lt3A_225 : i1 to i32
      %cond3A_227 = arith.constant 0 : i32
      %cond3A_228 = arith.cmpi ne, %convert_element_type3A_226, %cond3A_227 : i32
      scf.if %cond3A_228 {
        %dma_start3A_1449 = arith.constant 3 : i32
        %dma_start3A_1450 = arith.constant 0 : i32
        %dma_start3A_1451 = arith.constant 0 : i32
        %dma_start3A_1452 = arith.constant 0 : i32
        %dma_start3A_1453 = tpu.memref_slice %arg11[%dma_start3A_1450, %dma_start3A_1451, %dma_start3A_1452] : memref<3x128x64xf32, #tpu.memory_space<vmem>> -> memref<1x128x64xf32, #tpu.memory_space<vmem>>
        %dma_start3A_1454 = tpu.memref_squeeze %dma_start3A_1453 : memref<1x128x64xf32, #tpu.memory_space<vmem>> -> memref<128x64xf32, #tpu.memory_space<vmem>>
        %dma_start3A_1455 = arith.constant 0 : i32
        %dma_start3A_1456 = tpu.memref_slice %arg7[%dma_start3A_1449, %dma_start3A_1455] : memref<12x128xi32, #tpu.memory_space<vmem>> -> memref<1x128xi32, #tpu.memory_space<vmem>>
        %dma_start3A_1457 = tpu.memref_squeeze %dma_start3A_1456 : memref<1x128xi32, #tpu.memory_space<vmem>> -> memref<128xi32, #tpu.memory_space<vmem>>
        %dma_start3A_1458 = arith.constant 0 : i32
        %dma_start3A_1459 = arith.constant 0 : i32
        %dma_start3A_1460 = tpu.memref_slice %arg14[%dma_start3A_1458, %dma_start3A_1459] : memref<10000x64xf32, #tpu.memory_space<vmem_shared>> -> memref<10000x64xf32, #tpu.memory_space<vmem_shared>>
        tpu.enqueue_indirect_dma source(%dma_start3A_1460 : memref<10000x64xf32, #tpu.memory_space<vmem_shared>>) target(%dma_start3A_1454 : memref<128x64xf32, #tpu.memory_space<vmem>>) offsets(%dma_start3A_1457 : memref<128xi32, #tpu.memory_space<vmem>>) semaphore(%arg17 : memref<!tpu.dma_semaphore, #tpu.memory_space<semaphore_mem>>)
      } else {
      }
      %mul3A_229 = arith.constant 12 : i32
      %mul3A_230 = arith.muli %add3A_125, %mul3A_229 : i32
      %add3A_231 = arith.constant 2 : i32
      %add3A_232 = arith.addi %mul3A_230, %add3A_231 : i32
      %dma_wait3A_233 = arith.constant 2 : i32
      %dma_wait3A_234 = arith.constant 2 : i32
      %dma_wait3A_235 = arith.constant 0 : i32
      %dma_wait3A_236 = arith.constant 0 : i32
      %dma_wait3A_237 = tpu.memref_slice %arg11[%dma_wait3A_234, %dma_wait3A_235, %dma_wait3A_236] : memref<3x128x64xf32, #tpu.memory_space<vmem>> -> memref<1x128x64xf32, #tpu.memory_space<vmem>>
      %dma_wait3A_238 = tpu.memref_squeeze %dma_wait3A_237 : memref<1x128x64xf32, #tpu.memory_space<vmem>> -> memref<128x64xf32, #tpu.memory_space<vmem>>
      %dma_wait3A_239 = arith.constant 0 : i32
      %dma_wait3A_240 = tpu.memref_slice %arg7[%dma_wait3A_233, %dma_wait3A_239] : memref<12x128xi32, #tpu.memory_space<vmem>> -> memref<1x128xi32, #tpu.memory_space<vmem>>
      %dma_wait3A_241 = tpu.memref_squeeze %dma_wait3A_240 : memref<1x128xi32, #tpu.memory_space<vmem>> -> memref<128xi32, #tpu.memory_space<vmem>>
      %dma_wait3A_242 = arith.constant 0 : i32
      %dma_wait3A_243 = arith.constant 0 : i32
      %dma_wait3A_244 = tpu.memref_slice %arg14[%dma_wait3A_242, %dma_wait3A_243] : memref<10000x64xf32, #tpu.memory_space<vmem_shared>> -> memref<10000x64xf32, #tpu.memory_space<vmem_shared>>
      tpu.wait_indirect_dma semaphore(%arg19 : memref<!tpu.dma_semaphore, #tpu.memory_space<semaphore_mem>>) src(%dma_wait3A_244 : memref<10000x64xf32, #tpu.memory_space<vmem_shared>>) dst(%dma_wait3A_238 : memref<128x64xf32, #tpu.memory_space<vmem>>)
      %dma_start3A_245 = arith.constant 2 : i32
      %dma_start3A_246 = arith.constant 2 : i32
      %dma_start3A_247 = arith.constant 0 : i32
      %dma_start3A_248 = arith.constant 0 : i32
      %dma_start3A_249 = tpu.memref_slice %arg11[%dma_start3A_245, %dma_start3A_247, %dma_start3A_248] : memref<3x128x64xf32, #tpu.memory_space<vmem>> -> memref<1x128x64xf32, #tpu.memory_space<vmem>>
      %dma_start3A_250 = tpu.memref_squeeze %dma_start3A_249 : memref<1x128x64xf32, #tpu.memory_space<vmem>> -> memref<128x64xf32, #tpu.memory_space<vmem>>
      %dma_start3A_251 = arith.constant 0 : i32
      %dma_start3A_252 = tpu.memref_slice %arg9[%dma_start3A_246, %dma_start3A_251] : memref<12x128xi32, #tpu.memory_space<vmem>> -> memref<1x128xi32, #tpu.memory_space<vmem>>
      %dma_start3A_253 = tpu.memref_squeeze %dma_start3A_252 : memref<1x128xi32, #tpu.memory_space<vmem>> -> memref<128xi32, #tpu.memory_space<vmem>>
      %dma_start3A_254 = arith.constant 0 : i32
      %dma_start3A_255 = arith.constant 0 : i32
      %dma_start3A_256 = tpu.memref_slice %arg15[%dma_start3A_254, %dma_start3A_255] : memref<10240x64xf32, #tpu.memory_space<vmem_shared>> -> memref<10240x64xf32, #tpu.memory_space<vmem_shared>>
      tpu.enqueue_indirect_dma source(%dma_start3A_250 : memref<128x64xf32, #tpu.memory_space<vmem>>) target(%dma_start3A_256 : memref<10240x64xf32, #tpu.memory_space<vmem_shared>>) offsets(%dma_start3A_253 : memref<128xi32, #tpu.memory_space<vmem>>) semaphore(%arg22 : memref<!tpu.dma_semaphore, #tpu.memory_space<semaphore_mem>>) {add = true}
      %ge3A_257 = arith.cmpi sge, %add3A_232, %mul3A_61 : i32
      %lt3A_258 = arith.cmpi slt, %add3A_232, %add3A_63 : i32
      %and3A_259 = arith.andi %ge3A_257, %lt3A_258 : i1
      %convert_element_type3A_260 = arith.extui %and3A_259 : i1 to i32
      %cond3A_261 = arith.constant 0 : i32
      %cond3A_262 = arith.cmpi ne, %convert_element_type3A_260, %cond3A_261 : i32
      scf.if %cond3A_262 {
        %dma_start3A_1449 = arith.constant 2 : i32
        %dma_start3A_1450 = arith.constant 0 : i32
        %dma_start3A_1451 = tpu.memref_slice %arg9[%dma_start3A_1449, %dma_start3A_1450] : memref<12x128xi32, #tpu.memory_space<vmem>> -> memref<1x128xi32, #tpu.memory_space<vmem>>
        %dma_start3A_1452 = tpu.memref_squeeze %dma_start3A_1451 : memref<1x128xi32, #tpu.memory_space<vmem>> -> memref<128xi32, #tpu.memory_space<vmem>>
        %dma_start3A_1453 = arith.constant 0 : i32
        %dma_start3A_1454 = arith.constant 0 : i32
        %dma_start3A_1455 = tpu.memref_slice %arg16[%dma_start3A_1453, %dma_start3A_1454] : memref<10240x16xf32, #tpu.memory_space<vmem_shared>> -> memref<10240x16xf32, #tpu.memory_space<vmem_shared>>
        tpu.enqueue_indirect_dma source(%arg12 : memref<128x16xf32, #tpu.memory_space<vmem>>) target(%dma_start3A_1455 : memref<10240x16xf32, #tpu.memory_space<vmem_shared>>) offsets(%dma_start3A_1452 : memref<128xi32, #tpu.memory_space<vmem>>) semaphore(%arg25 : memref<!tpu.dma_semaphore, #tpu.memory_space<semaphore_mem>>) {add = true}
      } else {
      }
      %add3A_263 = arith.constant 2 : i32
      %add3A_264 = arith.addi %mul3A_61, %add3A_263 : i32
      %ge3A_265 = arith.cmpi sge, %add3A_232, %add3A_264 : i32
      %lt3A_266 = arith.cmpi slt, %add3A_232, %add3A_63 : i32
      %and3A_267 = arith.andi %ge3A_265, %lt3A_266 : i1
      %convert_element_type3A_268 = arith.extui %and3A_267 : i1 to i32
      %cond3A_269 = arith.constant 0 : i32
      %cond3A_270 = arith.cmpi ne, %convert_element_type3A_268, %cond3A_269 : i32
      scf.if %cond3A_270 {
        %dma_wait3A_1449 = arith.constant 2 : i32
        %dma_wait3A_1450 = arith.constant 0 : i32
        %dma_wait3A_1451 = tpu.memref_slice %arg9[%dma_wait3A_1449, %dma_wait3A_1450] : memref<12x128xi32, #tpu.memory_space<vmem>> -> memref<1x128xi32, #tpu.memory_space<vmem>>
        %dma_wait3A_1452 = tpu.memref_squeeze %dma_wait3A_1451 : memref<1x128xi32, #tpu.memory_space<vmem>> -> memref<128xi32, #tpu.memory_space<vmem>>
        %dma_wait3A_1453 = arith.constant 0 : i32
        %dma_wait3A_1454 = arith.constant 0 : i32
        %dma_wait3A_1455 = tpu.memref_slice %arg16[%dma_wait3A_1453, %dma_wait3A_1454] : memref<10240x16xf32, #tpu.memory_space<vmem_shared>> -> memref<10240x16xf32, #tpu.memory_space<vmem_shared>>
        tpu.wait_indirect_dma semaphore(%arg25 : memref<!tpu.dma_semaphore, #tpu.memory_space<semaphore_mem>>) src(%arg12 : memref<128x16xf32, #tpu.memory_space<vmem>>) dst(%dma_wait3A_1455 : memref<10240x16xf32, #tpu.memory_space<vmem_shared>>)
      } else {
      }
      %add3A_271 = arith.constant 1 : i32
      %add3A_272 = arith.addi %add3A_125, %add3A_271 : i32
      %lt3A_273 = arith.constant 14 : i32
      %lt3A_274 = arith.cmpi slt, %add3A_272, %lt3A_273 : i32
      %convert_element_type3A_275 = arith.extui %lt3A_274 : i1 to i32
      %cond3A_276 = arith.constant 0 : i32
      %cond3A_277 = arith.cmpi ne, %convert_element_type3A_275, %cond3A_276 : i32
      scf.if %cond3A_277 {
        %add3A_1449 = arith.constant 1 : i32
        %add3A_1450 = arith.addi %add3A_125, %add3A_1449 : i32
        %mul3A_1451 = arith.constant 12 : i32
        %mul3A_1452 = arith.muli %add3A_1450, %mul3A_1451 : i32
        %mul3A_1453 = arith.constant 12 : i32
        %mul3A_1454 = arith.muli %add3A_1450, %mul3A_1453 : i32
        %dma_start3A_1455 = arith.constant 0 : i32
        %dma_start3A_1456 = tpu.memref_slice %arg3[%arg1, %mul3A_1452, %dma_start3A_1455] : memref<16x168x128xi32, #tpu.memory_space<hbm>> -> memref<1x12x128xi32, #tpu.memory_space<hbm>>
        %dma_start3A_1457 = tpu.memref_squeeze %dma_start3A_1456 : memref<1x12x128xi32, #tpu.memory_space<hbm>> -> memref<12x128xi32, #tpu.memory_space<hbm>>
        %dma_start3A_1458 = arith.constant 0 : i32
        %dma_start3A_1459 = tpu.memref_slice %arg3[%arg1, %mul3A_1452, %dma_start3A_1458] : memref<16x168x128xi32, #tpu.memory_space<hbm>> -> memref<1x12x128xi32, #tpu.memory_space<hbm>>
        %dma_start3A_1460 = tpu.memref_squeeze %dma_start3A_1459 : memref<1x12x128xi32, #tpu.memory_space<hbm>> -> memref<12x128xi32, #tpu.memory_space<hbm>>
        tpu.enqueue_dma source(%dma_start3A_1460 : memref<12x128xi32, #tpu.memory_space<hbm>>) target(%arg8 : memref<12x128xi32, #tpu.memory_space<vmem>>) target_semaphore(%arg24 : memref<!tpu.dma_semaphore, #tpu.memory_space<semaphore_mem>>)
        %dma_start3A_1461 = arith.constant 0 : i32
        %dma_start3A_1462 = tpu.memref_slice %arg4[%arg1, %mul3A_1454, %dma_start3A_1461] : memref<16x168x128xi32, #tpu.memory_space<hbm>> -> memref<1x12x128xi32, #tpu.memory_space<hbm>>
        %dma_start3A_1463 = tpu.memref_squeeze %dma_start3A_1462 : memref<1x12x128xi32, #tpu.memory_space<hbm>> -> memref<12x128xi32, #tpu.memory_space<hbm>>
        %dma_start3A_1464 = arith.constant 0 : i32
        %dma_start3A_1465 = tpu.memref_slice %arg4[%arg1, %mul3A_1454, %dma_start3A_1464] : memref<16x168x128xi32, #tpu.memory_space<hbm>> -> memref<1x12x128xi32, #tpu.memory_space<hbm>>
        %dma_start3A_1466 = tpu.memref_squeeze %dma_start3A_1465 : memref<1x12x128xi32, #tpu.memory_space<hbm>> -> memref<12x128xi32, #tpu.memory_space<hbm>>
        tpu.enqueue_dma source(%dma_start3A_1466 : memref<12x128xi32, #tpu.memory_space<hbm>>) target(%arg10 : memref<12x128xi32, #tpu.memory_space<vmem>>) target_semaphore(%arg24 : memref<!tpu.dma_semaphore, #tpu.memory_space<semaphore_mem>>)
      } else {
      }
      %ge3A_278 = arith.constant 1 : i32
      %ge3A_279 = arith.cmpi sge, %add3A_232, %ge3A_278 : i32
      %convert_element_type3A_280 = arith.extui %ge3A_279 : i1 to i32
      %cond3A_281 = arith.constant 0 : i32
      %cond3A_282 = arith.cmpi ne, %convert_element_type3A_280, %cond3A_281 : i32
      scf.if %cond3A_282 {
        %dma_wait3A_1449 = arith.constant 1 : i32
        %dma_wait3A_1450 = arith.constant 0 : i32
        %dma_wait3A_1451 = arith.constant 0 : i32
        %dma_wait3A_1452 = arith.constant 0 : i32
        %dma_wait3A_1453 = tpu.memref_slice %arg11[%dma_wait3A_1449, %dma_wait3A_1451, %dma_wait3A_1452] : memref<3x128x64xf32, #tpu.memory_space<vmem>> -> memref<1x128x64xf32, #tpu.memory_space<vmem>>
        %dma_wait3A_1454 = tpu.memref_squeeze %dma_wait3A_1453 : memref<1x128x64xf32, #tpu.memory_space<vmem>> -> memref<128x64xf32, #tpu.memory_space<vmem>>
        %dma_wait3A_1455 = arith.constant 0 : i32
        %dma_wait3A_1456 = tpu.memref_slice %arg9[%dma_wait3A_1450, %dma_wait3A_1455] : memref<12x128xi32, #tpu.memory_space<vmem>> -> memref<1x128xi32, #tpu.memory_space<vmem>>
        %dma_wait3A_1457 = tpu.memref_squeeze %dma_wait3A_1456 : memref<1x128xi32, #tpu.memory_space<vmem>> -> memref<128xi32, #tpu.memory_space<vmem>>
        %dma_wait3A_1458 = arith.constant 0 : i32
        %dma_wait3A_1459 = arith.constant 0 : i32
        %dma_wait3A_1460 = tpu.memref_slice %arg15[%dma_wait3A_1458, %dma_wait3A_1459] : memref<10240x64xf32, #tpu.memory_space<vmem_shared>> -> memref<10240x64xf32, #tpu.memory_space<vmem_shared>>
        tpu.wait_indirect_dma semaphore(%arg21 : memref<!tpu.dma_semaphore, #tpu.memory_space<semaphore_mem>>) src(%dma_wait3A_1454 : memref<128x64xf32, #tpu.memory_space<vmem>>) dst(%dma_wait3A_1460 : memref<10240x64xf32, #tpu.memory_space<vmem_shared>>)
      } else {
      }
      %add3A_283 = arith.constant 2 : i32
      %add3A_284 = arith.addi %add3A_232, %add3A_283 : i32
      %lt3A_285 = arith.constant 168 : i32
      %lt3A_286 = arith.cmpi slt, %add3A_284, %lt3A_285 : i32
      %convert_element_type3A_287 = arith.extui %lt3A_286 : i1 to i32
      %cond3A_288 = arith.constant 0 : i32
      %cond3A_289 = arith.cmpi ne, %convert_element_type3A_287, %cond3A_288 : i32
      scf.if %cond3A_289 {
        %dma_start3A_1449 = arith.constant 4 : i32
        %dma_start3A_1450 = arith.constant 1 : i32
        %dma_start3A_1451 = arith.constant 0 : i32
        %dma_start3A_1452 = arith.constant 0 : i32
        %dma_start3A_1453 = tpu.memref_slice %arg11[%dma_start3A_1450, %dma_start3A_1451, %dma_start3A_1452] : memref<3x128x64xf32, #tpu.memory_space<vmem>> -> memref<1x128x64xf32, #tpu.memory_space<vmem>>
        %dma_start3A_1454 = tpu.memref_squeeze %dma_start3A_1453 : memref<1x128x64xf32, #tpu.memory_space<vmem>> -> memref<128x64xf32, #tpu.memory_space<vmem>>
        %dma_start3A_1455 = arith.constant 0 : i32
        %dma_start3A_1456 = tpu.memref_slice %arg7[%dma_start3A_1449, %dma_start3A_1455] : memref<12x128xi32, #tpu.memory_space<vmem>> -> memref<1x128xi32, #tpu.memory_space<vmem>>
        %dma_start3A_1457 = tpu.memref_squeeze %dma_start3A_1456 : memref<1x128xi32, #tpu.memory_space<vmem>> -> memref<128xi32, #tpu.memory_space<vmem>>
        %dma_start3A_1458 = arith.constant 0 : i32
        %dma_start3A_1459 = arith.constant 0 : i32
        %dma_start3A_1460 = tpu.memref_slice %arg14[%dma_start3A_1458, %dma_start3A_1459] : memref<10000x64xf32, #tpu.memory_space<vmem_shared>> -> memref<10000x64xf32, #tpu.memory_space<vmem_shared>>
        tpu.enqueue_indirect_dma source(%dma_start3A_1460 : memref<10000x64xf32, #tpu.memory_space<vmem_shared>>) target(%dma_start3A_1454 : memref<128x64xf32, #tpu.memory_space<vmem>>) offsets(%dma_start3A_1457 : memref<128xi32, #tpu.memory_space<vmem>>) semaphore(%arg18 : memref<!tpu.dma_semaphore, #tpu.memory_space<semaphore_mem>>)
      } else {
      }
      %mul3A_290 = arith.constant 12 : i32
      %mul3A_291 = arith.muli %add3A_125, %mul3A_290 : i32
      %add3A_292 = arith.constant 3 : i32
      %add3A_293 = arith.addi %mul3A_291, %add3A_292 : i32
      %dma_wait3A_294 = arith.constant 3 : i32
      %dma_wait3A_295 = arith.constant 0 : i32
      %dma_wait3A_296 = arith.constant 0 : i32
      %dma_wait3A_297 = arith.constant 0 : i32
      %dma_wait3A_298 = tpu.memref_slice %arg11[%dma_wait3A_295, %dma_wait3A_296, %dma_wait3A_297] : memref<3x128x64xf32, #tpu.memory_space<vmem>> -> memref<1x128x64xf32, #tpu.memory_space<vmem>>
      %dma_wait3A_299 = tpu.memref_squeeze %dma_wait3A_298 : memref<1x128x64xf32, #tpu.memory_space<vmem>> -> memref<128x64xf32, #tpu.memory_space<vmem>>
      %dma_wait3A_300 = arith.constant 0 : i32
      %dma_wait3A_301 = tpu.memref_slice %arg7[%dma_wait3A_294, %dma_wait3A_300] : memref<12x128xi32, #tpu.memory_space<vmem>> -> memref<1x128xi32, #tpu.memory_space<vmem>>
      %dma_wait3A_302 = tpu.memref_squeeze %dma_wait3A_301 : memref<1x128xi32, #tpu.memory_space<vmem>> -> memref<128xi32, #tpu.memory_space<vmem>>
      %dma_wait3A_303 = arith.constant 0 : i32
      %dma_wait3A_304 = arith.constant 0 : i32
      %dma_wait3A_305 = tpu.memref_slice %arg14[%dma_wait3A_303, %dma_wait3A_304] : memref<10000x64xf32, #tpu.memory_space<vmem_shared>> -> memref<10000x64xf32, #tpu.memory_space<vmem_shared>>
      tpu.wait_indirect_dma semaphore(%arg17 : memref<!tpu.dma_semaphore, #tpu.memory_space<semaphore_mem>>) src(%dma_wait3A_305 : memref<10000x64xf32, #tpu.memory_space<vmem_shared>>) dst(%dma_wait3A_299 : memref<128x64xf32, #tpu.memory_space<vmem>>)
      %dma_start3A_306 = arith.constant 0 : i32
      %dma_start3A_307 = arith.constant 3 : i32
      %dma_start3A_308 = arith.constant 0 : i32
      %dma_start3A_309 = arith.constant 0 : i32
      %dma_start3A_310 = tpu.memref_slice %arg11[%dma_start3A_306, %dma_start3A_308, %dma_start3A_309] : memref<3x128x64xf32, #tpu.memory_space<vmem>> -> memref<1x128x64xf32, #tpu.memory_space<vmem>>
      %dma_start3A_311 = tpu.memref_squeeze %dma_start3A_310 : memref<1x128x64xf32, #tpu.memory_space<vmem>> -> memref<128x64xf32, #tpu.memory_space<vmem>>
      %dma_start3A_312 = arith.constant 0 : i32
      %dma_start3A_313 = tpu.memref_slice %arg9[%dma_start3A_307, %dma_start3A_312] : memref<12x128xi32, #tpu.memory_space<vmem>> -> memref<1x128xi32, #tpu.memory_space<vmem>>
      %dma_start3A_314 = tpu.memref_squeeze %dma_start3A_313 : memref<1x128xi32, #tpu.memory_space<vmem>> -> memref<128xi32, #tpu.memory_space<vmem>>
      %dma_start3A_315 = arith.constant 0 : i32
      %dma_start3A_316 = arith.constant 0 : i32
      %dma_start3A_317 = tpu.memref_slice %arg15[%dma_start3A_315, %dma_start3A_316] : memref<10240x64xf32, #tpu.memory_space<vmem_shared>> -> memref<10240x64xf32, #tpu.memory_space<vmem_shared>>
      tpu.enqueue_indirect_dma source(%dma_start3A_311 : memref<128x64xf32, #tpu.memory_space<vmem>>) target(%dma_start3A_317 : memref<10240x64xf32, #tpu.memory_space<vmem_shared>>) offsets(%dma_start3A_314 : memref<128xi32, #tpu.memory_space<vmem>>) semaphore(%arg20 : memref<!tpu.dma_semaphore, #tpu.memory_space<semaphore_mem>>) {add = true}
      %ge3A_318 = arith.cmpi sge, %add3A_293, %mul3A_61 : i32
      %lt3A_319 = arith.cmpi slt, %add3A_293, %add3A_63 : i32
      %and3A_320 = arith.andi %ge3A_318, %lt3A_319 : i1
      %convert_element_type3A_321 = arith.extui %and3A_320 : i1 to i32
      %cond3A_322 = arith.constant 0 : i32
      %cond3A_323 = arith.cmpi ne, %convert_element_type3A_321, %cond3A_322 : i32
      scf.if %cond3A_323 {
        %dma_start3A_1449 = arith.constant 3 : i32
        %dma_start3A_1450 = arith.constant 0 : i32
        %dma_start3A_1451 = tpu.memref_slice %arg9[%dma_start3A_1449, %dma_start3A_1450] : memref<12x128xi32, #tpu.memory_space<vmem>> -> memref<1x128xi32, #tpu.memory_space<vmem>>
        %dma_start3A_1452 = tpu.memref_squeeze %dma_start3A_1451 : memref<1x128xi32, #tpu.memory_space<vmem>> -> memref<128xi32, #tpu.memory_space<vmem>>
        %dma_start3A_1453 = arith.constant 0 : i32
        %dma_start3A_1454 = arith.constant 0 : i32
        %dma_start3A_1455 = tpu.memref_slice %arg16[%dma_start3A_1453, %dma_start3A_1454] : memref<10240x16xf32, #tpu.memory_space<vmem_shared>> -> memref<10240x16xf32, #tpu.memory_space<vmem_shared>>
        tpu.enqueue_indirect_dma source(%arg12 : memref<128x16xf32, #tpu.memory_space<vmem>>) target(%dma_start3A_1455 : memref<10240x16xf32, #tpu.memory_space<vmem_shared>>) offsets(%dma_start3A_1452 : memref<128xi32, #tpu.memory_space<vmem>>) semaphore(%arg26 : memref<!tpu.dma_semaphore, #tpu.memory_space<semaphore_mem>>) {add = true}
      } else {
      }
      %add3A_324 = arith.constant 2 : i32
      %add3A_325 = arith.addi %mul3A_61, %add3A_324 : i32
      %ge3A_326 = arith.cmpi sge, %add3A_293, %add3A_325 : i32
      %lt3A_327 = arith.cmpi slt, %add3A_293, %add3A_63 : i32
      %and3A_328 = arith.andi %ge3A_326, %lt3A_327 : i1
      %convert_element_type3A_329 = arith.extui %and3A_328 : i1 to i32
      %cond3A_330 = arith.constant 0 : i32
      %cond3A_331 = arith.cmpi ne, %convert_element_type3A_329, %cond3A_330 : i32
      scf.if %cond3A_331 {
        %dma_wait3A_1449 = arith.constant 3 : i32
        %dma_wait3A_1450 = arith.constant 0 : i32
        %dma_wait3A_1451 = tpu.memref_slice %arg9[%dma_wait3A_1449, %dma_wait3A_1450] : memref<12x128xi32, #tpu.memory_space<vmem>> -> memref<1x128xi32, #tpu.memory_space<vmem>>
        %dma_wait3A_1452 = tpu.memref_squeeze %dma_wait3A_1451 : memref<1x128xi32, #tpu.memory_space<vmem>> -> memref<128xi32, #tpu.memory_space<vmem>>
        %dma_wait3A_1453 = arith.constant 0 : i32
        %dma_wait3A_1454 = arith.constant 0 : i32
        %dma_wait3A_1455 = tpu.memref_slice %arg16[%dma_wait3A_1453, %dma_wait3A_1454] : memref<10240x16xf32, #tpu.memory_space<vmem_shared>> -> memref<10240x16xf32, #tpu.memory_space<vmem_shared>>
        tpu.wait_indirect_dma semaphore(%arg26 : memref<!tpu.dma_semaphore, #tpu.memory_space<semaphore_mem>>) src(%arg12 : memref<128x16xf32, #tpu.memory_space<vmem>>) dst(%dma_wait3A_1455 : memref<10240x16xf32, #tpu.memory_space<vmem_shared>>)
      } else {
      }
      %ge3A_332 = arith.constant 1 : i32
      %ge3A_333 = arith.cmpi sge, %add3A_293, %ge3A_332 : i32
      %convert_element_type3A_334 = arith.extui %ge3A_333 : i1 to i32
      %cond3A_335 = arith.constant 0 : i32
      %cond3A_336 = arith.cmpi ne, %convert_element_type3A_334, %cond3A_335 : i32
      scf.if %cond3A_336 {
        %dma_wait3A_1449 = arith.constant 2 : i32
        %dma_wait3A_1450 = arith.constant 0 : i32
        %dma_wait3A_1451 = arith.constant 0 : i32
        %dma_wait3A_1452 = arith.constant 0 : i32
        %dma_wait3A_1453 = tpu.memref_slice %arg11[%dma_wait3A_1449, %dma_wait3A_1451, %dma_wait3A_1452] : memref<3x128x64xf32, #tpu.memory_space<vmem>> -> memref<1x128x64xf32, #tpu.memory_space<vmem>>
        %dma_wait3A_1454 = tpu.memref_squeeze %dma_wait3A_1453 : memref<1x128x64xf32, #tpu.memory_space<vmem>> -> memref<128x64xf32, #tpu.memory_space<vmem>>
        %dma_wait3A_1455 = arith.constant 0 : i32
        %dma_wait3A_1456 = tpu.memref_slice %arg9[%dma_wait3A_1450, %dma_wait3A_1455] : memref<12x128xi32, #tpu.memory_space<vmem>> -> memref<1x128xi32, #tpu.memory_space<vmem>>
        %dma_wait3A_1457 = tpu.memref_squeeze %dma_wait3A_1456 : memref<1x128xi32, #tpu.memory_space<vmem>> -> memref<128xi32, #tpu.memory_space<vmem>>
        %dma_wait3A_1458 = arith.constant 0 : i32
        %dma_wait3A_1459 = arith.constant 0 : i32
        %dma_wait3A_1460 = tpu.memref_slice %arg15[%dma_wait3A_1458, %dma_wait3A_1459] : memref<10240x64xf32, #tpu.memory_space<vmem_shared>> -> memref<10240x64xf32, #tpu.memory_space<vmem_shared>>
        tpu.wait_indirect_dma semaphore(%arg22 : memref<!tpu.dma_semaphore, #tpu.memory_space<semaphore_mem>>) src(%dma_wait3A_1454 : memref<128x64xf32, #tpu.memory_space<vmem>>) dst(%dma_wait3A_1460 : memref<10240x64xf32, #tpu.memory_space<vmem_shared>>)
      } else {
      }
      %add3A_337 = arith.constant 2 : i32
      %add3A_338 = arith.addi %add3A_293, %add3A_337 : i32
      %lt3A_339 = arith.constant 168 : i32
      %lt3A_340 = arith.cmpi slt, %add3A_338, %lt3A_339 : i32
      %convert_element_type3A_341 = arith.extui %lt3A_340 : i1 to i32
      %cond3A_342 = arith.constant 0 : i32
      %cond3A_343 = arith.cmpi ne, %convert_element_type3A_341, %cond3A_342 : i32
      scf.if %cond3A_343 {
        %dma_start3A_1449 = arith.constant 5 : i32
        %dma_start3A_1450 = arith.constant 2 : i32
        %dma_start3A_1451 = arith.constant 0 : i32
        %dma_start3A_1452 = arith.constant 0 : i32
        %dma_start3A_1453 = tpu.memref_slice %arg11[%dma_start3A_1450, %dma_start3A_1451, %dma_start3A_1452] : memref<3x128x64xf32, #tpu.memory_space<vmem>> -> memref<1x128x64xf32, #tpu.memory_space<vmem>>
        %dma_start3A_1454 = tpu.memref_squeeze %dma_start3A_1453 : memref<1x128x64xf32, #tpu.memory_space<vmem>> -> memref<128x64xf32, #tpu.memory_space<vmem>>
        %dma_start3A_1455 = arith.constant 0 : i32
        %dma_start3A_1456 = tpu.memref_slice %arg7[%dma_start3A_1449, %dma_start3A_1455] : memref<12x128xi32, #tpu.memory_space<vmem>> -> memref<1x128xi32, #tpu.memory_space<vmem>>
        %dma_start3A_1457 = tpu.memref_squeeze %dma_start3A_1456 : memref<1x128xi32, #tpu.memory_space<vmem>> -> memref<128xi32, #tpu.memory_space<vmem>>
        %dma_start3A_1458 = arith.constant 0 : i32
        %dma_start3A_1459 = arith.constant 0 : i32
        %dma_start3A_1460 = tpu.memref_slice %arg14[%dma_start3A_1458, %dma_start3A_1459] : memref<10000x64xf32, #tpu.memory_space<vmem_shared>> -> memref<10000x64xf32, #tpu.memory_space<vmem_shared>>
        tpu.enqueue_indirect_dma source(%dma_start3A_1460 : memref<10000x64xf32, #tpu.memory_space<vmem_shared>>) target(%dma_start3A_1454 : memref<128x64xf32, #tpu.memory_space<vmem>>) offsets(%dma_start3A_1457 : memref<128xi32, #tpu.memory_space<vmem>>) semaphore(%arg19 : memref<!tpu.dma_semaphore, #tpu.memory_space<semaphore_mem>>)
      } else {
      }
      %mul3A_344 = arith.constant 12 : i32
      %mul3A_345 = arith.muli %add3A_125, %mul3A_344 : i32
      %add3A_346 = arith.constant 4 : i32
      %add3A_347 = arith.addi %mul3A_345, %add3A_346 : i32
      %dma_wait3A_348 = arith.constant 4 : i32
      %dma_wait3A_349 = arith.constant 1 : i32
      %dma_wait3A_350 = arith.constant 0 : i32
      %dma_wait3A_351 = arith.constant 0 : i32
      %dma_wait3A_352 = tpu.memref_slice %arg11[%dma_wait3A_349, %dma_wait3A_350, %dma_wait3A_351] : memref<3x128x64xf32, #tpu.memory_space<vmem>> -> memref<1x128x64xf32, #tpu.memory_space<vmem>>
      %dma_wait3A_353 = tpu.memref_squeeze %dma_wait3A_352 : memref<1x128x64xf32, #tpu.memory_space<vmem>> -> memref<128x64xf32, #tpu.memory_space<vmem>>
      %dma_wait3A_354 = arith.constant 0 : i32
      %dma_wait3A_355 = tpu.memref_slice %arg7[%dma_wait3A_348, %dma_wait3A_354] : memref<12x128xi32, #tpu.memory_space<vmem>> -> memref<1x128xi32, #tpu.memory_space<vmem>>
      %dma_wait3A_356 = tpu.memref_squeeze %dma_wait3A_355 : memref<1x128xi32, #tpu.memory_space<vmem>> -> memref<128xi32, #tpu.memory_space<vmem>>
      %dma_wait3A_357 = arith.constant 0 : i32
      %dma_wait3A_358 = arith.constant 0 : i32
      %dma_wait3A_359 = tpu.memref_slice %arg14[%dma_wait3A_357, %dma_wait3A_358] : memref<10000x64xf32, #tpu.memory_space<vmem_shared>> -> memref<10000x64xf32, #tpu.memory_space<vmem_shared>>
      tpu.wait_indirect_dma semaphore(%arg18 : memref<!tpu.dma_semaphore, #tpu.memory_space<semaphore_mem>>) src(%dma_wait3A_359 : memref<10000x64xf32, #tpu.memory_space<vmem_shared>>) dst(%dma_wait3A_353 : memref<128x64xf32, #tpu.memory_space<vmem>>)
      %dma_start3A_360 = arith.constant 1 : i32
      %dma_start3A_361 = arith.constant 4 : i32
      %dma_start3A_362 = arith.constant 0 : i32
      %dma_start3A_363 = arith.constant 0 : i32
      %dma_start3A_364 = tpu.memref_slice %arg11[%dma_start3A_360, %dma_start3A_362, %dma_start3A_363] : memref<3x128x64xf32, #tpu.memory_space<vmem>> -> memref<1x128x64xf32, #tpu.memory_space<vmem>>
      %dma_start3A_365 = tpu.memref_squeeze %dma_start3A_364 : memref<1x128x64xf32, #tpu.memory_space<vmem>> -> memref<128x64xf32, #tpu.memory_space<vmem>>
      %dma_start3A_366 = arith.constant 0 : i32
      %dma_start3A_367 = tpu.memref_slice %arg9[%dma_start3A_361, %dma_start3A_366] : memref<12x128xi32, #tpu.memory_space<vmem>> -> memref<1x128xi32, #tpu.memory_space<vmem>>
      %dma_start3A_368 = tpu.memref_squeeze %dma_start3A_367 : memref<1x128xi32, #tpu.memory_space<vmem>> -> memref<128xi32, #tpu.memory_space<vmem>>
      %dma_start3A_369 = arith.constant 0 : i32
      %dma_start3A_370 = arith.constant 0 : i32
      %dma_start3A_371 = tpu.memref_slice %arg15[%dma_start3A_369, %dma_start3A_370] : memref<10240x64xf32, #tpu.memory_space<vmem_shared>> -> memref<10240x64xf32, #tpu.memory_space<vmem_shared>>
      tpu.enqueue_indirect_dma source(%dma_start3A_365 : memref<128x64xf32, #tpu.memory_space<vmem>>) target(%dma_start3A_371 : memref<10240x64xf32, #tpu.memory_space<vmem_shared>>) offsets(%dma_start3A_368 : memref<128xi32, #tpu.memory_space<vmem>>) semaphore(%arg21 : memref<!tpu.dma_semaphore, #tpu.memory_space<semaphore_mem>>) {add = true}
      %ge3A_372 = arith.cmpi sge, %add3A_347, %mul3A_61 : i32
      %lt3A_373 = arith.cmpi slt, %add3A_347, %add3A_63 : i32
      %and3A_374 = arith.andi %ge3A_372, %lt3A_373 : i1
      %convert_element_type3A_375 = arith.extui %and3A_374 : i1 to i32
      %cond3A_376 = arith.constant 0 : i32
      %cond3A_377 = arith.cmpi ne, %convert_element_type3A_375, %cond3A_376 : i32
      scf.if %cond3A_377 {
        %dma_start3A_1449 = arith.constant 4 : i32
        %dma_start3A_1450 = arith.constant 0 : i32
        %dma_start3A_1451 = tpu.memref_slice %arg9[%dma_start3A_1449, %dma_start3A_1450] : memref<12x128xi32, #tpu.memory_space<vmem>> -> memref<1x128xi32, #tpu.memory_space<vmem>>
        %dma_start3A_1452 = tpu.memref_squeeze %dma_start3A_1451 : memref<1x128xi32, #tpu.memory_space<vmem>> -> memref<128xi32, #tpu.memory_space<vmem>>
        %dma_start3A_1453 = arith.constant 0 : i32
        %dma_start3A_1454 = arith.constant 0 : i32
        %dma_start3A_1455 = tpu.memref_slice %arg16[%dma_start3A_1453, %dma_start3A_1454] : memref<10240x16xf32, #tpu.memory_space<vmem_shared>> -> memref<10240x16xf32, #tpu.memory_space<vmem_shared>>
        tpu.enqueue_indirect_dma source(%arg12 : memref<128x16xf32, #tpu.memory_space<vmem>>) target(%dma_start3A_1455 : memref<10240x16xf32, #tpu.memory_space<vmem_shared>>) offsets(%dma_start3A_1452 : memref<128xi32, #tpu.memory_space<vmem>>) semaphore(%arg25 : memref<!tpu.dma_semaphore, #tpu.memory_space<semaphore_mem>>) {add = true}
      } else {
      }
      %add3A_378 = arith.constant 2 : i32
      %add3A_379 = arith.addi %mul3A_61, %add3A_378 : i32
      %ge3A_380 = arith.cmpi sge, %add3A_347, %add3A_379 : i32
      %lt3A_381 = arith.cmpi slt, %add3A_347, %add3A_63 : i32
      %and3A_382 = arith.andi %ge3A_380, %lt3A_381 : i1
      %convert_element_type3A_383 = arith.extui %and3A_382 : i1 to i32
      %cond3A_384 = arith.constant 0 : i32
      %cond3A_385 = arith.cmpi ne, %convert_element_type3A_383, %cond3A_384 : i32
      scf.if %cond3A_385 {
        %dma_wait3A_1449 = arith.constant 4 : i32
        %dma_wait3A_1450 = arith.constant 0 : i32
        %dma_wait3A_1451 = tpu.memref_slice %arg9[%dma_wait3A_1449, %dma_wait3A_1450] : memref<12x128xi32, #tpu.memory_space<vmem>> -> memref<1x128xi32, #tpu.memory_space<vmem>>
        %dma_wait3A_1452 = tpu.memref_squeeze %dma_wait3A_1451 : memref<1x128xi32, #tpu.memory_space<vmem>> -> memref<128xi32, #tpu.memory_space<vmem>>
        %dma_wait3A_1453 = arith.constant 0 : i32
        %dma_wait3A_1454 = arith.constant 0 : i32
        %dma_wait3A_1455 = tpu.memref_slice %arg16[%dma_wait3A_1453, %dma_wait3A_1454] : memref<10240x16xf32, #tpu.memory_space<vmem_shared>> -> memref<10240x16xf32, #tpu.memory_space<vmem_shared>>
        tpu.wait_indirect_dma semaphore(%arg25 : memref<!tpu.dma_semaphore, #tpu.memory_space<semaphore_mem>>) src(%arg12 : memref<128x16xf32, #tpu.memory_space<vmem>>) dst(%dma_wait3A_1455 : memref<10240x16xf32, #tpu.memory_space<vmem_shared>>)
      } else {
      }
      %ge3A_386 = arith.constant 1 : i32
      %ge3A_387 = arith.cmpi sge, %add3A_347, %ge3A_386 : i32
      %convert_element_type3A_388 = arith.extui %ge3A_387 : i1 to i32
      %cond3A_389 = arith.constant 0 : i32
      %cond3A_390 = arith.cmpi ne, %convert_element_type3A_388, %cond3A_389 : i32
      scf.if %cond3A_390 {
        %dma_wait3A_1449 = arith.constant 0 : i32
        %dma_wait3A_1450 = arith.constant 0 : i32
        %dma_wait3A_1451 = arith.constant 0 : i32
        %dma_wait3A_1452 = arith.constant 0 : i32
        %dma_wait3A_1453 = tpu.memref_slice %arg11[%dma_wait3A_1449, %dma_wait3A_1451, %dma_wait3A_1452] : memref<3x128x64xf32, #tpu.memory_space<vmem>> -> memref<1x128x64xf32, #tpu.memory_space<vmem>>
        %dma_wait3A_1454 = tpu.memref_squeeze %dma_wait3A_1453 : memref<1x128x64xf32, #tpu.memory_space<vmem>> -> memref<128x64xf32, #tpu.memory_space<vmem>>
        %dma_wait3A_1455 = arith.constant 0 : i32
        %dma_wait3A_1456 = tpu.memref_slice %arg9[%dma_wait3A_1450, %dma_wait3A_1455] : memref<12x128xi32, #tpu.memory_space<vmem>> -> memref<1x128xi32, #tpu.memory_space<vmem>>
        %dma_wait3A_1457 = tpu.memref_squeeze %dma_wait3A_1456 : memref<1x128xi32, #tpu.memory_space<vmem>> -> memref<128xi32, #tpu.memory_space<vmem>>
        %dma_wait3A_1458 = arith.constant 0 : i32
        %dma_wait3A_1459 = arith.constant 0 : i32
        %dma_wait3A_1460 = tpu.memref_slice %arg15[%dma_wait3A_1458, %dma_wait3A_1459] : memref<10240x64xf32, #tpu.memory_space<vmem_shared>> -> memref<10240x64xf32, #tpu.memory_space<vmem_shared>>
        tpu.wait_indirect_dma semaphore(%arg20 : memref<!tpu.dma_semaphore, #tpu.memory_space<semaphore_mem>>) src(%dma_wait3A_1454 : memref<128x64xf32, #tpu.memory_space<vmem>>) dst(%dma_wait3A_1460 : memref<10240x64xf32, #tpu.memory_space<vmem_shared>>)
      } else {
      }
      %add3A_391 = arith.constant 2 : i32
      %add3A_392 = arith.addi %add3A_347, %add3A_391 : i32
      %lt3A_393 = arith.constant 168 : i32
      %lt3A_394 = arith.cmpi slt, %add3A_392, %lt3A_393 : i32
      %convert_element_type3A_395 = arith.extui %lt3A_394 : i1 to i32
      %cond3A_396 = arith.constant 0 : i32
      %cond3A_397 = arith.cmpi ne, %convert_element_type3A_395, %cond3A_396 : i32
      scf.if %cond3A_397 {
        %dma_start3A_1449 = arith.constant 6 : i32
        %dma_start3A_1450 = arith.constant 0 : i32
        %dma_start3A_1451 = arith.constant 0 : i32
        %dma_start3A_1452 = arith.constant 0 : i32
        %dma_start3A_1453 = tpu.memref_slice %arg11[%dma_start3A_1450, %dma_start3A_1451, %dma_start3A_1452] : memref<3x128x64xf32, #tpu.memory_space<vmem>> -> memref<1x128x64xf32, #tpu.memory_space<vmem>>
        %dma_start3A_1454 = tpu.memref_squeeze %dma_start3A_1453 : memref<1x128x64xf32, #tpu.memory_space<vmem>> -> memref<128x64xf32, #tpu.memory_space<vmem>>
        %dma_start3A_1455 = arith.constant 0 : i32
        %dma_start3A_1456 = tpu.memref_slice %arg7[%dma_start3A_1449, %dma_start3A_1455] : memref<12x128xi32, #tpu.memory_space<vmem>> -> memref<1x128xi32, #tpu.memory_space<vmem>>
        %dma_start3A_1457 = tpu.memref_squeeze %dma_start3A_1456 : memref<1x128xi32, #tpu.memory_space<vmem>> -> memref<128xi32, #tpu.memory_space<vmem>>
        %dma_start3A_1458 = arith.constant 0 : i32
        %dma_start3A_1459 = arith.constant 0 : i32
        %dma_start3A_1460 = tpu.memref_slice %arg14[%dma_start3A_1458, %dma_start3A_1459] : memref<10000x64xf32, #tpu.memory_space<vmem_shared>> -> memref<10000x64xf32, #tpu.memory_space<vmem_shared>>
        tpu.enqueue_indirect_dma source(%dma_start3A_1460 : memref<10000x64xf32, #tpu.memory_space<vmem_shared>>) target(%dma_start3A_1454 : memref<128x64xf32, #tpu.memory_space<vmem>>) offsets(%dma_start3A_1457 : memref<128xi32, #tpu.memory_space<vmem>>) semaphore(%arg17 : memref<!tpu.dma_semaphore, #tpu.memory_space<semaphore_mem>>)
      } else {
      }
      %mul3A_398 = arith.constant 12 : i32
      %mul3A_399 = arith.muli %add3A_125, %mul3A_398 : i32
      %add3A_400 = arith.constant 5 : i32
      %add3A_401 = arith.addi %mul3A_399, %add3A_400 : i32
      %dma_wait3A_402 = arith.constant 5 : i32
      %dma_wait3A_403 = arith.constant 2 : i32
      %dma_wait3A_404 = arith.constant 0 : i32
      %dma_wait3A_405 = arith.constant 0 : i32
      %dma_wait3A_406 = tpu.memref_slice %arg11[%dma_wait3A_403, %dma_wait3A_404, %dma_wait3A_405] : memref<3x128x64xf32, #tpu.memory_space<vmem>> -> memref<1x128x64xf32, #tpu.memory_space<vmem>>
      %dma_wait3A_407 = tpu.memref_squeeze %dma_wait3A_406 : memref<1x128x64xf32, #tpu.memory_space<vmem>> -> memref<128x64xf32, #tpu.memory_space<vmem>>
      %dma_wait3A_408 = arith.constant 0 : i32
      %dma_wait3A_409 = tpu.memref_slice %arg7[%dma_wait3A_402, %dma_wait3A_408] : memref<12x128xi32, #tpu.memory_space<vmem>> -> memref<1x128xi32, #tpu.memory_space<vmem>>
      %dma_wait3A_410 = tpu.memref_squeeze %dma_wait3A_409 : memref<1x128xi32, #tpu.memory_space<vmem>> -> memref<128xi32, #tpu.memory_space<vmem>>
      %dma_wait3A_411 = arith.constant 0 : i32
      %dma_wait3A_412 = arith.constant 0 : i32
      %dma_wait3A_413 = tpu.memref_slice %arg14[%dma_wait3A_411, %dma_wait3A_412] : memref<10000x64xf32, #tpu.memory_space<vmem_shared>> -> memref<10000x64xf32, #tpu.memory_space<vmem_shared>>
      tpu.wait_indirect_dma semaphore(%arg19 : memref<!tpu.dma_semaphore, #tpu.memory_space<semaphore_mem>>) src(%dma_wait3A_413 : memref<10000x64xf32, #tpu.memory_space<vmem_shared>>) dst(%dma_wait3A_407 : memref<128x64xf32, #tpu.memory_space<vmem>>)
      %dma_start3A_414 = arith.constant 2 : i32
      %dma_start3A_415 = arith.constant 5 : i32
      %dma_start3A_416 = arith.constant 0 : i32
      %dma_start3A_417 = arith.constant 0 : i32
      %dma_start3A_418 = tpu.memref_slice %arg11[%dma_start3A_414, %dma_start3A_416, %dma_start3A_417] : memref<3x128x64xf32, #tpu.memory_space<vmem>> -> memref<1x128x64xf32, #tpu.memory_space<vmem>>
      %dma_start3A_419 = tpu.memref_squeeze %dma_start3A_418 : memref<1x128x64xf32, #tpu.memory_space<vmem>> -> memref<128x64xf32, #tpu.memory_space<vmem>>
      %dma_start3A_420 = arith.constant 0 : i32
      %dma_start3A_421 = tpu.memref_slice %arg9[%dma_start3A_415, %dma_start3A_420] : memref<12x128xi32, #tpu.memory_space<vmem>> -> memref<1x128xi32, #tpu.memory_space<vmem>>
      %dma_start3A_422 = tpu.memref_squeeze %dma_start3A_421 : memref<1x128xi32, #tpu.memory_space<vmem>> -> memref<128xi32, #tpu.memory_space<vmem>>
      %dma_start3A_423 = arith.constant 0 : i32
      %dma_start3A_424 = arith.constant 0 : i32
      %dma_start3A_425 = tpu.memref_slice %arg15[%dma_start3A_423, %dma_start3A_424] : memref<10240x64xf32, #tpu.memory_space<vmem_shared>> -> memref<10240x64xf32, #tpu.memory_space<vmem_shared>>
      tpu.enqueue_indirect_dma source(%dma_start3A_419 : memref<128x64xf32, #tpu.memory_space<vmem>>) target(%dma_start3A_425 : memref<10240x64xf32, #tpu.memory_space<vmem_shared>>) offsets(%dma_start3A_422 : memref<128xi32, #tpu.memory_space<vmem>>) semaphore(%arg22 : memref<!tpu.dma_semaphore, #tpu.memory_space<semaphore_mem>>) {add = true}
      %ge3A_426 = arith.cmpi sge, %add3A_401, %mul3A_61 : i32
      %lt3A_427 = arith.cmpi slt, %add3A_401, %add3A_63 : i32
      %and3A_428 = arith.andi %ge3A_426, %lt3A_427 : i1
      %convert_element_type3A_429 = arith.extui %and3A_428 : i1 to i32
      %cond3A_430 = arith.constant 0 : i32
      %cond3A_431 = arith.cmpi ne, %convert_element_type3A_429, %cond3A_430 : i32
      scf.if %cond3A_431 {
        %dma_start3A_1449 = arith.constant 5 : i32
        %dma_start3A_1450 = arith.constant 0 : i32
        %dma_start3A_1451 = tpu.memref_slice %arg9[%dma_start3A_1449, %dma_start3A_1450] : memref<12x128xi32, #tpu.memory_space<vmem>> -> memref<1x128xi32, #tpu.memory_space<vmem>>
        %dma_start3A_1452 = tpu.memref_squeeze %dma_start3A_1451 : memref<1x128xi32, #tpu.memory_space<vmem>> -> memref<128xi32, #tpu.memory_space<vmem>>
        %dma_start3A_1453 = arith.constant 0 : i32
        %dma_start3A_1454 = arith.constant 0 : i32
        %dma_start3A_1455 = tpu.memref_slice %arg16[%dma_start3A_1453, %dma_start3A_1454] : memref<10240x16xf32, #tpu.memory_space<vmem_shared>> -> memref<10240x16xf32, #tpu.memory_space<vmem_shared>>
        tpu.enqueue_indirect_dma source(%arg12 : memref<128x16xf32, #tpu.memory_space<vmem>>) target(%dma_start3A_1455 : memref<10240x16xf32, #tpu.memory_space<vmem_shared>>) offsets(%dma_start3A_1452 : memref<128xi32, #tpu.memory_space<vmem>>) semaphore(%arg26 : memref<!tpu.dma_semaphore, #tpu.memory_space<semaphore_mem>>) {add = true}
      } else {
      }
      %add3A_432 = arith.constant 2 : i32
      %add3A_433 = arith.addi %mul3A_61, %add3A_432 : i32
      %ge3A_434 = arith.cmpi sge, %add3A_401, %add3A_433 : i32
      %lt3A_435 = arith.cmpi slt, %add3A_401, %add3A_63 : i32
      %and3A_436 = arith.andi %ge3A_434, %lt3A_435 : i1
      %convert_element_type3A_437 = arith.extui %and3A_436 : i1 to i32
      %cond3A_438 = arith.constant 0 : i32
      %cond3A_439 = arith.cmpi ne, %convert_element_type3A_437, %cond3A_438 : i32
      scf.if %cond3A_439 {
        %dma_wait3A_1449 = arith.constant 5 : i32
        %dma_wait3A_1450 = arith.constant 0 : i32
        %dma_wait3A_1451 = tpu.memref_slice %arg9[%dma_wait3A_1449, %dma_wait3A_1450] : memref<12x128xi32, #tpu.memory_space<vmem>> -> memref<1x128xi32, #tpu.memory_space<vmem>>
        %dma_wait3A_1452 = tpu.memref_squeeze %dma_wait3A_1451 : memref<1x128xi32, #tpu.memory_space<vmem>> -> memref<128xi32, #tpu.memory_space<vmem>>
        %dma_wait3A_1453 = arith.constant 0 : i32
        %dma_wait3A_1454 = arith.constant 0 : i32
        %dma_wait3A_1455 = tpu.memref_slice %arg16[%dma_wait3A_1453, %dma_wait3A_1454] : memref<10240x16xf32, #tpu.memory_space<vmem_shared>> -> memref<10240x16xf32, #tpu.memory_space<vmem_shared>>
        tpu.wait_indirect_dma semaphore(%arg26 : memref<!tpu.dma_semaphore, #tpu.memory_space<semaphore_mem>>) src(%arg12 : memref<128x16xf32, #tpu.memory_space<vmem>>) dst(%dma_wait3A_1455 : memref<10240x16xf32, #tpu.memory_space<vmem_shared>>)
      } else {
      }
      %ge3A_440 = arith.constant 1 : i32
      %ge3A_441 = arith.cmpi sge, %add3A_401, %ge3A_440 : i32
      %convert_element_type3A_442 = arith.extui %ge3A_441 : i1 to i32
      %cond3A_443 = arith.constant 0 : i32
      %cond3A_444 = arith.cmpi ne, %convert_element_type3A_442, %cond3A_443 : i32
      scf.if %cond3A_444 {
        %dma_wait3A_1449 = arith.constant 1 : i32
        %dma_wait3A_1450 = arith.constant 0 : i32
        %dma_wait3A_1451 = arith.constant 0 : i32
        %dma_wait3A_1452 = arith.constant 0 : i32
        %dma_wait3A_1453 = tpu.memref_slice %arg11[%dma_wait3A_1449, %dma_wait3A_1451, %dma_wait3A_1452] : memref<3x128x64xf32, #tpu.memory_space<vmem>> -> memref<1x128x64xf32, #tpu.memory_space<vmem>>
        %dma_wait3A_1454 = tpu.memref_squeeze %dma_wait3A_1453 : memref<1x128x64xf32, #tpu.memory_space<vmem>> -> memref<128x64xf32, #tpu.memory_space<vmem>>
        %dma_wait3A_1455 = arith.constant 0 : i32
        %dma_wait3A_1456 = tpu.memref_slice %arg9[%dma_wait3A_1450, %dma_wait3A_1455] : memref<12x128xi32, #tpu.memory_space<vmem>> -> memref<1x128xi32, #tpu.memory_space<vmem>>
        %dma_wait3A_1457 = tpu.memref_squeeze %dma_wait3A_1456 : memref<1x128xi32, #tpu.memory_space<vmem>> -> memref<128xi32, #tpu.memory_space<vmem>>
        %dma_wait3A_1458 = arith.constant 0 : i32
        %dma_wait3A_1459 = arith.constant 0 : i32
        %dma_wait3A_1460 = tpu.memref_slice %arg15[%dma_wait3A_1458, %dma_wait3A_1459] : memref<10240x64xf32, #tpu.memory_space<vmem_shared>> -> memref<10240x64xf32, #tpu.memory_space<vmem_shared>>
        tpu.wait_indirect_dma semaphore(%arg21 : memref<!tpu.dma_semaphore, #tpu.memory_space<semaphore_mem>>) src(%dma_wait3A_1454 : memref<128x64xf32, #tpu.memory_space<vmem>>) dst(%dma_wait3A_1460 : memref<10240x64xf32, #tpu.memory_space<vmem_shared>>)
      } else {
      }
      %add3A_445 = arith.constant 2 : i32
      %add3A_446 = arith.addi %add3A_401, %add3A_445 : i32
      %lt3A_447 = arith.constant 168 : i32
      %lt3A_448 = arith.cmpi slt, %add3A_446, %lt3A_447 : i32
      %convert_element_type3A_449 = arith.extui %lt3A_448 : i1 to i32
      %cond3A_450 = arith.constant 0 : i32
      %cond3A_451 = arith.cmpi ne, %convert_element_type3A_449, %cond3A_450 : i32
      scf.if %cond3A_451 {
        %dma_start3A_1449 = arith.constant 7 : i32
        %dma_start3A_1450 = arith.constant 1 : i32
        %dma_start3A_1451 = arith.constant 0 : i32
        %dma_start3A_1452 = arith.constant 0 : i32
        %dma_start3A_1453 = tpu.memref_slice %arg11[%dma_start3A_1450, %dma_start3A_1451, %dma_start3A_1452] : memref<3x128x64xf32, #tpu.memory_space<vmem>> -> memref<1x128x64xf32, #tpu.memory_space<vmem>>
        %dma_start3A_1454 = tpu.memref_squeeze %dma_start3A_1453 : memref<1x128x64xf32, #tpu.memory_space<vmem>> -> memref<128x64xf32, #tpu.memory_space<vmem>>
        %dma_start3A_1455 = arith.constant 0 : i32
        %dma_start3A_1456 = tpu.memref_slice %arg7[%dma_start3A_1449, %dma_start3A_1455] : memref<12x128xi32, #tpu.memory_space<vmem>> -> memref<1x128xi32, #tpu.memory_space<vmem>>
        %dma_start3A_1457 = tpu.memref_squeeze %dma_start3A_1456 : memref<1x128xi32, #tpu.memory_space<vmem>> -> memref<128xi32, #tpu.memory_space<vmem>>
        %dma_start3A_1458 = arith.constant 0 : i32
        %dma_start3A_1459 = arith.constant 0 : i32
        %dma_start3A_1460 = tpu.memref_slice %arg14[%dma_start3A_1458, %dma_start3A_1459] : memref<10000x64xf32, #tpu.memory_space<vmem_shared>> -> memref<10000x64xf32, #tpu.memory_space<vmem_shared>>
        tpu.enqueue_indirect_dma source(%dma_start3A_1460 : memref<10000x64xf32, #tpu.memory_space<vmem_shared>>) target(%dma_start3A_1454 : memref<128x64xf32, #tpu.memory_space<vmem>>) offsets(%dma_start3A_1457 : memref<128xi32, #tpu.memory_space<vmem>>) semaphore(%arg18 : memref<!tpu.dma_semaphore, #tpu.memory_space<semaphore_mem>>)
      } else {
      }
      %mul3A_452 = arith.constant 12 : i32
      %mul3A_453 = arith.muli %add3A_125, %mul3A_452 : i32
      %add3A_454 = arith.constant 6 : i32
      %add3A_455 = arith.addi %mul3A_453, %add3A_454 : i32
      %dma_wait3A_456 = arith.constant 6 : i32
      %dma_wait3A_457 = arith.constant 0 : i32
      %dma_wait3A_458 = arith.constant 0 : i32
      %dma_wait3A_459 = arith.constant 0 : i32
      %dma_wait3A_460 = tpu.memref_slice %arg11[%dma_wait3A_457, %dma_wait3A_458, %dma_wait3A_459] : memref<3x128x64xf32, #tpu.memory_space<vmem>> -> memref<1x128x64xf32, #tpu.memory_space<vmem>>
      %dma_wait3A_461 = tpu.memref_squeeze %dma_wait3A_460 : memref<1x128x64xf32, #tpu.memory_space<vmem>> -> memref<128x64xf32, #tpu.memory_space<vmem>>
      %dma_wait3A_462 = arith.constant 0 : i32
      %dma_wait3A_463 = tpu.memref_slice %arg7[%dma_wait3A_456, %dma_wait3A_462] : memref<12x128xi32, #tpu.memory_space<vmem>> -> memref<1x128xi32, #tpu.memory_space<vmem>>
      %dma_wait3A_464 = tpu.memref_squeeze %dma_wait3A_463 : memref<1x128xi32, #tpu.memory_space<vmem>> -> memref<128xi32, #tpu.memory_space<vmem>>
      %dma_wait3A_465 = arith.constant 0 : i32
      %dma_wait3A_466 = arith.constant 0 : i32
      %dma_wait3A_467 = tpu.memref_slice %arg14[%dma_wait3A_465, %dma_wait3A_466] : memref<10000x64xf32, #tpu.memory_space<vmem_shared>> -> memref<10000x64xf32, #tpu.memory_space<vmem_shared>>
      tpu.wait_indirect_dma semaphore(%arg17 : memref<!tpu.dma_semaphore, #tpu.memory_space<semaphore_mem>>) src(%dma_wait3A_467 : memref<10000x64xf32, #tpu.memory_space<vmem_shared>>) dst(%dma_wait3A_461 : memref<128x64xf32, #tpu.memory_space<vmem>>)
      %dma_start3A_468 = arith.constant 0 : i32
      %dma_start3A_469 = arith.constant 6 : i32
      %dma_start3A_470 = arith.constant 0 : i32
      %dma_start3A_471 = arith.constant 0 : i32
      %dma_start3A_472 = tpu.memref_slice %arg11[%dma_start3A_468, %dma_start3A_470, %dma_start3A_471] : memref<3x128x64xf32, #tpu.memory_space<vmem>> -> memref<1x128x64xf32, #tpu.memory_space<vmem>>
      %dma_start3A_473 = tpu.memref_squeeze %dma_start3A_472 : memref<1x128x64xf32, #tpu.memory_space<vmem>> -> memref<128x64xf32, #tpu.memory_space<vmem>>
      %dma_start3A_474 = arith.constant 0 : i32
      %dma_start3A_475 = tpu.memref_slice %arg9[%dma_start3A_469, %dma_start3A_474] : memref<12x128xi32, #tpu.memory_space<vmem>> -> memref<1x128xi32, #tpu.memory_space<vmem>>
      %dma_start3A_476 = tpu.memref_squeeze %dma_start3A_475 : memref<1x128xi32, #tpu.memory_space<vmem>> -> memref<128xi32, #tpu.memory_space<vmem>>
      %dma_start3A_477 = arith.constant 0 : i32
      %dma_start3A_478 = arith.constant 0 : i32
      %dma_start3A_479 = tpu.memref_slice %arg15[%dma_start3A_477, %dma_start3A_478] : memref<10240x64xf32, #tpu.memory_space<vmem_shared>> -> memref<10240x64xf32, #tpu.memory_space<vmem_shared>>
      tpu.enqueue_indirect_dma source(%dma_start3A_473 : memref<128x64xf32, #tpu.memory_space<vmem>>) target(%dma_start3A_479 : memref<10240x64xf32, #tpu.memory_space<vmem_shared>>) offsets(%dma_start3A_476 : memref<128xi32, #tpu.memory_space<vmem>>) semaphore(%arg20 : memref<!tpu.dma_semaphore, #tpu.memory_space<semaphore_mem>>) {add = true}
      %ge3A_480 = arith.cmpi sge, %add3A_455, %mul3A_61 : i32
      %lt3A_481 = arith.cmpi slt, %add3A_455, %add3A_63 : i32
      %and3A_482 = arith.andi %ge3A_480, %lt3A_481 : i1
      %convert_element_type3A_483 = arith.extui %and3A_482 : i1 to i32
      %cond3A_484 = arith.constant 0 : i32
      %cond3A_485 = arith.cmpi ne, %convert_element_type3A_483, %cond3A_484 : i32
      scf.if %cond3A_485 {
        %dma_start3A_1449 = arith.constant 6 : i32
        %dma_start3A_1450 = arith.constant 0 : i32
        %dma_start3A_1451 = tpu.memref_slice %arg9[%dma_start3A_1449, %dma_start3A_1450] : memref<12x128xi32, #tpu.memory_space<vmem>> -> memref<1x128xi32, #tpu.memory_space<vmem>>
        %dma_start3A_1452 = tpu.memref_squeeze %dma_start3A_1451 : memref<1x128xi32, #tpu.memory_space<vmem>> -> memref<128xi32, #tpu.memory_space<vmem>>
        %dma_start3A_1453 = arith.constant 0 : i32
        %dma_start3A_1454 = arith.constant 0 : i32
        %dma_start3A_1455 = tpu.memref_slice %arg16[%dma_start3A_1453, %dma_start3A_1454] : memref<10240x16xf32, #tpu.memory_space<vmem_shared>> -> memref<10240x16xf32, #tpu.memory_space<vmem_shared>>
        tpu.enqueue_indirect_dma source(%arg12 : memref<128x16xf32, #tpu.memory_space<vmem>>) target(%dma_start3A_1455 : memref<10240x16xf32, #tpu.memory_space<vmem_shared>>) offsets(%dma_start3A_1452 : memref<128xi32, #tpu.memory_space<vmem>>) semaphore(%arg25 : memref<!tpu.dma_semaphore, #tpu.memory_space<semaphore_mem>>) {add = true}
      } else {
      }
      %add3A_486 = arith.constant 2 : i32
      %add3A_487 = arith.addi %mul3A_61, %add3A_486 : i32
      %ge3A_488 = arith.cmpi sge, %add3A_455, %add3A_487 : i32
      %lt3A_489 = arith.cmpi slt, %add3A_455, %add3A_63 : i32
      %and3A_490 = arith.andi %ge3A_488, %lt3A_489 : i1
      %convert_element_type3A_491 = arith.extui %and3A_490 : i1 to i32
      %cond3A_492 = arith.constant 0 : i32
      %cond3A_493 = arith.cmpi ne, %convert_element_type3A_491, %cond3A_492 : i32
      scf.if %cond3A_493 {
        %dma_wait3A_1449 = arith.constant 6 : i32
        %dma_wait3A_1450 = arith.constant 0 : i32
        %dma_wait3A_1451 = tpu.memref_slice %arg9[%dma_wait3A_1449, %dma_wait3A_1450] : memref<12x128xi32, #tpu.memory_space<vmem>> -> memref<1x128xi32, #tpu.memory_space<vmem>>
        %dma_wait3A_1452 = tpu.memref_squeeze %dma_wait3A_1451 : memref<1x128xi32, #tpu.memory_space<vmem>> -> memref<128xi32, #tpu.memory_space<vmem>>
        %dma_wait3A_1453 = arith.constant 0 : i32
        %dma_wait3A_1454 = arith.constant 0 : i32
        %dma_wait3A_1455 = tpu.memref_slice %arg16[%dma_wait3A_1453, %dma_wait3A_1454] : memref<10240x16xf32, #tpu.memory_space<vmem_shared>> -> memref<10240x16xf32, #tpu.memory_space<vmem_shared>>
        tpu.wait_indirect_dma semaphore(%arg25 : memref<!tpu.dma_semaphore, #tpu.memory_space<semaphore_mem>>) src(%arg12 : memref<128x16xf32, #tpu.memory_space<vmem>>) dst(%dma_wait3A_1455 : memref<10240x16xf32, #tpu.memory_space<vmem_shared>>)
      } else {
      }
      %ge3A_494 = arith.constant 1 : i32
      %ge3A_495 = arith.cmpi sge, %add3A_455, %ge3A_494 : i32
      %convert_element_type3A_496 = arith.extui %ge3A_495 : i1 to i32
      %cond3A_497 = arith.constant 0 : i32
      %cond3A_498 = arith.cmpi ne, %convert_element_type3A_496, %cond3A_497 : i32
      scf.if %cond3A_498 {
        %dma_wait3A_1449 = arith.constant 2 : i32
        %dma_wait3A_1450 = arith.constant 0 : i32
        %dma_wait3A_1451 = arith.constant 0 : i32
        %dma_wait3A_1452 = arith.constant 0 : i32
        %dma_wait3A_1453 = tpu.memref_slice %arg11[%dma_wait3A_1449, %dma_wait3A_1451, %dma_wait3A_1452] : memref<3x128x64xf32, #tpu.memory_space<vmem>> -> memref<1x128x64xf32, #tpu.memory_space<vmem>>
        %dma_wait3A_1454 = tpu.memref_squeeze %dma_wait3A_1453 : memref<1x128x64xf32, #tpu.memory_space<vmem>> -> memref<128x64xf32, #tpu.memory_space<vmem>>
        %dma_wait3A_1455 = arith.constant 0 : i32
        %dma_wait3A_1456 = tpu.memref_slice %arg9[%dma_wait3A_1450, %dma_wait3A_1455] : memref<12x128xi32, #tpu.memory_space<vmem>> -> memref<1x128xi32, #tpu.memory_space<vmem>>
        %dma_wait3A_1457 = tpu.memref_squeeze %dma_wait3A_1456 : memref<1x128xi32, #tpu.memory_space<vmem>> -> memref<128xi32, #tpu.memory_space<vmem>>
        %dma_wait3A_1458 = arith.constant 0 : i32
        %dma_wait3A_1459 = arith.constant 0 : i32
        %dma_wait3A_1460 = tpu.memref_slice %arg15[%dma_wait3A_1458, %dma_wait3A_1459] : memref<10240x64xf32, #tpu.memory_space<vmem_shared>> -> memref<10240x64xf32, #tpu.memory_space<vmem_shared>>
        tpu.wait_indirect_dma semaphore(%arg22 : memref<!tpu.dma_semaphore, #tpu.memory_space<semaphore_mem>>) src(%dma_wait3A_1454 : memref<128x64xf32, #tpu.memory_space<vmem>>) dst(%dma_wait3A_1460 : memref<10240x64xf32, #tpu.memory_space<vmem_shared>>)
      } else {
      }
      %add3A_499 = arith.constant 2 : i32
      %add3A_500 = arith.addi %add3A_455, %add3A_499 : i32
      %lt3A_501 = arith.constant 168 : i32
      %lt3A_502 = arith.cmpi slt, %add3A_500, %lt3A_501 : i32
      %convert_element_type3A_503 = arith.extui %lt3A_502 : i1 to i32
      %cond3A_504 = arith.constant 0 : i32
      %cond3A_505 = arith.cmpi ne, %convert_element_type3A_503, %cond3A_504 : i32
      scf.if %cond3A_505 {
        %dma_start3A_1449 = arith.constant 8 : i32
        %dma_start3A_1450 = arith.constant 2 : i32
        %dma_start3A_1451 = arith.constant 0 : i32
        %dma_start3A_1452 = arith.constant 0 : i32
        %dma_start3A_1453 = tpu.memref_slice %arg11[%dma_start3A_1450, %dma_start3A_1451, %dma_start3A_1452] : memref<3x128x64xf32, #tpu.memory_space<vmem>> -> memref<1x128x64xf32, #tpu.memory_space<vmem>>
        %dma_start3A_1454 = tpu.memref_squeeze %dma_start3A_1453 : memref<1x128x64xf32, #tpu.memory_space<vmem>> -> memref<128x64xf32, #tpu.memory_space<vmem>>
        %dma_start3A_1455 = arith.constant 0 : i32
        %dma_start3A_1456 = tpu.memref_slice %arg7[%dma_start3A_1449, %dma_start3A_1455] : memref<12x128xi32, #tpu.memory_space<vmem>> -> memref<1x128xi32, #tpu.memory_space<vmem>>
        %dma_start3A_1457 = tpu.memref_squeeze %dma_start3A_1456 : memref<1x128xi32, #tpu.memory_space<vmem>> -> memref<128xi32, #tpu.memory_space<vmem>>
        %dma_start3A_1458 = arith.constant 0 : i32
        %dma_start3A_1459 = arith.constant 0 : i32
        %dma_start3A_1460 = tpu.memref_slice %arg14[%dma_start3A_1458, %dma_start3A_1459] : memref<10000x64xf32, #tpu.memory_space<vmem_shared>> -> memref<10000x64xf32, #tpu.memory_space<vmem_shared>>
        tpu.enqueue_indirect_dma source(%dma_start3A_1460 : memref<10000x64xf32, #tpu.memory_space<vmem_shared>>) target(%dma_start3A_1454 : memref<128x64xf32, #tpu.memory_space<vmem>>) offsets(%dma_start3A_1457 : memref<128xi32, #tpu.memory_space<vmem>>) semaphore(%arg19 : memref<!tpu.dma_semaphore, #tpu.memory_space<semaphore_mem>>)
      } else {
      }
      %mul3A_506 = arith.constant 12 : i32
      %mul3A_507 = arith.muli %add3A_125, %mul3A_506 : i32
      %add3A_508 = arith.constant 7 : i32
      %add3A_509 = arith.addi %mul3A_507, %add3A_508 : i32
      %dma_wait3A_510 = arith.constant 7 : i32
      %dma_wait3A_511 = arith.constant 1 : i32
      %dma_wait3A_512 = arith.constant 0 : i32
      %dma_wait3A_513 = arith.constant 0 : i32
      %dma_wait3A_514 = tpu.memref_slice %arg11[%dma_wait3A_511, %dma_wait3A_512, %dma_wait3A_513] : memref<3x128x64xf32, #tpu.memory_space<vmem>> -> memref<1x128x64xf32, #tpu.memory_space<vmem>>
      %dma_wait3A_515 = tpu.memref_squeeze %dma_wait3A_514 : memref<1x128x64xf32, #tpu.memory_space<vmem>> -> memref<128x64xf32, #tpu.memory_space<vmem>>
      %dma_wait3A_516 = arith.constant 0 : i32
      %dma_wait3A_517 = tpu.memref_slice %arg7[%dma_wait3A_510, %dma_wait3A_516] : memref<12x128xi32, #tpu.memory_space<vmem>> -> memref<1x128xi32, #tpu.memory_space<vmem>>
      %dma_wait3A_518 = tpu.memref_squeeze %dma_wait3A_517 : memref<1x128xi32, #tpu.memory_space<vmem>> -> memref<128xi32, #tpu.memory_space<vmem>>
      %dma_wait3A_519 = arith.constant 0 : i32
      %dma_wait3A_520 = arith.constant 0 : i32
      %dma_wait3A_521 = tpu.memref_slice %arg14[%dma_wait3A_519, %dma_wait3A_520] : memref<10000x64xf32, #tpu.memory_space<vmem_shared>> -> memref<10000x64xf32, #tpu.memory_space<vmem_shared>>
      tpu.wait_indirect_dma semaphore(%arg18 : memref<!tpu.dma_semaphore, #tpu.memory_space<semaphore_mem>>) src(%dma_wait3A_521 : memref<10000x64xf32, #tpu.memory_space<vmem_shared>>) dst(%dma_wait3A_515 : memref<128x64xf32, #tpu.memory_space<vmem>>)
      %dma_start3A_522 = arith.constant 1 : i32
      %dma_start3A_523 = arith.constant 7 : i32
      %dma_start3A_524 = arith.constant 0 : i32
      %dma_start3A_525 = arith.constant 0 : i32
      %dma_start3A_526 = tpu.memref_slice %arg11[%dma_start3A_522, %dma_start3A_524, %dma_start3A_525] : memref<3x128x64xf32, #tpu.memory_space<vmem>> -> memref<1x128x64xf32, #tpu.memory_space<vmem>>
      %dma_start3A_527 = tpu.memref_squeeze %dma_start3A_526 : memref<1x128x64xf32, #tpu.memory_space<vmem>> -> memref<128x64xf32, #tpu.memory_space<vmem>>
      %dma_start3A_528 = arith.constant 0 : i32
      %dma_start3A_529 = tpu.memref_slice %arg9[%dma_start3A_523, %dma_start3A_528] : memref<12x128xi32, #tpu.memory_space<vmem>> -> memref<1x128xi32, #tpu.memory_space<vmem>>
      %dma_start3A_530 = tpu.memref_squeeze %dma_start3A_529 : memref<1x128xi32, #tpu.memory_space<vmem>> -> memref<128xi32, #tpu.memory_space<vmem>>
      %dma_start3A_531 = arith.constant 0 : i32
      %dma_start3A_532 = arith.constant 0 : i32
      %dma_start3A_533 = tpu.memref_slice %arg15[%dma_start3A_531, %dma_start3A_532] : memref<10240x64xf32, #tpu.memory_space<vmem_shared>> -> memref<10240x64xf32, #tpu.memory_space<vmem_shared>>
      tpu.enqueue_indirect_dma source(%dma_start3A_527 : memref<128x64xf32, #tpu.memory_space<vmem>>) target(%dma_start3A_533 : memref<10240x64xf32, #tpu.memory_space<vmem_shared>>) offsets(%dma_start3A_530 : memref<128xi32, #tpu.memory_space<vmem>>) semaphore(%arg21 : memref<!tpu.dma_semaphore, #tpu.memory_space<semaphore_mem>>) {add = true}
      %ge3A_534 = arith.cmpi sge, %add3A_509, %mul3A_61 : i32
      %lt3A_535 = arith.cmpi slt, %add3A_509, %add3A_63 : i32
      %and3A_536 = arith.andi %ge3A_534, %lt3A_535 : i1
      %convert_element_type3A_537 = arith.extui %and3A_536 : i1 to i32
      %cond3A_538 = arith.constant 0 : i32
      %cond3A_539 = arith.cmpi ne, %convert_element_type3A_537, %cond3A_538 : i32
      scf.if %cond3A_539 {
        %dma_start3A_1449 = arith.constant 7 : i32
        %dma_start3A_1450 = arith.constant 0 : i32
        %dma_start3A_1451 = tpu.memref_slice %arg9[%dma_start3A_1449, %dma_start3A_1450] : memref<12x128xi32, #tpu.memory_space<vmem>> -> memref<1x128xi32, #tpu.memory_space<vmem>>
        %dma_start3A_1452 = tpu.memref_squeeze %dma_start3A_1451 : memref<1x128xi32, #tpu.memory_space<vmem>> -> memref<128xi32, #tpu.memory_space<vmem>>
        %dma_start3A_1453 = arith.constant 0 : i32
        %dma_start3A_1454 = arith.constant 0 : i32
        %dma_start3A_1455 = tpu.memref_slice %arg16[%dma_start3A_1453, %dma_start3A_1454] : memref<10240x16xf32, #tpu.memory_space<vmem_shared>> -> memref<10240x16xf32, #tpu.memory_space<vmem_shared>>
        tpu.enqueue_indirect_dma source(%arg12 : memref<128x16xf32, #tpu.memory_space<vmem>>) target(%dma_start3A_1455 : memref<10240x16xf32, #tpu.memory_space<vmem_shared>>) offsets(%dma_start3A_1452 : memref<128xi32, #tpu.memory_space<vmem>>) semaphore(%arg26 : memref<!tpu.dma_semaphore, #tpu.memory_space<semaphore_mem>>) {add = true}
      } else {
      }
      %add3A_540 = arith.constant 2 : i32
      %add3A_541 = arith.addi %mul3A_61, %add3A_540 : i32
      %ge3A_542 = arith.cmpi sge, %add3A_509, %add3A_541 : i32
      %lt3A_543 = arith.cmpi slt, %add3A_509, %add3A_63 : i32
      %and3A_544 = arith.andi %ge3A_542, %lt3A_543 : i1
      %convert_element_type3A_545 = arith.extui %and3A_544 : i1 to i32
      %cond3A_546 = arith.constant 0 : i32
      %cond3A_547 = arith.cmpi ne, %convert_element_type3A_545, %cond3A_546 : i32
      scf.if %cond3A_547 {
        %dma_wait3A_1449 = arith.constant 7 : i32
        %dma_wait3A_1450 = arith.constant 0 : i32
        %dma_wait3A_1451 = tpu.memref_slice %arg9[%dma_wait3A_1449, %dma_wait3A_1450] : memref<12x128xi32, #tpu.memory_space<vmem>> -> memref<1x128xi32, #tpu.memory_space<vmem>>
        %dma_wait3A_1452 = tpu.memref_squeeze %dma_wait3A_1451 : memref<1x128xi32, #tpu.memory_space<vmem>> -> memref<128xi32, #tpu.memory_space<vmem>>
        %dma_wait3A_1453 = arith.constant 0 : i32
        %dma_wait3A_1454 = arith.constant 0 : i32
        %dma_wait3A_1455 = tpu.memref_slice %arg16[%dma_wait3A_1453, %dma_wait3A_1454] : memref<10240x16xf32, #tpu.memory_space<vmem_shared>> -> memref<10240x16xf32, #tpu.memory_space<vmem_shared>>
        tpu.wait_indirect_dma semaphore(%arg26 : memref<!tpu.dma_semaphore, #tpu.memory_space<semaphore_mem>>) src(%arg12 : memref<128x16xf32, #tpu.memory_space<vmem>>) dst(%dma_wait3A_1455 : memref<10240x16xf32, #tpu.memory_space<vmem_shared>>)
      } else {
      }
      %ge3A_548 = arith.constant 1 : i32
      %ge3A_549 = arith.cmpi sge, %add3A_509, %ge3A_548 : i32
      %convert_element_type3A_550 = arith.extui %ge3A_549 : i1 to i32
      %cond3A_551 = arith.constant 0 : i32
      %cond3A_552 = arith.cmpi ne, %convert_element_type3A_550, %cond3A_551 : i32
      scf.if %cond3A_552 {
        %dma_wait3A_1449 = arith.constant 0 : i32
        %dma_wait3A_1450 = arith.constant 0 : i32
        %dma_wait3A_1451 = arith.constant 0 : i32
        %dma_wait3A_1452 = arith.constant 0 : i32
        %dma_wait3A_1453 = tpu.memref_slice %arg11[%dma_wait3A_1449, %dma_wait3A_1451, %dma_wait3A_1452] : memref<3x128x64xf32, #tpu.memory_space<vmem>> -> memref<1x128x64xf32, #tpu.memory_space<vmem>>
        %dma_wait3A_1454 = tpu.memref_squeeze %dma_wait3A_1453 : memref<1x128x64xf32, #tpu.memory_space<vmem>> -> memref<128x64xf32, #tpu.memory_space<vmem>>
        %dma_wait3A_1455 = arith.constant 0 : i32
        %dma_wait3A_1456 = tpu.memref_slice %arg9[%dma_wait3A_1450, %dma_wait3A_1455] : memref<12x128xi32, #tpu.memory_space<vmem>> -> memref<1x128xi32, #tpu.memory_space<vmem>>
        %dma_wait3A_1457 = tpu.memref_squeeze %dma_wait3A_1456 : memref<1x128xi32, #tpu.memory_space<vmem>> -> memref<128xi32, #tpu.memory_space<vmem>>
        %dma_wait3A_1458 = arith.constant 0 : i32
        %dma_wait3A_1459 = arith.constant 0 : i32
        %dma_wait3A_1460 = tpu.memref_slice %arg15[%dma_wait3A_1458, %dma_wait3A_1459] : memref<10240x64xf32, #tpu.memory_space<vmem_shared>> -> memref<10240x64xf32, #tpu.memory_space<vmem_shared>>
        tpu.wait_indirect_dma semaphore(%arg20 : memref<!tpu.dma_semaphore, #tpu.memory_space<semaphore_mem>>) src(%dma_wait3A_1454 : memref<128x64xf32, #tpu.memory_space<vmem>>) dst(%dma_wait3A_1460 : memref<10240x64xf32, #tpu.memory_space<vmem_shared>>)
      } else {
      }
      %add3A_553 = arith.constant 2 : i32
      %add3A_554 = arith.addi %add3A_509, %add3A_553 : i32
      %lt3A_555 = arith.constant 168 : i32
      %lt3A_556 = arith.cmpi slt, %add3A_554, %lt3A_555 : i32
      %convert_element_type3A_557 = arith.extui %lt3A_556 : i1 to i32
      %cond3A_558 = arith.constant 0 : i32
      %cond3A_559 = arith.cmpi ne, %convert_element_type3A_557, %cond3A_558 : i32
      scf.if %cond3A_559 {
        %dma_start3A_1449 = arith.constant 9 : i32
        %dma_start3A_1450 = arith.constant 0 : i32
        %dma_start3A_1451 = arith.constant 0 : i32
        %dma_start3A_1452 = arith.constant 0 : i32
        %dma_start3A_1453 = tpu.memref_slice %arg11[%dma_start3A_1450, %dma_start3A_1451, %dma_start3A_1452] : memref<3x128x64xf32, #tpu.memory_space<vmem>> -> memref<1x128x64xf32, #tpu.memory_space<vmem>>
        %dma_start3A_1454 = tpu.memref_squeeze %dma_start3A_1453 : memref<1x128x64xf32, #tpu.memory_space<vmem>> -> memref<128x64xf32, #tpu.memory_space<vmem>>
        %dma_start3A_1455 = arith.constant 0 : i32
        %dma_start3A_1456 = tpu.memref_slice %arg7[%dma_start3A_1449, %dma_start3A_1455] : memref<12x128xi32, #tpu.memory_space<vmem>> -> memref<1x128xi32, #tpu.memory_space<vmem>>
        %dma_start3A_1457 = tpu.memref_squeeze %dma_start3A_1456 : memref<1x128xi32, #tpu.memory_space<vmem>> -> memref<128xi32, #tpu.memory_space<vmem>>
        %dma_start3A_1458 = arith.constant 0 : i32
        %dma_start3A_1459 = arith.constant 0 : i32
        %dma_start3A_1460 = tpu.memref_slice %arg14[%dma_start3A_1458, %dma_start3A_1459] : memref<10000x64xf32, #tpu.memory_space<vmem_shared>> -> memref<10000x64xf32, #tpu.memory_space<vmem_shared>>
        tpu.enqueue_indirect_dma source(%dma_start3A_1460 : memref<10000x64xf32, #tpu.memory_space<vmem_shared>>) target(%dma_start3A_1454 : memref<128x64xf32, #tpu.memory_space<vmem>>) offsets(%dma_start3A_1457 : memref<128xi32, #tpu.memory_space<vmem>>) semaphore(%arg17 : memref<!tpu.dma_semaphore, #tpu.memory_space<semaphore_mem>>)
      } else {
      }
      %mul3A_560 = arith.constant 12 : i32
      %mul3A_561 = arith.muli %add3A_125, %mul3A_560 : i32
      %add3A_562 = arith.constant 8 : i32
      %add3A_563 = arith.addi %mul3A_561, %add3A_562 : i32
      %dma_wait3A_564 = arith.constant 8 : i32
      %dma_wait3A_565 = arith.constant 2 : i32
      %dma_wait3A_566 = arith.constant 0 : i32
      %dma_wait3A_567 = arith.constant 0 : i32
      %dma_wait3A_568 = tpu.memref_slice %arg11[%dma_wait3A_565, %dma_wait3A_566, %dma_wait3A_567] : memref<3x128x64xf32, #tpu.memory_space<vmem>> -> memref<1x128x64xf32, #tpu.memory_space<vmem>>
      %dma_wait3A_569 = tpu.memref_squeeze %dma_wait3A_568 : memref<1x128x64xf32, #tpu.memory_space<vmem>> -> memref<128x64xf32, #tpu.memory_space<vmem>>
      %dma_wait3A_570 = arith.constant 0 : i32
      %dma_wait3A_571 = tpu.memref_slice %arg7[%dma_wait3A_564, %dma_wait3A_570] : memref<12x128xi32, #tpu.memory_space<vmem>> -> memref<1x128xi32, #tpu.memory_space<vmem>>
      %dma_wait3A_572 = tpu.memref_squeeze %dma_wait3A_571 : memref<1x128xi32, #tpu.memory_space<vmem>> -> memref<128xi32, #tpu.memory_space<vmem>>
      %dma_wait3A_573 = arith.constant 0 : i32
      %dma_wait3A_574 = arith.constant 0 : i32
      %dma_wait3A_575 = tpu.memref_slice %arg14[%dma_wait3A_573, %dma_wait3A_574] : memref<10000x64xf32, #tpu.memory_space<vmem_shared>> -> memref<10000x64xf32, #tpu.memory_space<vmem_shared>>
      tpu.wait_indirect_dma semaphore(%arg19 : memref<!tpu.dma_semaphore, #tpu.memory_space<semaphore_mem>>) src(%dma_wait3A_575 : memref<10000x64xf32, #tpu.memory_space<vmem_shared>>) dst(%dma_wait3A_569 : memref<128x64xf32, #tpu.memory_space<vmem>>)
      %dma_start3A_576 = arith.constant 2 : i32
      %dma_start3A_577 = arith.constant 8 : i32
      %dma_start3A_578 = arith.constant 0 : i32
      %dma_start3A_579 = arith.constant 0 : i32
      %dma_start3A_580 = tpu.memref_slice %arg11[%dma_start3A_576, %dma_start3A_578, %dma_start3A_579] : memref<3x128x64xf32, #tpu.memory_space<vmem>> -> memref<1x128x64xf32, #tpu.memory_space<vmem>>
      %dma_start3A_581 = tpu.memref_squeeze %dma_start3A_580 : memref<1x128x64xf32, #tpu.memory_space<vmem>> -> memref<128x64xf32, #tpu.memory_space<vmem>>
      %dma_start3A_582 = arith.constant 0 : i32
      %dma_start3A_583 = tpu.memref_slice %arg9[%dma_start3A_577, %dma_start3A_582] : memref<12x128xi32, #tpu.memory_space<vmem>> -> memref<1x128xi32, #tpu.memory_space<vmem>>
      %dma_start3A_584 = tpu.memref_squeeze %dma_start3A_583 : memref<1x128xi32, #tpu.memory_space<vmem>> -> memref<128xi32, #tpu.memory_space<vmem>>
      %dma_start3A_585 = arith.constant 0 : i32
      %dma_start3A_586 = arith.constant 0 : i32
      %dma_start3A_587 = tpu.memref_slice %arg15[%dma_start3A_585, %dma_start3A_586] : memref<10240x64xf32, #tpu.memory_space<vmem_shared>> -> memref<10240x64xf32, #tpu.memory_space<vmem_shared>>
      tpu.enqueue_indirect_dma source(%dma_start3A_581 : memref<128x64xf32, #tpu.memory_space<vmem>>) target(%dma_start3A_587 : memref<10240x64xf32, #tpu.memory_space<vmem_shared>>) offsets(%dma_start3A_584 : memref<128xi32, #tpu.memory_space<vmem>>) semaphore(%arg22 : memref<!tpu.dma_semaphore, #tpu.memory_space<semaphore_mem>>) {add = true}
      %ge3A_588 = arith.cmpi sge, %add3A_563, %mul3A_61 : i32
      %lt3A_589 = arith.cmpi slt, %add3A_563, %add3A_63 : i32
      %and3A_590 = arith.andi %ge3A_588, %lt3A_589 : i1
      %convert_element_type3A_591 = arith.extui %and3A_590 : i1 to i32
      %cond3A_592 = arith.constant 0 : i32
      %cond3A_593 = arith.cmpi ne, %convert_element_type3A_591, %cond3A_592 : i32
      scf.if %cond3A_593 {
        %dma_start3A_1449 = arith.constant 8 : i32
        %dma_start3A_1450 = arith.constant 0 : i32
        %dma_start3A_1451 = tpu.memref_slice %arg9[%dma_start3A_1449, %dma_start3A_1450] : memref<12x128xi32, #tpu.memory_space<vmem>> -> memref<1x128xi32, #tpu.memory_space<vmem>>
        %dma_start3A_1452 = tpu.memref_squeeze %dma_start3A_1451 : memref<1x128xi32, #tpu.memory_space<vmem>> -> memref<128xi32, #tpu.memory_space<vmem>>
        %dma_start3A_1453 = arith.constant 0 : i32
        %dma_start3A_1454 = arith.constant 0 : i32
        %dma_start3A_1455 = tpu.memref_slice %arg16[%dma_start3A_1453, %dma_start3A_1454] : memref<10240x16xf32, #tpu.memory_space<vmem_shared>> -> memref<10240x16xf32, #tpu.memory_space<vmem_shared>>
        tpu.enqueue_indirect_dma source(%arg12 : memref<128x16xf32, #tpu.memory_space<vmem>>) target(%dma_start3A_1455 : memref<10240x16xf32, #tpu.memory_space<vmem_shared>>) offsets(%dma_start3A_1452 : memref<128xi32, #tpu.memory_space<vmem>>) semaphore(%arg25 : memref<!tpu.dma_semaphore, #tpu.memory_space<semaphore_mem>>) {add = true}
      } else {
      }
      %add3A_594 = arith.constant 2 : i32
      %add3A_595 = arith.addi %mul3A_61, %add3A_594 : i32
      %ge3A_596 = arith.cmpi sge, %add3A_563, %add3A_595 : i32
      %lt3A_597 = arith.cmpi slt, %add3A_563, %add3A_63 : i32
      %and3A_598 = arith.andi %ge3A_596, %lt3A_597 : i1
      %convert_element_type3A_599 = arith.extui %and3A_598 : i1 to i32
      %cond3A_600 = arith.constant 0 : i32
      %cond3A_601 = arith.cmpi ne, %convert_element_type3A_599, %cond3A_600 : i32
      scf.if %cond3A_601 {
        %dma_wait3A_1449 = arith.constant 8 : i32
        %dma_wait3A_1450 = arith.constant 0 : i32
        %dma_wait3A_1451 = tpu.memref_slice %arg9[%dma_wait3A_1449, %dma_wait3A_1450] : memref<12x128xi32, #tpu.memory_space<vmem>> -> memref<1x128xi32, #tpu.memory_space<vmem>>
        %dma_wait3A_1452 = tpu.memref_squeeze %dma_wait3A_1451 : memref<1x128xi32, #tpu.memory_space<vmem>> -> memref<128xi32, #tpu.memory_space<vmem>>
        %dma_wait3A_1453 = arith.constant 0 : i32
        %dma_wait3A_1454 = arith.constant 0 : i32
        %dma_wait3A_1455 = tpu.memref_slice %arg16[%dma_wait3A_1453, %dma_wait3A_1454] : memref<10240x16xf32, #tpu.memory_space<vmem_shared>> -> memref<10240x16xf32, #tpu.memory_space<vmem_shared>>
        tpu.wait_indirect_dma semaphore(%arg25 : memref<!tpu.dma_semaphore, #tpu.memory_space<semaphore_mem>>) src(%arg12 : memref<128x16xf32, #tpu.memory_space<vmem>>) dst(%dma_wait3A_1455 : memref<10240x16xf32, #tpu.memory_space<vmem_shared>>)
      } else {
      }
      %ge3A_602 = arith.constant 1 : i32
      %ge3A_603 = arith.cmpi sge, %add3A_563, %ge3A_602 : i32
      %convert_element_type3A_604 = arith.extui %ge3A_603 : i1 to i32
      %cond3A_605 = arith.constant 0 : i32
      %cond3A_606 = arith.cmpi ne, %convert_element_type3A_604, %cond3A_605 : i32
      scf.if %cond3A_606 {
        %dma_wait3A_1449 = arith.constant 1 : i32
        %dma_wait3A_1450 = arith.constant 0 : i32
        %dma_wait3A_1451 = arith.constant 0 : i32
        %dma_wait3A_1452 = arith.constant 0 : i32
        %dma_wait3A_1453 = tpu.memref_slice %arg11[%dma_wait3A_1449, %dma_wait3A_1451, %dma_wait3A_1452] : memref<3x128x64xf32, #tpu.memory_space<vmem>> -> memref<1x128x64xf32, #tpu.memory_space<vmem>>
        %dma_wait3A_1454 = tpu.memref_squeeze %dma_wait3A_1453 : memref<1x128x64xf32, #tpu.memory_space<vmem>> -> memref<128x64xf32, #tpu.memory_space<vmem>>
        %dma_wait3A_1455 = arith.constant 0 : i32
        %dma_wait3A_1456 = tpu.memref_slice %arg9[%dma_wait3A_1450, %dma_wait3A_1455] : memref<12x128xi32, #tpu.memory_space<vmem>> -> memref<1x128xi32, #tpu.memory_space<vmem>>
        %dma_wait3A_1457 = tpu.memref_squeeze %dma_wait3A_1456 : memref<1x128xi32, #tpu.memory_space<vmem>> -> memref<128xi32, #tpu.memory_space<vmem>>
        %dma_wait3A_1458 = arith.constant 0 : i32
        %dma_wait3A_1459 = arith.constant 0 : i32
        %dma_wait3A_1460 = tpu.memref_slice %arg15[%dma_wait3A_1458, %dma_wait3A_1459] : memref<10240x64xf32, #tpu.memory_space<vmem_shared>> -> memref<10240x64xf32, #tpu.memory_space<vmem_shared>>
        tpu.wait_indirect_dma semaphore(%arg21 : memref<!tpu.dma_semaphore, #tpu.memory_space<semaphore_mem>>) src(%dma_wait3A_1454 : memref<128x64xf32, #tpu.memory_space<vmem>>) dst(%dma_wait3A_1460 : memref<10240x64xf32, #tpu.memory_space<vmem_shared>>)
      } else {
      }
      %add3A_607 = arith.constant 2 : i32
      %add3A_608 = arith.addi %add3A_563, %add3A_607 : i32
      %lt3A_609 = arith.constant 168 : i32
      %lt3A_610 = arith.cmpi slt, %add3A_608, %lt3A_609 : i32
      %convert_element_type3A_611 = arith.extui %lt3A_610 : i1 to i32
      %cond3A_612 = arith.constant 0 : i32
      %cond3A_613 = arith.cmpi ne, %convert_element_type3A_611, %cond3A_612 : i32
      scf.if %cond3A_613 {
        %dma_start3A_1449 = arith.constant 10 : i32
        %dma_start3A_1450 = arith.constant 1 : i32
        %dma_start3A_1451 = arith.constant 0 : i32
        %dma_start3A_1452 = arith.constant 0 : i32
        %dma_start3A_1453 = tpu.memref_slice %arg11[%dma_start3A_1450, %dma_start3A_1451, %dma_start3A_1452] : memref<3x128x64xf32, #tpu.memory_space<vmem>> -> memref<1x128x64xf32, #tpu.memory_space<vmem>>
        %dma_start3A_1454 = tpu.memref_squeeze %dma_start3A_1453 : memref<1x128x64xf32, #tpu.memory_space<vmem>> -> memref<128x64xf32, #tpu.memory_space<vmem>>
        %dma_start3A_1455 = arith.constant 0 : i32
        %dma_start3A_1456 = tpu.memref_slice %arg7[%dma_start3A_1449, %dma_start3A_1455] : memref<12x128xi32, #tpu.memory_space<vmem>> -> memref<1x128xi32, #tpu.memory_space<vmem>>
        %dma_start3A_1457 = tpu.memref_squeeze %dma_start3A_1456 : memref<1x128xi32, #tpu.memory_space<vmem>> -> memref<128xi32, #tpu.memory_space<vmem>>
        %dma_start3A_1458 = arith.constant 0 : i32
        %dma_start3A_1459 = arith.constant 0 : i32
        %dma_start3A_1460 = tpu.memref_slice %arg14[%dma_start3A_1458, %dma_start3A_1459] : memref<10000x64xf32, #tpu.memory_space<vmem_shared>> -> memref<10000x64xf32, #tpu.memory_space<vmem_shared>>
        tpu.enqueue_indirect_dma source(%dma_start3A_1460 : memref<10000x64xf32, #tpu.memory_space<vmem_shared>>) target(%dma_start3A_1454 : memref<128x64xf32, #tpu.memory_space<vmem>>) offsets(%dma_start3A_1457 : memref<128xi32, #tpu.memory_space<vmem>>) semaphore(%arg18 : memref<!tpu.dma_semaphore, #tpu.memory_space<semaphore_mem>>)
      } else {
      }
      %mul3A_614 = arith.constant 12 : i32
      %mul3A_615 = arith.muli %add3A_125, %mul3A_614 : i32
      %add3A_616 = arith.constant 9 : i32
      %add3A_617 = arith.addi %mul3A_615, %add3A_616 : i32
      %dma_wait3A_618 = arith.constant 9 : i32
      %dma_wait3A_619 = arith.constant 0 : i32
      %dma_wait3A_620 = arith.constant 0 : i32
      %dma_wait3A_621 = arith.constant 0 : i32
      %dma_wait3A_622 = tpu.memref_slice %arg11[%dma_wait3A_619, %dma_wait3A_620, %dma_wait3A_621] : memref<3x128x64xf32, #tpu.memory_space<vmem>> -> memref<1x128x64xf32, #tpu.memory_space<vmem>>
      %dma_wait3A_623 = tpu.memref_squeeze %dma_wait3A_622 : memref<1x128x64xf32, #tpu.memory_space<vmem>> -> memref<128x64xf32, #tpu.memory_space<vmem>>
      %dma_wait3A_624 = arith.constant 0 : i32
      %dma_wait3A_625 = tpu.memref_slice %arg7[%dma_wait3A_618, %dma_wait3A_624] : memref<12x128xi32, #tpu.memory_space<vmem>> -> memref<1x128xi32, #tpu.memory_space<vmem>>
      %dma_wait3A_626 = tpu.memref_squeeze %dma_wait3A_625 : memref<1x128xi32, #tpu.memory_space<vmem>> -> memref<128xi32, #tpu.memory_space<vmem>>
      %dma_wait3A_627 = arith.constant 0 : i32
      %dma_wait3A_628 = arith.constant 0 : i32
      %dma_wait3A_629 = tpu.memref_slice %arg14[%dma_wait3A_627, %dma_wait3A_628] : memref<10000x64xf32, #tpu.memory_space<vmem_shared>> -> memref<10000x64xf32, #tpu.memory_space<vmem_shared>>
      tpu.wait_indirect_dma semaphore(%arg17 : memref<!tpu.dma_semaphore, #tpu.memory_space<semaphore_mem>>) src(%dma_wait3A_629 : memref<10000x64xf32, #tpu.memory_space<vmem_shared>>) dst(%dma_wait3A_623 : memref<128x64xf32, #tpu.memory_space<vmem>>)
      %dma_start3A_630 = arith.constant 0 : i32
      %dma_start3A_631 = arith.constant 9 : i32
      %dma_start3A_632 = arith.constant 0 : i32
      %dma_start3A_633 = arith.constant 0 : i32
      %dma_start3A_634 = tpu.memref_slice %arg11[%dma_start3A_630, %dma_start3A_632, %dma_start3A_633] : memref<3x128x64xf32, #tpu.memory_space<vmem>> -> memref<1x128x64xf32, #tpu.memory_space<vmem>>
      %dma_start3A_635 = tpu.memref_squeeze %dma_start3A_634 : memref<1x128x64xf32, #tpu.memory_space<vmem>> -> memref<128x64xf32, #tpu.memory_space<vmem>>
      %dma_start3A_636 = arith.constant 0 : i32
      %dma_start3A_637 = tpu.memref_slice %arg9[%dma_start3A_631, %dma_start3A_636] : memref<12x128xi32, #tpu.memory_space<vmem>> -> memref<1x128xi32, #tpu.memory_space<vmem>>
      %dma_start3A_638 = tpu.memref_squeeze %dma_start3A_637 : memref<1x128xi32, #tpu.memory_space<vmem>> -> memref<128xi32, #tpu.memory_space<vmem>>
      %dma_start3A_639 = arith.constant 0 : i32
      %dma_start3A_640 = arith.constant 0 : i32
      %dma_start3A_641 = tpu.memref_slice %arg15[%dma_start3A_639, %dma_start3A_640] : memref<10240x64xf32, #tpu.memory_space<vmem_shared>> -> memref<10240x64xf32, #tpu.memory_space<vmem_shared>>
      tpu.enqueue_indirect_dma source(%dma_start3A_635 : memref<128x64xf32, #tpu.memory_space<vmem>>) target(%dma_start3A_641 : memref<10240x64xf32, #tpu.memory_space<vmem_shared>>) offsets(%dma_start3A_638 : memref<128xi32, #tpu.memory_space<vmem>>) semaphore(%arg20 : memref<!tpu.dma_semaphore, #tpu.memory_space<semaphore_mem>>) {add = true}
      %ge3A_642 = arith.cmpi sge, %add3A_617, %mul3A_61 : i32
      %lt3A_643 = arith.cmpi slt, %add3A_617, %add3A_63 : i32
      %and3A_644 = arith.andi %ge3A_642, %lt3A_643 : i1
      %convert_element_type3A_645 = arith.extui %and3A_644 : i1 to i32
      %cond3A_646 = arith.constant 0 : i32
      %cond3A_647 = arith.cmpi ne, %convert_element_type3A_645, %cond3A_646 : i32
      scf.if %cond3A_647 {
        %dma_start3A_1449 = arith.constant 9 : i32
        %dma_start3A_1450 = arith.constant 0 : i32
        %dma_start3A_1451 = tpu.memref_slice %arg9[%dma_start3A_1449, %dma_start3A_1450] : memref<12x128xi32, #tpu.memory_space<vmem>> -> memref<1x128xi32, #tpu.memory_space<vmem>>
        %dma_start3A_1452 = tpu.memref_squeeze %dma_start3A_1451 : memref<1x128xi32, #tpu.memory_space<vmem>> -> memref<128xi32, #tpu.memory_space<vmem>>
        %dma_start3A_1453 = arith.constant 0 : i32
        %dma_start3A_1454 = arith.constant 0 : i32
        %dma_start3A_1455 = tpu.memref_slice %arg16[%dma_start3A_1453, %dma_start3A_1454] : memref<10240x16xf32, #tpu.memory_space<vmem_shared>> -> memref<10240x16xf32, #tpu.memory_space<vmem_shared>>
        tpu.enqueue_indirect_dma source(%arg12 : memref<128x16xf32, #tpu.memory_space<vmem>>) target(%dma_start3A_1455 : memref<10240x16xf32, #tpu.memory_space<vmem_shared>>) offsets(%dma_start3A_1452 : memref<128xi32, #tpu.memory_space<vmem>>) semaphore(%arg26 : memref<!tpu.dma_semaphore, #tpu.memory_space<semaphore_mem>>) {add = true}
      } else {
      }
      %add3A_648 = arith.constant 2 : i32
      %add3A_649 = arith.addi %mul3A_61, %add3A_648 : i32
      %ge3A_650 = arith.cmpi sge, %add3A_617, %add3A_649 : i32
      %lt3A_651 = arith.cmpi slt, %add3A_617, %add3A_63 : i32
      %and3A_652 = arith.andi %ge3A_650, %lt3A_651 : i1
      %convert_element_type3A_653 = arith.extui %and3A_652 : i1 to i32
      %cond3A_654 = arith.constant 0 : i32
      %cond3A_655 = arith.cmpi ne, %convert_element_type3A_653, %cond3A_654 : i32
      scf.if %cond3A_655 {
        %dma_wait3A_1449 = arith.constant 9 : i32
        %dma_wait3A_1450 = arith.constant 0 : i32
        %dma_wait3A_1451 = tpu.memref_slice %arg9[%dma_wait3A_1449, %dma_wait3A_1450] : memref<12x128xi32, #tpu.memory_space<vmem>> -> memref<1x128xi32, #tpu.memory_space<vmem>>
        %dma_wait3A_1452 = tpu.memref_squeeze %dma_wait3A_1451 : memref<1x128xi32, #tpu.memory_space<vmem>> -> memref<128xi32, #tpu.memory_space<vmem>>
        %dma_wait3A_1453 = arith.constant 0 : i32
        %dma_wait3A_1454 = arith.constant 0 : i32
        %dma_wait3A_1455 = tpu.memref_slice %arg16[%dma_wait3A_1453, %dma_wait3A_1454] : memref<10240x16xf32, #tpu.memory_space<vmem_shared>> -> memref<10240x16xf32, #tpu.memory_space<vmem_shared>>
        tpu.wait_indirect_dma semaphore(%arg26 : memref<!tpu.dma_semaphore, #tpu.memory_space<semaphore_mem>>) src(%arg12 : memref<128x16xf32, #tpu.memory_space<vmem>>) dst(%dma_wait3A_1455 : memref<10240x16xf32, #tpu.memory_space<vmem_shared>>)
      } else {
      }
      %ge3A_656 = arith.constant 1 : i32
      %ge3A_657 = arith.cmpi sge, %add3A_617, %ge3A_656 : i32
      %convert_element_type3A_658 = arith.extui %ge3A_657 : i1 to i32
      %cond3A_659 = arith.constant 0 : i32
      %cond3A_660 = arith.cmpi ne, %convert_element_type3A_658, %cond3A_659 : i32
      scf.if %cond3A_660 {
        %dma_wait3A_1449 = arith.constant 2 : i32
        %dma_wait3A_1450 = arith.constant 0 : i32
        %dma_wait3A_1451 = arith.constant 0 : i32
        %dma_wait3A_1452 = arith.constant 0 : i32
        %dma_wait3A_1453 = tpu.memref_slice %arg11[%dma_wait3A_1449, %dma_wait3A_1451, %dma_wait3A_1452] : memref<3x128x64xf32, #tpu.memory_space<vmem>> -> memref<1x128x64xf32, #tpu.memory_space<vmem>>
        %dma_wait3A_1454 = tpu.memref_squeeze %dma_wait3A_1453 : memref<1x128x64xf32, #tpu.memory_space<vmem>> -> memref<128x64xf32, #tpu.memory_space<vmem>>
        %dma_wait3A_1455 = arith.constant 0 : i32
        %dma_wait3A_1456 = tpu.memref_slice %arg9[%dma_wait3A_1450, %dma_wait3A_1455] : memref<12x128xi32, #tpu.memory_space<vmem>> -> memref<1x128xi32, #tpu.memory_space<vmem>>
        %dma_wait3A_1457 = tpu.memref_squeeze %dma_wait3A_1456 : memref<1x128xi32, #tpu.memory_space<vmem>> -> memref<128xi32, #tpu.memory_space<vmem>>
        %dma_wait3A_1458 = arith.constant 0 : i32
        %dma_wait3A_1459 = arith.constant 0 : i32
        %dma_wait3A_1460 = tpu.memref_slice %arg15[%dma_wait3A_1458, %dma_wait3A_1459] : memref<10240x64xf32, #tpu.memory_space<vmem_shared>> -> memref<10240x64xf32, #tpu.memory_space<vmem_shared>>
        tpu.wait_indirect_dma semaphore(%arg22 : memref<!tpu.dma_semaphore, #tpu.memory_space<semaphore_mem>>) src(%dma_wait3A_1454 : memref<128x64xf32, #tpu.memory_space<vmem>>) dst(%dma_wait3A_1460 : memref<10240x64xf32, #tpu.memory_space<vmem_shared>>)
      } else {
      }
      %add3A_661 = arith.constant 2 : i32
      %add3A_662 = arith.addi %add3A_617, %add3A_661 : i32
      %lt3A_663 = arith.constant 168 : i32
      %lt3A_664 = arith.cmpi slt, %add3A_662, %lt3A_663 : i32
      %convert_element_type3A_665 = arith.extui %lt3A_664 : i1 to i32
      %cond3A_666 = arith.constant 0 : i32
      %cond3A_667 = arith.cmpi ne, %convert_element_type3A_665, %cond3A_666 : i32
      scf.if %cond3A_667 {
        %dma_start3A_1449 = arith.constant 11 : i32
        %dma_start3A_1450 = arith.constant 2 : i32
        %dma_start3A_1451 = arith.constant 0 : i32
        %dma_start3A_1452 = arith.constant 0 : i32
        %dma_start3A_1453 = tpu.memref_slice %arg11[%dma_start3A_1450, %dma_start3A_1451, %dma_start3A_1452] : memref<3x128x64xf32, #tpu.memory_space<vmem>> -> memref<1x128x64xf32, #tpu.memory_space<vmem>>
        %dma_start3A_1454 = tpu.memref_squeeze %dma_start3A_1453 : memref<1x128x64xf32, #tpu.memory_space<vmem>> -> memref<128x64xf32, #tpu.memory_space<vmem>>
        %dma_start3A_1455 = arith.constant 0 : i32
        %dma_start3A_1456 = tpu.memref_slice %arg7[%dma_start3A_1449, %dma_start3A_1455] : memref<12x128xi32, #tpu.memory_space<vmem>> -> memref<1x128xi32, #tpu.memory_space<vmem>>
        %dma_start3A_1457 = tpu.memref_squeeze %dma_start3A_1456 : memref<1x128xi32, #tpu.memory_space<vmem>> -> memref<128xi32, #tpu.memory_space<vmem>>
        %dma_start3A_1458 = arith.constant 0 : i32
        %dma_start3A_1459 = arith.constant 0 : i32
        %dma_start3A_1460 = tpu.memref_slice %arg14[%dma_start3A_1458, %dma_start3A_1459] : memref<10000x64xf32, #tpu.memory_space<vmem_shared>> -> memref<10000x64xf32, #tpu.memory_space<vmem_shared>>
        tpu.enqueue_indirect_dma source(%dma_start3A_1460 : memref<10000x64xf32, #tpu.memory_space<vmem_shared>>) target(%dma_start3A_1454 : memref<128x64xf32, #tpu.memory_space<vmem>>) offsets(%dma_start3A_1457 : memref<128xi32, #tpu.memory_space<vmem>>) semaphore(%arg19 : memref<!tpu.dma_semaphore, #tpu.memory_space<semaphore_mem>>)
      } else {
      }
      %mul3A_668 = arith.constant 12 : i32
      %mul3A_669 = arith.muli %add3A_125, %mul3A_668 : i32
      %add3A_670 = arith.constant 10 : i32
      %add3A_671 = arith.addi %mul3A_669, %add3A_670 : i32
      %dma_wait3A_672 = arith.constant 10 : i32
      %dma_wait3A_673 = arith.constant 1 : i32
      %dma_wait3A_674 = arith.constant 0 : i32
      %dma_wait3A_675 = arith.constant 0 : i32
      %dma_wait3A_676 = tpu.memref_slice %arg11[%dma_wait3A_673, %dma_wait3A_674, %dma_wait3A_675] : memref<3x128x64xf32, #tpu.memory_space<vmem>> -> memref<1x128x64xf32, #tpu.memory_space<vmem>>
      %dma_wait3A_677 = tpu.memref_squeeze %dma_wait3A_676 : memref<1x128x64xf32, #tpu.memory_space<vmem>> -> memref<128x64xf32, #tpu.memory_space<vmem>>
      %dma_wait3A_678 = arith.constant 0 : i32
      %dma_wait3A_679 = tpu.memref_slice %arg7[%dma_wait3A_672, %dma_wait3A_678] : memref<12x128xi32, #tpu.memory_space<vmem>> -> memref<1x128xi32, #tpu.memory_space<vmem>>
      %dma_wait3A_680 = tpu.memref_squeeze %dma_wait3A_679 : memref<1x128xi32, #tpu.memory_space<vmem>> -> memref<128xi32, #tpu.memory_space<vmem>>
      %dma_wait3A_681 = arith.constant 0 : i32
      %dma_wait3A_682 = arith.constant 0 : i32
      %dma_wait3A_683 = tpu.memref_slice %arg14[%dma_wait3A_681, %dma_wait3A_682] : memref<10000x64xf32, #tpu.memory_space<vmem_shared>> -> memref<10000x64xf32, #tpu.memory_space<vmem_shared>>
      tpu.wait_indirect_dma semaphore(%arg18 : memref<!tpu.dma_semaphore, #tpu.memory_space<semaphore_mem>>) src(%dma_wait3A_683 : memref<10000x64xf32, #tpu.memory_space<vmem_shared>>) dst(%dma_wait3A_677 : memref<128x64xf32, #tpu.memory_space<vmem>>)
      %dma_start3A_684 = arith.constant 1 : i32
      %dma_start3A_685 = arith.constant 10 : i32
      %dma_start3A_686 = arith.constant 0 : i32
      %dma_start3A_687 = arith.constant 0 : i32
      %dma_start3A_688 = tpu.memref_slice %arg11[%dma_start3A_684, %dma_start3A_686, %dma_start3A_687] : memref<3x128x64xf32, #tpu.memory_space<vmem>> -> memref<1x128x64xf32, #tpu.memory_space<vmem>>
      %dma_start3A_689 = tpu.memref_squeeze %dma_start3A_688 : memref<1x128x64xf32, #tpu.memory_space<vmem>> -> memref<128x64xf32, #tpu.memory_space<vmem>>
      %dma_start3A_690 = arith.constant 0 : i32
      %dma_start3A_691 = tpu.memref_slice %arg9[%dma_start3A_685, %dma_start3A_690] : memref<12x128xi32, #tpu.memory_space<vmem>> -> memref<1x128xi32, #tpu.memory_space<vmem>>
      %dma_start3A_692 = tpu.memref_squeeze %dma_start3A_691 : memref<1x128xi32, #tpu.memory_space<vmem>> -> memref<128xi32, #tpu.memory_space<vmem>>
      %dma_start3A_693 = arith.constant 0 : i32
      %dma_start3A_694 = arith.constant 0 : i32
      %dma_start3A_695 = tpu.memref_slice %arg15[%dma_start3A_693, %dma_start3A_694] : memref<10240x64xf32, #tpu.memory_space<vmem_shared>> -> memref<10240x64xf32, #tpu.memory_space<vmem_shared>>
      tpu.enqueue_indirect_dma source(%dma_start3A_689 : memref<128x64xf32, #tpu.memory_space<vmem>>) target(%dma_start3A_695 : memref<10240x64xf32, #tpu.memory_space<vmem_shared>>) offsets(%dma_start3A_692 : memref<128xi32, #tpu.memory_space<vmem>>) semaphore(%arg21 : memref<!tpu.dma_semaphore, #tpu.memory_space<semaphore_mem>>) {add = true}
      %ge3A_696 = arith.cmpi sge, %add3A_671, %mul3A_61 : i32
      %lt3A_697 = arith.cmpi slt, %add3A_671, %add3A_63 : i32
      %and3A_698 = arith.andi %ge3A_696, %lt3A_697 : i1
      %convert_element_type3A_699 = arith.extui %and3A_698 : i1 to i32
      %cond3A_700 = arith.constant 0 : i32
      %cond3A_701 = arith.cmpi ne, %convert_element_type3A_699, %cond3A_700 : i32
      scf.if %cond3A_701 {
        %dma_start3A_1449 = arith.constant 10 : i32
        %dma_start3A_1450 = arith.constant 0 : i32
        %dma_start3A_1451 = tpu.memref_slice %arg9[%dma_start3A_1449, %dma_start3A_1450] : memref<12x128xi32, #tpu.memory_space<vmem>> -> memref<1x128xi32, #tpu.memory_space<vmem>>
        %dma_start3A_1452 = tpu.memref_squeeze %dma_start3A_1451 : memref<1x128xi32, #tpu.memory_space<vmem>> -> memref<128xi32, #tpu.memory_space<vmem>>
        %dma_start3A_1453 = arith.constant 0 : i32
        %dma_start3A_1454 = arith.constant 0 : i32
        %dma_start3A_1455 = tpu.memref_slice %arg16[%dma_start3A_1453, %dma_start3A_1454] : memref<10240x16xf32, #tpu.memory_space<vmem_shared>> -> memref<10240x16xf32, #tpu.memory_space<vmem_shared>>
        tpu.enqueue_indirect_dma source(%arg12 : memref<128x16xf32, #tpu.memory_space<vmem>>) target(%dma_start3A_1455 : memref<10240x16xf32, #tpu.memory_space<vmem_shared>>) offsets(%dma_start3A_1452 : memref<128xi32, #tpu.memory_space<vmem>>) semaphore(%arg25 : memref<!tpu.dma_semaphore, #tpu.memory_space<semaphore_mem>>) {add = true}
      } else {
      }
      %add3A_702 = arith.constant 2 : i32
      %add3A_703 = arith.addi %mul3A_61, %add3A_702 : i32
      %ge3A_704 = arith.cmpi sge, %add3A_671, %add3A_703 : i32
      %lt3A_705 = arith.cmpi slt, %add3A_671, %add3A_63 : i32
      %and3A_706 = arith.andi %ge3A_704, %lt3A_705 : i1
      %convert_element_type3A_707 = arith.extui %and3A_706 : i1 to i32
      %cond3A_708 = arith.constant 0 : i32
      %cond3A_709 = arith.cmpi ne, %convert_element_type3A_707, %cond3A_708 : i32
      scf.if %cond3A_709 {
        %dma_wait3A_1449 = arith.constant 10 : i32
        %dma_wait3A_1450 = arith.constant 0 : i32
        %dma_wait3A_1451 = tpu.memref_slice %arg9[%dma_wait3A_1449, %dma_wait3A_1450] : memref<12x128xi32, #tpu.memory_space<vmem>> -> memref<1x128xi32, #tpu.memory_space<vmem>>
        %dma_wait3A_1452 = tpu.memref_squeeze %dma_wait3A_1451 : memref<1x128xi32, #tpu.memory_space<vmem>> -> memref<128xi32, #tpu.memory_space<vmem>>
        %dma_wait3A_1453 = arith.constant 0 : i32
        %dma_wait3A_1454 = arith.constant 0 : i32
        %dma_wait3A_1455 = tpu.memref_slice %arg16[%dma_wait3A_1453, %dma_wait3A_1454] : memref<10240x16xf32, #tpu.memory_space<vmem_shared>> -> memref<10240x16xf32, #tpu.memory_space<vmem_shared>>
        tpu.wait_indirect_dma semaphore(%arg25 : memref<!tpu.dma_semaphore, #tpu.memory_space<semaphore_mem>>) src(%arg12 : memref<128x16xf32, #tpu.memory_space<vmem>>) dst(%dma_wait3A_1455 : memref<10240x16xf32, #tpu.memory_space<vmem_shared>>)
      } else {
      }
      %add3A_710 = arith.constant 1 : i32
      %add3A_711 = arith.addi %add3A_125, %add3A_710 : i32
      %lt3A_712 = arith.constant 14 : i32
      %lt3A_713 = arith.cmpi slt, %add3A_711, %lt3A_712 : i32
      %convert_element_type3A_714 = arith.extui %lt3A_713 : i1 to i32
      %cond3A_715 = arith.constant 0 : i32
      %cond3A_716 = arith.cmpi ne, %convert_element_type3A_714, %cond3A_715 : i32
      scf.if %cond3A_716 {
        %add3A_1449 = arith.constant 1 : i32
        %add3A_1450 = arith.addi %add3A_125, %add3A_1449 : i32
        %mul3A_1451 = arith.constant 12 : i32
        %mul3A_1452 = arith.muli %add3A_1450, %mul3A_1451 : i32
        %mul3A_1453 = arith.constant 12 : i32
        %mul3A_1454 = arith.muli %add3A_1450, %mul3A_1453 : i32
        %dma_wait3A_1455 = arith.constant 0 : i32
        %dma_wait3A_1456 = tpu.memref_slice %arg3[%arg1, %mul3A_1452, %dma_wait3A_1455] : memref<16x168x128xi32, #tpu.memory_space<hbm>> -> memref<1x12x128xi32, #tpu.memory_space<hbm>>
        %dma_wait3A_1457 = tpu.memref_squeeze %dma_wait3A_1456 : memref<1x12x128xi32, #tpu.memory_space<hbm>> -> memref<12x128xi32, #tpu.memory_space<hbm>>
        %dma_wait3A_1458 = arith.constant 0 : i32
        %dma_wait3A_1459 = tpu.memref_slice %arg3[%arg1, %mul3A_1452, %dma_wait3A_1458] : memref<16x168x128xi32, #tpu.memory_space<hbm>> -> memref<1x12x128xi32, #tpu.memory_space<hbm>>
        %dma_wait3A_1460 = tpu.memref_squeeze %dma_wait3A_1459 : memref<1x12x128xi32, #tpu.memory_space<hbm>> -> memref<12x128xi32, #tpu.memory_space<hbm>>
        tpu.wait_dma2 semaphore(%arg24 : memref<!tpu.dma_semaphore, #tpu.memory_space<semaphore_mem>>) src(%dma_wait3A_1460 : memref<12x128xi32, #tpu.memory_space<hbm>>) dst(%arg8 : memref<12x128xi32, #tpu.memory_space<vmem>>)
        %dma_wait3A_1461 = arith.constant 0 : i32
        %dma_wait3A_1462 = tpu.memref_slice %arg4[%arg1, %mul3A_1454, %dma_wait3A_1461] : memref<16x168x128xi32, #tpu.memory_space<hbm>> -> memref<1x12x128xi32, #tpu.memory_space<hbm>>
        %dma_wait3A_1463 = tpu.memref_squeeze %dma_wait3A_1462 : memref<1x12x128xi32, #tpu.memory_space<hbm>> -> memref<12x128xi32, #tpu.memory_space<hbm>>
        %dma_wait3A_1464 = arith.constant 0 : i32
        %dma_wait3A_1465 = tpu.memref_slice %arg4[%arg1, %mul3A_1454, %dma_wait3A_1464] : memref<16x168x128xi32, #tpu.memory_space<hbm>> -> memref<1x12x128xi32, #tpu.memory_space<hbm>>
        %dma_wait3A_1466 = tpu.memref_squeeze %dma_wait3A_1465 : memref<1x12x128xi32, #tpu.memory_space<hbm>> -> memref<12x128xi32, #tpu.memory_space<hbm>>
        tpu.wait_dma2 semaphore(%arg24 : memref<!tpu.dma_semaphore, #tpu.memory_space<semaphore_mem>>) src(%dma_wait3A_1466 : memref<12x128xi32, #tpu.memory_space<hbm>>) dst(%arg10 : memref<12x128xi32, #tpu.memory_space<vmem>>)
      } else {
      }
      %ge3A_717 = arith.constant 1 : i32
      %ge3A_718 = arith.cmpi sge, %add3A_671, %ge3A_717 : i32
      %convert_element_type3A_719 = arith.extui %ge3A_718 : i1 to i32
      %cond3A_720 = arith.constant 0 : i32
      %cond3A_721 = arith.cmpi ne, %convert_element_type3A_719, %cond3A_720 : i32
      scf.if %cond3A_721 {
        %dma_wait3A_1449 = arith.constant 0 : i32
        %dma_wait3A_1450 = arith.constant 0 : i32
        %dma_wait3A_1451 = arith.constant 0 : i32
        %dma_wait3A_1452 = arith.constant 0 : i32
        %dma_wait3A_1453 = tpu.memref_slice %arg11[%dma_wait3A_1449, %dma_wait3A_1451, %dma_wait3A_1452] : memref<3x128x64xf32, #tpu.memory_space<vmem>> -> memref<1x128x64xf32, #tpu.memory_space<vmem>>
        %dma_wait3A_1454 = tpu.memref_squeeze %dma_wait3A_1453 : memref<1x128x64xf32, #tpu.memory_space<vmem>> -> memref<128x64xf32, #tpu.memory_space<vmem>>
        %dma_wait3A_1455 = arith.constant 0 : i32
        %dma_wait3A_1456 = tpu.memref_slice %arg9[%dma_wait3A_1450, %dma_wait3A_1455] : memref<12x128xi32, #tpu.memory_space<vmem>> -> memref<1x128xi32, #tpu.memory_space<vmem>>
        %dma_wait3A_1457 = tpu.memref_squeeze %dma_wait3A_1456 : memref<1x128xi32, #tpu.memory_space<vmem>> -> memref<128xi32, #tpu.memory_space<vmem>>
        %dma_wait3A_1458 = arith.constant 0 : i32
        %dma_wait3A_1459 = arith.constant 0 : i32
        %dma_wait3A_1460 = tpu.memref_slice %arg15[%dma_wait3A_1458, %dma_wait3A_1459] : memref<10240x64xf32, #tpu.memory_space<vmem_shared>> -> memref<10240x64xf32, #tpu.memory_space<vmem_shared>>
        tpu.wait_indirect_dma semaphore(%arg20 : memref<!tpu.dma_semaphore, #tpu.memory_space<semaphore_mem>>) src(%dma_wait3A_1454 : memref<128x64xf32, #tpu.memory_space<vmem>>) dst(%dma_wait3A_1460 : memref<10240x64xf32, #tpu.memory_space<vmem_shared>>)
      } else {
      }
      %add3A_722 = arith.constant 2 : i32
      %add3A_723 = arith.addi %add3A_671, %add3A_722 : i32
      %lt3A_724 = arith.constant 168 : i32
      %lt3A_725 = arith.cmpi slt, %add3A_723, %lt3A_724 : i32
      %convert_element_type3A_726 = arith.extui %lt3A_725 : i1 to i32
      %cond3A_727 = arith.constant 0 : i32
      %cond3A_728 = arith.cmpi ne, %convert_element_type3A_726, %cond3A_727 : i32
      scf.if %cond3A_728 {
        %dma_start3A_1449 = arith.constant 0 : i32
        %dma_start3A_1450 = arith.constant 0 : i32
        %dma_start3A_1451 = arith.constant 0 : i32
        %dma_start3A_1452 = arith.constant 0 : i32
        %dma_start3A_1453 = tpu.memref_slice %arg11[%dma_start3A_1450, %dma_start3A_1451, %dma_start3A_1452] : memref<3x128x64xf32, #tpu.memory_space<vmem>> -> memref<1x128x64xf32, #tpu.memory_space<vmem>>
        %dma_start3A_1454 = tpu.memref_squeeze %dma_start3A_1453 : memref<1x128x64xf32, #tpu.memory_space<vmem>> -> memref<128x64xf32, #tpu.memory_space<vmem>>
        %dma_start3A_1455 = arith.constant 0 : i32
        %dma_start3A_1456 = tpu.memref_slice %arg8[%dma_start3A_1449, %dma_start3A_1455] : memref<12x128xi32, #tpu.memory_space<vmem>> -> memref<1x128xi32, #tpu.memory_space<vmem>>
        %dma_start3A_1457 = tpu.memref_squeeze %dma_start3A_1456 : memref<1x128xi32, #tpu.memory_space<vmem>> -> memref<128xi32, #tpu.memory_space<vmem>>
        %dma_start3A_1458 = arith.constant 0 : i32
        %dma_start3A_1459 = arith.constant 0 : i32
        %dma_start3A_1460 = tpu.memref_slice %arg14[%dma_start3A_1458, %dma_start3A_1459] : memref<10000x64xf32, #tpu.memory_space<vmem_shared>> -> memref<10000x64xf32, #tpu.memory_space<vmem_shared>>
        tpu.enqueue_indirect_dma source(%dma_start3A_1460 : memref<10000x64xf32, #tpu.memory_space<vmem_shared>>) target(%dma_start3A_1454 : memref<128x64xf32, #tpu.memory_space<vmem>>) offsets(%dma_start3A_1457 : memref<128xi32, #tpu.memory_space<vmem>>) semaphore(%arg17 : memref<!tpu.dma_semaphore, #tpu.memory_space<semaphore_mem>>)
      } else {
      }
      %mul3A_729 = arith.constant 12 : i32
      %mul3A_730 = arith.muli %add3A_125, %mul3A_729 : i32
      %add3A_731 = arith.constant 11 : i32
      %add3A_732 = arith.addi %mul3A_730, %add3A_731 : i32
      %dma_wait3A_733 = arith.constant 11 : i32
      %dma_wait3A_734 = arith.constant 2 : i32
      %dma_wait3A_735 = arith.constant 0 : i32
      %dma_wait3A_736 = arith.constant 0 : i32
      %dma_wait3A_737 = tpu.memref_slice %arg11[%dma_wait3A_734, %dma_wait3A_735, %dma_wait3A_736] : memref<3x128x64xf32, #tpu.memory_space<vmem>> -> memref<1x128x64xf32, #tpu.memory_space<vmem>>
      %dma_wait3A_738 = tpu.memref_squeeze %dma_wait3A_737 : memref<1x128x64xf32, #tpu.memory_space<vmem>> -> memref<128x64xf32, #tpu.memory_space<vmem>>
      %dma_wait3A_739 = arith.constant 0 : i32
      %dma_wait3A_740 = tpu.memref_slice %arg7[%dma_wait3A_733, %dma_wait3A_739] : memref<12x128xi32, #tpu.memory_space<vmem>> -> memref<1x128xi32, #tpu.memory_space<vmem>>
      %dma_wait3A_741 = tpu.memref_squeeze %dma_wait3A_740 : memref<1x128xi32, #tpu.memory_space<vmem>> -> memref<128xi32, #tpu.memory_space<vmem>>
      %dma_wait3A_742 = arith.constant 0 : i32
      %dma_wait3A_743 = arith.constant 0 : i32
      %dma_wait3A_744 = tpu.memref_slice %arg14[%dma_wait3A_742, %dma_wait3A_743] : memref<10000x64xf32, #tpu.memory_space<vmem_shared>> -> memref<10000x64xf32, #tpu.memory_space<vmem_shared>>
      tpu.wait_indirect_dma semaphore(%arg19 : memref<!tpu.dma_semaphore, #tpu.memory_space<semaphore_mem>>) src(%dma_wait3A_744 : memref<10000x64xf32, #tpu.memory_space<vmem_shared>>) dst(%dma_wait3A_738 : memref<128x64xf32, #tpu.memory_space<vmem>>)
      %dma_start3A_745 = arith.constant 2 : i32
      %dma_start3A_746 = arith.constant 11 : i32
      %dma_start3A_747 = arith.constant 0 : i32
      %dma_start3A_748 = arith.constant 0 : i32
      %dma_start3A_749 = tpu.memref_slice %arg11[%dma_start3A_745, %dma_start3A_747, %dma_start3A_748] : memref<3x128x64xf32, #tpu.memory_space<vmem>> -> memref<1x128x64xf32, #tpu.memory_space<vmem>>
      %dma_start3A_750 = tpu.memref_squeeze %dma_start3A_749 : memref<1x128x64xf32, #tpu.memory_space<vmem>> -> memref<128x64xf32, #tpu.memory_space<vmem>>
      %dma_start3A_751 = arith.constant 0 : i32
      %dma_start3A_752 = tpu.memref_slice %arg9[%dma_start3A_746, %dma_start3A_751] : memref<12x128xi32, #tpu.memory_space<vmem>> -> memref<1x128xi32, #tpu.memory_space<vmem>>
      %dma_start3A_753 = tpu.memref_squeeze %dma_start3A_752 : memref<1x128xi32, #tpu.memory_space<vmem>> -> memref<128xi32, #tpu.memory_space<vmem>>
      %dma_start3A_754 = arith.constant 0 : i32
      %dma_start3A_755 = arith.constant 0 : i32
      %dma_start3A_756 = tpu.memref_slice %arg15[%dma_start3A_754, %dma_start3A_755] : memref<10240x64xf32, #tpu.memory_space<vmem_shared>> -> memref<10240x64xf32, #tpu.memory_space<vmem_shared>>
      tpu.enqueue_indirect_dma source(%dma_start3A_750 : memref<128x64xf32, #tpu.memory_space<vmem>>) target(%dma_start3A_756 : memref<10240x64xf32, #tpu.memory_space<vmem_shared>>) offsets(%dma_start3A_753 : memref<128xi32, #tpu.memory_space<vmem>>) semaphore(%arg22 : memref<!tpu.dma_semaphore, #tpu.memory_space<semaphore_mem>>) {add = true}
      %ge3A_757 = arith.cmpi sge, %add3A_732, %mul3A_61 : i32
      %lt3A_758 = arith.cmpi slt, %add3A_732, %add3A_63 : i32
      %and3A_759 = arith.andi %ge3A_757, %lt3A_758 : i1
      %convert_element_type3A_760 = arith.extui %and3A_759 : i1 to i32
      %cond3A_761 = arith.constant 0 : i32
      %cond3A_762 = arith.cmpi ne, %convert_element_type3A_760, %cond3A_761 : i32
      scf.if %cond3A_762 {
        %dma_start3A_1449 = arith.constant 11 : i32
        %dma_start3A_1450 = arith.constant 0 : i32
        %dma_start3A_1451 = tpu.memref_slice %arg9[%dma_start3A_1449, %dma_start3A_1450] : memref<12x128xi32, #tpu.memory_space<vmem>> -> memref<1x128xi32, #tpu.memory_space<vmem>>
        %dma_start3A_1452 = tpu.memref_squeeze %dma_start3A_1451 : memref<1x128xi32, #tpu.memory_space<vmem>> -> memref<128xi32, #tpu.memory_space<vmem>>
        %dma_start3A_1453 = arith.constant 0 : i32
        %dma_start3A_1454 = arith.constant 0 : i32
        %dma_start3A_1455 = tpu.memref_slice %arg16[%dma_start3A_1453, %dma_start3A_1454] : memref<10240x16xf32, #tpu.memory_space<vmem_shared>> -> memref<10240x16xf32, #tpu.memory_space<vmem_shared>>
        tpu.enqueue_indirect_dma source(%arg12 : memref<128x16xf32, #tpu.memory_space<vmem>>) target(%dma_start3A_1455 : memref<10240x16xf32, #tpu.memory_space<vmem_shared>>) offsets(%dma_start3A_1452 : memref<128xi32, #tpu.memory_space<vmem>>) semaphore(%arg26 : memref<!tpu.dma_semaphore, #tpu.memory_space<semaphore_mem>>) {add = true}
      } else {
      }
      %add3A_763 = arith.constant 2 : i32
      %add3A_764 = arith.addi %mul3A_61, %add3A_763 : i32
      %ge3A_765 = arith.cmpi sge, %add3A_732, %add3A_764 : i32
      %lt3A_766 = arith.cmpi slt, %add3A_732, %add3A_63 : i32
      %and3A_767 = arith.andi %ge3A_765, %lt3A_766 : i1
      %convert_element_type3A_768 = arith.extui %and3A_767 : i1 to i32
      %cond3A_769 = arith.constant 0 : i32
      %cond3A_770 = arith.cmpi ne, %convert_element_type3A_768, %cond3A_769 : i32
      scf.if %cond3A_770 {
        %dma_wait3A_1449 = arith.constant 11 : i32
        %dma_wait3A_1450 = arith.constant 0 : i32
        %dma_wait3A_1451 = tpu.memref_slice %arg9[%dma_wait3A_1449, %dma_wait3A_1450] : memref<12x128xi32, #tpu.memory_space<vmem>> -> memref<1x128xi32, #tpu.memory_space<vmem>>
        %dma_wait3A_1452 = tpu.memref_squeeze %dma_wait3A_1451 : memref<1x128xi32, #tpu.memory_space<vmem>> -> memref<128xi32, #tpu.memory_space<vmem>>
        %dma_wait3A_1453 = arith.constant 0 : i32
        %dma_wait3A_1454 = arith.constant 0 : i32
        %dma_wait3A_1455 = tpu.memref_slice %arg16[%dma_wait3A_1453, %dma_wait3A_1454] : memref<10240x16xf32, #tpu.memory_space<vmem_shared>> -> memref<10240x16xf32, #tpu.memory_space<vmem_shared>>
        tpu.wait_indirect_dma semaphore(%arg26 : memref<!tpu.dma_semaphore, #tpu.memory_space<semaphore_mem>>) src(%arg12 : memref<128x16xf32, #tpu.memory_space<vmem>>) dst(%dma_wait3A_1455 : memref<10240x16xf32, #tpu.memory_space<vmem_shared>>)
      } else {
      }
      %ge3A_771 = arith.constant 1 : i32
      %ge3A_772 = arith.cmpi sge, %add3A_732, %ge3A_771 : i32
      %convert_element_type3A_773 = arith.extui %ge3A_772 : i1 to i32
      %cond3A_774 = arith.constant 0 : i32
      %cond3A_775 = arith.cmpi ne, %convert_element_type3A_773, %cond3A_774 : i32
      scf.if %cond3A_775 {
        %dma_wait3A_1449 = arith.constant 1 : i32
        %dma_wait3A_1450 = arith.constant 0 : i32
        %dma_wait3A_1451 = arith.constant 0 : i32
        %dma_wait3A_1452 = arith.constant 0 : i32
        %dma_wait3A_1453 = tpu.memref_slice %arg11[%dma_wait3A_1449, %dma_wait3A_1451, %dma_wait3A_1452] : memref<3x128x64xf32, #tpu.memory_space<vmem>> -> memref<1x128x64xf32, #tpu.memory_space<vmem>>
        %dma_wait3A_1454 = tpu.memref_squeeze %dma_wait3A_1453 : memref<1x128x64xf32, #tpu.memory_space<vmem>> -> memref<128x64xf32, #tpu.memory_space<vmem>>
        %dma_wait3A_1455 = arith.constant 0 : i32
        %dma_wait3A_1456 = tpu.memref_slice %arg9[%dma_wait3A_1450, %dma_wait3A_1455] : memref<12x128xi32, #tpu.memory_space<vmem>> -> memref<1x128xi32, #tpu.memory_space<vmem>>
        %dma_wait3A_1457 = tpu.memref_squeeze %dma_wait3A_1456 : memref<1x128xi32, #tpu.memory_space<vmem>> -> memref<128xi32, #tpu.memory_space<vmem>>
        %dma_wait3A_1458 = arith.constant 0 : i32
        %dma_wait3A_1459 = arith.constant 0 : i32
        %dma_wait3A_1460 = tpu.memref_slice %arg15[%dma_wait3A_1458, %dma_wait3A_1459] : memref<10240x64xf32, #tpu.memory_space<vmem_shared>> -> memref<10240x64xf32, #tpu.memory_space<vmem_shared>>
        tpu.wait_indirect_dma semaphore(%arg21 : memref<!tpu.dma_semaphore, #tpu.memory_space<semaphore_mem>>) src(%dma_wait3A_1454 : memref<128x64xf32, #tpu.memory_space<vmem>>) dst(%dma_wait3A_1460 : memref<10240x64xf32, #tpu.memory_space<vmem_shared>>)
      } else {
      }
      %add3A_776 = arith.constant 2 : i32
      %add3A_777 = arith.addi %add3A_732, %add3A_776 : i32
      %lt3A_778 = arith.constant 168 : i32
      %lt3A_779 = arith.cmpi slt, %add3A_777, %lt3A_778 : i32
      %convert_element_type3A_780 = arith.extui %lt3A_779 : i1 to i32
      %cond3A_781 = arith.constant 0 : i32
      %cond3A_782 = arith.cmpi ne, %convert_element_type3A_780, %cond3A_781 : i32
      scf.if %cond3A_782 {
        %dma_start3A_1449 = arith.constant 1 : i32
        %dma_start3A_1450 = arith.constant 1 : i32
        %dma_start3A_1451 = arith.constant 0 : i32
        %dma_start3A_1452 = arith.constant 0 : i32
        %dma_start3A_1453 = tpu.memref_slice %arg11[%dma_start3A_1450, %dma_start3A_1451, %dma_start3A_1452] : memref<3x128x64xf32, #tpu.memory_space<vmem>> -> memref<1x128x64xf32, #tpu.memory_space<vmem>>
        %dma_start3A_1454 = tpu.memref_squeeze %dma_start3A_1453 : memref<1x128x64xf32, #tpu.memory_space<vmem>> -> memref<128x64xf32, #tpu.memory_space<vmem>>
        %dma_start3A_1455 = arith.constant 0 : i32
        %dma_start3A_1456 = tpu.memref_slice %arg8[%dma_start3A_1449, %dma_start3A_1455] : memref<12x128xi32, #tpu.memory_space<vmem>> -> memref<1x128xi32, #tpu.memory_space<vmem>>
        %dma_start3A_1457 = tpu.memref_squeeze %dma_start3A_1456 : memref<1x128xi32, #tpu.memory_space<vmem>> -> memref<128xi32, #tpu.memory_space<vmem>>
        %dma_start3A_1458 = arith.constant 0 : i32
        %dma_start3A_1459 = arith.constant 0 : i32
        %dma_start3A_1460 = tpu.memref_slice %arg14[%dma_start3A_1458, %dma_start3A_1459] : memref<10000x64xf32, #tpu.memory_space<vmem_shared>> -> memref<10000x64xf32, #tpu.memory_space<vmem_shared>>
        tpu.enqueue_indirect_dma source(%dma_start3A_1460 : memref<10000x64xf32, #tpu.memory_space<vmem_shared>>) target(%dma_start3A_1454 : memref<128x64xf32, #tpu.memory_space<vmem>>) offsets(%dma_start3A_1457 : memref<128xi32, #tpu.memory_space<vmem>>) semaphore(%arg18 : memref<!tpu.dma_semaphore, #tpu.memory_space<semaphore_mem>>)
      } else {
      }
      %mul3A_783 = arith.constant 2 : i32
      %mul3A_784 = arith.muli %scan3A_121, %mul3A_783 : i32
      %add3A_785 = arith.constant 1 : i32
      %add3A_786 = arith.addi %mul3A_784, %add3A_785 : i32
      %mul3A_787 = arith.constant 12 : i32
      %mul3A_788 = arith.muli %add3A_786, %mul3A_787 : i32
      %add3A_789 = arith.constant 0 : i32
      %add3A_790 = arith.addi %mul3A_788, %add3A_789 : i32
      %dma_wait3A_791 = arith.constant 0 : i32
      %dma_wait3A_792 = arith.constant 0 : i32
      %dma_wait3A_793 = arith.constant 0 : i32
      %dma_wait3A_794 = arith.constant 0 : i32
      %dma_wait3A_795 = tpu.memref_slice %arg11[%dma_wait3A_792, %dma_wait3A_793, %dma_wait3A_794] : memref<3x128x64xf32, #tpu.memory_space<vmem>> -> memref<1x128x64xf32, #tpu.memory_space<vmem>>
      %dma_wait3A_796 = tpu.memref_squeeze %dma_wait3A_795 : memref<1x128x64xf32, #tpu.memory_space<vmem>> -> memref<128x64xf32, #tpu.memory_space<vmem>>
      %dma_wait3A_797 = arith.constant 0 : i32
      %dma_wait3A_798 = tpu.memref_slice %arg8[%dma_wait3A_791, %dma_wait3A_797] : memref<12x128xi32, #tpu.memory_space<vmem>> -> memref<1x128xi32, #tpu.memory_space<vmem>>
      %dma_wait3A_799 = tpu.memref_squeeze %dma_wait3A_798 : memref<1x128xi32, #tpu.memory_space<vmem>> -> memref<128xi32, #tpu.memory_space<vmem>>
      %dma_wait3A_800 = arith.constant 0 : i32
      %dma_wait3A_801 = arith.constant 0 : i32
      %dma_wait3A_802 = tpu.memref_slice %arg14[%dma_wait3A_800, %dma_wait3A_801] : memref<10000x64xf32, #tpu.memory_space<vmem_shared>> -> memref<10000x64xf32, #tpu.memory_space<vmem_shared>>
      tpu.wait_indirect_dma semaphore(%arg17 : memref<!tpu.dma_semaphore, #tpu.memory_space<semaphore_mem>>) src(%dma_wait3A_802 : memref<10000x64xf32, #tpu.memory_space<vmem_shared>>) dst(%dma_wait3A_796 : memref<128x64xf32, #tpu.memory_space<vmem>>)
      %dma_start3A_803 = arith.constant 0 : i32
      %dma_start3A_804 = arith.constant 0 : i32
      %dma_start3A_805 = arith.constant 0 : i32
      %dma_start3A_806 = arith.constant 0 : i32
      %dma_start3A_807 = tpu.memref_slice %arg11[%dma_start3A_803, %dma_start3A_805, %dma_start3A_806] : memref<3x128x64xf32, #tpu.memory_space<vmem>> -> memref<1x128x64xf32, #tpu.memory_space<vmem>>
      %dma_start3A_808 = tpu.memref_squeeze %dma_start3A_807 : memref<1x128x64xf32, #tpu.memory_space<vmem>> -> memref<128x64xf32, #tpu.memory_space<vmem>>
      %dma_start3A_809 = arith.constant 0 : i32
      %dma_start3A_810 = tpu.memref_slice %arg10[%dma_start3A_804, %dma_start3A_809] : memref<12x128xi32, #tpu.memory_space<vmem>> -> memref<1x128xi32, #tpu.memory_space<vmem>>
      %dma_start3A_811 = tpu.memref_squeeze %dma_start3A_810 : memref<1x128xi32, #tpu.memory_space<vmem>> -> memref<128xi32, #tpu.memory_space<vmem>>
      %dma_start3A_812 = arith.constant 0 : i32
      %dma_start3A_813 = arith.constant 0 : i32
      %dma_start3A_814 = tpu.memref_slice %arg15[%dma_start3A_812, %dma_start3A_813] : memref<10240x64xf32, #tpu.memory_space<vmem_shared>> -> memref<10240x64xf32, #tpu.memory_space<vmem_shared>>
      tpu.enqueue_indirect_dma source(%dma_start3A_808 : memref<128x64xf32, #tpu.memory_space<vmem>>) target(%dma_start3A_814 : memref<10240x64xf32, #tpu.memory_space<vmem_shared>>) offsets(%dma_start3A_811 : memref<128xi32, #tpu.memory_space<vmem>>) semaphore(%arg20 : memref<!tpu.dma_semaphore, #tpu.memory_space<semaphore_mem>>) {add = true}
      %ge3A_815 = arith.cmpi sge, %add3A_790, %mul3A_61 : i32
      %lt3A_816 = arith.cmpi slt, %add3A_790, %add3A_63 : i32
      %and3A_817 = arith.andi %ge3A_815, %lt3A_816 : i1
      %convert_element_type3A_818 = arith.extui %and3A_817 : i1 to i32
      %cond3A_819 = arith.constant 0 : i32
      %cond3A_820 = arith.cmpi ne, %convert_element_type3A_818, %cond3A_819 : i32
      scf.if %cond3A_820 {
        %dma_start3A_1449 = arith.constant 0 : i32
        %dma_start3A_1450 = arith.constant 0 : i32
        %dma_start3A_1451 = tpu.memref_slice %arg10[%dma_start3A_1449, %dma_start3A_1450] : memref<12x128xi32, #tpu.memory_space<vmem>> -> memref<1x128xi32, #tpu.memory_space<vmem>>
        %dma_start3A_1452 = tpu.memref_squeeze %dma_start3A_1451 : memref<1x128xi32, #tpu.memory_space<vmem>> -> memref<128xi32, #tpu.memory_space<vmem>>
        %dma_start3A_1453 = arith.constant 0 : i32
        %dma_start3A_1454 = arith.constant 0 : i32
        %dma_start3A_1455 = tpu.memref_slice %arg16[%dma_start3A_1453, %dma_start3A_1454] : memref<10240x16xf32, #tpu.memory_space<vmem_shared>> -> memref<10240x16xf32, #tpu.memory_space<vmem_shared>>
        tpu.enqueue_indirect_dma source(%arg12 : memref<128x16xf32, #tpu.memory_space<vmem>>) target(%dma_start3A_1455 : memref<10240x16xf32, #tpu.memory_space<vmem_shared>>) offsets(%dma_start3A_1452 : memref<128xi32, #tpu.memory_space<vmem>>) semaphore(%arg25 : memref<!tpu.dma_semaphore, #tpu.memory_space<semaphore_mem>>) {add = true}
      } else {
      }
      %add3A_821 = arith.constant 2 : i32
      %add3A_822 = arith.addi %mul3A_61, %add3A_821 : i32
      %ge3A_823 = arith.cmpi sge, %add3A_790, %add3A_822 : i32
      %lt3A_824 = arith.cmpi slt, %add3A_790, %add3A_63 : i32
      %and3A_825 = arith.andi %ge3A_823, %lt3A_824 : i1
      %convert_element_type3A_826 = arith.extui %and3A_825 : i1 to i32
      %cond3A_827 = arith.constant 0 : i32
      %cond3A_828 = arith.cmpi ne, %convert_element_type3A_826, %cond3A_827 : i32
      scf.if %cond3A_828 {
        %dma_wait3A_1449 = arith.constant 0 : i32
        %dma_wait3A_1450 = arith.constant 0 : i32
        %dma_wait3A_1451 = tpu.memref_slice %arg10[%dma_wait3A_1449, %dma_wait3A_1450] : memref<12x128xi32, #tpu.memory_space<vmem>> -> memref<1x128xi32, #tpu.memory_space<vmem>>
        %dma_wait3A_1452 = tpu.memref_squeeze %dma_wait3A_1451 : memref<1x128xi32, #tpu.memory_space<vmem>> -> memref<128xi32, #tpu.memory_space<vmem>>
        %dma_wait3A_1453 = arith.constant 0 : i32
        %dma_wait3A_1454 = arith.constant 0 : i32
        %dma_wait3A_1455 = tpu.memref_slice %arg16[%dma_wait3A_1453, %dma_wait3A_1454] : memref<10240x16xf32, #tpu.memory_space<vmem_shared>> -> memref<10240x16xf32, #tpu.memory_space<vmem_shared>>
        tpu.wait_indirect_dma semaphore(%arg25 : memref<!tpu.dma_semaphore, #tpu.memory_space<semaphore_mem>>) src(%arg12 : memref<128x16xf32, #tpu.memory_space<vmem>>) dst(%dma_wait3A_1455 : memref<10240x16xf32, #tpu.memory_space<vmem_shared>>)
      } else {
      }
      %ge3A_829 = arith.constant 1 : i32
      %ge3A_830 = arith.cmpi sge, %add3A_790, %ge3A_829 : i32
      %convert_element_type3A_831 = arith.extui %ge3A_830 : i1 to i32
      %cond3A_832 = arith.constant 0 : i32
      %cond3A_833 = arith.cmpi ne, %convert_element_type3A_831, %cond3A_832 : i32
      scf.if %cond3A_833 {
        %dma_wait3A_1449 = arith.constant 2 : i32
        %dma_wait3A_1450 = arith.constant 0 : i32
        %dma_wait3A_1451 = arith.constant 0 : i32
        %dma_wait3A_1452 = arith.constant 0 : i32
        %dma_wait3A_1453 = tpu.memref_slice %arg11[%dma_wait3A_1449, %dma_wait3A_1451, %dma_wait3A_1452] : memref<3x128x64xf32, #tpu.memory_space<vmem>> -> memref<1x128x64xf32, #tpu.memory_space<vmem>>
        %dma_wait3A_1454 = tpu.memref_squeeze %dma_wait3A_1453 : memref<1x128x64xf32, #tpu.memory_space<vmem>> -> memref<128x64xf32, #tpu.memory_space<vmem>>
        %dma_wait3A_1455 = arith.constant 0 : i32
        %dma_wait3A_1456 = tpu.memref_slice %arg10[%dma_wait3A_1450, %dma_wait3A_1455] : memref<12x128xi32, #tpu.memory_space<vmem>> -> memref<1x128xi32, #tpu.memory_space<vmem>>
        %dma_wait3A_1457 = tpu.memref_squeeze %dma_wait3A_1456 : memref<1x128xi32, #tpu.memory_space<vmem>> -> memref<128xi32, #tpu.memory_space<vmem>>
        %dma_wait3A_1458 = arith.constant 0 : i32
        %dma_wait3A_1459 = arith.constant 0 : i32
        %dma_wait3A_1460 = tpu.memref_slice %arg15[%dma_wait3A_1458, %dma_wait3A_1459] : memref<10240x64xf32, #tpu.memory_space<vmem_shared>> -> memref<10240x64xf32, #tpu.memory_space<vmem_shared>>
        tpu.wait_indirect_dma semaphore(%arg22 : memref<!tpu.dma_semaphore, #tpu.memory_space<semaphore_mem>>) src(%dma_wait3A_1454 : memref<128x64xf32, #tpu.memory_space<vmem>>) dst(%dma_wait3A_1460 : memref<10240x64xf32, #tpu.memory_space<vmem_shared>>)
      } else {
      }
      %add3A_834 = arith.constant 2 : i32
      %add3A_835 = arith.addi %add3A_790, %add3A_834 : i32
      %lt3A_836 = arith.constant 168 : i32
      %lt3A_837 = arith.cmpi slt, %add3A_835, %lt3A_836 : i32
      %convert_element_type3A_838 = arith.extui %lt3A_837 : i1 to i32
      %cond3A_839 = arith.constant 0 : i32
      %cond3A_840 = arith.cmpi ne, %convert_element_type3A_838, %cond3A_839 : i32
      scf.if %cond3A_840 {
        %dma_start3A_1449 = arith.constant 2 : i32
        %dma_start3A_1450 = arith.constant 2 : i32
        %dma_start3A_1451 = arith.constant 0 : i32
        %dma_start3A_1452 = arith.constant 0 : i32
        %dma_start3A_1453 = tpu.memref_slice %arg11[%dma_start3A_1450, %dma_start3A_1451, %dma_start3A_1452] : memref<3x128x64xf32, #tpu.memory_space<vmem>> -> memref<1x128x64xf32, #tpu.memory_space<vmem>>
        %dma_start3A_1454 = tpu.memref_squeeze %dma_start3A_1453 : memref<1x128x64xf32, #tpu.memory_space<vmem>> -> memref<128x64xf32, #tpu.memory_space<vmem>>
        %dma_start3A_1455 = arith.constant 0 : i32
        %dma_start3A_1456 = tpu.memref_slice %arg8[%dma_start3A_1449, %dma_start3A_1455] : memref<12x128xi32, #tpu.memory_space<vmem>> -> memref<1x128xi32, #tpu.memory_space<vmem>>
        %dma_start3A_1457 = tpu.memref_squeeze %dma_start3A_1456 : memref<1x128xi32, #tpu.memory_space<vmem>> -> memref<128xi32, #tpu.memory_space<vmem>>
        %dma_start3A_1458 = arith.constant 0 : i32
        %dma_start3A_1459 = arith.constant 0 : i32
        %dma_start3A_1460 = tpu.memref_slice %arg14[%dma_start3A_1458, %dma_start3A_1459] : memref<10000x64xf32, #tpu.memory_space<vmem_shared>> -> memref<10000x64xf32, #tpu.memory_space<vmem_shared>>
        tpu.enqueue_indirect_dma source(%dma_start3A_1460 : memref<10000x64xf32, #tpu.memory_space<vmem_shared>>) target(%dma_start3A_1454 : memref<128x64xf32, #tpu.memory_space<vmem>>) offsets(%dma_start3A_1457 : memref<128xi32, #tpu.memory_space<vmem>>) semaphore(%arg19 : memref<!tpu.dma_semaphore, #tpu.memory_space<semaphore_mem>>)
      } else {
      }
      %mul3A_841 = arith.constant 12 : i32
      %mul3A_842 = arith.muli %add3A_786, %mul3A_841 : i32
      %add3A_843 = arith.constant 1 : i32
      %add3A_844 = arith.addi %mul3A_842, %add3A_843 : i32
      %dma_wait3A_845 = arith.constant 1 : i32
      %dma_wait3A_846 = arith.constant 1 : i32
      %dma_wait3A_847 = arith.constant 0 : i32
      %dma_wait3A_848 = arith.constant 0 : i32
      %dma_wait3A_849 = tpu.memref_slice %arg11[%dma_wait3A_846, %dma_wait3A_847, %dma_wait3A_848] : memref<3x128x64xf32, #tpu.memory_space<vmem>> -> memref<1x128x64xf32, #tpu.memory_space<vmem>>
      %dma_wait3A_850 = tpu.memref_squeeze %dma_wait3A_849 : memref<1x128x64xf32, #tpu.memory_space<vmem>> -> memref<128x64xf32, #tpu.memory_space<vmem>>
      %dma_wait3A_851 = arith.constant 0 : i32
      %dma_wait3A_852 = tpu.memref_slice %arg8[%dma_wait3A_845, %dma_wait3A_851] : memref<12x128xi32, #tpu.memory_space<vmem>> -> memref<1x128xi32, #tpu.memory_space<vmem>>
      %dma_wait3A_853 = tpu.memref_squeeze %dma_wait3A_852 : memref<1x128xi32, #tpu.memory_space<vmem>> -> memref<128xi32, #tpu.memory_space<vmem>>
      %dma_wait3A_854 = arith.constant 0 : i32
      %dma_wait3A_855 = arith.constant 0 : i32
      %dma_wait3A_856 = tpu.memref_slice %arg14[%dma_wait3A_854, %dma_wait3A_855] : memref<10000x64xf32, #tpu.memory_space<vmem_shared>> -> memref<10000x64xf32, #tpu.memory_space<vmem_shared>>
      tpu.wait_indirect_dma semaphore(%arg18 : memref<!tpu.dma_semaphore, #tpu.memory_space<semaphore_mem>>) src(%dma_wait3A_856 : memref<10000x64xf32, #tpu.memory_space<vmem_shared>>) dst(%dma_wait3A_850 : memref<128x64xf32, #tpu.memory_space<vmem>>)
      %dma_start3A_857 = arith.constant 1 : i32
      %dma_start3A_858 = arith.constant 1 : i32
      %dma_start3A_859 = arith.constant 0 : i32
      %dma_start3A_860 = arith.constant 0 : i32
      %dma_start3A_861 = tpu.memref_slice %arg11[%dma_start3A_857, %dma_start3A_859, %dma_start3A_860] : memref<3x128x64xf32, #tpu.memory_space<vmem>> -> memref<1x128x64xf32, #tpu.memory_space<vmem>>
      %dma_start3A_862 = tpu.memref_squeeze %dma_start3A_861 : memref<1x128x64xf32, #tpu.memory_space<vmem>> -> memref<128x64xf32, #tpu.memory_space<vmem>>
      %dma_start3A_863 = arith.constant 0 : i32
      %dma_start3A_864 = tpu.memref_slice %arg10[%dma_start3A_858, %dma_start3A_863] : memref<12x128xi32, #tpu.memory_space<vmem>> -> memref<1x128xi32, #tpu.memory_space<vmem>>
      %dma_start3A_865 = tpu.memref_squeeze %dma_start3A_864 : memref<1x128xi32, #tpu.memory_space<vmem>> -> memref<128xi32, #tpu.memory_space<vmem>>
      %dma_start3A_866 = arith.constant 0 : i32
      %dma_start3A_867 = arith.constant 0 : i32
      %dma_start3A_868 = tpu.memref_slice %arg15[%dma_start3A_866, %dma_start3A_867] : memref<10240x64xf32, #tpu.memory_space<vmem_shared>> -> memref<10240x64xf32, #tpu.memory_space<vmem_shared>>
      tpu.enqueue_indirect_dma source(%dma_start3A_862 : memref<128x64xf32, #tpu.memory_space<vmem>>) target(%dma_start3A_868 : memref<10240x64xf32, #tpu.memory_space<vmem_shared>>) offsets(%dma_start3A_865 : memref<128xi32, #tpu.memory_space<vmem>>) semaphore(%arg21 : memref<!tpu.dma_semaphore, #tpu.memory_space<semaphore_mem>>) {add = true}
      %ge3A_869 = arith.cmpi sge, %add3A_844, %mul3A_61 : i32
      %lt3A_870 = arith.cmpi slt, %add3A_844, %add3A_63 : i32
      %and3A_871 = arith.andi %ge3A_869, %lt3A_870 : i1
      %convert_element_type3A_872 = arith.extui %and3A_871 : i1 to i32
      %cond3A_873 = arith.constant 0 : i32
      %cond3A_874 = arith.cmpi ne, %convert_element_type3A_872, %cond3A_873 : i32
      scf.if %cond3A_874 {
        %dma_start3A_1449 = arith.constant 1 : i32
        %dma_start3A_1450 = arith.constant 0 : i32
        %dma_start3A_1451 = tpu.memref_slice %arg10[%dma_start3A_1449, %dma_start3A_1450] : memref<12x128xi32, #tpu.memory_space<vmem>> -> memref<1x128xi32, #tpu.memory_space<vmem>>
        %dma_start3A_1452 = tpu.memref_squeeze %dma_start3A_1451 : memref<1x128xi32, #tpu.memory_space<vmem>> -> memref<128xi32, #tpu.memory_space<vmem>>
        %dma_start3A_1453 = arith.constant 0 : i32
        %dma_start3A_1454 = arith.constant 0 : i32
        %dma_start3A_1455 = tpu.memref_slice %arg16[%dma_start3A_1453, %dma_start3A_1454] : memref<10240x16xf32, #tpu.memory_space<vmem_shared>> -> memref<10240x16xf32, #tpu.memory_space<vmem_shared>>
        tpu.enqueue_indirect_dma source(%arg12 : memref<128x16xf32, #tpu.memory_space<vmem>>) target(%dma_start3A_1455 : memref<10240x16xf32, #tpu.memory_space<vmem_shared>>) offsets(%dma_start3A_1452 : memref<128xi32, #tpu.memory_space<vmem>>) semaphore(%arg26 : memref<!tpu.dma_semaphore, #tpu.memory_space<semaphore_mem>>) {add = true}
      } else {
      }
      %add3A_875 = arith.constant 2 : i32
      %add3A_876 = arith.addi %mul3A_61, %add3A_875 : i32
      %ge3A_877 = arith.cmpi sge, %add3A_844, %add3A_876 : i32
      %lt3A_878 = arith.cmpi slt, %add3A_844, %add3A_63 : i32
      %and3A_879 = arith.andi %ge3A_877, %lt3A_878 : i1
      %convert_element_type3A_880 = arith.extui %and3A_879 : i1 to i32
      %cond3A_881 = arith.constant 0 : i32
      %cond3A_882 = arith.cmpi ne, %convert_element_type3A_880, %cond3A_881 : i32
      scf.if %cond3A_882 {
        %dma_wait3A_1449 = arith.constant 1 : i32
        %dma_wait3A_1450 = arith.constant 0 : i32
        %dma_wait3A_1451 = tpu.memref_slice %arg10[%dma_wait3A_1449, %dma_wait3A_1450] : memref<12x128xi32, #tpu.memory_space<vmem>> -> memref<1x128xi32, #tpu.memory_space<vmem>>
        %dma_wait3A_1452 = tpu.memref_squeeze %dma_wait3A_1451 : memref<1x128xi32, #tpu.memory_space<vmem>> -> memref<128xi32, #tpu.memory_space<vmem>>
        %dma_wait3A_1453 = arith.constant 0 : i32
        %dma_wait3A_1454 = arith.constant 0 : i32
        %dma_wait3A_1455 = tpu.memref_slice %arg16[%dma_wait3A_1453, %dma_wait3A_1454] : memref<10240x16xf32, #tpu.memory_space<vmem_shared>> -> memref<10240x16xf32, #tpu.memory_space<vmem_shared>>
        tpu.wait_indirect_dma semaphore(%arg26 : memref<!tpu.dma_semaphore, #tpu.memory_space<semaphore_mem>>) src(%arg12 : memref<128x16xf32, #tpu.memory_space<vmem>>) dst(%dma_wait3A_1455 : memref<10240x16xf32, #tpu.memory_space<vmem_shared>>)
      } else {
      }
      %ge3A_883 = arith.constant 1 : i32
      %ge3A_884 = arith.cmpi sge, %add3A_844, %ge3A_883 : i32
      %convert_element_type3A_885 = arith.extui %ge3A_884 : i1 to i32
      %cond3A_886 = arith.constant 0 : i32
      %cond3A_887 = arith.cmpi ne, %convert_element_type3A_885, %cond3A_886 : i32
      scf.if %cond3A_887 {
        %dma_wait3A_1449 = arith.constant 0 : i32
        %dma_wait3A_1450 = arith.constant 0 : i32
        %dma_wait3A_1451 = arith.constant 0 : i32
        %dma_wait3A_1452 = arith.constant 0 : i32
        %dma_wait3A_1453 = tpu.memref_slice %arg11[%dma_wait3A_1449, %dma_wait3A_1451, %dma_wait3A_1452] : memref<3x128x64xf32, #tpu.memory_space<vmem>> -> memref<1x128x64xf32, #tpu.memory_space<vmem>>
        %dma_wait3A_1454 = tpu.memref_squeeze %dma_wait3A_1453 : memref<1x128x64xf32, #tpu.memory_space<vmem>> -> memref<128x64xf32, #tpu.memory_space<vmem>>
        %dma_wait3A_1455 = arith.constant 0 : i32
        %dma_wait3A_1456 = tpu.memref_slice %arg10[%dma_wait3A_1450, %dma_wait3A_1455] : memref<12x128xi32, #tpu.memory_space<vmem>> -> memref<1x128xi32, #tpu.memory_space<vmem>>
        %dma_wait3A_1457 = tpu.memref_squeeze %dma_wait3A_1456 : memref<1x128xi32, #tpu.memory_space<vmem>> -> memref<128xi32, #tpu.memory_space<vmem>>
        %dma_wait3A_1458 = arith.constant 0 : i32
        %dma_wait3A_1459 = arith.constant 0 : i32
        %dma_wait3A_1460 = tpu.memref_slice %arg15[%dma_wait3A_1458, %dma_wait3A_1459] : memref<10240x64xf32, #tpu.memory_space<vmem_shared>> -> memref<10240x64xf32, #tpu.memory_space<vmem_shared>>
        tpu.wait_indirect_dma semaphore(%arg20 : memref<!tpu.dma_semaphore, #tpu.memory_space<semaphore_mem>>) src(%dma_wait3A_1454 : memref<128x64xf32, #tpu.memory_space<vmem>>) dst(%dma_wait3A_1460 : memref<10240x64xf32, #tpu.memory_space<vmem_shared>>)
      } else {
      }
      %add3A_888 = arith.constant 2 : i32
      %add3A_889 = arith.addi %add3A_844, %add3A_888 : i32
      %lt3A_890 = arith.constant 168 : i32
      %lt3A_891 = arith.cmpi slt, %add3A_889, %lt3A_890 : i32
      %convert_element_type3A_892 = arith.extui %lt3A_891 : i1 to i32
      %cond3A_893 = arith.constant 0 : i32
      %cond3A_894 = arith.cmpi ne, %convert_element_type3A_892, %cond3A_893 : i32
      scf.if %cond3A_894 {
        %dma_start3A_1449 = arith.constant 3 : i32
        %dma_start3A_1450 = arith.constant 0 : i32
        %dma_start3A_1451 = arith.constant 0 : i32
        %dma_start3A_1452 = arith.constant 0 : i32
        %dma_start3A_1453 = tpu.memref_slice %arg11[%dma_start3A_1450, %dma_start3A_1451, %dma_start3A_1452] : memref<3x128x64xf32, #tpu.memory_space<vmem>> -> memref<1x128x64xf32, #tpu.memory_space<vmem>>
        %dma_start3A_1454 = tpu.memref_squeeze %dma_start3A_1453 : memref<1x128x64xf32, #tpu.memory_space<vmem>> -> memref<128x64xf32, #tpu.memory_space<vmem>>
        %dma_start3A_1455 = arith.constant 0 : i32
        %dma_start3A_1456 = tpu.memref_slice %arg8[%dma_start3A_1449, %dma_start3A_1455] : memref<12x128xi32, #tpu.memory_space<vmem>> -> memref<1x128xi32, #tpu.memory_space<vmem>>
        %dma_start3A_1457 = tpu.memref_squeeze %dma_start3A_1456 : memref<1x128xi32, #tpu.memory_space<vmem>> -> memref<128xi32, #tpu.memory_space<vmem>>
        %dma_start3A_1458 = arith.constant 0 : i32
        %dma_start3A_1459 = arith.constant 0 : i32
        %dma_start3A_1460 = tpu.memref_slice %arg14[%dma_start3A_1458, %dma_start3A_1459] : memref<10000x64xf32, #tpu.memory_space<vmem_shared>> -> memref<10000x64xf32, #tpu.memory_space<vmem_shared>>
        tpu.enqueue_indirect_dma source(%dma_start3A_1460 : memref<10000x64xf32, #tpu.memory_space<vmem_shared>>) target(%dma_start3A_1454 : memref<128x64xf32, #tpu.memory_space<vmem>>) offsets(%dma_start3A_1457 : memref<128xi32, #tpu.memory_space<vmem>>) semaphore(%arg17 : memref<!tpu.dma_semaphore, #tpu.memory_space<semaphore_mem>>)
      } else {
      }
      %mul3A_895 = arith.constant 12 : i32
      %mul3A_896 = arith.muli %add3A_786, %mul3A_895 : i32
      %add3A_897 = arith.constant 2 : i32
      %add3A_898 = arith.addi %mul3A_896, %add3A_897 : i32
      %dma_wait3A_899 = arith.constant 2 : i32
      %dma_wait3A_900 = arith.constant 2 : i32
      %dma_wait3A_901 = arith.constant 0 : i32
      %dma_wait3A_902 = arith.constant 0 : i32
      %dma_wait3A_903 = tpu.memref_slice %arg11[%dma_wait3A_900, %dma_wait3A_901, %dma_wait3A_902] : memref<3x128x64xf32, #tpu.memory_space<vmem>> -> memref<1x128x64xf32, #tpu.memory_space<vmem>>
      %dma_wait3A_904 = tpu.memref_squeeze %dma_wait3A_903 : memref<1x128x64xf32, #tpu.memory_space<vmem>> -> memref<128x64xf32, #tpu.memory_space<vmem>>
      %dma_wait3A_905 = arith.constant 0 : i32
      %dma_wait3A_906 = tpu.memref_slice %arg8[%dma_wait3A_899, %dma_wait3A_905] : memref<12x128xi32, #tpu.memory_space<vmem>> -> memref<1x128xi32, #tpu.memory_space<vmem>>
      %dma_wait3A_907 = tpu.memref_squeeze %dma_wait3A_906 : memref<1x128xi32, #tpu.memory_space<vmem>> -> memref<128xi32, #tpu.memory_space<vmem>>
      %dma_wait3A_908 = arith.constant 0 : i32
      %dma_wait3A_909 = arith.constant 0 : i32
      %dma_wait3A_910 = tpu.memref_slice %arg14[%dma_wait3A_908, %dma_wait3A_909] : memref<10000x64xf32, #tpu.memory_space<vmem_shared>> -> memref<10000x64xf32, #tpu.memory_space<vmem_shared>>
      tpu.wait_indirect_dma semaphore(%arg19 : memref<!tpu.dma_semaphore, #tpu.memory_space<semaphore_mem>>) src(%dma_wait3A_910 : memref<10000x64xf32, #tpu.memory_space<vmem_shared>>) dst(%dma_wait3A_904 : memref<128x64xf32, #tpu.memory_space<vmem>>)
      %dma_start3A_911 = arith.constant 2 : i32
      %dma_start3A_912 = arith.constant 2 : i32
      %dma_start3A_913 = arith.constant 0 : i32
      %dma_start3A_914 = arith.constant 0 : i32
      %dma_start3A_915 = tpu.memref_slice %arg11[%dma_start3A_911, %dma_start3A_913, %dma_start3A_914] : memref<3x128x64xf32, #tpu.memory_space<vmem>> -> memref<1x128x64xf32, #tpu.memory_space<vmem>>
      %dma_start3A_916 = tpu.memref_squeeze %dma_start3A_915 : memref<1x128x64xf32, #tpu.memory_space<vmem>> -> memref<128x64xf32, #tpu.memory_space<vmem>>
      %dma_start3A_917 = arith.constant 0 : i32
      %dma_start3A_918 = tpu.memref_slice %arg10[%dma_start3A_912, %dma_start3A_917] : memref<12x128xi32, #tpu.memory_space<vmem>> -> memref<1x128xi32, #tpu.memory_space<vmem>>
      %dma_start3A_919 = tpu.memref_squeeze %dma_start3A_918 : memref<1x128xi32, #tpu.memory_space<vmem>> -> memref<128xi32, #tpu.memory_space<vmem>>
      %dma_start3A_920 = arith.constant 0 : i32
      %dma_start3A_921 = arith.constant 0 : i32
      %dma_start3A_922 = tpu.memref_slice %arg15[%dma_start3A_920, %dma_start3A_921] : memref<10240x64xf32, #tpu.memory_space<vmem_shared>> -> memref<10240x64xf32, #tpu.memory_space<vmem_shared>>
      tpu.enqueue_indirect_dma source(%dma_start3A_916 : memref<128x64xf32, #tpu.memory_space<vmem>>) target(%dma_start3A_922 : memref<10240x64xf32, #tpu.memory_space<vmem_shared>>) offsets(%dma_start3A_919 : memref<128xi32, #tpu.memory_space<vmem>>) semaphore(%arg22 : memref<!tpu.dma_semaphore, #tpu.memory_space<semaphore_mem>>) {add = true}
      %ge3A_923 = arith.cmpi sge, %add3A_898, %mul3A_61 : i32
      %lt3A_924 = arith.cmpi slt, %add3A_898, %add3A_63 : i32
      %and3A_925 = arith.andi %ge3A_923, %lt3A_924 : i1
      %convert_element_type3A_926 = arith.extui %and3A_925 : i1 to i32
      %cond3A_927 = arith.constant 0 : i32
      %cond3A_928 = arith.cmpi ne, %convert_element_type3A_926, %cond3A_927 : i32
      scf.if %cond3A_928 {
        %dma_start3A_1449 = arith.constant 2 : i32
        %dma_start3A_1450 = arith.constant 0 : i32
        %dma_start3A_1451 = tpu.memref_slice %arg10[%dma_start3A_1449, %dma_start3A_1450] : memref<12x128xi32, #tpu.memory_space<vmem>> -> memref<1x128xi32, #tpu.memory_space<vmem>>
        %dma_start3A_1452 = tpu.memref_squeeze %dma_start3A_1451 : memref<1x128xi32, #tpu.memory_space<vmem>> -> memref<128xi32, #tpu.memory_space<vmem>>
        %dma_start3A_1453 = arith.constant 0 : i32
        %dma_start3A_1454 = arith.constant 0 : i32
        %dma_start3A_1455 = tpu.memref_slice %arg16[%dma_start3A_1453, %dma_start3A_1454] : memref<10240x16xf32, #tpu.memory_space<vmem_shared>> -> memref<10240x16xf32, #tpu.memory_space<vmem_shared>>
        tpu.enqueue_indirect_dma source(%arg12 : memref<128x16xf32, #tpu.memory_space<vmem>>) target(%dma_start3A_1455 : memref<10240x16xf32, #tpu.memory_space<vmem_shared>>) offsets(%dma_start3A_1452 : memref<128xi32, #tpu.memory_space<vmem>>) semaphore(%arg25 : memref<!tpu.dma_semaphore, #tpu.memory_space<semaphore_mem>>) {add = true}
      } else {
      }
      %add3A_929 = arith.constant 2 : i32
      %add3A_930 = arith.addi %mul3A_61, %add3A_929 : i32
      %ge3A_931 = arith.cmpi sge, %add3A_898, %add3A_930 : i32
      %lt3A_932 = arith.cmpi slt, %add3A_898, %add3A_63 : i32
      %and3A_933 = arith.andi %ge3A_931, %lt3A_932 : i1
      %convert_element_type3A_934 = arith.extui %and3A_933 : i1 to i32
      %cond3A_935 = arith.constant 0 : i32
      %cond3A_936 = arith.cmpi ne, %convert_element_type3A_934, %cond3A_935 : i32
      scf.if %cond3A_936 {
        %dma_wait3A_1449 = arith.constant 2 : i32
        %dma_wait3A_1450 = arith.constant 0 : i32
        %dma_wait3A_1451 = tpu.memref_slice %arg10[%dma_wait3A_1449, %dma_wait3A_1450] : memref<12x128xi32, #tpu.memory_space<vmem>> -> memref<1x128xi32, #tpu.memory_space<vmem>>
        %dma_wait3A_1452 = tpu.memref_squeeze %dma_wait3A_1451 : memref<1x128xi32, #tpu.memory_space<vmem>> -> memref<128xi32, #tpu.memory_space<vmem>>
        %dma_wait3A_1453 = arith.constant 0 : i32
        %dma_wait3A_1454 = arith.constant 0 : i32
        %dma_wait3A_1455 = tpu.memref_slice %arg16[%dma_wait3A_1453, %dma_wait3A_1454] : memref<10240x16xf32, #tpu.memory_space<vmem_shared>> -> memref<10240x16xf32, #tpu.memory_space<vmem_shared>>
        tpu.wait_indirect_dma semaphore(%arg25 : memref<!tpu.dma_semaphore, #tpu.memory_space<semaphore_mem>>) src(%arg12 : memref<128x16xf32, #tpu.memory_space<vmem>>) dst(%dma_wait3A_1455 : memref<10240x16xf32, #tpu.memory_space<vmem_shared>>)
      } else {
      }
      %add3A_937 = arith.constant 1 : i32
      %add3A_938 = arith.addi %add3A_786, %add3A_937 : i32
      %lt3A_939 = arith.constant 14 : i32
      %lt3A_940 = arith.cmpi slt, %add3A_938, %lt3A_939 : i32
      %convert_element_type3A_941 = arith.extui %lt3A_940 : i1 to i32
      %cond3A_942 = arith.constant 0 : i32
      %cond3A_943 = arith.cmpi ne, %convert_element_type3A_941, %cond3A_942 : i32
      scf.if %cond3A_943 {
        %add3A_1449 = arith.constant 1 : i32
        %add3A_1450 = arith.addi %add3A_786, %add3A_1449 : i32
        %mul3A_1451 = arith.constant 12 : i32
        %mul3A_1452 = arith.muli %add3A_1450, %mul3A_1451 : i32
        %mul3A_1453 = arith.constant 12 : i32
        %mul3A_1454 = arith.muli %add3A_1450, %mul3A_1453 : i32
        %dma_start3A_1455 = arith.constant 0 : i32
        %dma_start3A_1456 = tpu.memref_slice %arg3[%arg1, %mul3A_1452, %dma_start3A_1455] : memref<16x168x128xi32, #tpu.memory_space<hbm>> -> memref<1x12x128xi32, #tpu.memory_space<hbm>>
        %dma_start3A_1457 = tpu.memref_squeeze %dma_start3A_1456 : memref<1x12x128xi32, #tpu.memory_space<hbm>> -> memref<12x128xi32, #tpu.memory_space<hbm>>
        %dma_start3A_1458 = arith.constant 0 : i32
        %dma_start3A_1459 = tpu.memref_slice %arg3[%arg1, %mul3A_1452, %dma_start3A_1458] : memref<16x168x128xi32, #tpu.memory_space<hbm>> -> memref<1x12x128xi32, #tpu.memory_space<hbm>>
        %dma_start3A_1460 = tpu.memref_squeeze %dma_start3A_1459 : memref<1x12x128xi32, #tpu.memory_space<hbm>> -> memref<12x128xi32, #tpu.memory_space<hbm>>
        tpu.enqueue_dma source(%dma_start3A_1460 : memref<12x128xi32, #tpu.memory_space<hbm>>) target(%arg7 : memref<12x128xi32, #tpu.memory_space<vmem>>) target_semaphore(%arg23 : memref<!tpu.dma_semaphore, #tpu.memory_space<semaphore_mem>>)
        %dma_start3A_1461 = arith.constant 0 : i32
        %dma_start3A_1462 = tpu.memref_slice %arg4[%arg1, %mul3A_1454, %dma_start3A_1461] : memref<16x168x128xi32, #tpu.memory_space<hbm>> -> memref<1x12x128xi32, #tpu.memory_space<hbm>>
        %dma_start3A_1463 = tpu.memref_squeeze %dma_start3A_1462 : memref<1x12x128xi32, #tpu.memory_space<hbm>> -> memref<12x128xi32, #tpu.memory_space<hbm>>
        %dma_start3A_1464 = arith.constant 0 : i32
        %dma_start3A_1465 = tpu.memref_slice %arg4[%arg1, %mul3A_1454, %dma_start3A_1464] : memref<16x168x128xi32, #tpu.memory_space<hbm>> -> memref<1x12x128xi32, #tpu.memory_space<hbm>>
        %dma_start3A_1466 = tpu.memref_squeeze %dma_start3A_1465 : memref<1x12x128xi32, #tpu.memory_space<hbm>> -> memref<12x128xi32, #tpu.memory_space<hbm>>
        tpu.enqueue_dma source(%dma_start3A_1466 : memref<12x128xi32, #tpu.memory_space<hbm>>) target(%arg9 : memref<12x128xi32, #tpu.memory_space<vmem>>) target_semaphore(%arg23 : memref<!tpu.dma_semaphore, #tpu.memory_space<semaphore_mem>>)
      } else {
      }
      %ge3A_944 = arith.constant 1 : i32
      %ge3A_945 = arith.cmpi sge, %add3A_898, %ge3A_944 : i32
      %convert_element_type3A_946 = arith.extui %ge3A_945 : i1 to i32
      %cond3A_947 = arith.constant 0 : i32
      %cond3A_948 = arith.cmpi ne, %convert_element_type3A_946, %cond3A_947 : i32
      scf.if %cond3A_948 {
        %dma_wait3A_1449 = arith.constant 1 : i32
        %dma_wait3A_1450 = arith.constant 0 : i32
        %dma_wait3A_1451 = arith.constant 0 : i32
        %dma_wait3A_1452 = arith.constant 0 : i32
        %dma_wait3A_1453 = tpu.memref_slice %arg11[%dma_wait3A_1449, %dma_wait3A_1451, %dma_wait3A_1452] : memref<3x128x64xf32, #tpu.memory_space<vmem>> -> memref<1x128x64xf32, #tpu.memory_space<vmem>>
        %dma_wait3A_1454 = tpu.memref_squeeze %dma_wait3A_1453 : memref<1x128x64xf32, #tpu.memory_space<vmem>> -> memref<128x64xf32, #tpu.memory_space<vmem>>
        %dma_wait3A_1455 = arith.constant 0 : i32
        %dma_wait3A_1456 = tpu.memref_slice %arg10[%dma_wait3A_1450, %dma_wait3A_1455] : memref<12x128xi32, #tpu.memory_space<vmem>> -> memref<1x128xi32, #tpu.memory_space<vmem>>
        %dma_wait3A_1457 = tpu.memref_squeeze %dma_wait3A_1456 : memref<1x128xi32, #tpu.memory_space<vmem>> -> memref<128xi32, #tpu.memory_space<vmem>>
        %dma_wait3A_1458 = arith.constant 0 : i32
        %dma_wait3A_1459 = arith.constant 0 : i32
        %dma_wait3A_1460 = tpu.memref_slice %arg15[%dma_wait3A_1458, %dma_wait3A_1459] : memref<10240x64xf32, #tpu.memory_space<vmem_shared>> -> memref<10240x64xf32, #tpu.memory_space<vmem_shared>>
        tpu.wait_indirect_dma semaphore(%arg21 : memref<!tpu.dma_semaphore, #tpu.memory_space<semaphore_mem>>) src(%dma_wait3A_1454 : memref<128x64xf32, #tpu.memory_space<vmem>>) dst(%dma_wait3A_1460 : memref<10240x64xf32, #tpu.memory_space<vmem_shared>>)
      } else {
      }
      %add3A_949 = arith.constant 2 : i32
      %add3A_950 = arith.addi %add3A_898, %add3A_949 : i32
      %lt3A_951 = arith.constant 168 : i32
      %lt3A_952 = arith.cmpi slt, %add3A_950, %lt3A_951 : i32
      %convert_element_type3A_953 = arith.extui %lt3A_952 : i1 to i32
      %cond3A_954 = arith.constant 0 : i32
      %cond3A_955 = arith.cmpi ne, %convert_element_type3A_953, %cond3A_954 : i32
      scf.if %cond3A_955 {
        %dma_start3A_1449 = arith.constant 4 : i32
        %dma_start3A_1450 = arith.constant 1 : i32
        %dma_start3A_1451 = arith.constant 0 : i32
        %dma_start3A_1452 = arith.constant 0 : i32
        %dma_start3A_1453 = tpu.memref_slice %arg11[%dma_start3A_1450, %dma_start3A_1451, %dma_start3A_1452] : memref<3x128x64xf32, #tpu.memory_space<vmem>> -> memref<1x128x64xf32, #tpu.memory_space<vmem>>
        %dma_start3A_1454 = tpu.memref_squeeze %dma_start3A_1453 : memref<1x128x64xf32, #tpu.memory_space<vmem>> -> memref<128x64xf32, #tpu.memory_space<vmem>>
        %dma_start3A_1455 = arith.constant 0 : i32
        %dma_start3A_1456 = tpu.memref_slice %arg8[%dma_start3A_1449, %dma_start3A_1455] : memref<12x128xi32, #tpu.memory_space<vmem>> -> memref<1x128xi32, #tpu.memory_space<vmem>>
        %dma_start3A_1457 = tpu.memref_squeeze %dma_start3A_1456 : memref<1x128xi32, #tpu.memory_space<vmem>> -> memref<128xi32, #tpu.memory_space<vmem>>
        %dma_start3A_1458 = arith.constant 0 : i32
        %dma_start3A_1459 = arith.constant 0 : i32
        %dma_start3A_1460 = tpu.memref_slice %arg14[%dma_start3A_1458, %dma_start3A_1459] : memref<10000x64xf32, #tpu.memory_space<vmem_shared>> -> memref<10000x64xf32, #tpu.memory_space<vmem_shared>>
        tpu.enqueue_indirect_dma source(%dma_start3A_1460 : memref<10000x64xf32, #tpu.memory_space<vmem_shared>>) target(%dma_start3A_1454 : memref<128x64xf32, #tpu.memory_space<vmem>>) offsets(%dma_start3A_1457 : memref<128xi32, #tpu.memory_space<vmem>>) semaphore(%arg18 : memref<!tpu.dma_semaphore, #tpu.memory_space<semaphore_mem>>)
      } else {
      }
      %mul3A_956 = arith.constant 12 : i32
      %mul3A_957 = arith.muli %add3A_786, %mul3A_956 : i32
      %add3A_958 = arith.constant 3 : i32
      %add3A_959 = arith.addi %mul3A_957, %add3A_958 : i32
      %dma_wait3A_960 = arith.constant 3 : i32
      %dma_wait3A_961 = arith.constant 0 : i32
      %dma_wait3A_962 = arith.constant 0 : i32
      %dma_wait3A_963 = arith.constant 0 : i32
      %dma_wait3A_964 = tpu.memref_slice %arg11[%dma_wait3A_961, %dma_wait3A_962, %dma_wait3A_963] : memref<3x128x64xf32, #tpu.memory_space<vmem>> -> memref<1x128x64xf32, #tpu.memory_space<vmem>>
      %dma_wait3A_965 = tpu.memref_squeeze %dma_wait3A_964 : memref<1x128x64xf32, #tpu.memory_space<vmem>> -> memref<128x64xf32, #tpu.memory_space<vmem>>
      %dma_wait3A_966 = arith.constant 0 : i32
      %dma_wait3A_967 = tpu.memref_slice %arg8[%dma_wait3A_960, %dma_wait3A_966] : memref<12x128xi32, #tpu.memory_space<vmem>> -> memref<1x128xi32, #tpu.memory_space<vmem>>
      %dma_wait3A_968 = tpu.memref_squeeze %dma_wait3A_967 : memref<1x128xi32, #tpu.memory_space<vmem>> -> memref<128xi32, #tpu.memory_space<vmem>>
      %dma_wait3A_969 = arith.constant 0 : i32
      %dma_wait3A_970 = arith.constant 0 : i32
      %dma_wait3A_971 = tpu.memref_slice %arg14[%dma_wait3A_969, %dma_wait3A_970] : memref<10000x64xf32, #tpu.memory_space<vmem_shared>> -> memref<10000x64xf32, #tpu.memory_space<vmem_shared>>
      tpu.wait_indirect_dma semaphore(%arg17 : memref<!tpu.dma_semaphore, #tpu.memory_space<semaphore_mem>>) src(%dma_wait3A_971 : memref<10000x64xf32, #tpu.memory_space<vmem_shared>>) dst(%dma_wait3A_965 : memref<128x64xf32, #tpu.memory_space<vmem>>)
      %dma_start3A_972 = arith.constant 0 : i32
      %dma_start3A_973 = arith.constant 3 : i32
      %dma_start3A_974 = arith.constant 0 : i32
      %dma_start3A_975 = arith.constant 0 : i32
      %dma_start3A_976 = tpu.memref_slice %arg11[%dma_start3A_972, %dma_start3A_974, %dma_start3A_975] : memref<3x128x64xf32, #tpu.memory_space<vmem>> -> memref<1x128x64xf32, #tpu.memory_space<vmem>>
      %dma_start3A_977 = tpu.memref_squeeze %dma_start3A_976 : memref<1x128x64xf32, #tpu.memory_space<vmem>> -> memref<128x64xf32, #tpu.memory_space<vmem>>
      %dma_start3A_978 = arith.constant 0 : i32
      %dma_start3A_979 = tpu.memref_slice %arg10[%dma_start3A_973, %dma_start3A_978] : memref<12x128xi32, #tpu.memory_space<vmem>> -> memref<1x128xi32, #tpu.memory_space<vmem>>
      %dma_start3A_980 = tpu.memref_squeeze %dma_start3A_979 : memref<1x128xi32, #tpu.memory_space<vmem>> -> memref<128xi32, #tpu.memory_space<vmem>>
      %dma_start3A_981 = arith.constant 0 : i32
      %dma_start3A_982 = arith.constant 0 : i32
      %dma_start3A_983 = tpu.memref_slice %arg15[%dma_start3A_981, %dma_start3A_982] : memref<10240x64xf32, #tpu.memory_space<vmem_shared>> -> memref<10240x64xf32, #tpu.memory_space<vmem_shared>>
      tpu.enqueue_indirect_dma source(%dma_start3A_977 : memref<128x64xf32, #tpu.memory_space<vmem>>) target(%dma_start3A_983 : memref<10240x64xf32, #tpu.memory_space<vmem_shared>>) offsets(%dma_start3A_980 : memref<128xi32, #tpu.memory_space<vmem>>) semaphore(%arg20 : memref<!tpu.dma_semaphore, #tpu.memory_space<semaphore_mem>>) {add = true}
      %ge3A_984 = arith.cmpi sge, %add3A_959, %mul3A_61 : i32
      %lt3A_985 = arith.cmpi slt, %add3A_959, %add3A_63 : i32
      %and3A_986 = arith.andi %ge3A_984, %lt3A_985 : i1
      %convert_element_type3A_987 = arith.extui %and3A_986 : i1 to i32
      %cond3A_988 = arith.constant 0 : i32
      %cond3A_989 = arith.cmpi ne, %convert_element_type3A_987, %cond3A_988 : i32
      scf.if %cond3A_989 {
        %dma_start3A_1449 = arith.constant 3 : i32
        %dma_start3A_1450 = arith.constant 0 : i32
        %dma_start3A_1451 = tpu.memref_slice %arg10[%dma_start3A_1449, %dma_start3A_1450] : memref<12x128xi32, #tpu.memory_space<vmem>> -> memref<1x128xi32, #tpu.memory_space<vmem>>
        %dma_start3A_1452 = tpu.memref_squeeze %dma_start3A_1451 : memref<1x128xi32, #tpu.memory_space<vmem>> -> memref<128xi32, #tpu.memory_space<vmem>>
        %dma_start3A_1453 = arith.constant 0 : i32
        %dma_start3A_1454 = arith.constant 0 : i32
        %dma_start3A_1455 = tpu.memref_slice %arg16[%dma_start3A_1453, %dma_start3A_1454] : memref<10240x16xf32, #tpu.memory_space<vmem_shared>> -> memref<10240x16xf32, #tpu.memory_space<vmem_shared>>
        tpu.enqueue_indirect_dma source(%arg12 : memref<128x16xf32, #tpu.memory_space<vmem>>) target(%dma_start3A_1455 : memref<10240x16xf32, #tpu.memory_space<vmem_shared>>) offsets(%dma_start3A_1452 : memref<128xi32, #tpu.memory_space<vmem>>) semaphore(%arg26 : memref<!tpu.dma_semaphore, #tpu.memory_space<semaphore_mem>>) {add = true}
      } else {
      }
      %add3A_990 = arith.constant 2 : i32
      %add3A_991 = arith.addi %mul3A_61, %add3A_990 : i32
      %ge3A_992 = arith.cmpi sge, %add3A_959, %add3A_991 : i32
      %lt3A_993 = arith.cmpi slt, %add3A_959, %add3A_63 : i32
      %and3A_994 = arith.andi %ge3A_992, %lt3A_993 : i1
      %convert_element_type3A_995 = arith.extui %and3A_994 : i1 to i32
      %cond3A_996 = arith.constant 0 : i32
      %cond3A_997 = arith.cmpi ne, %convert_element_type3A_995, %cond3A_996 : i32
      scf.if %cond3A_997 {
        %dma_wait3A_1449 = arith.constant 3 : i32
        %dma_wait3A_1450 = arith.constant 0 : i32
        %dma_wait3A_1451 = tpu.memref_slice %arg10[%dma_wait3A_1449, %dma_wait3A_1450] : memref<12x128xi32, #tpu.memory_space<vmem>> -> memref<1x128xi32, #tpu.memory_space<vmem>>
        %dma_wait3A_1452 = tpu.memref_squeeze %dma_wait3A_1451 : memref<1x128xi32, #tpu.memory_space<vmem>> -> memref<128xi32, #tpu.memory_space<vmem>>
        %dma_wait3A_1453 = arith.constant 0 : i32
        %dma_wait3A_1454 = arith.constant 0 : i32
        %dma_wait3A_1455 = tpu.memref_slice %arg16[%dma_wait3A_1453, %dma_wait3A_1454] : memref<10240x16xf32, #tpu.memory_space<vmem_shared>> -> memref<10240x16xf32, #tpu.memory_space<vmem_shared>>
        tpu.wait_indirect_dma semaphore(%arg26 : memref<!tpu.dma_semaphore, #tpu.memory_space<semaphore_mem>>) src(%arg12 : memref<128x16xf32, #tpu.memory_space<vmem>>) dst(%dma_wait3A_1455 : memref<10240x16xf32, #tpu.memory_space<vmem_shared>>)
      } else {
      }
      %ge3A_998 = arith.constant 1 : i32
      %ge3A_999 = arith.cmpi sge, %add3A_959, %ge3A_998 : i32
      %convert_element_type3A_1000 = arith.extui %ge3A_999 : i1 to i32
      %cond3A_1001 = arith.constant 0 : i32
      %cond3A_1002 = arith.cmpi ne, %convert_element_type3A_1000, %cond3A_1001 : i32
      scf.if %cond3A_1002 {
        %dma_wait3A_1449 = arith.constant 2 : i32
        %dma_wait3A_1450 = arith.constant 0 : i32
        %dma_wait3A_1451 = arith.constant 0 : i32
        %dma_wait3A_1452 = arith.constant 0 : i32
        %dma_wait3A_1453 = tpu.memref_slice %arg11[%dma_wait3A_1449, %dma_wait3A_1451, %dma_wait3A_1452] : memref<3x128x64xf32, #tpu.memory_space<vmem>> -> memref<1x128x64xf32, #tpu.memory_space<vmem>>
        %dma_wait3A_1454 = tpu.memref_squeeze %dma_wait3A_1453 : memref<1x128x64xf32, #tpu.memory_space<vmem>> -> memref<128x64xf32, #tpu.memory_space<vmem>>
        %dma_wait3A_1455 = arith.constant 0 : i32
        %dma_wait3A_1456 = tpu.memref_slice %arg10[%dma_wait3A_1450, %dma_wait3A_1455] : memref<12x128xi32, #tpu.memory_space<vmem>> -> memref<1x128xi32, #tpu.memory_space<vmem>>
        %dma_wait3A_1457 = tpu.memref_squeeze %dma_wait3A_1456 : memref<1x128xi32, #tpu.memory_space<vmem>> -> memref<128xi32, #tpu.memory_space<vmem>>
        %dma_wait3A_1458 = arith.constant 0 : i32
        %dma_wait3A_1459 = arith.constant 0 : i32
        %dma_wait3A_1460 = tpu.memref_slice %arg15[%dma_wait3A_1458, %dma_wait3A_1459] : memref<10240x64xf32, #tpu.memory_space<vmem_shared>> -> memref<10240x64xf32, #tpu.memory_space<vmem_shared>>
        tpu.wait_indirect_dma semaphore(%arg22 : memref<!tpu.dma_semaphore, #tpu.memory_space<semaphore_mem>>) src(%dma_wait3A_1454 : memref<128x64xf32, #tpu.memory_space<vmem>>) dst(%dma_wait3A_1460 : memref<10240x64xf32, #tpu.memory_space<vmem_shared>>)
      } else {
      }
      %add3A_1003 = arith.constant 2 : i32
      %add3A_1004 = arith.addi %add3A_959, %add3A_1003 : i32
      %lt3A_1005 = arith.constant 168 : i32
      %lt3A_1006 = arith.cmpi slt, %add3A_1004, %lt3A_1005 : i32
      %convert_element_type3A_1007 = arith.extui %lt3A_1006 : i1 to i32
      %cond3A_1008 = arith.constant 0 : i32
      %cond3A_1009 = arith.cmpi ne, %convert_element_type3A_1007, %cond3A_1008 : i32
      scf.if %cond3A_1009 {
        %dma_start3A_1449 = arith.constant 5 : i32
        %dma_start3A_1450 = arith.constant 2 : i32
        %dma_start3A_1451 = arith.constant 0 : i32
        %dma_start3A_1452 = arith.constant 0 : i32
        %dma_start3A_1453 = tpu.memref_slice %arg11[%dma_start3A_1450, %dma_start3A_1451, %dma_start3A_1452] : memref<3x128x64xf32, #tpu.memory_space<vmem>> -> memref<1x128x64xf32, #tpu.memory_space<vmem>>
        %dma_start3A_1454 = tpu.memref_squeeze %dma_start3A_1453 : memref<1x128x64xf32, #tpu.memory_space<vmem>> -> memref<128x64xf32, #tpu.memory_space<vmem>>
        %dma_start3A_1455 = arith.constant 0 : i32
        %dma_start3A_1456 = tpu.memref_slice %arg8[%dma_start3A_1449, %dma_start3A_1455] : memref<12x128xi32, #tpu.memory_space<vmem>> -> memref<1x128xi32, #tpu.memory_space<vmem>>
        %dma_start3A_1457 = tpu.memref_squeeze %dma_start3A_1456 : memref<1x128xi32, #tpu.memory_space<vmem>> -> memref<128xi32, #tpu.memory_space<vmem>>
        %dma_start3A_1458 = arith.constant 0 : i32
        %dma_start3A_1459 = arith.constant 0 : i32
        %dma_start3A_1460 = tpu.memref_slice %arg14[%dma_start3A_1458, %dma_start3A_1459] : memref<10000x64xf32, #tpu.memory_space<vmem_shared>> -> memref<10000x64xf32, #tpu.memory_space<vmem_shared>>
        tpu.enqueue_indirect_dma source(%dma_start3A_1460 : memref<10000x64xf32, #tpu.memory_space<vmem_shared>>) target(%dma_start3A_1454 : memref<128x64xf32, #tpu.memory_space<vmem>>) offsets(%dma_start3A_1457 : memref<128xi32, #tpu.memory_space<vmem>>) semaphore(%arg19 : memref<!tpu.dma_semaphore, #tpu.memory_space<semaphore_mem>>)
      } else {
      }
      %mul3A_1010 = arith.constant 12 : i32
      %mul3A_1011 = arith.muli %add3A_786, %mul3A_1010 : i32
      %add3A_1012 = arith.constant 4 : i32
      %add3A_1013 = arith.addi %mul3A_1011, %add3A_1012 : i32
      %dma_wait3A_1014 = arith.constant 4 : i32
      %dma_wait3A_1015 = arith.constant 1 : i32
      %dma_wait3A_1016 = arith.constant 0 : i32
      %dma_wait3A_1017 = arith.constant 0 : i32
      %dma_wait3A_1018 = tpu.memref_slice %arg11[%dma_wait3A_1015, %dma_wait3A_1016, %dma_wait3A_1017] : memref<3x128x64xf32, #tpu.memory_space<vmem>> -> memref<1x128x64xf32, #tpu.memory_space<vmem>>
      %dma_wait3A_1019 = tpu.memref_squeeze %dma_wait3A_1018 : memref<1x128x64xf32, #tpu.memory_space<vmem>> -> memref<128x64xf32, #tpu.memory_space<vmem>>
      %dma_wait3A_1020 = arith.constant 0 : i32
      %dma_wait3A_1021 = tpu.memref_slice %arg8[%dma_wait3A_1014, %dma_wait3A_1020] : memref<12x128xi32, #tpu.memory_space<vmem>> -> memref<1x128xi32, #tpu.memory_space<vmem>>
      %dma_wait3A_1022 = tpu.memref_squeeze %dma_wait3A_1021 : memref<1x128xi32, #tpu.memory_space<vmem>> -> memref<128xi32, #tpu.memory_space<vmem>>
      %dma_wait3A_1023 = arith.constant 0 : i32
      %dma_wait3A_1024 = arith.constant 0 : i32
      %dma_wait3A_1025 = tpu.memref_slice %arg14[%dma_wait3A_1023, %dma_wait3A_1024] : memref<10000x64xf32, #tpu.memory_space<vmem_shared>> -> memref<10000x64xf32, #tpu.memory_space<vmem_shared>>
      tpu.wait_indirect_dma semaphore(%arg18 : memref<!tpu.dma_semaphore, #tpu.memory_space<semaphore_mem>>) src(%dma_wait3A_1025 : memref<10000x64xf32, #tpu.memory_space<vmem_shared>>) dst(%dma_wait3A_1019 : memref<128x64xf32, #tpu.memory_space<vmem>>)
      %dma_start3A_1026 = arith.constant 1 : i32
      %dma_start3A_1027 = arith.constant 4 : i32
      %dma_start3A_1028 = arith.constant 0 : i32
      %dma_start3A_1029 = arith.constant 0 : i32
      %dma_start3A_1030 = tpu.memref_slice %arg11[%dma_start3A_1026, %dma_start3A_1028, %dma_start3A_1029] : memref<3x128x64xf32, #tpu.memory_space<vmem>> -> memref<1x128x64xf32, #tpu.memory_space<vmem>>
      %dma_start3A_1031 = tpu.memref_squeeze %dma_start3A_1030 : memref<1x128x64xf32, #tpu.memory_space<vmem>> -> memref<128x64xf32, #tpu.memory_space<vmem>>
      %dma_start3A_1032 = arith.constant 0 : i32
      %dma_start3A_1033 = tpu.memref_slice %arg10[%dma_start3A_1027, %dma_start3A_1032] : memref<12x128xi32, #tpu.memory_space<vmem>> -> memref<1x128xi32, #tpu.memory_space<vmem>>
      %dma_start3A_1034 = tpu.memref_squeeze %dma_start3A_1033 : memref<1x128xi32, #tpu.memory_space<vmem>> -> memref<128xi32, #tpu.memory_space<vmem>>
      %dma_start3A_1035 = arith.constant 0 : i32
      %dma_start3A_1036 = arith.constant 0 : i32
      %dma_start3A_1037 = tpu.memref_slice %arg15[%dma_start3A_1035, %dma_start3A_1036] : memref<10240x64xf32, #tpu.memory_space<vmem_shared>> -> memref<10240x64xf32, #tpu.memory_space<vmem_shared>>
      tpu.enqueue_indirect_dma source(%dma_start3A_1031 : memref<128x64xf32, #tpu.memory_space<vmem>>) target(%dma_start3A_1037 : memref<10240x64xf32, #tpu.memory_space<vmem_shared>>) offsets(%dma_start3A_1034 : memref<128xi32, #tpu.memory_space<vmem>>) semaphore(%arg21 : memref<!tpu.dma_semaphore, #tpu.memory_space<semaphore_mem>>) {add = true}
      %ge3A_1038 = arith.cmpi sge, %add3A_1013, %mul3A_61 : i32
      %lt3A_1039 = arith.cmpi slt, %add3A_1013, %add3A_63 : i32
      %and3A_1040 = arith.andi %ge3A_1038, %lt3A_1039 : i1
      %convert_element_type3A_1041 = arith.extui %and3A_1040 : i1 to i32
      %cond3A_1042 = arith.constant 0 : i32
      %cond3A_1043 = arith.cmpi ne, %convert_element_type3A_1041, %cond3A_1042 : i32
      scf.if %cond3A_1043 {
        %dma_start3A_1449 = arith.constant 4 : i32
        %dma_start3A_1450 = arith.constant 0 : i32
        %dma_start3A_1451 = tpu.memref_slice %arg10[%dma_start3A_1449, %dma_start3A_1450] : memref<12x128xi32, #tpu.memory_space<vmem>> -> memref<1x128xi32, #tpu.memory_space<vmem>>
        %dma_start3A_1452 = tpu.memref_squeeze %dma_start3A_1451 : memref<1x128xi32, #tpu.memory_space<vmem>> -> memref<128xi32, #tpu.memory_space<vmem>>
        %dma_start3A_1453 = arith.constant 0 : i32
        %dma_start3A_1454 = arith.constant 0 : i32
        %dma_start3A_1455 = tpu.memref_slice %arg16[%dma_start3A_1453, %dma_start3A_1454] : memref<10240x16xf32, #tpu.memory_space<vmem_shared>> -> memref<10240x16xf32, #tpu.memory_space<vmem_shared>>
        tpu.enqueue_indirect_dma source(%arg12 : memref<128x16xf32, #tpu.memory_space<vmem>>) target(%dma_start3A_1455 : memref<10240x16xf32, #tpu.memory_space<vmem_shared>>) offsets(%dma_start3A_1452 : memref<128xi32, #tpu.memory_space<vmem>>) semaphore(%arg25 : memref<!tpu.dma_semaphore, #tpu.memory_space<semaphore_mem>>) {add = true}
      } else {
      }
      %add3A_1044 = arith.constant 2 : i32
      %add3A_1045 = arith.addi %mul3A_61, %add3A_1044 : i32
      %ge3A_1046 = arith.cmpi sge, %add3A_1013, %add3A_1045 : i32
      %lt3A_1047 = arith.cmpi slt, %add3A_1013, %add3A_63 : i32
      %and3A_1048 = arith.andi %ge3A_1046, %lt3A_1047 : i1
      %convert_element_type3A_1049 = arith.extui %and3A_1048 : i1 to i32
      %cond3A_1050 = arith.constant 0 : i32
      %cond3A_1051 = arith.cmpi ne, %convert_element_type3A_1049, %cond3A_1050 : i32
      scf.if %cond3A_1051 {
        %dma_wait3A_1449 = arith.constant 4 : i32
        %dma_wait3A_1450 = arith.constant 0 : i32
        %dma_wait3A_1451 = tpu.memref_slice %arg10[%dma_wait3A_1449, %dma_wait3A_1450] : memref<12x128xi32, #tpu.memory_space<vmem>> -> memref<1x128xi32, #tpu.memory_space<vmem>>
        %dma_wait3A_1452 = tpu.memref_squeeze %dma_wait3A_1451 : memref<1x128xi32, #tpu.memory_space<vmem>> -> memref<128xi32, #tpu.memory_space<vmem>>
        %dma_wait3A_1453 = arith.constant 0 : i32
        %dma_wait3A_1454 = arith.constant 0 : i32
        %dma_wait3A_1455 = tpu.memref_slice %arg16[%dma_wait3A_1453, %dma_wait3A_1454] : memref<10240x16xf32, #tpu.memory_space<vmem_shared>> -> memref<10240x16xf32, #tpu.memory_space<vmem_shared>>
        tpu.wait_indirect_dma semaphore(%arg25 : memref<!tpu.dma_semaphore, #tpu.memory_space<semaphore_mem>>) src(%arg12 : memref<128x16xf32, #tpu.memory_space<vmem>>) dst(%dma_wait3A_1455 : memref<10240x16xf32, #tpu.memory_space<vmem_shared>>)
      } else {
      }
      %ge3A_1052 = arith.constant 1 : i32
      %ge3A_1053 = arith.cmpi sge, %add3A_1013, %ge3A_1052 : i32
      %convert_element_type3A_1054 = arith.extui %ge3A_1053 : i1 to i32
      %cond3A_1055 = arith.constant 0 : i32
      %cond3A_1056 = arith.cmpi ne, %convert_element_type3A_1054, %cond3A_1055 : i32
      scf.if %cond3A_1056 {
        %dma_wait3A_1449 = arith.constant 0 : i32
        %dma_wait3A_1450 = arith.constant 0 : i32
        %dma_wait3A_1451 = arith.constant 0 : i32
        %dma_wait3A_1452 = arith.constant 0 : i32
        %dma_wait3A_1453 = tpu.memref_slice %arg11[%dma_wait3A_1449, %dma_wait3A_1451, %dma_wait3A_1452] : memref<3x128x64xf32, #tpu.memory_space<vmem>> -> memref<1x128x64xf32, #tpu.memory_space<vmem>>
        %dma_wait3A_1454 = tpu.memref_squeeze %dma_wait3A_1453 : memref<1x128x64xf32, #tpu.memory_space<vmem>> -> memref<128x64xf32, #tpu.memory_space<vmem>>
        %dma_wait3A_1455 = arith.constant 0 : i32
        %dma_wait3A_1456 = tpu.memref_slice %arg10[%dma_wait3A_1450, %dma_wait3A_1455] : memref<12x128xi32, #tpu.memory_space<vmem>> -> memref<1x128xi32, #tpu.memory_space<vmem>>
        %dma_wait3A_1457 = tpu.memref_squeeze %dma_wait3A_1456 : memref<1x128xi32, #tpu.memory_space<vmem>> -> memref<128xi32, #tpu.memory_space<vmem>>
        %dma_wait3A_1458 = arith.constant 0 : i32
        %dma_wait3A_1459 = arith.constant 0 : i32
        %dma_wait3A_1460 = tpu.memref_slice %arg15[%dma_wait3A_1458, %dma_wait3A_1459] : memref<10240x64xf32, #tpu.memory_space<vmem_shared>> -> memref<10240x64xf32, #tpu.memory_space<vmem_shared>>
        tpu.wait_indirect_dma semaphore(%arg20 : memref<!tpu.dma_semaphore, #tpu.memory_space<semaphore_mem>>) src(%dma_wait3A_1454 : memref<128x64xf32, #tpu.memory_space<vmem>>) dst(%dma_wait3A_1460 : memref<10240x64xf32, #tpu.memory_space<vmem_shared>>)
      } else {
      }
      %add3A_1057 = arith.constant 2 : i32
      %add3A_1058 = arith.addi %add3A_1013, %add3A_1057 : i32
      %lt3A_1059 = arith.constant 168 : i32
      %lt3A_1060 = arith.cmpi slt, %add3A_1058, %lt3A_1059 : i32
      %convert_element_type3A_1061 = arith.extui %lt3A_1060 : i1 to i32
      %cond3A_1062 = arith.constant 0 : i32
      %cond3A_1063 = arith.cmpi ne, %convert_element_type3A_1061, %cond3A_1062 : i32
      scf.if %cond3A_1063 {
        %dma_start3A_1449 = arith.constant 6 : i32
        %dma_start3A_1450 = arith.constant 0 : i32
        %dma_start3A_1451 = arith.constant 0 : i32
        %dma_start3A_1452 = arith.constant 0 : i32
        %dma_start3A_1453 = tpu.memref_slice %arg11[%dma_start3A_1450, %dma_start3A_1451, %dma_start3A_1452] : memref<3x128x64xf32, #tpu.memory_space<vmem>> -> memref<1x128x64xf32, #tpu.memory_space<vmem>>
        %dma_start3A_1454 = tpu.memref_squeeze %dma_start3A_1453 : memref<1x128x64xf32, #tpu.memory_space<vmem>> -> memref<128x64xf32, #tpu.memory_space<vmem>>
        %dma_start3A_1455 = arith.constant 0 : i32
        %dma_start3A_1456 = tpu.memref_slice %arg8[%dma_start3A_1449, %dma_start3A_1455] : memref<12x128xi32, #tpu.memory_space<vmem>> -> memref<1x128xi32, #tpu.memory_space<vmem>>
        %dma_start3A_1457 = tpu.memref_squeeze %dma_start3A_1456 : memref<1x128xi32, #tpu.memory_space<vmem>> -> memref<128xi32, #tpu.memory_space<vmem>>
        %dma_start3A_1458 = arith.constant 0 : i32
        %dma_start3A_1459 = arith.constant 0 : i32
        %dma_start3A_1460 = tpu.memref_slice %arg14[%dma_start3A_1458, %dma_start3A_1459] : memref<10000x64xf32, #tpu.memory_space<vmem_shared>> -> memref<10000x64xf32, #tpu.memory_space<vmem_shared>>
        tpu.enqueue_indirect_dma source(%dma_start3A_1460 : memref<10000x64xf32, #tpu.memory_space<vmem_shared>>) target(%dma_start3A_1454 : memref<128x64xf32, #tpu.memory_space<vmem>>) offsets(%dma_start3A_1457 : memref<128xi32, #tpu.memory_space<vmem>>) semaphore(%arg17 : memref<!tpu.dma_semaphore, #tpu.memory_space<semaphore_mem>>)
      } else {
      }
      %mul3A_1064 = arith.constant 12 : i32
      %mul3A_1065 = arith.muli %add3A_786, %mul3A_1064 : i32
      %add3A_1066 = arith.constant 5 : i32
      %add3A_1067 = arith.addi %mul3A_1065, %add3A_1066 : i32
      %dma_wait3A_1068 = arith.constant 5 : i32
      %dma_wait3A_1069 = arith.constant 2 : i32
      %dma_wait3A_1070 = arith.constant 0 : i32
      %dma_wait3A_1071 = arith.constant 0 : i32
      %dma_wait3A_1072 = tpu.memref_slice %arg11[%dma_wait3A_1069, %dma_wait3A_1070, %dma_wait3A_1071] : memref<3x128x64xf32, #tpu.memory_space<vmem>> -> memref<1x128x64xf32, #tpu.memory_space<vmem>>
      %dma_wait3A_1073 = tpu.memref_squeeze %dma_wait3A_1072 : memref<1x128x64xf32, #tpu.memory_space<vmem>> -> memref<128x64xf32, #tpu.memory_space<vmem>>
      %dma_wait3A_1074 = arith.constant 0 : i32
      %dma_wait3A_1075 = tpu.memref_slice %arg8[%dma_wait3A_1068, %dma_wait3A_1074] : memref<12x128xi32, #tpu.memory_space<vmem>> -> memref<1x128xi32, #tpu.memory_space<vmem>>
      %dma_wait3A_1076 = tpu.memref_squeeze %dma_wait3A_1075 : memref<1x128xi32, #tpu.memory_space<vmem>> -> memref<128xi32, #tpu.memory_space<vmem>>
      %dma_wait3A_1077 = arith.constant 0 : i32
      %dma_wait3A_1078 = arith.constant 0 : i32
      %dma_wait3A_1079 = tpu.memref_slice %arg14[%dma_wait3A_1077, %dma_wait3A_1078] : memref<10000x64xf32, #tpu.memory_space<vmem_shared>> -> memref<10000x64xf32, #tpu.memory_space<vmem_shared>>
      tpu.wait_indirect_dma semaphore(%arg19 : memref<!tpu.dma_semaphore, #tpu.memory_space<semaphore_mem>>) src(%dma_wait3A_1079 : memref<10000x64xf32, #tpu.memory_space<vmem_shared>>) dst(%dma_wait3A_1073 : memref<128x64xf32, #tpu.memory_space<vmem>>)
      %dma_start3A_1080 = arith.constant 2 : i32
      %dma_start3A_1081 = arith.constant 5 : i32
      %dma_start3A_1082 = arith.constant 0 : i32
      %dma_start3A_1083 = arith.constant 0 : i32
      %dma_start3A_1084 = tpu.memref_slice %arg11[%dma_start3A_1080, %dma_start3A_1082, %dma_start3A_1083] : memref<3x128x64xf32, #tpu.memory_space<vmem>> -> memref<1x128x64xf32, #tpu.memory_space<vmem>>
      %dma_start3A_1085 = tpu.memref_squeeze %dma_start3A_1084 : memref<1x128x64xf32, #tpu.memory_space<vmem>> -> memref<128x64xf32, #tpu.memory_space<vmem>>
      %dma_start3A_1086 = arith.constant 0 : i32
      %dma_start3A_1087 = tpu.memref_slice %arg10[%dma_start3A_1081, %dma_start3A_1086] : memref<12x128xi32, #tpu.memory_space<vmem>> -> memref<1x128xi32, #tpu.memory_space<vmem>>
      %dma_start3A_1088 = tpu.memref_squeeze %dma_start3A_1087 : memref<1x128xi32, #tpu.memory_space<vmem>> -> memref<128xi32, #tpu.memory_space<vmem>>
      %dma_start3A_1089 = arith.constant 0 : i32
      %dma_start3A_1090 = arith.constant 0 : i32
      %dma_start3A_1091 = tpu.memref_slice %arg15[%dma_start3A_1089, %dma_start3A_1090] : memref<10240x64xf32, #tpu.memory_space<vmem_shared>> -> memref<10240x64xf32, #tpu.memory_space<vmem_shared>>
      tpu.enqueue_indirect_dma source(%dma_start3A_1085 : memref<128x64xf32, #tpu.memory_space<vmem>>) target(%dma_start3A_1091 : memref<10240x64xf32, #tpu.memory_space<vmem_shared>>) offsets(%dma_start3A_1088 : memref<128xi32, #tpu.memory_space<vmem>>) semaphore(%arg22 : memref<!tpu.dma_semaphore, #tpu.memory_space<semaphore_mem>>) {add = true}
      %ge3A_1092 = arith.cmpi sge, %add3A_1067, %mul3A_61 : i32
      %lt3A_1093 = arith.cmpi slt, %add3A_1067, %add3A_63 : i32
      %and3A_1094 = arith.andi %ge3A_1092, %lt3A_1093 : i1
      %convert_element_type3A_1095 = arith.extui %and3A_1094 : i1 to i32
      %cond3A_1096 = arith.constant 0 : i32
      %cond3A_1097 = arith.cmpi ne, %convert_element_type3A_1095, %cond3A_1096 : i32
      scf.if %cond3A_1097 {
        %dma_start3A_1449 = arith.constant 5 : i32
        %dma_start3A_1450 = arith.constant 0 : i32
        %dma_start3A_1451 = tpu.memref_slice %arg10[%dma_start3A_1449, %dma_start3A_1450] : memref<12x128xi32, #tpu.memory_space<vmem>> -> memref<1x128xi32, #tpu.memory_space<vmem>>
        %dma_start3A_1452 = tpu.memref_squeeze %dma_start3A_1451 : memref<1x128xi32, #tpu.memory_space<vmem>> -> memref<128xi32, #tpu.memory_space<vmem>>
        %dma_start3A_1453 = arith.constant 0 : i32
        %dma_start3A_1454 = arith.constant 0 : i32
        %dma_start3A_1455 = tpu.memref_slice %arg16[%dma_start3A_1453, %dma_start3A_1454] : memref<10240x16xf32, #tpu.memory_space<vmem_shared>> -> memref<10240x16xf32, #tpu.memory_space<vmem_shared>>
        tpu.enqueue_indirect_dma source(%arg12 : memref<128x16xf32, #tpu.memory_space<vmem>>) target(%dma_start3A_1455 : memref<10240x16xf32, #tpu.memory_space<vmem_shared>>) offsets(%dma_start3A_1452 : memref<128xi32, #tpu.memory_space<vmem>>) semaphore(%arg26 : memref<!tpu.dma_semaphore, #tpu.memory_space<semaphore_mem>>) {add = true}
      } else {
      }
      %add3A_1098 = arith.constant 2 : i32
      %add3A_1099 = arith.addi %mul3A_61, %add3A_1098 : i32
      %ge3A_1100 = arith.cmpi sge, %add3A_1067, %add3A_1099 : i32
      %lt3A_1101 = arith.cmpi slt, %add3A_1067, %add3A_63 : i32
      %and3A_1102 = arith.andi %ge3A_1100, %lt3A_1101 : i1
      %convert_element_type3A_1103 = arith.extui %and3A_1102 : i1 to i32
      %cond3A_1104 = arith.constant 0 : i32
      %cond3A_1105 = arith.cmpi ne, %convert_element_type3A_1103, %cond3A_1104 : i32
      scf.if %cond3A_1105 {
        %dma_wait3A_1449 = arith.constant 5 : i32
        %dma_wait3A_1450 = arith.constant 0 : i32
        %dma_wait3A_1451 = tpu.memref_slice %arg10[%dma_wait3A_1449, %dma_wait3A_1450] : memref<12x128xi32, #tpu.memory_space<vmem>> -> memref<1x128xi32, #tpu.memory_space<vmem>>
        %dma_wait3A_1452 = tpu.memref_squeeze %dma_wait3A_1451 : memref<1x128xi32, #tpu.memory_space<vmem>> -> memref<128xi32, #tpu.memory_space<vmem>>
        %dma_wait3A_1453 = arith.constant 0 : i32
        %dma_wait3A_1454 = arith.constant 0 : i32
        %dma_wait3A_1455 = tpu.memref_slice %arg16[%dma_wait3A_1453, %dma_wait3A_1454] : memref<10240x16xf32, #tpu.memory_space<vmem_shared>> -> memref<10240x16xf32, #tpu.memory_space<vmem_shared>>
        tpu.wait_indirect_dma semaphore(%arg26 : memref<!tpu.dma_semaphore, #tpu.memory_space<semaphore_mem>>) src(%arg12 : memref<128x16xf32, #tpu.memory_space<vmem>>) dst(%dma_wait3A_1455 : memref<10240x16xf32, #tpu.memory_space<vmem_shared>>)
      } else {
      }
      %ge3A_1106 = arith.constant 1 : i32
      %ge3A_1107 = arith.cmpi sge, %add3A_1067, %ge3A_1106 : i32
      %convert_element_type3A_1108 = arith.extui %ge3A_1107 : i1 to i32
      %cond3A_1109 = arith.constant 0 : i32
      %cond3A_1110 = arith.cmpi ne, %convert_element_type3A_1108, %cond3A_1109 : i32
      scf.if %cond3A_1110 {
        %dma_wait3A_1449 = arith.constant 1 : i32
        %dma_wait3A_1450 = arith.constant 0 : i32
        %dma_wait3A_1451 = arith.constant 0 : i32
        %dma_wait3A_1452 = arith.constant 0 : i32
        %dma_wait3A_1453 = tpu.memref_slice %arg11[%dma_wait3A_1449, %dma_wait3A_1451, %dma_wait3A_1452] : memref<3x128x64xf32, #tpu.memory_space<vmem>> -> memref<1x128x64xf32, #tpu.memory_space<vmem>>
        %dma_wait3A_1454 = tpu.memref_squeeze %dma_wait3A_1453 : memref<1x128x64xf32, #tpu.memory_space<vmem>> -> memref<128x64xf32, #tpu.memory_space<vmem>>
        %dma_wait3A_1455 = arith.constant 0 : i32
        %dma_wait3A_1456 = tpu.memref_slice %arg10[%dma_wait3A_1450, %dma_wait3A_1455] : memref<12x128xi32, #tpu.memory_space<vmem>> -> memref<1x128xi32, #tpu.memory_space<vmem>>
        %dma_wait3A_1457 = tpu.memref_squeeze %dma_wait3A_1456 : memref<1x128xi32, #tpu.memory_space<vmem>> -> memref<128xi32, #tpu.memory_space<vmem>>
        %dma_wait3A_1458 = arith.constant 0 : i32
        %dma_wait3A_1459 = arith.constant 0 : i32
        %dma_wait3A_1460 = tpu.memref_slice %arg15[%dma_wait3A_1458, %dma_wait3A_1459] : memref<10240x64xf32, #tpu.memory_space<vmem_shared>> -> memref<10240x64xf32, #tpu.memory_space<vmem_shared>>
        tpu.wait_indirect_dma semaphore(%arg21 : memref<!tpu.dma_semaphore, #tpu.memory_space<semaphore_mem>>) src(%dma_wait3A_1454 : memref<128x64xf32, #tpu.memory_space<vmem>>) dst(%dma_wait3A_1460 : memref<10240x64xf32, #tpu.memory_space<vmem_shared>>)
      } else {
      }
      %add3A_1111 = arith.constant 2 : i32
      %add3A_1112 = arith.addi %add3A_1067, %add3A_1111 : i32
      %lt3A_1113 = arith.constant 168 : i32
      %lt3A_1114 = arith.cmpi slt, %add3A_1112, %lt3A_1113 : i32
      %convert_element_type3A_1115 = arith.extui %lt3A_1114 : i1 to i32
      %cond3A_1116 = arith.constant 0 : i32
      %cond3A_1117 = arith.cmpi ne, %convert_element_type3A_1115, %cond3A_1116 : i32
      scf.if %cond3A_1117 {
        %dma_start3A_1449 = arith.constant 7 : i32
        %dma_start3A_1450 = arith.constant 1 : i32
        %dma_start3A_1451 = arith.constant 0 : i32
        %dma_start3A_1452 = arith.constant 0 : i32
        %dma_start3A_1453 = tpu.memref_slice %arg11[%dma_start3A_1450, %dma_start3A_1451, %dma_start3A_1452] : memref<3x128x64xf32, #tpu.memory_space<vmem>> -> memref<1x128x64xf32, #tpu.memory_space<vmem>>
        %dma_start3A_1454 = tpu.memref_squeeze %dma_start3A_1453 : memref<1x128x64xf32, #tpu.memory_space<vmem>> -> memref<128x64xf32, #tpu.memory_space<vmem>>
        %dma_start3A_1455 = arith.constant 0 : i32
        %dma_start3A_1456 = tpu.memref_slice %arg8[%dma_start3A_1449, %dma_start3A_1455] : memref<12x128xi32, #tpu.memory_space<vmem>> -> memref<1x128xi32, #tpu.memory_space<vmem>>
        %dma_start3A_1457 = tpu.memref_squeeze %dma_start3A_1456 : memref<1x128xi32, #tpu.memory_space<vmem>> -> memref<128xi32, #tpu.memory_space<vmem>>
        %dma_start3A_1458 = arith.constant 0 : i32
        %dma_start3A_1459 = arith.constant 0 : i32
        %dma_start3A_1460 = tpu.memref_slice %arg14[%dma_start3A_1458, %dma_start3A_1459] : memref<10000x64xf32, #tpu.memory_space<vmem_shared>> -> memref<10000x64xf32, #tpu.memory_space<vmem_shared>>
        tpu.enqueue_indirect_dma source(%dma_start3A_1460 : memref<10000x64xf32, #tpu.memory_space<vmem_shared>>) target(%dma_start3A_1454 : memref<128x64xf32, #tpu.memory_space<vmem>>) offsets(%dma_start3A_1457 : memref<128xi32, #tpu.memory_space<vmem>>) semaphore(%arg18 : memref<!tpu.dma_semaphore, #tpu.memory_space<semaphore_mem>>)
      } else {
      }
      %mul3A_1118 = arith.constant 12 : i32
      %mul3A_1119 = arith.muli %add3A_786, %mul3A_1118 : i32
      %add3A_1120 = arith.constant 6 : i32
      %add3A_1121 = arith.addi %mul3A_1119, %add3A_1120 : i32
      %dma_wait3A_1122 = arith.constant 6 : i32
      %dma_wait3A_1123 = arith.constant 0 : i32
      %dma_wait3A_1124 = arith.constant 0 : i32
      %dma_wait3A_1125 = arith.constant 0 : i32
      %dma_wait3A_1126 = tpu.memref_slice %arg11[%dma_wait3A_1123, %dma_wait3A_1124, %dma_wait3A_1125] : memref<3x128x64xf32, #tpu.memory_space<vmem>> -> memref<1x128x64xf32, #tpu.memory_space<vmem>>
      %dma_wait3A_1127 = tpu.memref_squeeze %dma_wait3A_1126 : memref<1x128x64xf32, #tpu.memory_space<vmem>> -> memref<128x64xf32, #tpu.memory_space<vmem>>
      %dma_wait3A_1128 = arith.constant 0 : i32
      %dma_wait3A_1129 = tpu.memref_slice %arg8[%dma_wait3A_1122, %dma_wait3A_1128] : memref<12x128xi32, #tpu.memory_space<vmem>> -> memref<1x128xi32, #tpu.memory_space<vmem>>
      %dma_wait3A_1130 = tpu.memref_squeeze %dma_wait3A_1129 : memref<1x128xi32, #tpu.memory_space<vmem>> -> memref<128xi32, #tpu.memory_space<vmem>>
      %dma_wait3A_1131 = arith.constant 0 : i32
      %dma_wait3A_1132 = arith.constant 0 : i32
      %dma_wait3A_1133 = tpu.memref_slice %arg14[%dma_wait3A_1131, %dma_wait3A_1132] : memref<10000x64xf32, #tpu.memory_space<vmem_shared>> -> memref<10000x64xf32, #tpu.memory_space<vmem_shared>>
      tpu.wait_indirect_dma semaphore(%arg17 : memref<!tpu.dma_semaphore, #tpu.memory_space<semaphore_mem>>) src(%dma_wait3A_1133 : memref<10000x64xf32, #tpu.memory_space<vmem_shared>>) dst(%dma_wait3A_1127 : memref<128x64xf32, #tpu.memory_space<vmem>>)
      %dma_start3A_1134 = arith.constant 0 : i32
      %dma_start3A_1135 = arith.constant 6 : i32
      %dma_start3A_1136 = arith.constant 0 : i32
      %dma_start3A_1137 = arith.constant 0 : i32
      %dma_start3A_1138 = tpu.memref_slice %arg11[%dma_start3A_1134, %dma_start3A_1136, %dma_start3A_1137] : memref<3x128x64xf32, #tpu.memory_space<vmem>> -> memref<1x128x64xf32, #tpu.memory_space<vmem>>
      %dma_start3A_1139 = tpu.memref_squeeze %dma_start3A_1138 : memref<1x128x64xf32, #tpu.memory_space<vmem>> -> memref<128x64xf32, #tpu.memory_space<vmem>>
      %dma_start3A_1140 = arith.constant 0 : i32
      %dma_start3A_1141 = tpu.memref_slice %arg10[%dma_start3A_1135, %dma_start3A_1140] : memref<12x128xi32, #tpu.memory_space<vmem>> -> memref<1x128xi32, #tpu.memory_space<vmem>>
      %dma_start3A_1142 = tpu.memref_squeeze %dma_start3A_1141 : memref<1x128xi32, #tpu.memory_space<vmem>> -> memref<128xi32, #tpu.memory_space<vmem>>
      %dma_start3A_1143 = arith.constant 0 : i32
      %dma_start3A_1144 = arith.constant 0 : i32
      %dma_start3A_1145 = tpu.memref_slice %arg15[%dma_start3A_1143, %dma_start3A_1144] : memref<10240x64xf32, #tpu.memory_space<vmem_shared>> -> memref<10240x64xf32, #tpu.memory_space<vmem_shared>>
      tpu.enqueue_indirect_dma source(%dma_start3A_1139 : memref<128x64xf32, #tpu.memory_space<vmem>>) target(%dma_start3A_1145 : memref<10240x64xf32, #tpu.memory_space<vmem_shared>>) offsets(%dma_start3A_1142 : memref<128xi32, #tpu.memory_space<vmem>>) semaphore(%arg20 : memref<!tpu.dma_semaphore, #tpu.memory_space<semaphore_mem>>) {add = true}
      %ge3A_1146 = arith.cmpi sge, %add3A_1121, %mul3A_61 : i32
      %lt3A_1147 = arith.cmpi slt, %add3A_1121, %add3A_63 : i32
      %and3A_1148 = arith.andi %ge3A_1146, %lt3A_1147 : i1
      %convert_element_type3A_1149 = arith.extui %and3A_1148 : i1 to i32
      %cond3A_1150 = arith.constant 0 : i32
      %cond3A_1151 = arith.cmpi ne, %convert_element_type3A_1149, %cond3A_1150 : i32
      scf.if %cond3A_1151 {
        %dma_start3A_1449 = arith.constant 6 : i32
        %dma_start3A_1450 = arith.constant 0 : i32
        %dma_start3A_1451 = tpu.memref_slice %arg10[%dma_start3A_1449, %dma_start3A_1450] : memref<12x128xi32, #tpu.memory_space<vmem>> -> memref<1x128xi32, #tpu.memory_space<vmem>>
        %dma_start3A_1452 = tpu.memref_squeeze %dma_start3A_1451 : memref<1x128xi32, #tpu.memory_space<vmem>> -> memref<128xi32, #tpu.memory_space<vmem>>
        %dma_start3A_1453 = arith.constant 0 : i32
        %dma_start3A_1454 = arith.constant 0 : i32
        %dma_start3A_1455 = tpu.memref_slice %arg16[%dma_start3A_1453, %dma_start3A_1454] : memref<10240x16xf32, #tpu.memory_space<vmem_shared>> -> memref<10240x16xf32, #tpu.memory_space<vmem_shared>>
        tpu.enqueue_indirect_dma source(%arg12 : memref<128x16xf32, #tpu.memory_space<vmem>>) target(%dma_start3A_1455 : memref<10240x16xf32, #tpu.memory_space<vmem_shared>>) offsets(%dma_start3A_1452 : memref<128xi32, #tpu.memory_space<vmem>>) semaphore(%arg25 : memref<!tpu.dma_semaphore, #tpu.memory_space<semaphore_mem>>) {add = true}
      } else {
      }
      %add3A_1152 = arith.constant 2 : i32
      %add3A_1153 = arith.addi %mul3A_61, %add3A_1152 : i32
      %ge3A_1154 = arith.cmpi sge, %add3A_1121, %add3A_1153 : i32
      %lt3A_1155 = arith.cmpi slt, %add3A_1121, %add3A_63 : i32
      %and3A_1156 = arith.andi %ge3A_1154, %lt3A_1155 : i1
      %convert_element_type3A_1157 = arith.extui %and3A_1156 : i1 to i32
      %cond3A_1158 = arith.constant 0 : i32
      %cond3A_1159 = arith.cmpi ne, %convert_element_type3A_1157, %cond3A_1158 : i32
      scf.if %cond3A_1159 {
        %dma_wait3A_1449 = arith.constant 6 : i32
        %dma_wait3A_1450 = arith.constant 0 : i32
        %dma_wait3A_1451 = tpu.memref_slice %arg10[%dma_wait3A_1449, %dma_wait3A_1450] : memref<12x128xi32, #tpu.memory_space<vmem>> -> memref<1x128xi32, #tpu.memory_space<vmem>>
        %dma_wait3A_1452 = tpu.memref_squeeze %dma_wait3A_1451 : memref<1x128xi32, #tpu.memory_space<vmem>> -> memref<128xi32, #tpu.memory_space<vmem>>
        %dma_wait3A_1453 = arith.constant 0 : i32
        %dma_wait3A_1454 = arith.constant 0 : i32
        %dma_wait3A_1455 = tpu.memref_slice %arg16[%dma_wait3A_1453, %dma_wait3A_1454] : memref<10240x16xf32, #tpu.memory_space<vmem_shared>> -> memref<10240x16xf32, #tpu.memory_space<vmem_shared>>
        tpu.wait_indirect_dma semaphore(%arg25 : memref<!tpu.dma_semaphore, #tpu.memory_space<semaphore_mem>>) src(%arg12 : memref<128x16xf32, #tpu.memory_space<vmem>>) dst(%dma_wait3A_1455 : memref<10240x16xf32, #tpu.memory_space<vmem_shared>>)
      } else {
      }
      %ge3A_1160 = arith.constant 1 : i32
      %ge3A_1161 = arith.cmpi sge, %add3A_1121, %ge3A_1160 : i32
      %convert_element_type3A_1162 = arith.extui %ge3A_1161 : i1 to i32
      %cond3A_1163 = arith.constant 0 : i32
      %cond3A_1164 = arith.cmpi ne, %convert_element_type3A_1162, %cond3A_1163 : i32
      scf.if %cond3A_1164 {
        %dma_wait3A_1449 = arith.constant 2 : i32
        %dma_wait3A_1450 = arith.constant 0 : i32
        %dma_wait3A_1451 = arith.constant 0 : i32
        %dma_wait3A_1452 = arith.constant 0 : i32
        %dma_wait3A_1453 = tpu.memref_slice %arg11[%dma_wait3A_1449, %dma_wait3A_1451, %dma_wait3A_1452] : memref<3x128x64xf32, #tpu.memory_space<vmem>> -> memref<1x128x64xf32, #tpu.memory_space<vmem>>
        %dma_wait3A_1454 = tpu.memref_squeeze %dma_wait3A_1453 : memref<1x128x64xf32, #tpu.memory_space<vmem>> -> memref<128x64xf32, #tpu.memory_space<vmem>>
        %dma_wait3A_1455 = arith.constant 0 : i32
        %dma_wait3A_1456 = tpu.memref_slice %arg10[%dma_wait3A_1450, %dma_wait3A_1455] : memref<12x128xi32, #tpu.memory_space<vmem>> -> memref<1x128xi32, #tpu.memory_space<vmem>>
        %dma_wait3A_1457 = tpu.memref_squeeze %dma_wait3A_1456 : memref<1x128xi32, #tpu.memory_space<vmem>> -> memref<128xi32, #tpu.memory_space<vmem>>
        %dma_wait3A_1458 = arith.constant 0 : i32
        %dma_wait3A_1459 = arith.constant 0 : i32
        %dma_wait3A_1460 = tpu.memref_slice %arg15[%dma_wait3A_1458, %dma_wait3A_1459] : memref<10240x64xf32, #tpu.memory_space<vmem_shared>> -> memref<10240x64xf32, #tpu.memory_space<vmem_shared>>
        tpu.wait_indirect_dma semaphore(%arg22 : memref<!tpu.dma_semaphore, #tpu.memory_space<semaphore_mem>>) src(%dma_wait3A_1454 : memref<128x64xf32, #tpu.memory_space<vmem>>) dst(%dma_wait3A_1460 : memref<10240x64xf32, #tpu.memory_space<vmem_shared>>)
      } else {
      }
      %add3A_1165 = arith.constant 2 : i32
      %add3A_1166 = arith.addi %add3A_1121, %add3A_1165 : i32
      %lt3A_1167 = arith.constant 168 : i32
      %lt3A_1168 = arith.cmpi slt, %add3A_1166, %lt3A_1167 : i32
      %convert_element_type3A_1169 = arith.extui %lt3A_1168 : i1 to i32
      %cond3A_1170 = arith.constant 0 : i32
      %cond3A_1171 = arith.cmpi ne, %convert_element_type3A_1169, %cond3A_1170 : i32
      scf.if %cond3A_1171 {
        %dma_start3A_1449 = arith.constant 8 : i32
        %dma_start3A_1450 = arith.constant 2 : i32
        %dma_start3A_1451 = arith.constant 0 : i32
        %dma_start3A_1452 = arith.constant 0 : i32
        %dma_start3A_1453 = tpu.memref_slice %arg11[%dma_start3A_1450, %dma_start3A_1451, %dma_start3A_1452] : memref<3x128x64xf32, #tpu.memory_space<vmem>> -> memref<1x128x64xf32, #tpu.memory_space<vmem>>
        %dma_start3A_1454 = tpu.memref_squeeze %dma_start3A_1453 : memref<1x128x64xf32, #tpu.memory_space<vmem>> -> memref<128x64xf32, #tpu.memory_space<vmem>>
        %dma_start3A_1455 = arith.constant 0 : i32
        %dma_start3A_1456 = tpu.memref_slice %arg8[%dma_start3A_1449, %dma_start3A_1455] : memref<12x128xi32, #tpu.memory_space<vmem>> -> memref<1x128xi32, #tpu.memory_space<vmem>>
        %dma_start3A_1457 = tpu.memref_squeeze %dma_start3A_1456 : memref<1x128xi32, #tpu.memory_space<vmem>> -> memref<128xi32, #tpu.memory_space<vmem>>
        %dma_start3A_1458 = arith.constant 0 : i32
        %dma_start3A_1459 = arith.constant 0 : i32
        %dma_start3A_1460 = tpu.memref_slice %arg14[%dma_start3A_1458, %dma_start3A_1459] : memref<10000x64xf32, #tpu.memory_space<vmem_shared>> -> memref<10000x64xf32, #tpu.memory_space<vmem_shared>>
        tpu.enqueue_indirect_dma source(%dma_start3A_1460 : memref<10000x64xf32, #tpu.memory_space<vmem_shared>>) target(%dma_start3A_1454 : memref<128x64xf32, #tpu.memory_space<vmem>>) offsets(%dma_start3A_1457 : memref<128xi32, #tpu.memory_space<vmem>>) semaphore(%arg19 : memref<!tpu.dma_semaphore, #tpu.memory_space<semaphore_mem>>)
      } else {
      }
      %mul3A_1172 = arith.constant 12 : i32
      %mul3A_1173 = arith.muli %add3A_786, %mul3A_1172 : i32
      %add3A_1174 = arith.constant 7 : i32
      %add3A_1175 = arith.addi %mul3A_1173, %add3A_1174 : i32
      %dma_wait3A_1176 = arith.constant 7 : i32
      %dma_wait3A_1177 = arith.constant 1 : i32
      %dma_wait3A_1178 = arith.constant 0 : i32
      %dma_wait3A_1179 = arith.constant 0 : i32
      %dma_wait3A_1180 = tpu.memref_slice %arg11[%dma_wait3A_1177, %dma_wait3A_1178, %dma_wait3A_1179] : memref<3x128x64xf32, #tpu.memory_space<vmem>> -> memref<1x128x64xf32, #tpu.memory_space<vmem>>
      %dma_wait3A_1181 = tpu.memref_squeeze %dma_wait3A_1180 : memref<1x128x64xf32, #tpu.memory_space<vmem>> -> memref<128x64xf32, #tpu.memory_space<vmem>>
      %dma_wait3A_1182 = arith.constant 0 : i32
      %dma_wait3A_1183 = tpu.memref_slice %arg8[%dma_wait3A_1176, %dma_wait3A_1182] : memref<12x128xi32, #tpu.memory_space<vmem>> -> memref<1x128xi32, #tpu.memory_space<vmem>>
      %dma_wait3A_1184 = tpu.memref_squeeze %dma_wait3A_1183 : memref<1x128xi32, #tpu.memory_space<vmem>> -> memref<128xi32, #tpu.memory_space<vmem>>
      %dma_wait3A_1185 = arith.constant 0 : i32
      %dma_wait3A_1186 = arith.constant 0 : i32
      %dma_wait3A_1187 = tpu.memref_slice %arg14[%dma_wait3A_1185, %dma_wait3A_1186] : memref<10000x64xf32, #tpu.memory_space<vmem_shared>> -> memref<10000x64xf32, #tpu.memory_space<vmem_shared>>
      tpu.wait_indirect_dma semaphore(%arg18 : memref<!tpu.dma_semaphore, #tpu.memory_space<semaphore_mem>>) src(%dma_wait3A_1187 : memref<10000x64xf32, #tpu.memory_space<vmem_shared>>) dst(%dma_wait3A_1181 : memref<128x64xf32, #tpu.memory_space<vmem>>)
      %dma_start3A_1188 = arith.constant 1 : i32
      %dma_start3A_1189 = arith.constant 7 : i32
      %dma_start3A_1190 = arith.constant 0 : i32
      %dma_start3A_1191 = arith.constant 0 : i32
      %dma_start3A_1192 = tpu.memref_slice %arg11[%dma_start3A_1188, %dma_start3A_1190, %dma_start3A_1191] : memref<3x128x64xf32, #tpu.memory_space<vmem>> -> memref<1x128x64xf32, #tpu.memory_space<vmem>>
      %dma_start3A_1193 = tpu.memref_squeeze %dma_start3A_1192 : memref<1x128x64xf32, #tpu.memory_space<vmem>> -> memref<128x64xf32, #tpu.memory_space<vmem>>
      %dma_start3A_1194 = arith.constant 0 : i32
      %dma_start3A_1195 = tpu.memref_slice %arg10[%dma_start3A_1189, %dma_start3A_1194] : memref<12x128xi32, #tpu.memory_space<vmem>> -> memref<1x128xi32, #tpu.memory_space<vmem>>
      %dma_start3A_1196 = tpu.memref_squeeze %dma_start3A_1195 : memref<1x128xi32, #tpu.memory_space<vmem>> -> memref<128xi32, #tpu.memory_space<vmem>>
      %dma_start3A_1197 = arith.constant 0 : i32
      %dma_start3A_1198 = arith.constant 0 : i32
      %dma_start3A_1199 = tpu.memref_slice %arg15[%dma_start3A_1197, %dma_start3A_1198] : memref<10240x64xf32, #tpu.memory_space<vmem_shared>> -> memref<10240x64xf32, #tpu.memory_space<vmem_shared>>
      tpu.enqueue_indirect_dma source(%dma_start3A_1193 : memref<128x64xf32, #tpu.memory_space<vmem>>) target(%dma_start3A_1199 : memref<10240x64xf32, #tpu.memory_space<vmem_shared>>) offsets(%dma_start3A_1196 : memref<128xi32, #tpu.memory_space<vmem>>) semaphore(%arg21 : memref<!tpu.dma_semaphore, #tpu.memory_space<semaphore_mem>>) {add = true}
      %ge3A_1200 = arith.cmpi sge, %add3A_1175, %mul3A_61 : i32
      %lt3A_1201 = arith.cmpi slt, %add3A_1175, %add3A_63 : i32
      %and3A_1202 = arith.andi %ge3A_1200, %lt3A_1201 : i1
      %convert_element_type3A_1203 = arith.extui %and3A_1202 : i1 to i32
      %cond3A_1204 = arith.constant 0 : i32
      %cond3A_1205 = arith.cmpi ne, %convert_element_type3A_1203, %cond3A_1204 : i32
      scf.if %cond3A_1205 {
        %dma_start3A_1449 = arith.constant 7 : i32
        %dma_start3A_1450 = arith.constant 0 : i32
        %dma_start3A_1451 = tpu.memref_slice %arg10[%dma_start3A_1449, %dma_start3A_1450] : memref<12x128xi32, #tpu.memory_space<vmem>> -> memref<1x128xi32, #tpu.memory_space<vmem>>
        %dma_start3A_1452 = tpu.memref_squeeze %dma_start3A_1451 : memref<1x128xi32, #tpu.memory_space<vmem>> -> memref<128xi32, #tpu.memory_space<vmem>>
        %dma_start3A_1453 = arith.constant 0 : i32
        %dma_start3A_1454 = arith.constant 0 : i32
        %dma_start3A_1455 = tpu.memref_slice %arg16[%dma_start3A_1453, %dma_start3A_1454] : memref<10240x16xf32, #tpu.memory_space<vmem_shared>> -> memref<10240x16xf32, #tpu.memory_space<vmem_shared>>
        tpu.enqueue_indirect_dma source(%arg12 : memref<128x16xf32, #tpu.memory_space<vmem>>) target(%dma_start3A_1455 : memref<10240x16xf32, #tpu.memory_space<vmem_shared>>) offsets(%dma_start3A_1452 : memref<128xi32, #tpu.memory_space<vmem>>) semaphore(%arg26 : memref<!tpu.dma_semaphore, #tpu.memory_space<semaphore_mem>>) {add = true}
      } else {
      }
      %add3A_1206 = arith.constant 2 : i32
      %add3A_1207 = arith.addi %mul3A_61, %add3A_1206 : i32
      %ge3A_1208 = arith.cmpi sge, %add3A_1175, %add3A_1207 : i32
      %lt3A_1209 = arith.cmpi slt, %add3A_1175, %add3A_63 : i32
      %and3A_1210 = arith.andi %ge3A_1208, %lt3A_1209 : i1
      %convert_element_type3A_1211 = arith.extui %and3A_1210 : i1 to i32
      %cond3A_1212 = arith.constant 0 : i32
      %cond3A_1213 = arith.cmpi ne, %convert_element_type3A_1211, %cond3A_1212 : i32
      scf.if %cond3A_1213 {
        %dma_wait3A_1449 = arith.constant 7 : i32
        %dma_wait3A_1450 = arith.constant 0 : i32
        %dma_wait3A_1451 = tpu.memref_slice %arg10[%dma_wait3A_1449, %dma_wait3A_1450] : memref<12x128xi32, #tpu.memory_space<vmem>> -> memref<1x128xi32, #tpu.memory_space<vmem>>
        %dma_wait3A_1452 = tpu.memref_squeeze %dma_wait3A_1451 : memref<1x128xi32, #tpu.memory_space<vmem>> -> memref<128xi32, #tpu.memory_space<vmem>>
        %dma_wait3A_1453 = arith.constant 0 : i32
        %dma_wait3A_1454 = arith.constant 0 : i32
        %dma_wait3A_1455 = tpu.memref_slice %arg16[%dma_wait3A_1453, %dma_wait3A_1454] : memref<10240x16xf32, #tpu.memory_space<vmem_shared>> -> memref<10240x16xf32, #tpu.memory_space<vmem_shared>>
        tpu.wait_indirect_dma semaphore(%arg26 : memref<!tpu.dma_semaphore, #tpu.memory_space<semaphore_mem>>) src(%arg12 : memref<128x16xf32, #tpu.memory_space<vmem>>) dst(%dma_wait3A_1455 : memref<10240x16xf32, #tpu.memory_space<vmem_shared>>)
      } else {
      }
      %ge3A_1214 = arith.constant 1 : i32
      %ge3A_1215 = arith.cmpi sge, %add3A_1175, %ge3A_1214 : i32
      %convert_element_type3A_1216 = arith.extui %ge3A_1215 : i1 to i32
      %cond3A_1217 = arith.constant 0 : i32
      %cond3A_1218 = arith.cmpi ne, %convert_element_type3A_1216, %cond3A_1217 : i32
      scf.if %cond3A_1218 {
        %dma_wait3A_1449 = arith.constant 0 : i32
        %dma_wait3A_1450 = arith.constant 0 : i32
        %dma_wait3A_1451 = arith.constant 0 : i32
        %dma_wait3A_1452 = arith.constant 0 : i32
        %dma_wait3A_1453 = tpu.memref_slice %arg11[%dma_wait3A_1449, %dma_wait3A_1451, %dma_wait3A_1452] : memref<3x128x64xf32, #tpu.memory_space<vmem>> -> memref<1x128x64xf32, #tpu.memory_space<vmem>>
        %dma_wait3A_1454 = tpu.memref_squeeze %dma_wait3A_1453 : memref<1x128x64xf32, #tpu.memory_space<vmem>> -> memref<128x64xf32, #tpu.memory_space<vmem>>
        %dma_wait3A_1455 = arith.constant 0 : i32
        %dma_wait3A_1456 = tpu.memref_slice %arg10[%dma_wait3A_1450, %dma_wait3A_1455] : memref<12x128xi32, #tpu.memory_space<vmem>> -> memref<1x128xi32, #tpu.memory_space<vmem>>
        %dma_wait3A_1457 = tpu.memref_squeeze %dma_wait3A_1456 : memref<1x128xi32, #tpu.memory_space<vmem>> -> memref<128xi32, #tpu.memory_space<vmem>>
        %dma_wait3A_1458 = arith.constant 0 : i32
        %dma_wait3A_1459 = arith.constant 0 : i32
        %dma_wait3A_1460 = tpu.memref_slice %arg15[%dma_wait3A_1458, %dma_wait3A_1459] : memref<10240x64xf32, #tpu.memory_space<vmem_shared>> -> memref<10240x64xf32, #tpu.memory_space<vmem_shared>>
        tpu.wait_indirect_dma semaphore(%arg20 : memref<!tpu.dma_semaphore, #tpu.memory_space<semaphore_mem>>) src(%dma_wait3A_1454 : memref<128x64xf32, #tpu.memory_space<vmem>>) dst(%dma_wait3A_1460 : memref<10240x64xf32, #tpu.memory_space<vmem_shared>>)
      } else {
      }
      %add3A_1219 = arith.constant 2 : i32
      %add3A_1220 = arith.addi %add3A_1175, %add3A_1219 : i32
      %lt3A_1221 = arith.constant 168 : i32
      %lt3A_1222 = arith.cmpi slt, %add3A_1220, %lt3A_1221 : i32
      %convert_element_type3A_1223 = arith.extui %lt3A_1222 : i1 to i32
      %cond3A_1224 = arith.constant 0 : i32
      %cond3A_1225 = arith.cmpi ne, %convert_element_type3A_1223, %cond3A_1224 : i32
      scf.if %cond3A_1225 {
        %dma_start3A_1449 = arith.constant 9 : i32
        %dma_start3A_1450 = arith.constant 0 : i32
        %dma_start3A_1451 = arith.constant 0 : i32
        %dma_start3A_1452 = arith.constant 0 : i32
        %dma_start3A_1453 = tpu.memref_slice %arg11[%dma_start3A_1450, %dma_start3A_1451, %dma_start3A_1452] : memref<3x128x64xf32, #tpu.memory_space<vmem>> -> memref<1x128x64xf32, #tpu.memory_space<vmem>>
        %dma_start3A_1454 = tpu.memref_squeeze %dma_start3A_1453 : memref<1x128x64xf32, #tpu.memory_space<vmem>> -> memref<128x64xf32, #tpu.memory_space<vmem>>
        %dma_start3A_1455 = arith.constant 0 : i32
        %dma_start3A_1456 = tpu.memref_slice %arg8[%dma_start3A_1449, %dma_start3A_1455] : memref<12x128xi32, #tpu.memory_space<vmem>> -> memref<1x128xi32, #tpu.memory_space<vmem>>
        %dma_start3A_1457 = tpu.memref_squeeze %dma_start3A_1456 : memref<1x128xi32, #tpu.memory_space<vmem>> -> memref<128xi32, #tpu.memory_space<vmem>>
        %dma_start3A_1458 = arith.constant 0 : i32
        %dma_start3A_1459 = arith.constant 0 : i32
        %dma_start3A_1460 = tpu.memref_slice %arg14[%dma_start3A_1458, %dma_start3A_1459] : memref<10000x64xf32, #tpu.memory_space<vmem_shared>> -> memref<10000x64xf32, #tpu.memory_space<vmem_shared>>
        tpu.enqueue_indirect_dma source(%dma_start3A_1460 : memref<10000x64xf32, #tpu.memory_space<vmem_shared>>) target(%dma_start3A_1454 : memref<128x64xf32, #tpu.memory_space<vmem>>) offsets(%dma_start3A_1457 : memref<128xi32, #tpu.memory_space<vmem>>) semaphore(%arg17 : memref<!tpu.dma_semaphore, #tpu.memory_space<semaphore_mem>>)
      } else {
      }
      %mul3A_1226 = arith.constant 12 : i32
      %mul3A_1227 = arith.muli %add3A_786, %mul3A_1226 : i32
      %add3A_1228 = arith.constant 8 : i32
      %add3A_1229 = arith.addi %mul3A_1227, %add3A_1228 : i32
      %dma_wait3A_1230 = arith.constant 8 : i32
      %dma_wait3A_1231 = arith.constant 2 : i32
      %dma_wait3A_1232 = arith.constant 0 : i32
      %dma_wait3A_1233 = arith.constant 0 : i32
      %dma_wait3A_1234 = tpu.memref_slice %arg11[%dma_wait3A_1231, %dma_wait3A_1232, %dma_wait3A_1233] : memref<3x128x64xf32, #tpu.memory_space<vmem>> -> memref<1x128x64xf32, #tpu.memory_space<vmem>>
      %dma_wait3A_1235 = tpu.memref_squeeze %dma_wait3A_1234 : memref<1x128x64xf32, #tpu.memory_space<vmem>> -> memref<128x64xf32, #tpu.memory_space<vmem>>
      %dma_wait3A_1236 = arith.constant 0 : i32
      %dma_wait3A_1237 = tpu.memref_slice %arg8[%dma_wait3A_1230, %dma_wait3A_1236] : memref<12x128xi32, #tpu.memory_space<vmem>> -> memref<1x128xi32, #tpu.memory_space<vmem>>
      %dma_wait3A_1238 = tpu.memref_squeeze %dma_wait3A_1237 : memref<1x128xi32, #tpu.memory_space<vmem>> -> memref<128xi32, #tpu.memory_space<vmem>>
      %dma_wait3A_1239 = arith.constant 0 : i32
      %dma_wait3A_1240 = arith.constant 0 : i32
      %dma_wait3A_1241 = tpu.memref_slice %arg14[%dma_wait3A_1239, %dma_wait3A_1240] : memref<10000x64xf32, #tpu.memory_space<vmem_shared>> -> memref<10000x64xf32, #tpu.memory_space<vmem_shared>>
      tpu.wait_indirect_dma semaphore(%arg19 : memref<!tpu.dma_semaphore, #tpu.memory_space<semaphore_mem>>) src(%dma_wait3A_1241 : memref<10000x64xf32, #tpu.memory_space<vmem_shared>>) dst(%dma_wait3A_1235 : memref<128x64xf32, #tpu.memory_space<vmem>>)
      %dma_start3A_1242 = arith.constant 2 : i32
      %dma_start3A_1243 = arith.constant 8 : i32
      %dma_start3A_1244 = arith.constant 0 : i32
      %dma_start3A_1245 = arith.constant 0 : i32
      %dma_start3A_1246 = tpu.memref_slice %arg11[%dma_start3A_1242, %dma_start3A_1244, %dma_start3A_1245] : memref<3x128x64xf32, #tpu.memory_space<vmem>> -> memref<1x128x64xf32, #tpu.memory_space<vmem>>
      %dma_start3A_1247 = tpu.memref_squeeze %dma_start3A_1246 : memref<1x128x64xf32, #tpu.memory_space<vmem>> -> memref<128x64xf32, #tpu.memory_space<vmem>>
      %dma_start3A_1248 = arith.constant 0 : i32
      %dma_start3A_1249 = tpu.memref_slice %arg10[%dma_start3A_1243, %dma_start3A_1248] : memref<12x128xi32, #tpu.memory_space<vmem>> -> memref<1x128xi32, #tpu.memory_space<vmem>>
      %dma_start3A_1250 = tpu.memref_squeeze %dma_start3A_1249 : memref<1x128xi32, #tpu.memory_space<vmem>> -> memref<128xi32, #tpu.memory_space<vmem>>
      %dma_start3A_1251 = arith.constant 0 : i32
      %dma_start3A_1252 = arith.constant 0 : i32
      %dma_start3A_1253 = tpu.memref_slice %arg15[%dma_start3A_1251, %dma_start3A_1252] : memref<10240x64xf32, #tpu.memory_space<vmem_shared>> -> memref<10240x64xf32, #tpu.memory_space<vmem_shared>>
      tpu.enqueue_indirect_dma source(%dma_start3A_1247 : memref<128x64xf32, #tpu.memory_space<vmem>>) target(%dma_start3A_1253 : memref<10240x64xf32, #tpu.memory_space<vmem_shared>>) offsets(%dma_start3A_1250 : memref<128xi32, #tpu.memory_space<vmem>>) semaphore(%arg22 : memref<!tpu.dma_semaphore, #tpu.memory_space<semaphore_mem>>) {add = true}
      %ge3A_1254 = arith.cmpi sge, %add3A_1229, %mul3A_61 : i32
      %lt3A_1255 = arith.cmpi slt, %add3A_1229, %add3A_63 : i32
      %and3A_1256 = arith.andi %ge3A_1254, %lt3A_1255 : i1
      %convert_element_type3A_1257 = arith.extui %and3A_1256 : i1 to i32
      %cond3A_1258 = arith.constant 0 : i32
      %cond3A_1259 = arith.cmpi ne, %convert_element_type3A_1257, %cond3A_1258 : i32
      scf.if %cond3A_1259 {
        %dma_start3A_1449 = arith.constant 8 : i32
        %dma_start3A_1450 = arith.constant 0 : i32
        %dma_start3A_1451 = tpu.memref_slice %arg10[%dma_start3A_1449, %dma_start3A_1450] : memref<12x128xi32, #tpu.memory_space<vmem>> -> memref<1x128xi32, #tpu.memory_space<vmem>>
        %dma_start3A_1452 = tpu.memref_squeeze %dma_start3A_1451 : memref<1x128xi32, #tpu.memory_space<vmem>> -> memref<128xi32, #tpu.memory_space<vmem>>
        %dma_start3A_1453 = arith.constant 0 : i32
        %dma_start3A_1454 = arith.constant 0 : i32
        %dma_start3A_1455 = tpu.memref_slice %arg16[%dma_start3A_1453, %dma_start3A_1454] : memref<10240x16xf32, #tpu.memory_space<vmem_shared>> -> memref<10240x16xf32, #tpu.memory_space<vmem_shared>>
        tpu.enqueue_indirect_dma source(%arg12 : memref<128x16xf32, #tpu.memory_space<vmem>>) target(%dma_start3A_1455 : memref<10240x16xf32, #tpu.memory_space<vmem_shared>>) offsets(%dma_start3A_1452 : memref<128xi32, #tpu.memory_space<vmem>>) semaphore(%arg25 : memref<!tpu.dma_semaphore, #tpu.memory_space<semaphore_mem>>) {add = true}
      } else {
      }
      %add3A_1260 = arith.constant 2 : i32
      %add3A_1261 = arith.addi %mul3A_61, %add3A_1260 : i32
      %ge3A_1262 = arith.cmpi sge, %add3A_1229, %add3A_1261 : i32
      %lt3A_1263 = arith.cmpi slt, %add3A_1229, %add3A_63 : i32
      %and3A_1264 = arith.andi %ge3A_1262, %lt3A_1263 : i1
      %convert_element_type3A_1265 = arith.extui %and3A_1264 : i1 to i32
      %cond3A_1266 = arith.constant 0 : i32
      %cond3A_1267 = arith.cmpi ne, %convert_element_type3A_1265, %cond3A_1266 : i32
      scf.if %cond3A_1267 {
        %dma_wait3A_1449 = arith.constant 8 : i32
        %dma_wait3A_1450 = arith.constant 0 : i32
        %dma_wait3A_1451 = tpu.memref_slice %arg10[%dma_wait3A_1449, %dma_wait3A_1450] : memref<12x128xi32, #tpu.memory_space<vmem>> -> memref<1x128xi32, #tpu.memory_space<vmem>>
        %dma_wait3A_1452 = tpu.memref_squeeze %dma_wait3A_1451 : memref<1x128xi32, #tpu.memory_space<vmem>> -> memref<128xi32, #tpu.memory_space<vmem>>
        %dma_wait3A_1453 = arith.constant 0 : i32
        %dma_wait3A_1454 = arith.constant 0 : i32
        %dma_wait3A_1455 = tpu.memref_slice %arg16[%dma_wait3A_1453, %dma_wait3A_1454] : memref<10240x16xf32, #tpu.memory_space<vmem_shared>> -> memref<10240x16xf32, #tpu.memory_space<vmem_shared>>
        tpu.wait_indirect_dma semaphore(%arg25 : memref<!tpu.dma_semaphore, #tpu.memory_space<semaphore_mem>>) src(%arg12 : memref<128x16xf32, #tpu.memory_space<vmem>>) dst(%dma_wait3A_1455 : memref<10240x16xf32, #tpu.memory_space<vmem_shared>>)
      } else {
      }
      %ge3A_1268 = arith.constant 1 : i32
      %ge3A_1269 = arith.cmpi sge, %add3A_1229, %ge3A_1268 : i32
      %convert_element_type3A_1270 = arith.extui %ge3A_1269 : i1 to i32
      %cond3A_1271 = arith.constant 0 : i32
      %cond3A_1272 = arith.cmpi ne, %convert_element_type3A_1270, %cond3A_1271 : i32
      scf.if %cond3A_1272 {
        %dma_wait3A_1449 = arith.constant 1 : i32
        %dma_wait3A_1450 = arith.constant 0 : i32
        %dma_wait3A_1451 = arith.constant 0 : i32
        %dma_wait3A_1452 = arith.constant 0 : i32
        %dma_wait3A_1453 = tpu.memref_slice %arg11[%dma_wait3A_1449, %dma_wait3A_1451, %dma_wait3A_1452] : memref<3x128x64xf32, #tpu.memory_space<vmem>> -> memref<1x128x64xf32, #tpu.memory_space<vmem>>
        %dma_wait3A_1454 = tpu.memref_squeeze %dma_wait3A_1453 : memref<1x128x64xf32, #tpu.memory_space<vmem>> -> memref<128x64xf32, #tpu.memory_space<vmem>>
        %dma_wait3A_1455 = arith.constant 0 : i32
        %dma_wait3A_1456 = tpu.memref_slice %arg10[%dma_wait3A_1450, %dma_wait3A_1455] : memref<12x128xi32, #tpu.memory_space<vmem>> -> memref<1x128xi32, #tpu.memory_space<vmem>>
        %dma_wait3A_1457 = tpu.memref_squeeze %dma_wait3A_1456 : memref<1x128xi32, #tpu.memory_space<vmem>> -> memref<128xi32, #tpu.memory_space<vmem>>
        %dma_wait3A_1458 = arith.constant 0 : i32
        %dma_wait3A_1459 = arith.constant 0 : i32
        %dma_wait3A_1460 = tpu.memref_slice %arg15[%dma_wait3A_1458, %dma_wait3A_1459] : memref<10240x64xf32, #tpu.memory_space<vmem_shared>> -> memref<10240x64xf32, #tpu.memory_space<vmem_shared>>
        tpu.wait_indirect_dma semaphore(%arg21 : memref<!tpu.dma_semaphore, #tpu.memory_space<semaphore_mem>>) src(%dma_wait3A_1454 : memref<128x64xf32, #tpu.memory_space<vmem>>) dst(%dma_wait3A_1460 : memref<10240x64xf32, #tpu.memory_space<vmem_shared>>)
      } else {
      }
      %add3A_1273 = arith.constant 2 : i32
      %add3A_1274 = arith.addi %add3A_1229, %add3A_1273 : i32
      %lt3A_1275 = arith.constant 168 : i32
      %lt3A_1276 = arith.cmpi slt, %add3A_1274, %lt3A_1275 : i32
      %convert_element_type3A_1277 = arith.extui %lt3A_1276 : i1 to i32
      %cond3A_1278 = arith.constant 0 : i32
      %cond3A_1279 = arith.cmpi ne, %convert_element_type3A_1277, %cond3A_1278 : i32
      scf.if %cond3A_1279 {
        %dma_start3A_1449 = arith.constant 10 : i32
        %dma_start3A_1450 = arith.constant 1 : i32
        %dma_start3A_1451 = arith.constant 0 : i32
        %dma_start3A_1452 = arith.constant 0 : i32
        %dma_start3A_1453 = tpu.memref_slice %arg11[%dma_start3A_1450, %dma_start3A_1451, %dma_start3A_1452] : memref<3x128x64xf32, #tpu.memory_space<vmem>> -> memref<1x128x64xf32, #tpu.memory_space<vmem>>
        %dma_start3A_1454 = tpu.memref_squeeze %dma_start3A_1453 : memref<1x128x64xf32, #tpu.memory_space<vmem>> -> memref<128x64xf32, #tpu.memory_space<vmem>>
        %dma_start3A_1455 = arith.constant 0 : i32
        %dma_start3A_1456 = tpu.memref_slice %arg8[%dma_start3A_1449, %dma_start3A_1455] : memref<12x128xi32, #tpu.memory_space<vmem>> -> memref<1x128xi32, #tpu.memory_space<vmem>>
        %dma_start3A_1457 = tpu.memref_squeeze %dma_start3A_1456 : memref<1x128xi32, #tpu.memory_space<vmem>> -> memref<128xi32, #tpu.memory_space<vmem>>
        %dma_start3A_1458 = arith.constant 0 : i32
        %dma_start3A_1459 = arith.constant 0 : i32
        %dma_start3A_1460 = tpu.memref_slice %arg14[%dma_start3A_1458, %dma_start3A_1459] : memref<10000x64xf32, #tpu.memory_space<vmem_shared>> -> memref<10000x64xf32, #tpu.memory_space<vmem_shared>>
        tpu.enqueue_indirect_dma source(%dma_start3A_1460 : memref<10000x64xf32, #tpu.memory_space<vmem_shared>>) target(%dma_start3A_1454 : memref<128x64xf32, #tpu.memory_space<vmem>>) offsets(%dma_start3A_1457 : memref<128xi32, #tpu.memory_space<vmem>>) semaphore(%arg18 : memref<!tpu.dma_semaphore, #tpu.memory_space<semaphore_mem>>)
      } else {
      }
      %mul3A_1280 = arith.constant 12 : i32
      %mul3A_1281 = arith.muli %add3A_786, %mul3A_1280 : i32
      %add3A_1282 = arith.constant 9 : i32
      %add3A_1283 = arith.addi %mul3A_1281, %add3A_1282 : i32
      %dma_wait3A_1284 = arith.constant 9 : i32
      %dma_wait3A_1285 = arith.constant 0 : i32
      %dma_wait3A_1286 = arith.constant 0 : i32
      %dma_wait3A_1287 = arith.constant 0 : i32
      %dma_wait3A_1288 = tpu.memref_slice %arg11[%dma_wait3A_1285, %dma_wait3A_1286, %dma_wait3A_1287] : memref<3x128x64xf32, #tpu.memory_space<vmem>> -> memref<1x128x64xf32, #tpu.memory_space<vmem>>
      %dma_wait3A_1289 = tpu.memref_squeeze %dma_wait3A_1288 : memref<1x128x64xf32, #tpu.memory_space<vmem>> -> memref<128x64xf32, #tpu.memory_space<vmem>>
      %dma_wait3A_1290 = arith.constant 0 : i32
      %dma_wait3A_1291 = tpu.memref_slice %arg8[%dma_wait3A_1284, %dma_wait3A_1290] : memref<12x128xi32, #tpu.memory_space<vmem>> -> memref<1x128xi32, #tpu.memory_space<vmem>>
      %dma_wait3A_1292 = tpu.memref_squeeze %dma_wait3A_1291 : memref<1x128xi32, #tpu.memory_space<vmem>> -> memref<128xi32, #tpu.memory_space<vmem>>
      %dma_wait3A_1293 = arith.constant 0 : i32
      %dma_wait3A_1294 = arith.constant 0 : i32
      %dma_wait3A_1295 = tpu.memref_slice %arg14[%dma_wait3A_1293, %dma_wait3A_1294] : memref<10000x64xf32, #tpu.memory_space<vmem_shared>> -> memref<10000x64xf32, #tpu.memory_space<vmem_shared>>
      tpu.wait_indirect_dma semaphore(%arg17 : memref<!tpu.dma_semaphore, #tpu.memory_space<semaphore_mem>>) src(%dma_wait3A_1295 : memref<10000x64xf32, #tpu.memory_space<vmem_shared>>) dst(%dma_wait3A_1289 : memref<128x64xf32, #tpu.memory_space<vmem>>)
      %dma_start3A_1296 = arith.constant 0 : i32
      %dma_start3A_1297 = arith.constant 9 : i32
      %dma_start3A_1298 = arith.constant 0 : i32
      %dma_start3A_1299 = arith.constant 0 : i32
      %dma_start3A_1300 = tpu.memref_slice %arg11[%dma_start3A_1296, %dma_start3A_1298, %dma_start3A_1299] : memref<3x128x64xf32, #tpu.memory_space<vmem>> -> memref<1x128x64xf32, #tpu.memory_space<vmem>>
      %dma_start3A_1301 = tpu.memref_squeeze %dma_start3A_1300 : memref<1x128x64xf32, #tpu.memory_space<vmem>> -> memref<128x64xf32, #tpu.memory_space<vmem>>
      %dma_start3A_1302 = arith.constant 0 : i32
      %dma_start3A_1303 = tpu.memref_slice %arg10[%dma_start3A_1297, %dma_start3A_1302] : memref<12x128xi32, #tpu.memory_space<vmem>> -> memref<1x128xi32, #tpu.memory_space<vmem>>
      %dma_start3A_1304 = tpu.memref_squeeze %dma_start3A_1303 : memref<1x128xi32, #tpu.memory_space<vmem>> -> memref<128xi32, #tpu.memory_space<vmem>>
      %dma_start3A_1305 = arith.constant 0 : i32
      %dma_start3A_1306 = arith.constant 0 : i32
      %dma_start3A_1307 = tpu.memref_slice %arg15[%dma_start3A_1305, %dma_start3A_1306] : memref<10240x64xf32, #tpu.memory_space<vmem_shared>> -> memref<10240x64xf32, #tpu.memory_space<vmem_shared>>
      tpu.enqueue_indirect_dma source(%dma_start3A_1301 : memref<128x64xf32, #tpu.memory_space<vmem>>) target(%dma_start3A_1307 : memref<10240x64xf32, #tpu.memory_space<vmem_shared>>) offsets(%dma_start3A_1304 : memref<128xi32, #tpu.memory_space<vmem>>) semaphore(%arg20 : memref<!tpu.dma_semaphore, #tpu.memory_space<semaphore_mem>>) {add = true}
      %ge3A_1308 = arith.cmpi sge, %add3A_1283, %mul3A_61 : i32
      %lt3A_1309 = arith.cmpi slt, %add3A_1283, %add3A_63 : i32
      %and3A_1310 = arith.andi %ge3A_1308, %lt3A_1309 : i1
      %convert_element_type3A_1311 = arith.extui %and3A_1310 : i1 to i32
      %cond3A_1312 = arith.constant 0 : i32
      %cond3A_1313 = arith.cmpi ne, %convert_element_type3A_1311, %cond3A_1312 : i32
      scf.if %cond3A_1313 {
        %dma_start3A_1449 = arith.constant 9 : i32
        %dma_start3A_1450 = arith.constant 0 : i32
        %dma_start3A_1451 = tpu.memref_slice %arg10[%dma_start3A_1449, %dma_start3A_1450] : memref<12x128xi32, #tpu.memory_space<vmem>> -> memref<1x128xi32, #tpu.memory_space<vmem>>
        %dma_start3A_1452 = tpu.memref_squeeze %dma_start3A_1451 : memref<1x128xi32, #tpu.memory_space<vmem>> -> memref<128xi32, #tpu.memory_space<vmem>>
        %dma_start3A_1453 = arith.constant 0 : i32
        %dma_start3A_1454 = arith.constant 0 : i32
        %dma_start3A_1455 = tpu.memref_slice %arg16[%dma_start3A_1453, %dma_start3A_1454] : memref<10240x16xf32, #tpu.memory_space<vmem_shared>> -> memref<10240x16xf32, #tpu.memory_space<vmem_shared>>
        tpu.enqueue_indirect_dma source(%arg12 : memref<128x16xf32, #tpu.memory_space<vmem>>) target(%dma_start3A_1455 : memref<10240x16xf32, #tpu.memory_space<vmem_shared>>) offsets(%dma_start3A_1452 : memref<128xi32, #tpu.memory_space<vmem>>) semaphore(%arg26 : memref<!tpu.dma_semaphore, #tpu.memory_space<semaphore_mem>>) {add = true}
      } else {
      }
      %add3A_1314 = arith.constant 2 : i32
      %add3A_1315 = arith.addi %mul3A_61, %add3A_1314 : i32
      %ge3A_1316 = arith.cmpi sge, %add3A_1283, %add3A_1315 : i32
      %lt3A_1317 = arith.cmpi slt, %add3A_1283, %add3A_63 : i32
      %and3A_1318 = arith.andi %ge3A_1316, %lt3A_1317 : i1
      %convert_element_type3A_1319 = arith.extui %and3A_1318 : i1 to i32
      %cond3A_1320 = arith.constant 0 : i32
      %cond3A_1321 = arith.cmpi ne, %convert_element_type3A_1319, %cond3A_1320 : i32
      scf.if %cond3A_1321 {
        %dma_wait3A_1449 = arith.constant 9 : i32
        %dma_wait3A_1450 = arith.constant 0 : i32
        %dma_wait3A_1451 = tpu.memref_slice %arg10[%dma_wait3A_1449, %dma_wait3A_1450] : memref<12x128xi32, #tpu.memory_space<vmem>> -> memref<1x128xi32, #tpu.memory_space<vmem>>
        %dma_wait3A_1452 = tpu.memref_squeeze %dma_wait3A_1451 : memref<1x128xi32, #tpu.memory_space<vmem>> -> memref<128xi32, #tpu.memory_space<vmem>>
        %dma_wait3A_1453 = arith.constant 0 : i32
        %dma_wait3A_1454 = arith.constant 0 : i32
        %dma_wait3A_1455 = tpu.memref_slice %arg16[%dma_wait3A_1453, %dma_wait3A_1454] : memref<10240x16xf32, #tpu.memory_space<vmem_shared>> -> memref<10240x16xf32, #tpu.memory_space<vmem_shared>>
        tpu.wait_indirect_dma semaphore(%arg26 : memref<!tpu.dma_semaphore, #tpu.memory_space<semaphore_mem>>) src(%arg12 : memref<128x16xf32, #tpu.memory_space<vmem>>) dst(%dma_wait3A_1455 : memref<10240x16xf32, #tpu.memory_space<vmem_shared>>)
      } else {
      }
      %ge3A_1322 = arith.constant 1 : i32
      %ge3A_1323 = arith.cmpi sge, %add3A_1283, %ge3A_1322 : i32
      %convert_element_type3A_1324 = arith.extui %ge3A_1323 : i1 to i32
      %cond3A_1325 = arith.constant 0 : i32
      %cond3A_1326 = arith.cmpi ne, %convert_element_type3A_1324, %cond3A_1325 : i32
      scf.if %cond3A_1326 {
        %dma_wait3A_1449 = arith.constant 2 : i32
        %dma_wait3A_1450 = arith.constant 0 : i32
        %dma_wait3A_1451 = arith.constant 0 : i32
        %dma_wait3A_1452 = arith.constant 0 : i32
        %dma_wait3A_1453 = tpu.memref_slice %arg11[%dma_wait3A_1449, %dma_wait3A_1451, %dma_wait3A_1452] : memref<3x128x64xf32, #tpu.memory_space<vmem>> -> memref<1x128x64xf32, #tpu.memory_space<vmem>>
        %dma_wait3A_1454 = tpu.memref_squeeze %dma_wait3A_1453 : memref<1x128x64xf32, #tpu.memory_space<vmem>> -> memref<128x64xf32, #tpu.memory_space<vmem>>
        %dma_wait3A_1455 = arith.constant 0 : i32
        %dma_wait3A_1456 = tpu.memref_slice %arg10[%dma_wait3A_1450, %dma_wait3A_1455] : memref<12x128xi32, #tpu.memory_space<vmem>> -> memref<1x128xi32, #tpu.memory_space<vmem>>
        %dma_wait3A_1457 = tpu.memref_squeeze %dma_wait3A_1456 : memref<1x128xi32, #tpu.memory_space<vmem>> -> memref<128xi32, #tpu.memory_space<vmem>>
        %dma_wait3A_1458 = arith.constant 0 : i32
        %dma_wait3A_1459 = arith.constant 0 : i32
        %dma_wait3A_1460 = tpu.memref_slice %arg15[%dma_wait3A_1458, %dma_wait3A_1459] : memref<10240x64xf32, #tpu.memory_space<vmem_shared>> -> memref<10240x64xf32, #tpu.memory_space<vmem_shared>>
        tpu.wait_indirect_dma semaphore(%arg22 : memref<!tpu.dma_semaphore, #tpu.memory_space<semaphore_mem>>) src(%dma_wait3A_1454 : memref<128x64xf32, #tpu.memory_space<vmem>>) dst(%dma_wait3A_1460 : memref<10240x64xf32, #tpu.memory_space<vmem_shared>>)
      } else {
      }
      %add3A_1327 = arith.constant 2 : i32
      %add3A_1328 = arith.addi %add3A_1283, %add3A_1327 : i32
      %lt3A_1329 = arith.constant 168 : i32
      %lt3A_1330 = arith.cmpi slt, %add3A_1328, %lt3A_1329 : i32
      %convert_element_type3A_1331 = arith.extui %lt3A_1330 : i1 to i32
      %cond3A_1332 = arith.constant 0 : i32
      %cond3A_1333 = arith.cmpi ne, %convert_element_type3A_1331, %cond3A_1332 : i32
      scf.if %cond3A_1333 {
        %dma_start3A_1449 = arith.constant 11 : i32
        %dma_start3A_1450 = arith.constant 2 : i32
        %dma_start3A_1451 = arith.constant 0 : i32
        %dma_start3A_1452 = arith.constant 0 : i32
        %dma_start3A_1453 = tpu.memref_slice %arg11[%dma_start3A_1450, %dma_start3A_1451, %dma_start3A_1452] : memref<3x128x64xf32, #tpu.memory_space<vmem>> -> memref<1x128x64xf32, #tpu.memory_space<vmem>>
        %dma_start3A_1454 = tpu.memref_squeeze %dma_start3A_1453 : memref<1x128x64xf32, #tpu.memory_space<vmem>> -> memref<128x64xf32, #tpu.memory_space<vmem>>
        %dma_start3A_1455 = arith.constant 0 : i32
        %dma_start3A_1456 = tpu.memref_slice %arg8[%dma_start3A_1449, %dma_start3A_1455] : memref<12x128xi32, #tpu.memory_space<vmem>> -> memref<1x128xi32, #tpu.memory_space<vmem>>
        %dma_start3A_1457 = tpu.memref_squeeze %dma_start3A_1456 : memref<1x128xi32, #tpu.memory_space<vmem>> -> memref<128xi32, #tpu.memory_space<vmem>>
        %dma_start3A_1458 = arith.constant 0 : i32
        %dma_start3A_1459 = arith.constant 0 : i32
        %dma_start3A_1460 = tpu.memref_slice %arg14[%dma_start3A_1458, %dma_start3A_1459] : memref<10000x64xf32, #tpu.memory_space<vmem_shared>> -> memref<10000x64xf32, #tpu.memory_space<vmem_shared>>
        tpu.enqueue_indirect_dma source(%dma_start3A_1460 : memref<10000x64xf32, #tpu.memory_space<vmem_shared>>) target(%dma_start3A_1454 : memref<128x64xf32, #tpu.memory_space<vmem>>) offsets(%dma_start3A_1457 : memref<128xi32, #tpu.memory_space<vmem>>) semaphore(%arg19 : memref<!tpu.dma_semaphore, #tpu.memory_space<semaphore_mem>>)
      } else {
      }
      %mul3A_1334 = arith.constant 12 : i32
      %mul3A_1335 = arith.muli %add3A_786, %mul3A_1334 : i32
      %add3A_1336 = arith.constant 10 : i32
      %add3A_1337 = arith.addi %mul3A_1335, %add3A_1336 : i32
      %dma_wait3A_1338 = arith.constant 10 : i32
      %dma_wait3A_1339 = arith.constant 1 : i32
      %dma_wait3A_1340 = arith.constant 0 : i32
      %dma_wait3A_1341 = arith.constant 0 : i32
      %dma_wait3A_1342 = tpu.memref_slice %arg11[%dma_wait3A_1339, %dma_wait3A_1340, %dma_wait3A_1341] : memref<3x128x64xf32, #tpu.memory_space<vmem>> -> memref<1x128x64xf32, #tpu.memory_space<vmem>>
      %dma_wait3A_1343 = tpu.memref_squeeze %dma_wait3A_1342 : memref<1x128x64xf32, #tpu.memory_space<vmem>> -> memref<128x64xf32, #tpu.memory_space<vmem>>
      %dma_wait3A_1344 = arith.constant 0 : i32
      %dma_wait3A_1345 = tpu.memref_slice %arg8[%dma_wait3A_1338, %dma_wait3A_1344] : memref<12x128xi32, #tpu.memory_space<vmem>> -> memref<1x128xi32, #tpu.memory_space<vmem>>
      %dma_wait3A_1346 = tpu.memref_squeeze %dma_wait3A_1345 : memref<1x128xi32, #tpu.memory_space<vmem>> -> memref<128xi32, #tpu.memory_space<vmem>>
      %dma_wait3A_1347 = arith.constant 0 : i32
      %dma_wait3A_1348 = arith.constant 0 : i32
      %dma_wait3A_1349 = tpu.memref_slice %arg14[%dma_wait3A_1347, %dma_wait3A_1348] : memref<10000x64xf32, #tpu.memory_space<vmem_shared>> -> memref<10000x64xf32, #tpu.memory_space<vmem_shared>>
      tpu.wait_indirect_dma semaphore(%arg18 : memref<!tpu.dma_semaphore, #tpu.memory_space<semaphore_mem>>) src(%dma_wait3A_1349 : memref<10000x64xf32, #tpu.memory_space<vmem_shared>>) dst(%dma_wait3A_1343 : memref<128x64xf32, #tpu.memory_space<vmem>>)
      %dma_start3A_1350 = arith.constant 1 : i32
      %dma_start3A_1351 = arith.constant 10 : i32
      %dma_start3A_1352 = arith.constant 0 : i32
      %dma_start3A_1353 = arith.constant 0 : i32
      %dma_start3A_1354 = tpu.memref_slice %arg11[%dma_start3A_1350, %dma_start3A_1352, %dma_start3A_1353] : memref<3x128x64xf32, #tpu.memory_space<vmem>> -> memref<1x128x64xf32, #tpu.memory_space<vmem>>
      %dma_start3A_1355 = tpu.memref_squeeze %dma_start3A_1354 : memref<1x128x64xf32, #tpu.memory_space<vmem>> -> memref<128x64xf32, #tpu.memory_space<vmem>>
      %dma_start3A_1356 = arith.constant 0 : i32
      %dma_start3A_1357 = tpu.memref_slice %arg10[%dma_start3A_1351, %dma_start3A_1356] : memref<12x128xi32, #tpu.memory_space<vmem>> -> memref<1x128xi32, #tpu.memory_space<vmem>>
      %dma_start3A_1358 = tpu.memref_squeeze %dma_start3A_1357 : memref<1x128xi32, #tpu.memory_space<vmem>> -> memref<128xi32, #tpu.memory_space<vmem>>
      %dma_start3A_1359 = arith.constant 0 : i32
      %dma_start3A_1360 = arith.constant 0 : i32
      %dma_start3A_1361 = tpu.memref_slice %arg15[%dma_start3A_1359, %dma_start3A_1360] : memref<10240x64xf32, #tpu.memory_space<vmem_shared>> -> memref<10240x64xf32, #tpu.memory_space<vmem_shared>>
      tpu.enqueue_indirect_dma source(%dma_start3A_1355 : memref<128x64xf32, #tpu.memory_space<vmem>>) target(%dma_start3A_1361 : memref<10240x64xf32, #tpu.memory_space<vmem_shared>>) offsets(%dma_start3A_1358 : memref<128xi32, #tpu.memory_space<vmem>>) semaphore(%arg21 : memref<!tpu.dma_semaphore, #tpu.memory_space<semaphore_mem>>) {add = true}
      %ge3A_1362 = arith.cmpi sge, %add3A_1337, %mul3A_61 : i32
      %lt3A_1363 = arith.cmpi slt, %add3A_1337, %add3A_63 : i32
      %and3A_1364 = arith.andi %ge3A_1362, %lt3A_1363 : i1
      %convert_element_type3A_1365 = arith.extui %and3A_1364 : i1 to i32
      %cond3A_1366 = arith.constant 0 : i32
      %cond3A_1367 = arith.cmpi ne, %convert_element_type3A_1365, %cond3A_1366 : i32
      scf.if %cond3A_1367 {
        %dma_start3A_1449 = arith.constant 10 : i32
        %dma_start3A_1450 = arith.constant 0 : i32
        %dma_start3A_1451 = tpu.memref_slice %arg10[%dma_start3A_1449, %dma_start3A_1450] : memref<12x128xi32, #tpu.memory_space<vmem>> -> memref<1x128xi32, #tpu.memory_space<vmem>>
        %dma_start3A_1452 = tpu.memref_squeeze %dma_start3A_1451 : memref<1x128xi32, #tpu.memory_space<vmem>> -> memref<128xi32, #tpu.memory_space<vmem>>
        %dma_start3A_1453 = arith.constant 0 : i32
        %dma_start3A_1454 = arith.constant 0 : i32
        %dma_start3A_1455 = tpu.memref_slice %arg16[%dma_start3A_1453, %dma_start3A_1454] : memref<10240x16xf32, #tpu.memory_space<vmem_shared>> -> memref<10240x16xf32, #tpu.memory_space<vmem_shared>>
        tpu.enqueue_indirect_dma source(%arg12 : memref<128x16xf32, #tpu.memory_space<vmem>>) target(%dma_start3A_1455 : memref<10240x16xf32, #tpu.memory_space<vmem_shared>>) offsets(%dma_start3A_1452 : memref<128xi32, #tpu.memory_space<vmem>>) semaphore(%arg25 : memref<!tpu.dma_semaphore, #tpu.memory_space<semaphore_mem>>) {add = true}
      } else {
      }
      %add3A_1368 = arith.constant 2 : i32
      %add3A_1369 = arith.addi %mul3A_61, %add3A_1368 : i32
      %ge3A_1370 = arith.cmpi sge, %add3A_1337, %add3A_1369 : i32
      %lt3A_1371 = arith.cmpi slt, %add3A_1337, %add3A_63 : i32
      %and3A_1372 = arith.andi %ge3A_1370, %lt3A_1371 : i1
      %convert_element_type3A_1373 = arith.extui %and3A_1372 : i1 to i32
      %cond3A_1374 = arith.constant 0 : i32
      %cond3A_1375 = arith.cmpi ne, %convert_element_type3A_1373, %cond3A_1374 : i32
      scf.if %cond3A_1375 {
        %dma_wait3A_1449 = arith.constant 10 : i32
        %dma_wait3A_1450 = arith.constant 0 : i32
        %dma_wait3A_1451 = tpu.memref_slice %arg10[%dma_wait3A_1449, %dma_wait3A_1450] : memref<12x128xi32, #tpu.memory_space<vmem>> -> memref<1x128xi32, #tpu.memory_space<vmem>>
        %dma_wait3A_1452 = tpu.memref_squeeze %dma_wait3A_1451 : memref<1x128xi32, #tpu.memory_space<vmem>> -> memref<128xi32, #tpu.memory_space<vmem>>
        %dma_wait3A_1453 = arith.constant 0 : i32
        %dma_wait3A_1454 = arith.constant 0 : i32
        %dma_wait3A_1455 = tpu.memref_slice %arg16[%dma_wait3A_1453, %dma_wait3A_1454] : memref<10240x16xf32, #tpu.memory_space<vmem_shared>> -> memref<10240x16xf32, #tpu.memory_space<vmem_shared>>
        tpu.wait_indirect_dma semaphore(%arg25 : memref<!tpu.dma_semaphore, #tpu.memory_space<semaphore_mem>>) src(%arg12 : memref<128x16xf32, #tpu.memory_space<vmem>>) dst(%dma_wait3A_1455 : memref<10240x16xf32, #tpu.memory_space<vmem_shared>>)
      } else {
      }
      %add3A_1376 = arith.constant 1 : i32
      %add3A_1377 = arith.addi %add3A_786, %add3A_1376 : i32
      %lt3A_1378 = arith.constant 14 : i32
      %lt3A_1379 = arith.cmpi slt, %add3A_1377, %lt3A_1378 : i32
      %convert_element_type3A_1380 = arith.extui %lt3A_1379 : i1 to i32
      %cond3A_1381 = arith.constant 0 : i32
      %cond3A_1382 = arith.cmpi ne, %convert_element_type3A_1380, %cond3A_1381 : i32
      scf.if %cond3A_1382 {
        %add3A_1449 = arith.constant 1 : i32
        %add3A_1450 = arith.addi %add3A_786, %add3A_1449 : i32
        %mul3A_1451 = arith.constant 12 : i32
        %mul3A_1452 = arith.muli %add3A_1450, %mul3A_1451 : i32
        %mul3A_1453 = arith.constant 12 : i32
        %mul3A_1454 = arith.muli %add3A_1450, %mul3A_1453 : i32
        %dma_wait3A_1455 = arith.constant 0 : i32
        %dma_wait3A_1456 = tpu.memref_slice %arg3[%arg1, %mul3A_1452, %dma_wait3A_1455] : memref<16x168x128xi32, #tpu.memory_space<hbm>> -> memref<1x12x128xi32, #tpu.memory_space<hbm>>
        %dma_wait3A_1457 = tpu.memref_squeeze %dma_wait3A_1456 : memref<1x12x128xi32, #tpu.memory_space<hbm>> -> memref<12x128xi32, #tpu.memory_space<hbm>>
        %dma_wait3A_1458 = arith.constant 0 : i32
        %dma_wait3A_1459 = tpu.memref_slice %arg3[%arg1, %mul3A_1452, %dma_wait3A_1458] : memref<16x168x128xi32, #tpu.memory_space<hbm>> -> memref<1x12x128xi32, #tpu.memory_space<hbm>>
        %dma_wait3A_1460 = tpu.memref_squeeze %dma_wait3A_1459 : memref<1x12x128xi32, #tpu.memory_space<hbm>> -> memref<12x128xi32, #tpu.memory_space<hbm>>
        tpu.wait_dma2 semaphore(%arg23 : memref<!tpu.dma_semaphore, #tpu.memory_space<semaphore_mem>>) src(%dma_wait3A_1460 : memref<12x128xi32, #tpu.memory_space<hbm>>) dst(%arg7 : memref<12x128xi32, #tpu.memory_space<vmem>>)
        %dma_wait3A_1461 = arith.constant 0 : i32
        %dma_wait3A_1462 = tpu.memref_slice %arg4[%arg1, %mul3A_1454, %dma_wait3A_1461] : memref<16x168x128xi32, #tpu.memory_space<hbm>> -> memref<1x12x128xi32, #tpu.memory_space<hbm>>
        %dma_wait3A_1463 = tpu.memref_squeeze %dma_wait3A_1462 : memref<1x12x128xi32, #tpu.memory_space<hbm>> -> memref<12x128xi32, #tpu.memory_space<hbm>>
        %dma_wait3A_1464 = arith.constant 0 : i32
        %dma_wait3A_1465 = tpu.memref_slice %arg4[%arg1, %mul3A_1454, %dma_wait3A_1464] : memref<16x168x128xi32, #tpu.memory_space<hbm>> -> memref<1x12x128xi32, #tpu.memory_space<hbm>>
        %dma_wait3A_1466 = tpu.memref_squeeze %dma_wait3A_1465 : memref<1x12x128xi32, #tpu.memory_space<hbm>> -> memref<12x128xi32, #tpu.memory_space<hbm>>
        tpu.wait_dma2 semaphore(%arg23 : memref<!tpu.dma_semaphore, #tpu.memory_space<semaphore_mem>>) src(%dma_wait3A_1466 : memref<12x128xi32, #tpu.memory_space<hbm>>) dst(%arg9 : memref<12x128xi32, #tpu.memory_space<vmem>>)
      } else {
      }
      %ge3A_1383 = arith.constant 1 : i32
      %ge3A_1384 = arith.cmpi sge, %add3A_1337, %ge3A_1383 : i32
      %convert_element_type3A_1385 = arith.extui %ge3A_1384 : i1 to i32
      %cond3A_1386 = arith.constant 0 : i32
      %cond3A_1387 = arith.cmpi ne, %convert_element_type3A_1385, %cond3A_1386 : i32
      scf.if %cond3A_1387 {
        %dma_wait3A_1449 = arith.constant 0 : i32
        %dma_wait3A_1450 = arith.constant 0 : i32
        %dma_wait3A_1451 = arith.constant 0 : i32
        %dma_wait3A_1452 = arith.constant 0 : i32
        %dma_wait3A_1453 = tpu.memref_slice %arg11[%dma_wait3A_1449, %dma_wait3A_1451, %dma_wait3A_1452] : memref<3x128x64xf32, #tpu.memory_space<vmem>> -> memref<1x128x64xf32, #tpu.memory_space<vmem>>
        %dma_wait3A_1454 = tpu.memref_squeeze %dma_wait3A_1453 : memref<1x128x64xf32, #tpu.memory_space<vmem>> -> memref<128x64xf32, #tpu.memory_space<vmem>>
        %dma_wait3A_1455 = arith.constant 0 : i32
        %dma_wait3A_1456 = tpu.memref_slice %arg10[%dma_wait3A_1450, %dma_wait3A_1455] : memref<12x128xi32, #tpu.memory_space<vmem>> -> memref<1x128xi32, #tpu.memory_space<vmem>>
        %dma_wait3A_1457 = tpu.memref_squeeze %dma_wait3A_1456 : memref<1x128xi32, #tpu.memory_space<vmem>> -> memref<128xi32, #tpu.memory_space<vmem>>
        %dma_wait3A_1458 = arith.constant 0 : i32
        %dma_wait3A_1459 = arith.constant 0 : i32
        %dma_wait3A_1460 = tpu.memref_slice %arg15[%dma_wait3A_1458, %dma_wait3A_1459] : memref<10240x64xf32, #tpu.memory_space<vmem_shared>> -> memref<10240x64xf32, #tpu.memory_space<vmem_shared>>
        tpu.wait_indirect_dma semaphore(%arg20 : memref<!tpu.dma_semaphore, #tpu.memory_space<semaphore_mem>>) src(%dma_wait3A_1454 : memref<128x64xf32, #tpu.memory_space<vmem>>) dst(%dma_wait3A_1460 : memref<10240x64xf32, #tpu.memory_space<vmem_shared>>)
      } else {
      }
      %add3A_1388 = arith.constant 2 : i32
      %add3A_1389 = arith.addi %add3A_1337, %add3A_1388 : i32
      %lt3A_1390 = arith.constant 168 : i32
      %lt3A_1391 = arith.cmpi slt, %add3A_1389, %lt3A_1390 : i32
      %convert_element_type3A_1392 = arith.extui %lt3A_1391 : i1 to i32
      %cond3A_1393 = arith.constant 0 : i32
      %cond3A_1394 = arith.cmpi ne, %convert_element_type3A_1392, %cond3A_1393 : i32
      scf.if %cond3A_1394 {
        %dma_start3A_1449 = arith.constant 0 : i32
        %dma_start3A_1450 = arith.constant 0 : i32
        %dma_start3A_1451 = arith.constant 0 : i32
        %dma_start3A_1452 = arith.constant 0 : i32
        %dma_start3A_1453 = tpu.memref_slice %arg11[%dma_start3A_1450, %dma_start3A_1451, %dma_start3A_1452] : memref<3x128x64xf32, #tpu.memory_space<vmem>> -> memref<1x128x64xf32, #tpu.memory_space<vmem>>
        %dma_start3A_1454 = tpu.memref_squeeze %dma_start3A_1453 : memref<1x128x64xf32, #tpu.memory_space<vmem>> -> memref<128x64xf32, #tpu.memory_space<vmem>>
        %dma_start3A_1455 = arith.constant 0 : i32
        %dma_start3A_1456 = tpu.memref_slice %arg7[%dma_start3A_1449, %dma_start3A_1455] : memref<12x128xi32, #tpu.memory_space<vmem>> -> memref<1x128xi32, #tpu.memory_space<vmem>>
        %dma_start3A_1457 = tpu.memref_squeeze %dma_start3A_1456 : memref<1x128xi32, #tpu.memory_space<vmem>> -> memref<128xi32, #tpu.memory_space<vmem>>
        %dma_start3A_1458 = arith.constant 0 : i32
        %dma_start3A_1459 = arith.constant 0 : i32
        %dma_start3A_1460 = tpu.memref_slice %arg14[%dma_start3A_1458, %dma_start3A_1459] : memref<10000x64xf32, #tpu.memory_space<vmem_shared>> -> memref<10000x64xf32, #tpu.memory_space<vmem_shared>>
        tpu.enqueue_indirect_dma source(%dma_start3A_1460 : memref<10000x64xf32, #tpu.memory_space<vmem_shared>>) target(%dma_start3A_1454 : memref<128x64xf32, #tpu.memory_space<vmem>>) offsets(%dma_start3A_1457 : memref<128xi32, #tpu.memory_space<vmem>>) semaphore(%arg17 : memref<!tpu.dma_semaphore, #tpu.memory_space<semaphore_mem>>)
      } else {
      }
      %mul3A_1395 = arith.constant 12 : i32
      %mul3A_1396 = arith.muli %add3A_786, %mul3A_1395 : i32
      %add3A_1397 = arith.constant 11 : i32
      %add3A_1398 = arith.addi %mul3A_1396, %add3A_1397 : i32
      %dma_wait3A_1399 = arith.constant 11 : i32
      %dma_wait3A_1400 = arith.constant 2 : i32
      %dma_wait3A_1401 = arith.constant 0 : i32
      %dma_wait3A_1402 = arith.constant 0 : i32
      %dma_wait3A_1403 = tpu.memref_slice %arg11[%dma_wait3A_1400, %dma_wait3A_1401, %dma_wait3A_1402] : memref<3x128x64xf32, #tpu.memory_space<vmem>> -> memref<1x128x64xf32, #tpu.memory_space<vmem>>
      %dma_wait3A_1404 = tpu.memref_squeeze %dma_wait3A_1403 : memref<1x128x64xf32, #tpu.memory_space<vmem>> -> memref<128x64xf32, #tpu.memory_space<vmem>>
      %dma_wait3A_1405 = arith.constant 0 : i32
      %dma_wait3A_1406 = tpu.memref_slice %arg8[%dma_wait3A_1399, %dma_wait3A_1405] : memref<12x128xi32, #tpu.memory_space<vmem>> -> memref<1x128xi32, #tpu.memory_space<vmem>>
      %dma_wait3A_1407 = tpu.memref_squeeze %dma_wait3A_1406 : memref<1x128xi32, #tpu.memory_space<vmem>> -> memref<128xi32, #tpu.memory_space<vmem>>
      %dma_wait3A_1408 = arith.constant 0 : i32
      %dma_wait3A_1409 = arith.constant 0 : i32
      %dma_wait3A_1410 = tpu.memref_slice %arg14[%dma_wait3A_1408, %dma_wait3A_1409] : memref<10000x64xf32, #tpu.memory_space<vmem_shared>> -> memref<10000x64xf32, #tpu.memory_space<vmem_shared>>
      tpu.wait_indirect_dma semaphore(%arg19 : memref<!tpu.dma_semaphore, #tpu.memory_space<semaphore_mem>>) src(%dma_wait3A_1410 : memref<10000x64xf32, #tpu.memory_space<vmem_shared>>) dst(%dma_wait3A_1404 : memref<128x64xf32, #tpu.memory_space<vmem>>)
      %dma_start3A_1411 = arith.constant 2 : i32
      %dma_start3A_1412 = arith.constant 11 : i32
      %dma_start3A_1413 = arith.constant 0 : i32
      %dma_start3A_1414 = arith.constant 0 : i32
      %dma_start3A_1415 = tpu.memref_slice %arg11[%dma_start3A_1411, %dma_start3A_1413, %dma_start3A_1414] : memref<3x128x64xf32, #tpu.memory_space<vmem>> -> memref<1x128x64xf32, #tpu.memory_space<vmem>>
      %dma_start3A_1416 = tpu.memref_squeeze %dma_start3A_1415 : memref<1x128x64xf32, #tpu.memory_space<vmem>> -> memref<128x64xf32, #tpu.memory_space<vmem>>
      %dma_start3A_1417 = arith.constant 0 : i32
      %dma_start3A_1418 = tpu.memref_slice %arg10[%dma_start3A_1412, %dma_start3A_1417] : memref<12x128xi32, #tpu.memory_space<vmem>> -> memref<1x128xi32, #tpu.memory_space<vmem>>
      %dma_start3A_1419 = tpu.memref_squeeze %dma_start3A_1418 : memref<1x128xi32, #tpu.memory_space<vmem>> -> memref<128xi32, #tpu.memory_space<vmem>>
      %dma_start3A_1420 = arith.constant 0 : i32
      %dma_start3A_1421 = arith.constant 0 : i32
      %dma_start3A_1422 = tpu.memref_slice %arg15[%dma_start3A_1420, %dma_start3A_1421] : memref<10240x64xf32, #tpu.memory_space<vmem_shared>> -> memref<10240x64xf32, #tpu.memory_space<vmem_shared>>
      tpu.enqueue_indirect_dma source(%dma_start3A_1416 : memref<128x64xf32, #tpu.memory_space<vmem>>) target(%dma_start3A_1422 : memref<10240x64xf32, #tpu.memory_space<vmem_shared>>) offsets(%dma_start3A_1419 : memref<128xi32, #tpu.memory_space<vmem>>) semaphore(%arg22 : memref<!tpu.dma_semaphore, #tpu.memory_space<semaphore_mem>>) {add = true}
      %ge3A_1423 = arith.cmpi sge, %add3A_1398, %mul3A_61 : i32
      %lt3A_1424 = arith.cmpi slt, %add3A_1398, %add3A_63 : i32
      %and3A_1425 = arith.andi %ge3A_1423, %lt3A_1424 : i1
      %convert_element_type3A_1426 = arith.extui %and3A_1425 : i1 to i32
      %cond3A_1427 = arith.constant 0 : i32
      %cond3A_1428 = arith.cmpi ne, %convert_element_type3A_1426, %cond3A_1427 : i32
      scf.if %cond3A_1428 {
        %dma_start3A_1449 = arith.constant 11 : i32
        %dma_start3A_1450 = arith.constant 0 : i32
        %dma_start3A_1451 = tpu.memref_slice %arg10[%dma_start3A_1449, %dma_start3A_1450] : memref<12x128xi32, #tpu.memory_space<vmem>> -> memref<1x128xi32, #tpu.memory_space<vmem>>
        %dma_start3A_1452 = tpu.memref_squeeze %dma_start3A_1451 : memref<1x128xi32, #tpu.memory_space<vmem>> -> memref<128xi32, #tpu.memory_space<vmem>>
        %dma_start3A_1453 = arith.constant 0 : i32
        %dma_start3A_1454 = arith.constant 0 : i32
        %dma_start3A_1455 = tpu.memref_slice %arg16[%dma_start3A_1453, %dma_start3A_1454] : memref<10240x16xf32, #tpu.memory_space<vmem_shared>> -> memref<10240x16xf32, #tpu.memory_space<vmem_shared>>
        tpu.enqueue_indirect_dma source(%arg12 : memref<128x16xf32, #tpu.memory_space<vmem>>) target(%dma_start3A_1455 : memref<10240x16xf32, #tpu.memory_space<vmem_shared>>) offsets(%dma_start3A_1452 : memref<128xi32, #tpu.memory_space<vmem>>) semaphore(%arg26 : memref<!tpu.dma_semaphore, #tpu.memory_space<semaphore_mem>>) {add = true}
      } else {
      }
      %add3A_1429 = arith.constant 2 : i32
      %add3A_1430 = arith.addi %mul3A_61, %add3A_1429 : i32
      %ge3A_1431 = arith.cmpi sge, %add3A_1398, %add3A_1430 : i32
      %lt3A_1432 = arith.cmpi slt, %add3A_1398, %add3A_63 : i32
      %and3A_1433 = arith.andi %ge3A_1431, %lt3A_1432 : i1
      %convert_element_type3A_1434 = arith.extui %and3A_1433 : i1 to i32
      %cond3A_1435 = arith.constant 0 : i32
      %cond3A_1436 = arith.cmpi ne, %convert_element_type3A_1434, %cond3A_1435 : i32
      scf.if %cond3A_1436 {
        %dma_wait3A_1449 = arith.constant 11 : i32
        %dma_wait3A_1450 = arith.constant 0 : i32
        %dma_wait3A_1451 = tpu.memref_slice %arg10[%dma_wait3A_1449, %dma_wait3A_1450] : memref<12x128xi32, #tpu.memory_space<vmem>> -> memref<1x128xi32, #tpu.memory_space<vmem>>
        %dma_wait3A_1452 = tpu.memref_squeeze %dma_wait3A_1451 : memref<1x128xi32, #tpu.memory_space<vmem>> -> memref<128xi32, #tpu.memory_space<vmem>>
        %dma_wait3A_1453 = arith.constant 0 : i32
        %dma_wait3A_1454 = arith.constant 0 : i32
        %dma_wait3A_1455 = tpu.memref_slice %arg16[%dma_wait3A_1453, %dma_wait3A_1454] : memref<10240x16xf32, #tpu.memory_space<vmem_shared>> -> memref<10240x16xf32, #tpu.memory_space<vmem_shared>>
        tpu.wait_indirect_dma semaphore(%arg26 : memref<!tpu.dma_semaphore, #tpu.memory_space<semaphore_mem>>) src(%arg12 : memref<128x16xf32, #tpu.memory_space<vmem>>) dst(%dma_wait3A_1455 : memref<10240x16xf32, #tpu.memory_space<vmem_shared>>)
      } else {
      }
      %ge3A_1437 = arith.constant 1 : i32
      %ge3A_1438 = arith.cmpi sge, %add3A_1398, %ge3A_1437 : i32
      %convert_element_type3A_1439 = arith.extui %ge3A_1438 : i1 to i32
      %cond3A_1440 = arith.constant 0 : i32
      %cond3A_1441 = arith.cmpi ne, %convert_element_type3A_1439, %cond3A_1440 : i32
      scf.if %cond3A_1441 {
        %dma_wait3A_1449 = arith.constant 1 : i32
        %dma_wait3A_1450 = arith.constant 0 : i32
        %dma_wait3A_1451 = arith.constant 0 : i32
        %dma_wait3A_1452 = arith.constant 0 : i32
        %dma_wait3A_1453 = tpu.memref_slice %arg11[%dma_wait3A_1449, %dma_wait3A_1451, %dma_wait3A_1452] : memref<3x128x64xf32, #tpu.memory_space<vmem>> -> memref<1x128x64xf32, #tpu.memory_space<vmem>>
        %dma_wait3A_1454 = tpu.memref_squeeze %dma_wait3A_1453 : memref<1x128x64xf32, #tpu.memory_space<vmem>> -> memref<128x64xf32, #tpu.memory_space<vmem>>
        %dma_wait3A_1455 = arith.constant 0 : i32
        %dma_wait3A_1456 = tpu.memref_slice %arg10[%dma_wait3A_1450, %dma_wait3A_1455] : memref<12x128xi32, #tpu.memory_space<vmem>> -> memref<1x128xi32, #tpu.memory_space<vmem>>
        %dma_wait3A_1457 = tpu.memref_squeeze %dma_wait3A_1456 : memref<1x128xi32, #tpu.memory_space<vmem>> -> memref<128xi32, #tpu.memory_space<vmem>>
        %dma_wait3A_1458 = arith.constant 0 : i32
        %dma_wait3A_1459 = arith.constant 0 : i32
        %dma_wait3A_1460 = tpu.memref_slice %arg15[%dma_wait3A_1458, %dma_wait3A_1459] : memref<10240x64xf32, #tpu.memory_space<vmem_shared>> -> memref<10240x64xf32, #tpu.memory_space<vmem_shared>>
        tpu.wait_indirect_dma semaphore(%arg21 : memref<!tpu.dma_semaphore, #tpu.memory_space<semaphore_mem>>) src(%dma_wait3A_1454 : memref<128x64xf32, #tpu.memory_space<vmem>>) dst(%dma_wait3A_1460 : memref<10240x64xf32, #tpu.memory_space<vmem_shared>>)
      } else {
      }
      %add3A_1442 = arith.constant 2 : i32
      %add3A_1443 = arith.addi %add3A_1398, %add3A_1442 : i32
      %lt3A_1444 = arith.constant 168 : i32
      %lt3A_1445 = arith.cmpi slt, %add3A_1443, %lt3A_1444 : i32
      %convert_element_type3A_1446 = arith.extui %lt3A_1445 : i1 to i32
      %cond3A_1447 = arith.constant 0 : i32
      %cond3A_1448 = arith.cmpi ne, %convert_element_type3A_1446, %cond3A_1447 : i32
      scf.if %cond3A_1448 {
        %dma_start3A_1449 = arith.constant 1 : i32
        %dma_start3A_1450 = arith.constant 1 : i32
        %dma_start3A_1451 = arith.constant 0 : i32
        %dma_start3A_1452 = arith.constant 0 : i32
        %dma_start3A_1453 = tpu.memref_slice %arg11[%dma_start3A_1450, %dma_start3A_1451, %dma_start3A_1452] : memref<3x128x64xf32, #tpu.memory_space<vmem>> -> memref<1x128x64xf32, #tpu.memory_space<vmem>>
        %dma_start3A_1454 = tpu.memref_squeeze %dma_start3A_1453 : memref<1x128x64xf32, #tpu.memory_space<vmem>> -> memref<128x64xf32, #tpu.memory_space<vmem>>
        %dma_start3A_1455 = arith.constant 0 : i32
        %dma_start3A_1456 = tpu.memref_slice %arg7[%dma_start3A_1449, %dma_start3A_1455] : memref<12x128xi32, #tpu.memory_space<vmem>> -> memref<1x128xi32, #tpu.memory_space<vmem>>
        %dma_start3A_1457 = tpu.memref_squeeze %dma_start3A_1456 : memref<1x128xi32, #tpu.memory_space<vmem>> -> memref<128xi32, #tpu.memory_space<vmem>>
        %dma_start3A_1458 = arith.constant 0 : i32
        %dma_start3A_1459 = arith.constant 0 : i32
        %dma_start3A_1460 = tpu.memref_slice %arg14[%dma_start3A_1458, %dma_start3A_1459] : memref<10000x64xf32, #tpu.memory_space<vmem_shared>> -> memref<10000x64xf32, #tpu.memory_space<vmem_shared>>
        tpu.enqueue_indirect_dma source(%dma_start3A_1460 : memref<10000x64xf32, #tpu.memory_space<vmem_shared>>) target(%dma_start3A_1454 : memref<128x64xf32, #tpu.memory_space<vmem>>) offsets(%dma_start3A_1457 : memref<128xi32, #tpu.memory_space<vmem>>) semaphore(%arg18 : memref<!tpu.dma_semaphore, #tpu.memory_space<semaphore_mem>>)
      } else {
      }
    }
    %scan3A_92 = arith.constant 7 : i32
    %dma_wait3A = arith.constant 2 : i32
    %dma_wait3A_93 = arith.constant 0 : i32
    %dma_wait3A_94 = arith.constant 0 : i32
    %dma_wait3A_95 = arith.constant 0 : i32
    %dma_wait3A_96 = tpu.memref_slice %arg11[%dma_wait3A, %dma_wait3A_94, %dma_wait3A_95] : memref<3x128x64xf32, #tpu.memory_space<vmem>> -> memref<1x128x64xf32, #tpu.memory_space<vmem>>
    %dma_wait3A_97 = tpu.memref_squeeze %dma_wait3A_96 : memref<1x128x64xf32, #tpu.memory_space<vmem>> -> memref<128x64xf32, #tpu.memory_space<vmem>>
    %dma_wait3A_98 = arith.constant 0 : i32
    %dma_wait3A_99 = tpu.memref_slice %arg10[%dma_wait3A_93, %dma_wait3A_98] : memref<12x128xi32, #tpu.memory_space<vmem>> -> memref<1x128xi32, #tpu.memory_space<vmem>>
    %dma_wait3A_100 = tpu.memref_squeeze %dma_wait3A_99 : memref<1x128xi32, #tpu.memory_space<vmem>> -> memref<128xi32, #tpu.memory_space<vmem>>
    %dma_wait3A_101 = arith.constant 0 : i32
    %dma_wait3A_102 = arith.constant 0 : i32
    %dma_wait3A_103 = tpu.memref_slice %arg15[%dma_wait3A_101, %dma_wait3A_102] : memref<10240x64xf32, #tpu.memory_space<vmem_shared>> -> memref<10240x64xf32, #tpu.memory_space<vmem_shared>>
    tpu.wait_indirect_dma semaphore(%arg22 : memref<!tpu.dma_semaphore, #tpu.memory_space<semaphore_mem>>) src(%dma_wait3A_97 : memref<128x64xf32, #tpu.memory_space<vmem>>) dst(%dma_wait3A_103 : memref<10240x64xf32, #tpu.memory_space<vmem_shared>>)
    %dma_wait3A_104 = arith.constant 0 : i32
    %dma_wait3A_105 = arith.constant 0 : i32
    %dma_wait3A_106 = tpu.memref_slice %arg10[%dma_wait3A_104, %dma_wait3A_105] : memref<12x128xi32, #tpu.memory_space<vmem>> -> memref<1x128xi32, #tpu.memory_space<vmem>>
    %dma_wait3A_107 = tpu.memref_squeeze %dma_wait3A_106 : memref<1x128xi32, #tpu.memory_space<vmem>> -> memref<128xi32, #tpu.memory_space<vmem>>
    %dma_wait3A_108 = arith.constant 0 : i32
    %dma_wait3A_109 = arith.constant 0 : i32
    %dma_wait3A_110 = tpu.memref_slice %arg16[%dma_wait3A_108, %dma_wait3A_109] : memref<10240x16xf32, #tpu.memory_space<vmem_shared>> -> memref<10240x16xf32, #tpu.memory_space<vmem_shared>>
    tpu.wait_indirect_dma semaphore(%arg25 : memref<!tpu.dma_semaphore, #tpu.memory_space<semaphore_mem>>) src(%arg12 : memref<128x16xf32, #tpu.memory_space<vmem>>) dst(%dma_wait3A_110 : memref<10240x16xf32, #tpu.memory_space<vmem_shared>>)
    %dma_wait3A_111 = arith.constant 0 : i32
    %dma_wait3A_112 = arith.constant 0 : i32
    %dma_wait3A_113 = tpu.memref_slice %arg10[%dma_wait3A_111, %dma_wait3A_112] : memref<12x128xi32, #tpu.memory_space<vmem>> -> memref<1x128xi32, #tpu.memory_space<vmem>>
    %dma_wait3A_114 = tpu.memref_squeeze %dma_wait3A_113 : memref<1x128xi32, #tpu.memory_space<vmem>> -> memref<128xi32, #tpu.memory_space<vmem>>
    %dma_wait3A_115 = arith.constant 0 : i32
    %dma_wait3A_116 = arith.constant 0 : i32
    %dma_wait3A_117 = tpu.memref_slice %arg16[%dma_wait3A_115, %dma_wait3A_116] : memref<10240x16xf32, #tpu.memory_space<vmem_shared>> -> memref<10240x16xf32, #tpu.memory_space<vmem_shared>>
    tpu.wait_indirect_dma semaphore(%arg26 : memref<!tpu.dma_semaphore, #tpu.memory_space<semaphore_mem>>) src(%arg12 : memref<128x16xf32, #tpu.memory_space<vmem>>) dst(%dma_wait3A_117 : memref<10240x16xf32, #tpu.memory_space<vmem_shared>>)
    %barrier3A_118 = arith.constant 0 : index
    tpu.barrier barrier_id(%barrier3A_118)
    %mul3A_119 = arith.constant 640 : i32
    %mul3A_120 = arith.muli %arg1, %mul3A_119 : i32
    "tpu.region"() ({
      %run_scoped3A_121 = tpu.sem_alloc : memref<!tpu.dma_semaphore, #tpu.memory_space<semaphore_mem>>
      %dma_start3A_122 = arith.constant 0 : i32
      %dma_start3A_123 = tpu.memref_slice %arg5[%arg0, %mul3A_120, %dma_start3A_122] : memref<2x10240x64xf32, #tpu.memory_space<hbm>> -> memref<1x640x64xf32, #tpu.memory_space<hbm>>
      %dma_start3A_124 = tpu.memref_squeeze %dma_start3A_123 : memref<1x640x64xf32, #tpu.memory_space<hbm>> -> memref<640x64xf32, #tpu.memory_space<hbm>>
      %dma_start3A_125 = arith.constant 0 : i32
      %dma_start3A_126 = tpu.memref_slice %arg15[%mul3A_120, %dma_start3A_125] : memref<10240x64xf32, #tpu.memory_space<vmem_shared>> -> memref<640x64xf32, #tpu.memory_space<vmem_shared>>
      tpu.enqueue_dma source(%dma_start3A_126 : memref<640x64xf32, #tpu.memory_space<vmem_shared>>) target(%dma_start3A_124 : memref<640x64xf32, #tpu.memory_space<hbm>>) target_semaphore(%run_scoped3A_121 : memref<!tpu.dma_semaphore, #tpu.memory_space<semaphore_mem>>)
      %dma_wait3A_127 = arith.constant 0 : i32
      %dma_wait3A_128 = tpu.memref_slice %arg5[%arg0, %mul3A_120, %dma_wait3A_127] : memref<2x10240x64xf32, #tpu.memory_space<hbm>> -> memref<1x640x64xf32, #tpu.memory_space<hbm>>
      %dma_wait3A_129 = tpu.memref_squeeze %dma_wait3A_128 : memref<1x640x64xf32, #tpu.memory_space<hbm>> -> memref<640x64xf32, #tpu.memory_space<hbm>>
      %dma_wait3A_130 = arith.constant 0 : i32
      %dma_wait3A_131 = tpu.memref_slice %arg15[%mul3A_120, %dma_wait3A_130] : memref<10240x64xf32, #tpu.memory_space<vmem_shared>> -> memref<640x64xf32, #tpu.memory_space<vmem_shared>>
      tpu.wait_dma2 semaphore(%run_scoped3A_121 : memref<!tpu.dma_semaphore, #tpu.memory_space<semaphore_mem>>) src(%dma_wait3A_131 : memref<640x64xf32, #tpu.memory_space<vmem_shared>>) dst(%dma_wait3A_129 : memref<640x64xf32, #tpu.memory_space<hbm>>)
      tpu.yield
    }) : () -> ()
    "tpu.region"() ({
      %run_scoped3A_121 = tpu.sem_alloc : memref<!tpu.dma_semaphore, #tpu.memory_space<semaphore_mem>>
      %dma_start3A_122 = arith.constant 0 : i32
      %dma_start3A_123 = tpu.memref_slice %arg6[%arg0, %mul3A_120, %dma_start3A_122] : memref<2x10240x16xf32, #tpu.memory_space<hbm>> -> memref<1x640x16xf32, #tpu.memory_space<hbm>>
      %dma_start3A_124 = tpu.memref_squeeze %dma_start3A_123 : memref<1x640x16xf32, #tpu.memory_space<hbm>> -> memref<640x16xf32, #tpu.memory_space<hbm>>
      %dma_start3A_125 = arith.constant 0 : i32
      %dma_start3A_126 = tpu.memref_slice %arg16[%mul3A_120, %dma_start3A_125] : memref<10240x16xf32, #tpu.memory_space<vmem_shared>> -> memref<640x16xf32, #tpu.memory_space<vmem_shared>>
      tpu.enqueue_dma source(%dma_start3A_126 : memref<640x16xf32, #tpu.memory_space<vmem_shared>>) target(%dma_start3A_124 : memref<640x16xf32, #tpu.memory_space<hbm>>) target_semaphore(%run_scoped3A_121 : memref<!tpu.dma_semaphore, #tpu.memory_space<semaphore_mem>>)
      %dma_wait3A_127 = arith.constant 0 : i32
      %dma_wait3A_128 = tpu.memref_slice %arg6[%arg0, %mul3A_120, %dma_wait3A_127] : memref<2x10240x16xf32, #tpu.memory_space<hbm>> -> memref<1x640x16xf32, #tpu.memory_space<hbm>>
      %dma_wait3A_129 = tpu.memref_squeeze %dma_wait3A_128 : memref<1x640x16xf32, #tpu.memory_space<hbm>> -> memref<640x16xf32, #tpu.memory_space<hbm>>
      %dma_wait3A_130 = arith.constant 0 : i32
      %dma_wait3A_131 = tpu.memref_slice %arg16[%mul3A_120, %dma_wait3A_130] : memref<10240x16xf32, #tpu.memory_space<vmem_shared>> -> memref<640x16xf32, #tpu.memory_space<vmem_shared>>
      tpu.wait_dma2 semaphore(%run_scoped3A_121 : memref<!tpu.dma_semaphore, #tpu.memory_space<semaphore_mem>>) src(%dma_wait3A_131 : memref<640x16xf32, #tpu.memory_space<vmem_shared>>) dst(%dma_wait3A_129 : memref<640x16xf32, #tpu.memory_space<hbm>>)
      tpu.yield
    }) : () -> ()
    return
  }
}

module attributes {stable_mosaic.version = 14 : i64} {
  func.func @_linear_body(%arg0: i32, %arg1: memref<1000x128xf32, #tpu.memory_space<vmem>>, %arg2: memref<128x128xf32, #tpu.memory_space<vmem>>, %arg3: memref<128x128xf32, #tpu.memory_space<vmem>>, %arg4: memref<1x128xf32, #tpu.memory_space<vmem>>, %arg5: memref<1000x128xf32, #tpu.memory_space<vmem>>, %arg6: memref<2x1000x64xf32, #tpu.memory_space<vmem>>) attributes {dimension_semantics = [#tpu.dimension_semantics<arbitrary>], iteration_bounds = array<i64: 10>, scalar_prefetch = 0 : i64, scratch_operands = 0 : i64, tpu.core_type = #tpu.core_type<tc>, window_params = [{transform_indices = @transform_0, window_bounds = array<i64: 1000, 128>}, {pipeline_mode = #tpu.pipeline_mode<synchronous>, transform_indices = @transform_1, window_bounds = array<i64: 128, 128>}, {pipeline_mode = #tpu.pipeline_mode<synchronous>, transform_indices = @transform_2, window_bounds = array<i64: 128, 128>}, {pipeline_mode = #tpu.pipeline_mode<synchronous>, transform_indices = @transform_3, window_bounds = array<i64: 1, 128>}, {transform_indices = @transform_4, window_bounds = array<i64: 1000, 128>}, {transform_indices = @transform_5, window_bounds = array<i64: 2, 1000, 64>}]} {
    %get3A = arith.constant 0 : index
    %get3A_0 = arith.constant 0 : index
    %get3A_1 = vector.load %arg1[%get3A, %get3A_0] : memref<1000x128xf32, #tpu.memory_space<vmem>>, vector<1000x128xf32>
    %get3A_2 = arith.constant 0 : index
    %get3A_3 = arith.constant 0 : index
    %get3A_4 = vector.load %arg2[%get3A_2, %get3A_3] : memref<128x128xf32, #tpu.memory_space<vmem>>, vector<128x128xf32>
    %dot_general3A = arith.constant dense<0.000000e+00> : vector<1000x128xf32>
    %dot_general3A_5 = tpu.matmul %get3A_1, %get3A_4, %dot_general3A {dimension_numbers = #tpu.dot_dimension_numbers<[1], [1], [0], [0], [0, 0, 1, 0], [], []>, transpose_lhs_hint = false} : vector<1000x128xf32>, vector<128x128xf32>, vector<1000x128xf32> -> vector<1000x128xf32>
    %swap3A = arith.constant 0 : index
    %swap3A_6 = arith.constant 0 : index
    %swap3A_7 = vector.load %arg5[%swap3A, %swap3A_6] : memref<1000x128xf32, #tpu.memory_space<vmem>>, vector<1000x128xf32>
    tpu.vector_store %arg5[%swap3A, %swap3A_6], %dot_general3A_5 {strides = array<i32>} : memref<1000x128xf32, #tpu.memory_space<vmem>>, vector<1000x128xf32>,
    %get3A_8 = arith.constant 0 : index
    %get3A_9 = arith.constant 0 : index
    %get3A_10 = vector.load %arg3[%get3A_8, %get3A_9] : memref<128x128xf32, #tpu.memory_space<vmem>>, vector<128x128xf32>
    %dot_general3A_11 = arith.constant dense<0.000000e+00> : vector<1000x128xf32>
    %dot_general3A_12 = tpu.matmul %get3A_1, %get3A_10, %dot_general3A_11 {dimension_numbers = #tpu.dot_dimension_numbers<[1], [1], [0], [0], [0, 0, 1, 0], [], []>, transpose_lhs_hint = false} : vector<1000x128xf32>, vector<128x128xf32>, vector<1000x128xf32> -> vector<1000x128xf32>
    %get3A_13 = arith.constant 0 : index
    %get3A_14 = arith.constant 0 : index
    %get3A_15 = vector.load %arg4[%get3A_13, %get3A_14] : memref<1x128xf32, #tpu.memory_space<vmem>>, vector<1x128xf32>
    %add3A = vector.broadcast %get3A_15 : vector<1x128xf32> to vector<1000x128xf32>
    %add3A_16 = arith.addf %dot_general3A_12, %add3A : vector<1000x128xf32>
    %slice3A = vector.extract_strided_slice %add3A_16 {offsets = [0, 0], sizes = [1000, 64], strides = [1, 1]} : vector<1000x128xf32> to vector<1000x64xf32>
    %swap3A_17 = arith.constant 0 : index
    %swap3A_18 = arith.constant 0 : index
    %swap3A_19 = arith.constant 0 : index
    %swap3A_20 = vector.load %arg6[%swap3A_17, %swap3A_18, %swap3A_19] : memref<2x1000x64xf32, #tpu.memory_space<vmem>>, vector<1x1000x64xf32>
    %swap3A_21 = vector.shape_cast %swap3A_20 : vector<1x1000x64xf32> to vector<1000x64xf32>
    %swap3A_22 = vector.shape_cast %slice3A : vector<1000x64xf32> to vector<1x1000x64xf32>
    tpu.vector_store %arg6[%swap3A_17, %swap3A_18, %swap3A_19], %swap3A_22 {strides = array<i32>} : memref<2x1000x64xf32, #tpu.memory_space<vmem>>, vector<1x1000x64xf32>,
    %slice3A_23 = vector.extract_strided_slice %add3A_16 {offsets = [0, 64], sizes = [1000, 64], strides = [1, 1]} : vector<1000x128xf32> to vector<1000x64xf32>
    %swap3A_24 = arith.constant 1 : index
    %swap3A_25 = arith.constant 0 : index
    %swap3A_26 = arith.constant 0 : index
    %swap3A_27 = vector.load %arg6[%swap3A_24, %swap3A_25, %swap3A_26] : memref<2x1000x64xf32, #tpu.memory_space<vmem>>, vector<1x1000x64xf32>
    %swap3A_28 = vector.shape_cast %swap3A_27 : vector<1x1000x64xf32> to vector<1000x64xf32>
    %swap3A_29 = vector.shape_cast %slice3A_23 : vector<1000x64xf32> to vector<1x1000x64xf32>
    tpu.vector_store %arg6[%swap3A_24, %swap3A_25, %swap3A_26], %swap3A_29 {strides = array<i32>} : memref<2x1000x64xf32, #tpu.memory_space<vmem>>, vector<1x1000x64xf32>,
    return
  }
  func.func @transform_0(%arg0: i32) -> (i32, i32) {
    %c0_i32 = arith.constant 0 : i32
    %c0_i32_0 = arith.constant 0 : i32
    return %arg0, %c0_i32 : i32, i32
  }
  func.func @transform_1(%arg0: i32) -> (i32, i32) {
    %c0_i32 = arith.constant 0 : i32
    %c0_i32_0 = arith.constant 0 : i32
    %c0_i32_1 = arith.constant 0 : i32
    return %c0_i32, %c0_i32_0 : i32, i32
  }
  func.func @transform_2(%arg0: i32) -> (i32, i32) {
    %c0_i32 = arith.constant 0 : i32
    %c0_i32_0 = arith.constant 0 : i32
    %c0_i32_1 = arith.constant 0 : i32
    return %c0_i32, %c0_i32_0 : i32, i32
  }
  func.func @transform_3(%arg0: i32) -> (i32, i32) {
    %c0_i32 = arith.constant 0 : i32
    %c0_i32_0 = arith.constant 0 : i32
    %c0_i32_1 = arith.constant 0 : i32
    return %c0_i32, %c0_i32_0 : i32, i32
  }
  func.func @transform_4(%arg0: i32) -> (i32, i32) {
    %c0_i32 = arith.constant 0 : i32
    %c0_i32_0 = arith.constant 0 : i32
    return %arg0, %c0_i32 : i32, i32
  }
  func.func @transform_5(%arg0: i32) -> (i32, i32, i32) {
    %c0_i32 = arith.constant 0 : i32
    %c0_i32_0 = arith.constant 0 : i32
    %c0_i32_1 = arith.constant 0 : i32
    return %c0_i32, %arg0, %c0_i32_0 : i32, i32, i32
  }
}

module attributes {stable_mosaic.version = 14 : i64} {
  func.func @_combine_body(%arg0: i32, %arg1: memref<1000x128xf32, #tpu.memory_space<vmem>>, %arg2: memref<2x1000x64xf32, #tpu.memory_space<vmem>>, %arg3: memref<2x1000x16xf32, #tpu.memory_space<vmem>>, %arg4: memref<1000x128xf32, #tpu.memory_space<vmem>>) attributes {dimension_semantics = [#tpu.dimension_semantics<arbitrary>], iteration_bounds = array<i64: 10>, scalar_prefetch = 0 : i64, scratch_operands = 0 : i64, tpu.core_type = #tpu.core_type<tc>, window_params = [{transform_indices = @transform_0, window_bounds = array<i64: 1000, 128>}, {transform_indices = @transform_1, window_bounds = array<i64: 2, 1000, 64>}, {transform_indices = @transform_2, window_bounds = array<i64: 2, 1000, 16>}, {transform_indices = @transform_3, window_bounds = array<i64: 1000, 128>}]} {
    %get3A = arith.constant 0 : index
    %get3A_0 = arith.constant 0 : index
    %get3A_1 = arith.constant 0 : index
    %get3A_2 = vector.load %arg3[%get3A, %get3A_0, %get3A_1] : memref<2x1000x16xf32, #tpu.memory_space<vmem>>, vector<1x1000x1xf32>
    %get3A_3 = vector.shape_cast %get3A_2 : vector<1x1000x1xf32> to vector<1000x1xf32>
    %get3A_4 = arith.constant 1 : index
    %get3A_5 = arith.constant 0 : index
    %get3A_6 = arith.constant 0 : index
    %get3A_7 = vector.load %arg3[%get3A_4, %get3A_5, %get3A_6] : memref<2x1000x16xf32, #tpu.memory_space<vmem>>, vector<1x1000x1xf32>
    %get3A_8 = vector.shape_cast %get3A_7 : vector<1x1000x1xf32> to vector<1000x1xf32>
    %add3A = arith.addf %get3A_3, %get3A_8 : vector<1000x1xf32>
    %max3A = arith.constant 1.000000e+00 : f32
    %max3A_9 = vector.broadcast %max3A : f32 to vector<1000x1xf32>
    %max3A_10 = arith.maximumf %add3A, %max3A_9 : vector<1000x1xf32>
    %div3A = arith.constant 1.000000e+00 : f32
    %div3A_11 = vector.broadcast %div3A : f32 to vector<1000x1xf32>
    %div3A_12 = arith.divf %div3A_11, %max3A_10 : vector<1000x1xf32>
    %get3A_13 = arith.constant 0 : index
    %get3A_14 = arith.constant 0 : index
    %get3A_15 = vector.load %arg1[%get3A_13, %get3A_14] : memref<1000x128xf32, #tpu.memory_space<vmem>>, vector<1000x128xf32>
    %slice3A = vector.extract_strided_slice %get3A_15 {offsets = [0, 0], sizes = [1000, 64], strides = [1, 1]} : vector<1000x128xf32> to vector<1000x64xf32>
    %get3A_16 = arith.constant 0 : index
    %get3A_17 = arith.constant 0 : index
    %get3A_18 = arith.constant 0 : index
    %get3A_19 = vector.load %arg2[%get3A_16, %get3A_17, %get3A_18] : memref<2x1000x64xf32, #tpu.memory_space<vmem>>, vector<1x1000x64xf32>
    %get3A_20 = vector.shape_cast %get3A_19 : vector<1x1000x64xf32> to vector<1000x64xf32>
    %mul3A = vector.broadcast %div3A_12 : vector<1000x1xf32> to vector<1000x64xf32>
    %mul3A_21 = arith.mulf %get3A_20, %mul3A : vector<1000x64xf32>
    %add3A_22 = arith.addf %slice3A, %mul3A_21 : vector<1000x64xf32>
    %swap3A = arith.constant 0 : index
    %swap3A_23 = arith.constant 0 : index
    %swap3A_24 = vector.load %arg4[%swap3A, %swap3A_23] : memref<1000x128xf32, #tpu.memory_space<vmem>>, vector<1000x64xf32>
    tpu.vector_store %arg4[%swap3A, %swap3A_23], %add3A_22 {strides = array<i32>} : memref<1000x128xf32, #tpu.memory_space<vmem>>, vector<1000x64xf32>,
    %slice3A_25 = vector.extract_strided_slice %get3A_15 {offsets = [0, 64], sizes = [1000, 64], strides = [1, 1]} : vector<1000x128xf32> to vector<1000x64xf32>
    %get3A_26 = arith.constant 1 : index
    %get3A_27 = arith.constant 0 : index
    %get3A_28 = arith.constant 0 : index
    %get3A_29 = vector.load %arg2[%get3A_26, %get3A_27, %get3A_28] : memref<2x1000x64xf32, #tpu.memory_space<vmem>>, vector<1x1000x64xf32>
    %get3A_30 = vector.shape_cast %get3A_29 : vector<1x1000x64xf32> to vector<1000x64xf32>
    %mul3A_31 = vector.broadcast %div3A_12 : vector<1000x1xf32> to vector<1000x64xf32>
    %mul3A_32 = arith.mulf %get3A_30, %mul3A_31 : vector<1000x64xf32>
    %add3A_33 = arith.addf %slice3A_25, %mul3A_32 : vector<1000x64xf32>
    %swap3A_34 = arith.constant 0 : index
    %swap3A_35 = arith.constant 64 : index
    %swap3A_36 = vector.load %arg4[%swap3A_34, %swap3A_35] : memref<1000x128xf32, #tpu.memory_space<vmem>>, vector<1000x64xf32>
    tpu.vector_store %arg4[%swap3A_34, %swap3A_35], %add3A_33 {strides = array<i32>} : memref<1000x128xf32, #tpu.memory_space<vmem>>, vector<1000x64xf32>,
    return
  }
  func.func @transform_0(%arg0: i32) -> (i32, i32) {
    %c0_i32 = arith.constant 0 : i32
    %c0_i32_0 = arith.constant 0 : i32
    return %arg0, %c0_i32 : i32, i32
  }
  func.func @transform_1(%arg0: i32) -> (i32, i32, i32) {
    %c0_i32 = arith.constant 0 : i32
    %c0_i32_0 = arith.constant 0 : i32
    %c0_i32_1 = arith.constant 0 : i32
    return %c0_i32, %arg0, %c0_i32_0 : i32, i32, i32
  }
  func.func @transform_2(%arg0: i32) -> (i32, i32, i32) {
    %c0_i32 = arith.constant 0 : i32
    %c0_i32_0 = arith.constant 0 : i32
    %c0_i32_1 = arith.constant 0 : i32
    return %c0_i32, %arg0, %c0_i32_0 : i32, i32, i32
  }
  func.func @transform_3(%arg0: i32) -> (i32, i32) {
    %c0_i32 = arith.constant 0 : i32
    %c0_i32_0 = arith.constant 0 : i32
    return %arg0, %c0_i32 : i32, i32
  }
}

</mosaic_0001>

<sc_bundles>
// kernel: kernel.5.cloned.1.call-start
scs
__scs_entry_jumppad:
0x0: {  	(pc) =	sbr.rel $0x88, $3  }
0x1: {  	(tag) =	ssettag $0x0;
	lr =	simm.s32 $0x1  }
0x2: {  	[smem:$0x3F9C] =	sst lr;
	_ =	strace $0xD0000000  }
0x3: {  	_ = 	snop  }
0x4: {  	_ = 	snop  }
0x5: {  	_ = 	snop  }
0x6: {  	_ = 	snop  }
0x7: {  	_ = 	snop  }
__scs_overlays_trampoline_lowered:
0x8: {  	[smem:$0x3FAB] =	sst s0  }
0x9: {  	[smem:$0x3FAC] =	sst s1  }
0xa: {  	[smem:$0x3FAD] =	sst s2  }
0xb: {  	[smem:$0x3FAE] =	sst s3  }
0xc: {  	[smem:$0x3FAF] =	sst s4  }
0xd: {  	[smem:$0x3FB0] =	sst s5  }
0xe: {  	[smem:$0x3FB1] =	sst s6  }
0xf: {  	[smem:$0x3FB2] =	sst s7  }
0x10: {  	[smem:$0x3FB3] =	sst s8  }
0x11: {  	[smem:$0x3FB4] =	sst s9;
	s0 =	simm.s32 @!p0 $0x0  }
0x12: {  	s1 =	sld [smem:$0x3F9A];
	s0 =	simm.s32 @p0 $0x1  }
0x13: {  	[smem:$0x3FB5] =	sst s0;
	s0 =	simm.s32 @!p1 $0x0  }
0x14: {  	s2 =	sld [smem:$0x3F99];
	s0 =	simm.s32 @p1 $0x1  }
0x15: {  	[smem:$0x3FB6] =	sst s0;
	s0 =	simm.s32 @!p2 $0x0  }
0x16: {  	s3 =	sld [smem:$0x3FDB];
	s0 =	simm.s32 @p2 $0x1  }
0x17: {  	s4 =	simm.s32 $0x1BF5;
	[smem:$0x3FB8] =	sst s0  }
0x18: {  	s0 =	sld [smem:$0x3F9B];
	_ =	swait.ge [sflag:s4], $0x0  }
0x19: {  	s7 =	sld [smem:$0x3F9C]  }
0x1a: {  	s8 =	sadd.s32 $0xFFFFE003, lr  }
0x1b: {  	s9 =	sadd.s32 $0xFFFFFEF7, lr;
	s5 =	simm.s32 $0xFFFFFFFF;
	p2 =	slt.u32 s8, $0xFFFFF086  }
0x1c: {  	p1 =	slt.u32 s9, $0xF7A;
	s5 =	simm.s32 @!p2 $0x0  }
0x1d: {  	s5 =	simm.s32 @p1 $0x1;
	p0 =	seq.s32 s7, s2  }
0x1e: {  	s7 =	smul.u32 @!p0 $0xF7A, s2;
	p2 =	seq.s32 @!p0 s5, $0x0  }
0x1f: {  	s9 =	smul.u32 $0xF7A, s1;
	s8 =	simm.s32 @!p0 $0x1BF5;
	p2 =	por !p2, p0  }
0x20: {  	[sflag:s8] =	ssyncset.s32 @!p0 $0xFFFFF086;
	s6 =	sadd.s32 @!p0 s3, s7;
	s7 =	simm.s32 @!p0 $0x108  }
0x21: {  	s3 =	sadd.s32 s3, s9;
	s6 =	sadd.s32 @!p0 $0x88, s6;
	s7 =	simm.s32 @p2 $0x1082  }
0x22: {  	[simem:s7], [sflag:s8] =	dma.local @!p0 [hbm:s6], $0xF7A  }
0x23: {  	s9 =	sor.u32 $0xD0000000, s2;
	s6 =	simm.s32 $0x108;
	_ =	swait.ge @!p0 [sflag:s8], $0x0  }
0x24: {  	s3 =	sadd.s32 $0x88, s3;
	s6 =	simm.s32 @!p1 $0x1082;
	[sflag:s4] =	ssyncset.s32 $0xFFFFF086  }
0x25: {  	[simem:s6], [sflag:s4] =	dma.local [hbm:s3], $0xF7A  }
0x26: {  	[smem:$0x3F9C] =	sst s1;
	(tag) =	ssettag s2;
	_ =	strace s9  }
0x27: {  	s1 =	sld [smem:$0x3FAC]  }
0x28: {  	s2 =	sld [smem:$0x3FAD]  }
0x29: {  	s4 =	sld [smem:$0x3FAF]  }
0x2a: {  	p0 =	seq.s32 s5, $0x0;
	s5 =	sld [smem:$0x3FB0]  }
0x2b: {  	s6 =	sld [smem:$0x3FB1]  }
0x2c: {  	s7 =	sld [smem:$0x3FB2]  }
0x2d: {  	s3 =	simm.s32 $0x108;
	s8 =	sld [smem:$0x3FB3]  }
0x2e: {  	s3 =	simm.s32 @!p0 $0x1082;
	s9 =	sld [smem:$0x3FB4]  }
0x2f: {  	lr =	sadd.s32 s0, s3;
	s0 =	sld [smem:$0x3FAB]  }
0x30: {  	s3 =	sld [smem:$0x3FAE]  }
0x31: {  	[smem:$0x3FB7] =	sst s10  }
0x32: {  	s10 =	sld [smem:$0x3FB5];
	_ =	sdelay $0x3  }
0x33: {  	p0 =	seq.s32 s10, $0x1;
	s10 =	sld [smem:$0x3FB7];
	_ =	sdelay $0x3  }
0x34: {  	[smem:$0x3FB7] =	sst s10  }
0x35: {  	s10 =	sld [smem:$0x3FB6];
	_ =	sdelay $0x3  }
0x36: {  	p1 =	seq.s32 s10, $0x1;
	s10 =	sld [smem:$0x3FB7];
	_ =	sdelay $0x3  }
0x37: {  	[smem:$0x3FB7] =	sst s10  }
0x38: {  	s10 =	sld [smem:$0x3FB8]  }
0x39: {  	_ = 	snop;
	(pc) =	sbr.ind lr, $3  }
0x3a: {  	_ = 	snop  }
0x3b: {  	_ = 	snop  }
0x3c: {  	p2 =	seq.s32 s10, $0x1;
	s10 =	sld [smem:$0x3FB7]  }
0x3d: {  	_ =	shalt  }
0x3e: {  	_ =	shalt  }
0x3f: {  	_ =	shalt  }
0x40: {  	_ =	shalt  }
0x41: {  	_ =	shalt  }
0x42: {  	_ =	shalt  }
0x43: {  	_ =	shalt  }
0x44: {  	_ =	shalt  }
0x45: {  	_ =	shalt  }
0x46: {  	_ =	shalt  }
0x47: {  	_ =	shalt  }
0x48: {  	_ =	shalt  }
0x49: {  	_ =	shalt  }
0x4a: {  	_ =	shalt  }
0x4b: {  	_ =	shalt  }
0x4c: {  	_ =	shalt  }
0x4d: {  	_ =	shalt  }
0x4e: {  	_ =	shalt  }
0x4f: {  	_ =	shalt  }
0x50: {  	_ =	shalt  }
0x51: {  	_ =	shalt  }
0x52: {  	_ =	shalt  }
0x53: {  	_ =	shalt  }
0x54: {  	_ =	shalt  }
0x55: {  	_ =	shalt  }
0x56: {  	_ =	shalt  }
0x57: {  	_ =	shalt  }
0x58: {  	_ =	shalt  }
0x59: {  	_ =	shalt  }
0x5a: {  	_ =	shalt  }
0x5b: {  	_ =	shalt  }
0x5c: {  	_ =	shalt  }
0x5d: {  	_ =	shalt  }
0x5e: {  	_ =	shalt  }
0x5f: {  	_ =	shalt  }
0x60: {  	_ =	shalt  }
0x61: {  	_ =	shalt  }
0x62: {  	_ =	shalt  }
0x63: {  	_ =	shalt  }
0x64: {  	_ =	shalt  }
0x65: {  	_ =	shalt  }
0x66: {  	_ =	shalt  }
0x67: {  	_ =	shalt  }
0x68: {  	_ =	shalt  }
0x69: {  	_ =	shalt  }
0x6a: {  	_ =	shalt  }
0x6b: {  	_ =	shalt  }
0x6c: {  	_ =	shalt  }
0x6d: {  	_ =	shalt  }
0x6e: {  	_ =	shalt  }
0x6f: {  	_ =	shalt  }
0x70: {  	_ =	shalt  }
0x71: {  	_ =	shalt  }
0x72: {  	_ =	shalt  }
0x73: {  	_ =	shalt  }
0x74: {  	_ =	shalt  }
0x75: {  	_ =	shalt  }
0x76: {  	_ =	shalt  }
0x77: {  	_ =	shalt  }
0x78: {  	_ =	shalt  }
0x79: {  	_ =	shalt  }
0x7a: {  	_ =	shalt  }
0x7b: {  	_ =	shalt  }
0x7c: {  	_ =	shalt  }
0x7d: {  	_ =	shalt  }
0x7e: {  	_ =	shalt  }
0x7f: {  	_ =	shalt  }
0x80: {  	_ =	shalt  }
0x81: {  	_ =	shalt  }
0x82: {  	_ =	shalt  }
0x83: {  	_ =	shalt  }
0x84: {  	_ =	shalt  }
0x85: {  	_ =	shalt  }
0x86: {  	_ =	shalt  }
0x87: {  	_ =	shalt  }
.Lfunc_end0:
.L_simem_size_0:
called_computation_lowered:
.L_overlay_start_0:
0x88: {  	s2 =	sld [smem:$0x3FD9]  }
0x89: {  	s3 =	sld [smem:$0x3FFE];
	_ =	sdelay $0x1  }
0x8a: {  	s1 =	srdreg.scid  }
0x8b: {  	s0 =	sand.u32 $0x1, s1  }
0x8c: {  	s17 =	sshll.u32 s0, $0xA;
	s2 =	sadd.s32 s3, s2  }
0x8d: {  	s2 =	sadd.s32 s2, s17  }
0x8e: {  	[smem:$0x3FC3] =	sst s2  }
0x8f: {  	_ = 	snop  }
0x90: {  	s2 =	sld [smem:$0x3FD0];
	(tm) =	ssettm $0x1  }
0x91: {  	s18 =	sld [smem:$0x3FFB];
	_ =	sdelay $0x3  }
0x92: {  	_ =	strace s18  }
0x93: {  	s3 =	sld [smem:$0x3FFC];
	_ =	sdelay $0x3  }
0x94: {  	_ =	strace s3  }
0x95: {  	s3 =	sld [smem:$0x3FFD];
	_ =	sdelay $0x3  }
0x96: {  	_ =	strace s3  }
0x97: {  	_ =	strace $0x8FFFFFFF  }
0x98: {  	s19 =	sld [smem:$0x3FDB];
	_ =	sdelay $0x1  }
0x99: {  	s4 =	simm.s32 $_scs_section_size  }
0x9a: {  	s5 =	simm.s32 $_size__tile_overlayer_lowered;
	s6 =	simm.s32 $_tile_overlayer_lowered  }
0x9b: {  	s22 =	simm.s32 $0x1BFF;
	s21 =	sshll.u32 s6, $0x1;
	s3 =	sadd.s32 s4, s19  }
0x9c: {  	s7 =	simm.s32 $0x0;
	s20 =	sshll.u32 s5, $0x1;
	s5 =	sadd.s32 s21, s3  }
0x9d: {  	[timem:s7], [sflag:s22] =	dma.local [hbm:s5], s20  }
0x9e: {  	_ =	swait.ge [sflag:s22], s20  }
0x9f: {  	s4 =	ssub.s32 $0x0, s20;
	[sflag:s22] =	ssyncset.done $0x0  }
0xa0: {  	[sflag:s22] =	ssyncadd.s32 s4;
	_ =	sdelay $0x1  }
0xa1: {  	s23 =	simm.s32 $0x1B8B  }
0xa2: {  	_ =	swait.ge [sflag:s23], $0x1  }
0xa3: {  	[sflag:s23] =	ssyncset.done $0x0  }
0xa4: {  	s25 =	simm.s32 $0x1B8E;
	s24 =	sld [smem:$0x3FFE];
	[sflag:s23] =	ssyncadd.s32 $0xFFFFFFFF  }
0xa5: {  	s26 =	simm.s32 $execute0_lowered;
	[smem:$0x3FD2] =	sst s25  }
0xa6: {  	s5 =	sshll.u32 s26, $0x1;
	_ =	strace $0x80000046;
	[dreg:$0x1] =	wrdreg $0xFFFFFFFF  }
0xa7: {  	s28 =	simm.s32 $_size_execute0_lowered;
	s3 =	sadd.s32 s3, s5;
	[dreg:$0x0] =	wrdreg $0x0  }
0xa8: {  	s5 =	sshll.u32 s28, $0x1;
	[dreg:$0x2] =	wrdreg s3  }
0xa9: {  	[dreg:$0x3] =	wrdreg s5  }
0xaa: {  	[dreg:$0x4] =	wrdreg $0xC0  }
0xab: {  	_ =	task [dreg:s7], $0x5FFFF  }
0xac: {  	[dreg:$0x1] =	wrdreg $0xFFFFFFFF  }
0xad: {  	[dreg:$0x0] =	wrdreg $0x60  }
0xae: {  	[dreg:$0x2] =	wrdreg s2  }
0xaf: {  	[dreg:$0x3] =	wrdreg s24  }
0xb0: {  	[dreg:$0x4] =	wrdreg $0x124400  }
0xb1: {  	[dreg:$0x5] =	wrdreg $0x1C4400  }
0xb2: {  	[dreg:$0x6] =	wrdreg $0x88000  }
0xb3: {  	[dreg:$0x7] =	wrdreg $0x9  }
0xb4: {  	_ =	task.clear_ibuf [dreg:s7], $0x8FFFF;
	_ =	strace $0x90000046  }
0xb5: {  	s29 =	simm.s32 $0x9;
	_ =	strace $0x80000048  }
0xb6: {  	_ =	swait.ge [sflag:s29], $0x1  }
0xb7: {  	[sflag:s29] =	ssyncadd.s32 $0xFFFFFFFF  }
0xb8: {  	_ =	strace $0x90000048  }
0xb9: {  	_ =	sfence  }
0xba: {  	s30 =	sld [smem:$0x0];
	_ =	sdelay $0x2  }
0xbb: {  	s31 =	sshll.u32 s1, $0xD;
	s1 =	sshrl.u32 s1, $0x2  }
0xbc: {  	s3 =	sand.u32 $0x4000, s31;
	s1 =	sadd.s32 s1, s30  }
0xbd: {  	s0 =	sor.u32 s3, s0;
	s1 =	sshll.u32 s1, $0x11  }
0xbe: {  	s0 =	sor.u32 s1, s0  }
0xbf: {  	s0 =	sadd.s32 $0x8F2B, s0  }
0xc0: {  	[sflag:s0] =	ssyncadd.remote.s32 $0x1  }
0xc1: {  	_ =	sfence.sel $0xFFFF  }
0xc2: {  	[dreg:$0x0] =	wrdreg $0xFFFFFFFF;
	(pc) =	sbr.abs _section_cstart, $3  }
0xc3: {  	[dreg:$0x1] =	wrdreg $0xFFFFFFFF  }
0xc4: {  	_ =	task.clear_ibuf [dreg:s7], $0x2FFFF;
	_ =	strace $0x9FFFFFFF  }
0xc5: {  	(tm) =	ssettm $0x7FFFFFFF  }
tec
execute0_lowered:
.L_overlay_start_1:
0x0: {  	(tag) =	ssettag $0x1  }
0x1: {  	s9 =	rddreg [dreg:$0x0]  }
0x2: {  	s6 =	rddreg [dreg:$0x1]  }
0x3: {  	s1 =	rddreg [dreg:$0x2]  }
0x4: {  	s2 =	rddreg [dreg:$0x3]  }
0x5: {  	s3 =	rddreg [dreg:$0x4];
	s4 =	simm.s32 $0x0  }
0x6: {  	s8 =	simm.s32 $0x100;
	[smem:$0x7FF] =	sst s4  }
0x7: {  	s22 =	simm.s32 $0xC80;
	_ =	strace $0x80000047;
	[dreg:$0x6] =	wrdreg s8  }
0x8: {  	s23 =	simm.s32 $0x180;
	[dreg:$0x7] =	wrdreg s22  }
0x9: {  	s24 =	simm.s32 $0xD00;
	[dreg:$0x8] =	wrdreg s23  }
0xa: {  	s25 =	simm.s32 $0x200;
	[dreg:$0x9] =	wrdreg s24  }
0xb: {  	s26 =	simm.s32 $0xD80;
	[dreg:$0xa] =	wrdreg s25  }
0xc: {  	s13 =	simm.s32 $0x280;
	[dreg:$0xb] =	wrdreg s26  }
0xd: {  	s31 =	simm.s32 $0xE00;
	[dreg:$0xc] =	wrdreg s13  }
0xe: {  	s15 =	simm.s32 $0xE80;
	[dreg:$0xd] =	wrdreg s31  }
0xf: {  	s16 =	simm.s32 $0x380;
	[dreg:$0xf] =	wrdreg s15  }
0x10: {  	s18 =	simm.s32 $0xF00;
	[dreg:$0x10] =	wrdreg s16  }
0x11: {  	s21 =	simm.s32 $0x400;
	[dreg:$0x11] =	wrdreg s18  }
0x12: {  	s13 =	simm.s32 $0x300;
	[dreg:$0x12] =	wrdreg s21  }
0x13: {  	s0 =	srdreg.scid;
	s22 =	simm.s32 $0xF80;
	[dreg:$0xe] =	wrdreg s13  }
0x14: {  	s19 =	stileid.u32;
	s15 =	simm.s32 $0x480;
	[dreg:$0x13] =	wrdreg s22  }
0x15: {  	s29 =	simm.s32 $0x1800;
	s23 =	simm.s32 $0x1000;
	[dreg:$0x14] =	wrdreg s15  }
0x16: {  	s30 =	simm.s32 $0xB;
	s24 =	simm.s32 $0x500;
	[dreg:$0x15] =	wrdreg s23  }
0x17: {  	s5 =	sadd.s32 $0xB400, s6;
	s26 =	simm.s32 $0x1080;
	[dreg:$0x16] =	wrdreg s24  }
0x18: {  	s0 =	sand.u32 $0x1, s0;
	s31 =	simm.s32 $0x580;
	[dreg:$0x17] =	wrdreg s26  }
0x19: {  	s7 =	smul.u32 $0xA000, s19;
	s18 =	simm.s32 $0x1180;
	[dreg:$0x18] =	wrdreg s31  }
0x1a: {  	s11 =	sadd.s32 $0xC00, s6;
	s21 =	simm.s32 $0x680;
	[dreg:$0x1a] =	wrdreg s18  }
0x1b: {  	s14 =	smul.u32 $0x2800, s19;
	[dreg:$0x1b] =	wrdreg s21;
	s24 =	simm.s32 $0x700  }
0x1c: {  	s10 =	smul.u32 $0xA0000, s0;
	s26 =	simm.s32 $0x1280;
	[dreg:$0x1c] =	wrdreg s24  }
0x1d: {  	s12 =	smul.u32 $0x28000, s0;
	s18 =	simm.s32 $0x800;
	[dreg:$0x1d] =	wrdreg s26  }
0x1e: {  	s17 =	ssub.s32 $0x2, s0;
	s21 =	simm.s32 $0x1380;
	[smem:$0x7DE] =	sst s18  }
0x1f: {  	s20 =	sshrl.u32 s17, $0x1;
	s22 =	sadd.s32 s14, s2;
	[smem:$0x7DF] =	sst s21  }
0x20: {  	s13 =	smul.u32 $0x280, s19;
	s24 =	simm.s32 $0x1400;
	[smem:$0x7FD] =	sst s22  }
0x21: {  	s10 =	sadd.s32 s7, s10;
	s26 =	simm.s32 $0x1480;
	[smem:$0x7E1] =	sst s24  }
0x22: {  	s12 =	sadd.s32 s14, s12;
	s21 =	simm.s32 $0xA00;
	[smem:$0x7E3] =	sst s26  }
0x23: {  	s7 =	sadd.s32 s7, s1;
	s14 =	simm.s32 $0x1600;
	[smem:$0x7E8] =	sst s21  }
0x24: {  	s10 =	sshrl.u32 s10, $0x3;
	s12 =	sshrl.u32 s12, $0x3;
	[smem:$0x7EC] =	sst s14  }
0x25: {  	s25 =	sadd.s32 $0x80, s13;
	s24 =	simm.s32 $0x1580;
	[smem:$0x7FC] =	sst s7  }
0x26: {  	s26 =	simm.s32 $0xA80;
	s21 =	simm.s32 $0xB80;
	[smem:$0x7E9] =	sst s24  }
0x27: {  	s8 =	sadd.s32 s10, s6;
	s10 =	sadd.s32 s12, s6;
	[smem:$0x7EB] =	sst s26  }
0x28: {  	s12 =	ssub.s32 s17, s20;
	s17 =	simm.s32 $0x1100;
	[smem:$0x7F0] =	sst s21  }
0x29: {  	s23 =	sadd.s32 $0x100, s13;
	s6 =	simm.s32 $0x780;
	[dreg:$0x19] =	wrdreg s17  }
0x2a: {  	s16 =	sshll.u32 s25, $0x6;
	s24 =	simm.s32 $0x1700;
	[dreg:$0x1e] =	wrdreg s6  }
0x2b: {  	s15 =	sshll.u32 s25, $0x4;
	s16 =	sadd.s32 s16, s1;
	[smem:$0x7F1] =	sst s24  }
0x2c: {  	s25 =	sshll.u32 s23, $0x6;
	s20 =	sadd.s32 s15, s2;
	[smem:$0x7DA] =	sst s16  }
0x2d: {  	s18 =	smul.u32 $0x5400, s19;
	s31 =	sadd.s32 s25, s1;
	[smem:$0x7DB] =	sst s20  }
0x2e: {  	s15 =	sshll.u32 s23, $0x4;
	s23 =	simm.s32 $0x880;
	[smem:$0x7DC] =	sst s31  }
0x2f: {  	s14 =	simm.s32 $0x600;
	s25 =	simm.s32 $0x900;
	[smem:$0x7E0] =	sst s23  }
0x30: {  	s21 =	sadd.s32 $0x15C00, s8;
	s24 =	smax.u32 s12, $0x1;
	[smem:$0x7E2] =	sst s25  }
0x31: {  	s8 =	simm.s32 $0x3800;
	s12 =	simm.s32 $0x4;
	[smem:$0x7F6] =	sst s21  }
0x32: {  	s17 =	sadd.s32 s15, s2;
	s20 =	smul.u32 $0x9C400, s0;
	[smem:$0x7F8] =	sst s24  }
0x33: {  	s16 =	simm.s32 $0x1300;
	s25 =	smul.u32 $0xA80, s19;
	[smem:$0x7DD] =	sst s17  }
0x34: {  	s31 =	simm.s32 $0x980;
	[dreg:$0x1f] =	wrdreg s16;
	s16 =	smul.u32 $0x9C40, s19  }
0x35: {  	s17 =	sadd.s32 $0x180, s13;
	[smem:$0x7E5] =	sst s31;
	s19 =	simm.s32 $0x1680  }
0x36: {  	s13 =	sadd.s32 $0x200, s13;
	[smem:$0x7EE] =	sst s19;
	s26 =	sshll.u32 s17, $0x4  }
0x37: {  	s15 =	sadd.s32 s16, s20;
	s20 =	sshrl.u32 s18, $0x3;
	s18 =	simm.s32 $0xB00  }
0x38: {  	s15 =	sshrl.u32 s15, $0x3;
	s23 =	sadd.s32 s5, s20;
	s31 =	sadd.s32 s11, s20  }
0x39: {  	s11 =	sadd.s32 s25, s11;
	s5 =	sadd.s32 s25, s5;
	[smem:$0x7ED] =	sst s18  }
0x3a: {  	s20 =	sshll.u32 s17, $0x6;
	s25 =	simm.s32 $0x1780;
	[smem:$0x7E7] =	sst s23  }
0x3b: {  	s18 =	sshll.u32 s13, $0x4;
	s9 =	sadd.s32 s9, s15;
	[smem:$0x7EA] =	sst s31  }
0x3c: {  	s15 =	simm.s32 $0x1500;
	s23 =	sadd.s32 s20, s1;
	[smem:$0x7F2] =	sst s25  }
0x3d: {  	s31 =	sshll.u32 s13, $0x6;
	s19 =	sadd.s32 s18, s2;
	[smem:$0x7E4] =	sst s9  }
0x3e: {  	s20 =	sadd.s32 s16, s3;
	s25 =	sadd.s32 $0x180, s11;
	[smem:$0x7E6] =	sst s15  }
0x3f: {  	s11 =	simm.s32 $0x2;
	s13 =	simm.s32 $0x3;
	[smem:$0x7EF] =	sst s23  }
0x40: {  	s16 =	simm.s32 $0x5;
	s18 =	simm.s32 $0x8;
	[smem:$0x7F5] =	sst s19  }
0x41: {  	s15 =	sadd.s32 s26, s2;
	s17 =	sadd.s32 s31, s1;
	[smem:$0x7F9] =	sst s25  }
0x42: {  	s19 =	smul.u32 $0x54, s0;
	s23 =	sadd.s32 $0x3DC00, s10;
	[smem:$0x7F3] =	sst s15  }
0x43: {  	s26 =	sadd.s32 $0x180, s5;
	s31 =	sshrl.u32 s20, $0x3;
	[smem:$0x7F4] =	sst s17  }
0x44: {  	s0 =	simm.s32 $0xC00;
	s5 =	simm.s32 $0x80;
	[smem:$0x7F7] =	sst s23  }
0x45: {  	s9 =	simm.s32 $0x1;
	s10 =	simm.s32 $0x5800;
	[smem:$0x7FA] =	sst s26  }
0x46: {  	s20 =	simm.s32 $0x0;
	[smem:$0x7FB] =	sst s31;
	s15 =	simm.s32 $0x1200  }
0x47: {  	v0 =	vimm.f32 $0.0e+00;
	v1 =	vimm.f32 $1.000000000e+00;
	s17 =	simm.s32 $0x6;
	s26 =	sadd.s32 $0x54, s19;
	s28 =	sor.u32 $0x2, s19  }
.LBB2_1:
0x48: {  	[smem:$0x7D9] =	sst s20;
	s20 =	simm.s32 $0x0  }
.LBB2_2:
0x49: {  	p0 =	sne.s32 s20, $0x7F00  }
.Ltmp0:
0x4a: {  	s21 =	sshra.s32 s20, $0x2;
	(pc) =	sbr.rel @p0 .LBB2_2-.Ltmp0, $4  }
0x4b: {  	[tilespmem:s21+$0x1800] =	vst v0  }
0x4c: {  	[tilespmem:s21+$0x1810] =	vst v0  }
0x4d: {  	[tilespmem:s21+$0x1820] =	vst v0  }
0x4e: {  	s20 =	sadd.s32 $0x100, s20;
	[tilespmem:s21+$0x1830] =	vst v0  }
0x4f: {  	s20 =	simm.s32 $0x40;
	s21 =	simm.s32 $0x0  }
.LBB2_4:
0x50: {  	p0 =	sne.s32 s20, $0x1FC0;
	[tilespmem:s21+$0x8000] =	vst v0;
	s23 =	smov.u32 s20;
	s20 =	sadd.s32 $0x40, s20  }
.Ltmp1:
0x51: {  	[tilespmem:s21+$0x7800] =	vst v1;
	(pc) =	sbr.rel @p0 .LBB2_4-.Ltmp1, $2  }
0x52: {  	_ =	sdelay $0x2  }
0x53: {  	s21 =	sshra.s32 s23, $0x2  }
0x54: {  	[tilespmem:s21+$0x8000] =	vst v0  }
0x55: {  	[tilespmem:s21+$0x7800] =	vst v1  }
0x56: {  	[spmem:s7] =	stream.linear.scatter [tilespmem:s29], [sflag:$0xB], $0x2000, $0x38;
	[tilespmem:$0x1EC40] =	vst v63  }
0x57: {  	_ =	swait.ge [sflag:s30], $0x2000  }
0x58: {  	[sflag:s30] =	ssyncset.done $0x0  }
0x59: {  	s7 =	simm.s32 $0x8000;
	[sflag:s30] =	ssyncadd.s32 $0xFFFFE000  }
0x5a: {  	[spmem:s22] =	stream.linear.scatter [tilespmem:s7], [sflag:$0xB], $0x800, $0x38;
	[tilespmem:$0x1EC40] =	vst v63  }
0x5b: {  	_ =	swait.ge [sflag:s30], $0x800  }
0x5c: {  	s6 =	sld [smem:$0x7DA]  }
0x5d: {  	[sflag:s30] =	ssyncset.done $0x0  }
0x5e: {  	[sflag:s30] =	ssyncadd.s32 $0xFFFFF800  }
0x5f: {  	[spmem:s6] =	stream.linear.scatter [tilespmem:s29], [sflag:$0xB], $0x2000, $0x38;
	[tilespmem:$0x1EC40] =	vst v63  }
0x60: {  	_ =	swait.ge [sflag:s30], $0x2000  }
0x61: {  	s22 =	sld [smem:$0x7DB]  }
0x62: {  	[sflag:s30] =	ssyncset.done $0x0  }
0x63: {  	[sflag:s30] =	ssyncadd.s32 $0xFFFFE000  }
0x64: {  	[spmem:s22] =	stream.linear.scatter [tilespmem:s7], [sflag:$0xB], $0x800, $0x38;
	[tilespmem:$0x1EC40] =	vst v63  }
0x65: {  	_ =	swait.ge [sflag:s30], $0x800  }
0x66: {  	s23 =	sld [smem:$0x7DC]  }
0x67: {  	[sflag:s30] =	ssyncset.done $0x0  }
0x68: {  	[sflag:s30] =	ssyncadd.s32 $0xFFFFF800  }
0x69: {  	[spmem:s23] =	stream.linear.scatter [tilespmem:s29], [sflag:$0xB], $0x2000, $0x38;
	[tilespmem:$0x1EC40] =	vst v63  }
0x6a: {  	_ =	swait.ge [sflag:s30], $0x2000  }
0x6b: {  	s24 =	sld [smem:$0x7DD]  }
0x6c: {  	[sflag:s30] =	ssyncset.done $0x0  }
0x6d: {  	[sflag:s30] =	ssyncadd.s32 $0xFFFFE000  }
0x6e: {  	[spmem:s24] =	stream.linear.scatter [tilespmem:s7], [sflag:$0xB], $0x800, $0x38;
	[tilespmem:$0x1EC40] =	vst v63  }
0x6f: {  	_ =	swait.ge [sflag:s30], $0x800  }
0x70: {  	s25 =	sld [smem:$0x7EF]  }
0x71: {  	[sflag:s30] =	ssyncset.done $0x0  }
0x72: {  	[sflag:s30] =	ssyncadd.s32 $0xFFFFF800  }
0x73: {  	[spmem:s25] =	stream.linear.scatter [tilespmem:s29], [sflag:$0xB], $0x2000, $0x38;
	[tilespmem:$0x1EC40] =	vst v63  }
0x74: {  	_ =	swait.ge [sflag:s30], $0x2000  }
0x75: {  	s31 =	sld [smem:$0x7F3]  }
0x76: {  	[sflag:s30] =	ssyncset.done $0x0  }
0x77: {  	[sflag:s30] =	ssyncadd.s32 $0xFFFFE000  }
0x78: {  	[spmem:s31] =	stream.linear.scatter [tilespmem:s7], [sflag:$0xB], $0x800, $0x38;
	[tilespmem:$0x1EC40] =	vst v63  }
0x79: {  	_ =	swait.ge [sflag:s30], $0x800  }
0x7a: {  	s20 =	sld [smem:$0x7F4]  }
0x7b: {  	[sflag:s30] =	ssyncset.done $0x0  }
0x7c: {  	[sflag:s30] =	ssyncadd.s32 $0xFFFFF800  }
0x7d: {  	[spmem:s20] =	stream.linear.scatter [tilespmem:s29], [sflag:$0xB], $0x2000, $0x38;
	[tilespmem:$0x1EC40] =	vst v63  }
0x7e: {  	_ =	swait.ge [sflag:s30], $0x2000  }
0x7f: {  	s21 =	sld [smem:$0x7F5]  }
0x80: {  	[sflag:s30] =	ssyncset.done $0x0  }
0x81: {  	[sflag:s30] =	ssyncadd.s32 $0xFFFFE000  }
0x82: {  	[spmem:s21] =	stream.linear.scatter [tilespmem:s7], [sflag:$0xB], $0x800, $0x38;
	[tilespmem:$0x1EC40] =	vst v63  }
0x83: {  	_ =	swait.ge [sflag:s30], $0x800  }
0x84: {  	s22 =	stileid.u32;
	s23 =	sld [smem:$0x7E4]  }
0x85: {  	s20 =	sshll.u32 s22, $0x6;
	s24 =	sld [smem:$0x7FB]  }
0x86: {  	s20 =	sor.u32 $0x1C0B, s20;
	[sflag:s30] =	ssyncset.done $0x0  }
0x87: {  	[smem:$0x7D8] =	sst s20;
	[sflag:s30] =	ssyncadd.s32 $0xFFFFF800  }
0x88: {  	[spmem:s24], [sflag:s20] =	dma.local [hbm:s23], $0x1388  }
0x89: {  	_ =	swait.ge [sflag:s30], $0x1388  }
0x8a: {  	[sflag:s30] =	ssyncset.done $0x0  }
0x8b: {  	[sflag:s30] =	ssyncadd.s32 $0xFFFFEC78  }
0x8c: {  	[bflag:$0x0] =	sbarrier.arrive $0xFFFF  }
0x8d: {  	s25 =	sld [smem:$0x7E7];
	_ =	sdelay $0x1  }
0x8e: {  	s23 =	simm.s32 $0x0  }
0x8f: {  	[tilespmem:s23], [sflag:$0xB] =	stream.linear.gather [hbm4b:s25+s23], $0x600, $0x38;
	[tilespmem:$0x1EC40] =	vst v63  }
0x90: {  	_ =	swait.ge [sflag:s30], $0x600  }
0x91: {  	s31 =	sld [smem:$0x7EA]  }
0x92: {  	[sflag:s30] =	ssyncset.done $0x0  }
0x93: {  	[sflag:s30] =	ssyncadd.s32 $0xFFFFFA00  }
0x94: {  	[tilespmem:s0], [sflag:$0xB] =	stream.linear.gather [hbm4b:s31+s23], $0x600, $0x38;
	[tilespmem:$0x1EC40] =	vst v63  }
0x95: {  	_ =	swait.ge [sflag:s30], $0x600  }
0x96: {  	[sflag:s30] =	ssyncset.done $0x0  }
0x97: {  	s20 =	sld [smem:$0x7FA];
	[sflag:s30] =	ssyncadd.s32 $0xFFFFFA00  }
0x98: {  	[tilespmem:s29], [sflag:$0x1] =	stream.indirect.gather [spmem:s3], $0x40, s23, s5, $0xb8;
	[tilespmem:$0x1EC40] =	vst v63  }
0x99: {  	s24 =	simm.s32 $0x1;
	s21 =	sld [smem:$0x7F9]  }
0x9a: {  	[tilespmem:s8], [sflag:$0x2] =	stream.indirect.gather [spmem:s3], $0x40, s5, s5, $0xb8;
	[tilespmem:$0x1EC40] =	vst v63  }
.LBB2_6:
0x9b: {  	_ =	swait.ge [sflag:s9], $0x2000;
	p0 =	slt.u32 s23, s19  }
0x9c: {  	[sflag:s9] =	ssyncset.done $0x0;
	p1 =	sge.u32 @!p0 s23, s26  }
0x9d: {  	[sflag:s9] =	ssyncadd.s32 $0xFFFFE000;
	p1 =	por p1, p0  }
0x9e: {  	[spmem:s1] =	stream.indirect.scatter.add.f32 [tilespmem:s29], [sflag:$0x4], $0x40, s0, s5, $0xb8;
	[tilespmem:$0x1EC40] =	vst v63  }
0x9f: {  	s6 =	simm.s32 @!p1 $0x80;
	s7 =	simm.s32 @!p1 $0xC00;
	s31 =	simm.s32 @!p1 $0x7800  }
0xa0: {  	[spmem:s2] =	stream.indirect.scatter.add.f32 @!p1 [tilespmem:s31], [sflag:$0x9], $0x10, s7, s6, $0xb8;
	[tilespmem:$0x1EC40] =	vst v63  }
0xa1: {  	p1 =	sle.u32 s23, s19  }
0xa2: {  	p2 =	sge.u32 @!p1 s23, s26  }
0xa3: {  	p1 =	por p2, p1  }
0xa4: {  	s6 =	simm.s32 @!p1 $0x9  }
0xa5: {  	_ =	swait.ge @!p1 [sflag:s6], $0x800  }
0xa6: {  	p2 =	seq.s32 s23, $0x0;
	[sflag:s6] =	ssyncset.done @!p1 $0x0  }
0xa7: {  	[sflag:s6] =	ssyncadd.s32 @!p1 $0xFFFFF800;
	s6 =	simm.s32 @!p2 $0x6  }
0xa8: {  	_ =	swait.ge @!p2 [sflag:s6], $0x2000  }
0xa9: {  	[sflag:s6] =	ssyncset.done @!p2 $0x0  }
0xaa: {  	s7 =	sadd.s32 $0x1, s23;
	s31 =	rddreg [dreg:$0x6];
	[sflag:s6] =	ssyncadd.s32 @!p2 $0xFFFFE000  }
0xab: {  	[tilespmem:s10], [sflag:$0x3] =	stream.indirect.gather [spmem:s3], $0x40, s31, s5, $0xb8;
	[tilespmem:$0x1EC40] =	vst v63  }
0xac: {  	p1 =	slt.u32 s7, s19;
	_ =	swait.ge [sflag:s11], $0x2000  }
0xad: {  	p2 =	sge.u32 @!p1 s7, s26;
	[sflag:s11] =	ssyncset.done $0x0  }
0xae: {  	p1 =	por p2, p1;
	s22 =	rddreg [dreg:$0x7];
	[sflag:s11] =	ssyncadd.s32 $0xFFFFE000  }
0xaf: {  	[spmem:s1] =	stream.indirect.scatter.add.f32 [tilespmem:s8], [sflag:$0x5], $0x40, s22, s5, $0xb8;
	[tilespmem:$0x1EC40] =	vst v63  }
0xb0: {  	s6 =	simm.s32 @!p1 $0x80;
	s31 =	simm.s32 @!p1 $0xC80;
	s25 =	simm.s32 @!p1 $0x7800  }
0xb1: {  	[spmem:s2] =	stream.indirect.scatter.add.f32 @!p1 [tilespmem:s25], [sflag:$0xA], $0x10, s31, s6, $0xb8;
	[tilespmem:$0x1EC40] =	vst v63  }
0xb2: {  	p1 =	slt.u32 s7, s28  }
0xb3: {  	p2 =	sge.u32 @!p1 s7, s26  }
0xb4: {  	p1 =	por p2, p1  }
0xb5: {  	s6 =	simm.s32 @!p1 $0xA  }
0xb6: {  	_ =	swait.ge @!p1 [sflag:s6], $0x800  }
0xb7: {  	[sflag:s6] =	ssyncset.done @!p1 $0x0  }
0xb8: {  	[sflag:s6] =	ssyncadd.s32 @!p1 $0xFFFFF800  }
0xb9: {  	_ =	swait.ge [sflag:s12], $0x2000  }
0xba: {  	[sflag:s12] =	ssyncset.done $0x0  }
0xbb: {  	s7 =	sadd.s32 $0x2, s23;
	s25 =	rddreg [dreg:$0x8];
	[sflag:s12] =	ssyncadd.s32 $0xFFFFE000  }
0xbc: {  	[tilespmem:s29], [sflag:$0x1] =	stream.indirect.gather [spmem:s3], $0x40, s25, s5, $0xb8;
	[tilespmem:$0x1EC40] =	vst v63  }
0xbd: {  	p1 =	slt.u32 s7, s19;
	_ =	swait.ge [sflag:s13], $0x2000  }
0xbe: {  	p2 =	sge.u32 @!p1 s7, s26;
	[sflag:s13] =	ssyncset.done $0x0  }
0xbf: {  	p1 =	por p2, p1;
	s31 =	rddreg [dreg:$0x9];
	[sflag:s13] =	ssyncadd.s32 $0xFFFFE000  }
0xc0: {  	[spmem:s1] =	stream.indirect.scatter.add.f32 [tilespmem:s10], [sflag:$0x6], $0x40, s31, s5, $0xb8;
	[tilespmem:$0x1EC40] =	vst v63  }
0xc1: {  	s6 =	simm.s32 @!p1 $0x80;
	s25 =	simm.s32 @!p1 $0xD00;
	s31 =	simm.s32 @!p1 $0x7800  }
0xc2: {  	[spmem:s2] =	stream.indirect.scatter.add.f32 @!p1 [tilespmem:s31], [sflag:$0x9], $0x10, s25, s6, $0xb8;
	[tilespmem:$0x1EC40] =	vst v63  }
0xc3: {  	p1 =	sge.u32 @!p0 s7, s26  }
0xc4: {  	p1 =	por p1, p0  }
0xc5: {  	s6 =	simm.s32 @!p1 $0x9  }
0xc6: {  	_ =	swait.ge @!p1 [sflag:s6], $0x800  }
0xc7: {  	[sflag:s6] =	ssyncset.done @!p1 $0x0  }
0xc8: {  	s7 =	sadd.s32 $0xFFFFFF40, s20;
	[sflag:s6] =	ssyncadd.s32 @!p1 $0xFFFFF800  }
0xc9: {  	[tilespmem:s14], [sflag:$0x8] =	stream.linear.gather [hbm4b:s7+s4], $0x600, $0x38;
	[tilespmem:$0x1EC40] =	vst v63  }
0xca: {  	s22 =	sadd.s32 $0xFFFFFF40, s21  }
0xcb: {  	[tilespmem:s15], [sflag:$0x8] =	stream.linear.gather [hbm4b:s22+s4], $0x600, $0x38;
	[tilespmem:$0x1EC40] =	vst v63  }
0xcc: {  	_ =	swait.ge [sflag:s16], $0x2000  }
0xcd: {  	[sflag:s16] =	ssyncset.done $0x0  }
0xce: {  	s7 =	sadd.s32 $0x3, s23;
	s25 =	rddreg [dreg:$0xa];
	[sflag:s16] =	ssyncadd.s32 $0xFFFFE000  }
0xcf: {  	[tilespmem:s8], [sflag:$0x2] =	stream.indirect.gather [spmem:s3], $0x40, s25, s5, $0xb8;
	[tilespmem:$0x1EC40] =	vst v63  }
0xd0: {  	p1 =	slt.u32 s7, s19;
	_ =	swait.ge [sflag:s9], $0x2000  }
0xd1: {  	p2 =	sge.u32 @!p1 s7, s26;
	[sflag:s9] =	ssyncset.done $0x0  }
0xd2: {  	p1 =	por p2, p1;
	s31 =	rddreg [dreg:$0xb];
	[sflag:s9] =	ssyncadd.s32 $0xFFFFE000  }
0xd3: {  	[spmem:s1] =	stream.indirect.scatter.add.f32 [tilespmem:s29], [sflag:$0x4], $0x40, s31, s5, $0xb8;
	[tilespmem:$0x1EC40] =	vst v63  }
0xd4: {  	s6 =	simm.s32 @!p1 $0x80;
	s25 =	simm.s32 @!p1 $0xD80;
	s31 =	simm.s32 @!p1 $0x7800  }
0xd5: {  	[spmem:s2] =	stream.indirect.scatter.add.f32 @!p1 [tilespmem:s31], [sflag:$0xA], $0x10, s25, s6, $0xb8;
	[tilespmem:$0x1EC40] =	vst v63  }
0xd6: {  	p1 =	slt.u32 s7, s28  }
0xd7: {  	p2 =	sge.u32 @!p1 s7, s26  }
0xd8: {  	p1 =	por p2, p1  }
0xd9: {  	s6 =	simm.s32 @!p1 $0xA  }
0xda: {  	_ =	swait.ge @!p1 [sflag:s6], $0x800  }
0xdb: {  	[sflag:s6] =	ssyncset.done @!p1 $0x0  }
0xdc: {  	[sflag:s6] =	ssyncadd.s32 @!p1 $0xFFFFF800  }
0xdd: {  	_ =	swait.ge [sflag:s17], $0x2000  }
0xde: {  	[sflag:s17] =	ssyncset.done $0x0  }
0xdf: {  	s7 =	rddreg [dreg:$0xc];
	[sflag:s17] =	ssyncadd.s32 $0xFFFFE000  }
0xe0: {  	[tilespmem:s10], [sflag:$0x3] =	stream.indirect.gather [spmem:s3], $0x40, s7, s5, $0xb8;
	[tilespmem:$0x1EC40] =	vst v63  }
0xe1: {  	s7 =	sadd.s32 $0x4, s23  }
0xe2: {  	_ =	swait.ge [sflag:s11], $0x2000;
	p1 =	slt.u32 s7, s19  }
0xe3: {  	[sflag:s11] =	ssyncset.done $0x0;
	p2 =	sge.u32 @!p1 s7, s26  }
0xe4: {  	s22 =	rddreg [dreg:$0xd];
	[sflag:s11] =	ssyncadd.s32 $0xFFFFE000;
	p1 =	por p2, p1  }
0xe5: {  	[spmem:s1] =	stream.indirect.scatter.add.f32 [tilespmem:s8], [sflag:$0x5], $0x40, s22, s5, $0xb8;
	[tilespmem:$0x1EC40] =	vst v63  }
0xe6: {  	s6 =	simm.s32 @!p1 $0x80;
	s25 =	simm.s32 @!p1 $0xE00;
	s31 =	simm.s32 @!p1 $0x7800  }
0xe7: {  	[spmem:s2] =	stream.indirect.scatter.add.f32 @!p1 [tilespmem:s31], [sflag:$0x9], $0x10, s25, s6, $0xb8;
	[tilespmem:$0x1EC40] =	vst v63  }
0xe8: {  	p1 =	sge.u32 @!p0 s7, s26  }
0xe9: {  	p0 =	por p1, p0  }
0xea: {  	s6 =	simm.s32 @!p0 $0x9  }
0xeb: {  	_ =	swait.ge @!p0 [sflag:s6], $0x800  }
0xec: {  	[sflag:s6] =	ssyncset.done @!p0 $0x0  }
0xed: {  	[sflag:s6] =	ssyncadd.s32 @!p0 $0xFFFFF800  }
0xee: {  	_ =	swait.ge [sflag:s12], $0x2000  }
0xef: {  	[sflag:s12] =	ssyncset.done $0x0  }
0xf0: {  	s7 =	sadd.s32 $0x5, s23;
	s25 =	rddreg [dreg:$0xe];
	[sflag:s12] =	ssyncadd.s32 $0xFFFFE000  }
0xf1: {  	[tilespmem:s29], [sflag:$0x1] =	stream.indirect.gather [spmem:s3], $0x40, s25, s5, $0xb8;
	[tilespmem:$0x1EC40] =	vst v63  }
0xf2: {  	p0 =	slt.u32 s7, s19;
	_ =	swait.ge [sflag:s13], $0x2000  }
0xf3: {  	p1 =	sge.u32 @!p0 s7, s26;
	[sflag:s13] =	ssyncset.done $0x0  }
0xf4: {  	p0 =	por p1, p0;
	s31 =	rddreg [dreg:$0xf];
	[sflag:s13] =	ssyncadd.s32 $0xFFFFE000  }
0xf5: {  	[spmem:s1] =	stream.indirect.scatter.add.f32 [tilespmem:s10], [sflag:$0x6], $0x40, s31, s5, $0xb8;
	[tilespmem:$0x1EC40] =	vst v63  }
0xf6: {  	s6 =	simm.s32 @!p0 $0x80;
	s25 =	simm.s32 @!p0 $0xE80;
	s31 =	simm.s32 @!p0 $0x7800  }
0xf7: {  	[spmem:s2] =	stream.indirect.scatter.add.f32 @!p0 [tilespmem:s31], [sflag:$0xA], $0x10, s25, s6, $0xb8;
	[tilespmem:$0x1EC40] =	vst v63  }
0xf8: {  	p0 =	slt.u32 s7, s28  }
0xf9: {  	p1 =	sge.u32 @!p0 s7, s26  }
0xfa: {  	p0 =	por p1, p0  }
0xfb: {  	s6 =	simm.s32 @!p0 $0xA  }
0xfc: {  	_ =	swait.ge @!p0 [sflag:s6], $0x800  }
0xfd: {  	[sflag:s6] =	ssyncset.done @!p0 $0x0  }
0xfe: {  	[sflag:s6] =	ssyncadd.s32 @!p0 $0xFFFFF800  }
0xff: {  	_ =	swait.ge [sflag:s16], $0x2000  }
0x100: {  	[sflag:s16] =	ssyncset.done $0x0  }
0x101: {  	s7 =	rddreg [dreg:$0x10];
	[sflag:s16] =	ssyncadd.s32 $0xFFFFE000  }
0x102: {  	[tilespmem:s8], [sflag:$0x2] =	stream.indirect.gather [spmem:s3], $0x40, s7, s5, $0xb8;
	[tilespmem:$0x1EC40] =	vst v63  }
0x103: {  	s7 =	sadd.s32 $0x6, s23  }
0x104: {  	_ =	swait.ge [sflag:s9], $0x2000;
	p0 =	slt.u32 s7, s19  }
0x105: {  	[sflag:s9] =	ssyncset.done $0x0;
	p1 =	sge.u32 @!p0 s7, s26  }
0x106: {  	s22 =	rddreg [dreg:$0x11];
	[sflag:s9] =	ssyncadd.s32 $0xFFFFE000;
	p0 =	por p1, p0  }
0x107: {  	[spmem:s1] =	stream.indirect.scatter.add.f32 [tilespmem:s29], [sflag:$0x4], $0x40, s22, s5, $0xb8;
	[tilespmem:$0x1EC40] =	vst v63  }
0x108: {  	s6 =	simm.s32 @!p0 $0x80;
	s25 =	simm.s32 @!p0 $0xF00;
	s31 =	simm.s32 @!p0 $0x7800  }
0x109: {  	[spmem:s2] =	stream.indirect.scatter.add.f32 @!p0 [tilespmem:s31], [sflag:$0x9], $0x10, s25, s6, $0xb8;
	[tilespmem:$0x1EC40] =	vst v63  }
0x10a: {  	p0 =	sle.u32 s7, s19  }
0x10b: {  	p1 =	sge.u32 @!p0 s7, s26  }
0x10c: {  	p0 =	por p1, p0  }
0x10d: {  	s6 =	simm.s32 @!p0 $0x9  }
0x10e: {  	_ =	swait.ge @!p0 [sflag:s6], $0x800  }
0x10f: {  	[sflag:s6] =	ssyncset.done @!p0 $0x0  }
0x110: {  	[sflag:s6] =	ssyncadd.s32 @!p0 $0xFFFFF800  }
0x111: {  	_ =	swait.ge [sflag:s17], $0x2000  }
0x112: {  	[sflag:s17] =	ssyncset.done $0x0  }
0x113: {  	s7 =	sadd.s32 $0x7, s23;
	s25 =	rddreg [dreg:$0x12];
	[sflag:s17] =	ssyncadd.s32 $0xFFFFE000  }
0x114: {  	[tilespmem:s10], [sflag:$0x3] =	stream.indirect.gather [spmem:s3], $0x40, s25, s5, $0xb8;
	[tilespmem:$0x1EC40] =	vst v63  }
0x115: {  	p0 =	slt.u32 s7, s19;
	_ =	swait.ge [sflag:s11], $0x2000  }
0x116: {  	p1 =	sge.u32 @!p0 s7, s26;
	[sflag:s11] =	ssyncset.done $0x0  }
0x117: {  	p0 =	por p1, p0;
	s31 =	rddreg [dreg:$0x13];
	[sflag:s11] =	ssyncadd.s32 $0xFFFFE000  }
0x118: {  	[spmem:s1] =	stream.indirect.scatter.add.f32 [tilespmem:s8], [sflag:$0x5], $0x40, s31, s5, $0xb8;
	[tilespmem:$0x1EC40] =	vst v63  }
0x119: {  	s6 =	simm.s32 @!p0 $0x80;
	s25 =	simm.s32 @!p0 $0xF80;
	s31 =	simm.s32 @!p0 $0x7800  }
0x11a: {  	[spmem:s2] =	stream.indirect.scatter.add.f32 @!p0 [tilespmem:s31], [sflag:$0xA], $0x10, s25, s6, $0xb8;
	[tilespmem:$0x1EC40] =	vst v63  }
0x11b: {  	p0 =	slt.u32 s7, s28  }
0x11c: {  	p1 =	sge.u32 @!p0 s7, s26  }
0x11d: {  	p0 =	por p1, p0  }
0x11e: {  	s6 =	simm.s32 @!p0 $0xA  }
0x11f: {  	_ =	swait.ge @!p0 [sflag:s6], $0x800  }
0x120: {  	[sflag:s6] =	ssyncset.done @!p0 $0x0  }
0x121: {  	[sflag:s6] =	ssyncadd.s32 @!p0 $0xFFFFF800  }
0x122: {  	_ =	swait.ge [sflag:s12], $0x2000  }
0x123: {  	[sflag:s12] =	ssyncset.done $0x0  }
0x124: {  	s7 =	rddreg [dreg:$0x14];
	[sflag:s12] =	ssyncadd.s32 $0xFFFFE000  }
0x125: {  	[tilespmem:s29], [sflag:$0x1] =	stream.indirect.gather [spmem:s3], $0x40, s7, s5, $0xb8;
	[tilespmem:$0x1EC40] =	vst v63  }
0x126: {  	s7 =	sadd.s32 $0x8, s23  }
0x127: {  	_ =	swait.ge [sflag:s13], $0x2000;
	p0 =	slt.u32 s7, s19  }
0x128: {  	[sflag:s13] =	ssyncset.done $0x0;
	p1 =	sge.u32 @!p0 s7, s26  }
0x129: {  	s22 =	rddreg [dreg:$0x15];
	[sflag:s13] =	ssyncadd.s32 $0xFFFFE000;
	p0 =	por p1, p0  }
0x12a: {  	[spmem:s1] =	stream.indirect.scatter.add.f32 [tilespmem:s10], [sflag:$0x6], $0x40, s22, s5, $0xb8;
	[tilespmem:$0x1EC40] =	vst v63  }
0x12b: {  	s6 =	simm.s32 @!p0 $0x80;
	s25 =	simm.s32 @!p0 $0x1000;
	s31 =	simm.s32 @!p0 $0x7800  }
0x12c: {  	[spmem:s2] =	stream.indirect.scatter.add.f32 @!p0 [tilespmem:s31], [sflag:$0x9], $0x10, s25, s6, $0xb8;
	[tilespmem:$0x1EC40] =	vst v63  }
0x12d: {  	p0 =	sle.u32 s7, s19  }
0x12e: {  	p1 =	sge.u32 @!p0 s7, s26  }
0x12f: {  	p0 =	por p1, p0  }
0x130: {  	s6 =	simm.s32 @!p0 $0x9  }
0x131: {  	_ =	swait.ge @!p0 [sflag:s6], $0x800  }
0x132: {  	[sflag:s6] =	ssyncset.done @!p0 $0x0  }
0x133: {  	[sflag:s6] =	ssyncadd.s32 @!p0 $0xFFFFF800  }
0x134: {  	_ =	swait.ge [sflag:s16], $0x2000  }
0x135: {  	[sflag:s16] =	ssyncset.done $0x0  }
0x136: {  	s7 =	sadd.s32 $0x9, s23;
	s25 =	rddreg [dreg:$0x16];
	[sflag:s16] =	ssyncadd.s32 $0xFFFFE000  }
0x137: {  	[tilespmem:s8], [sflag:$0x2] =	stream.indirect.gather [spmem:s3], $0x40, s25, s5, $0xb8;
	[tilespmem:$0x1EC40] =	vst v63  }
0x138: {  	p0 =	slt.u32 s7, s19;
	_ =	swait.ge [sflag:s9], $0x2000  }
0x139: {  	p1 =	sge.u32 @!p0 s7, s26;
	[sflag:s9] =	ssyncset.done $0x0  }
0x13a: {  	p0 =	por p1, p0;
	s31 =	rddreg [dreg:$0x17];
	[sflag:s9] =	ssyncadd.s32 $0xFFFFE000  }
0x13b: {  	[spmem:s1] =	stream.indirect.scatter.add.f32 [tilespmem:s29], [sflag:$0x4], $0x40, s31, s5, $0xb8;
	[tilespmem:$0x1EC40] =	vst v63  }
0x13c: {  	s6 =	simm.s32 @!p0 $0x80;
	s25 =	simm.s32 @!p0 $0x1080;
	s31 =	simm.s32 @!p0 $0x7800  }
0x13d: {  	[spmem:s2] =	stream.indirect.scatter.add.f32 @!p0 [tilespmem:s31], [sflag:$0xA], $0x10, s25, s6, $0xb8;
	[tilespmem:$0x1EC40] =	vst v63  }
0x13e: {  	p0 =	slt.u32 s7, s28  }
0x13f: {  	p1 =	sge.u32 @!p0 s7, s26  }
0x140: {  	p0 =	por p1, p0  }
0x141: {  	s6 =	simm.s32 @!p0 $0xA  }
0x142: {  	_ =	swait.ge @!p0 [sflag:s6], $0x800  }
0x143: {  	[sflag:s6] =	ssyncset.done @!p0 $0x0  }
0x144: {  	[sflag:s6] =	ssyncadd.s32 @!p0 $0xFFFFF800  }
0x145: {  	_ =	swait.ge [sflag:s17], $0x2000  }
0x146: {  	[sflag:s17] =	ssyncset.done $0x0  }
0x147: {  	s7 =	sadd.s32 $0xA, s23;
	s22 =	rddreg [dreg:$0x18];
	[sflag:s17] =	ssyncadd.s32 $0xFFFFE000  }
0x148: {  	[tilespmem:s10], [sflag:$0x3] =	stream.indirect.gather [spmem:s3], $0x40, s22, s5, $0xb8;
	[tilespmem:$0x1EC40] =	vst v63  }
0x149: {  	p0 =	slt.u32 s7, s19;
	_ =	swait.ge [sflag:s11], $0x2000  }
0x14a: {  	p1 =	sge.u32 @!p0 s7, s26;
	[sflag:s11] =	ssyncset.done $0x0  }
0x14b: {  	p0 =	por p1, p0;
	s25 =	rddreg [dreg:$0x19];
	[sflag:s11] =	ssyncadd.s32 $0xFFFFE000  }
0x14c: {  	[spmem:s1] =	stream.indirect.scatter.add.f32 [tilespmem:s8], [sflag:$0x5], $0x40, s25, s5, $0xb8;
	[tilespmem:$0x1EC40] =	vst v63  }
0x14d: {  	s6 =	simm.s32 @!p0 $0x80;
	s31 =	simm.s32 @!p0 $0x7800;
	s25 =	simm.s32 @!p0 $0x1100  }
0x14e: {  	[spmem:s2] =	stream.indirect.scatter.add.f32 @!p0 [tilespmem:s31], [sflag:$0x9], $0x10, s25, s6, $0xb8;
	[tilespmem:$0x1EC40] =	vst v63  }
0x14f: {  	p0 =	sle.u32 s7, s19  }
0x150: {  	p1 =	sge.u32 @!p0 s7, s26  }
0x151: {  	p0 =	por p1, p0  }
0x152: {  	s6 =	simm.s32 @!p0 $0x9  }
0x153: {  	_ =	swait.ge @!p0 [sflag:s6], $0x800  }
0x154: {  	[sflag:s6] =	ssyncset.done @!p0 $0x0  }
0x155: {  	[sflag:s6] =	ssyncadd.s32 @!p0 $0xFFFFF800  }
0x156: {  	_ =	swait.ge [sflag:s18], $0x600  }
0x157: {  	[sflag:s18] =	ssyncset.done $0x0  }
0x158: {  	[sflag:s18] =	ssyncadd.s32 $0xFFFFFA00  }
0x159: {  	_ =	swait.ge [sflag:s18], $0x600  }
0x15a: {  	[sflag:s18] =	ssyncset.done $0x0  }
0x15b: {  	[sflag:s18] =	ssyncadd.s32 $0xFFFFFA00  }
0x15c: {  	_ =	swait.ge [sflag:s12], $0x2000  }
0x15d: {  	[sflag:s12] =	ssyncset.done $0x0  }
0x15e: {  	s7 =	sadd.s32 $0xB, s23;
	[sflag:s12] =	ssyncadd.s32 $0xFFFFE000  }
0x15f: {  	[tilespmem:s29], [sflag:$0x1] =	stream.indirect.gather [spmem:s3], $0x40, s14, s5, $0xb8;
	[tilespmem:$0x1EC40] =	vst v63  }
0x160: {  	p0 =	slt.u32 s7, s19;
	_ =	swait.ge [sflag:s13], $0x2000  }
0x161: {  	p1 =	sge.u32 @!p0 s7, s26;
	[sflag:s13] =	ssyncset.done $0x0  }
0x162: {  	p0 =	por p1, p0;
	s31 =	rddreg [dreg:$0x1a];
	[sflag:s13] =	ssyncadd.s32 $0xFFFFE000  }
0x163: {  	[spmem:s1] =	stream.indirect.scatter.add.f32 [tilespmem:s10], [sflag:$0x6], $0x40, s31, s5, $0xb8;
	[tilespmem:$0x1EC40] =	vst v63  }
0x164: {  	s6 =	simm.s32 @!p0 $0x80;
	s25 =	simm.s32 @!p0 $0x1180;
	s31 =	simm.s32 @!p0 $0x7800  }
0x165: {  	[spmem:s2] =	stream.indirect.scatter.add.f32 @!p0 [tilespmem:s31], [sflag:$0xA], $0x10, s25, s6, $0xb8;
	[tilespmem:$0x1EC40] =	vst v63  }
0x166: {  	p0 =	slt.u32 s7, s28  }
0x167: {  	p1 =	sge.u32 @!p0 s7, s26  }
0x168: {  	p0 =	por p1, p0  }
0x169: {  	s6 =	simm.s32 @!p0 $0xA  }
0x16a: {  	_ =	swait.ge @!p0 [sflag:s6], $0x800  }
0x16b: {  	[sflag:s6] =	ssyncset.done @!p0 $0x0  }
0x16c: {  	[sflag:s6] =	ssyncadd.s32 @!p0 $0xFFFFF800  }
0x16d: {  	_ =	swait.ge [sflag:s16], $0x2000  }
0x16e: {  	[sflag:s16] =	ssyncset.done $0x0  }
0x16f: {  	s6 =	sadd.s32 $0xC, s23;
	s22 =	rddreg [dreg:$0x1b];
	[sflag:s16] =	ssyncadd.s32 $0xFFFFE000  }
0x170: {  	[tilespmem:s8], [sflag:$0x2] =	stream.indirect.gather [spmem:s3], $0x40, s22, s5, $0xb8;
	[tilespmem:$0x1EC40] =	vst v63  }
0x171: {  	p1 =	slt.u32 s6, s19;
	_ =	swait.ge [sflag:s9], $0x2000  }
0x172: {  	p0 =	sge.u32 @!p1 s6, s26;
	[sflag:s9] =	ssyncset.done $0x0  }
0x173: {  	p0 =	por p0, p1;
	[sflag:s9] =	ssyncadd.s32 $0xFFFFE000  }
0x174: {  	[spmem:s1] =	stream.indirect.scatter.add.f32 [tilespmem:s29], [sflag:$0x4], $0x40, s15, s5, $0xb8;
	[tilespmem:$0x1EC40] =	vst v63  }
0x175: {  	s7 =	simm.s32 @!p0 $0x80;
	s25 =	simm.s32 @!p0 $0x1200;
	s31 =	simm.s32 @!p0 $0x7800  }
0x176: {  	[spmem:s2] =	stream.indirect.scatter.add.f32 @!p0 [tilespmem:s31], [sflag:$0x9], $0x10, s25, s7, $0xb8;
	[tilespmem:$0x1EC40] =	vst v63  }
0x177: {  	p0 =	sle.u32 s6, s19  }
0x178: {  	p2 =	sge.u32 @!p0 s6, s26  }
0x179: {  	p0 =	por p2, p0  }
0x17a: {  	s6 =	simm.s32 @!p0 $0x9  }
0x17b: {  	_ =	swait.ge @!p0 [sflag:s6], $0x800  }
0x17c: {  	[sflag:s6] =	ssyncset.done @!p0 $0x0  }
0x17d: {  	[sflag:s6] =	ssyncadd.s32 @!p0 $0xFFFFF800  }
0x17e: {  	_ =	swait.ge [sflag:s17], $0x2000  }
0x17f: {  	[sflag:s17] =	ssyncset.done $0x0  }
0x180: {  	s7 =	sadd.s32 $0xD, s23;
	s25 =	rddreg [dreg:$0x1c];
	[sflag:s17] =	ssyncadd.s32 $0xFFFFE000  }
0x181: {  	[tilespmem:s10], [sflag:$0x3] =	stream.indirect.gather [spmem:s3], $0x40, s25, s5, $0xb8;
	[tilespmem:$0x1EC40] =	vst v63  }
0x182: {  	p0 =	slt.u32 s7, s19;
	_ =	swait.ge [sflag:s11], $0x2000  }
0x183: {  	p2 =	sge.u32 @!p0 s7, s26;
	[sflag:s11] =	ssyncset.done $0x0  }
0x184: {  	p0 =	por p2, p0;
	s31 =	rddreg [dreg:$0x1d];
	[sflag:s11] =	ssyncadd.s32 $0xFFFFE000  }
0x185: {  	[spmem:s1] =	stream.indirect.scatter.add.f32 [tilespmem:s8], [sflag:$0x5], $0x40, s31, s5, $0xb8;
	[tilespmem:$0x1EC40] =	vst v63  }
0x186: {  	s6 =	simm.s32 @!p0 $0x80;
	s25 =	simm.s32 @!p0 $0x1280;
	s31 =	simm.s32 @!p0 $0x7800  }
0x187: {  	[spmem:s2] =	stream.indirect.scatter.add.f32 @!p0 [tilespmem:s31], [sflag:$0xA], $0x10, s25, s6, $0xb8;
	[tilespmem:$0x1EC40] =	vst v63  }
0x188: {  	p0 =	slt.u32 s7, s28  }
0x189: {  	p2 =	sge.u32 @!p0 s7, s26  }
0x18a: {  	p0 =	por p2, p0  }
0x18b: {  	s6 =	simm.s32 @!p0 $0xA  }
0x18c: {  	_ =	swait.ge @!p0 [sflag:s6], $0x800  }
0x18d: {  	[sflag:s6] =	ssyncset.done @!p0 $0x0  }
0x18e: {  	[sflag:s6] =	ssyncadd.s32 @!p0 $0xFFFFF800  }
0x18f: {  	_ =	swait.ge [sflag:s12], $0x2000  }
0x190: {  	[sflag:s12] =	ssyncset.done $0x0  }
0x191: {  	s7 =	rddreg [dreg:$0x1e];
	[sflag:s12] =	ssyncadd.s32 $0xFFFFE000  }
0x192: {  	[tilespmem:s29], [sflag:$0x1] =	stream.indirect.gather [spmem:s3], $0x40, s7, s5, $0xb8;
	[tilespmem:$0x1EC40] =	vst v63  }
0x193: {  	s7 =	sadd.s32 $0xE, s23  }
0x194: {  	_ =	swait.ge [sflag:s13], $0x2000;
	p0 =	slt.u32 s7, s19  }
0x195: {  	[sflag:s13] =	ssyncset.done $0x0;
	p2 =	sge.u32 @!p0 s7, s26  }
0x196: {  	s22 =	rddreg [dreg:$0x1f];
	[sflag:s13] =	ssyncadd.s32 $0xFFFFE000;
	p0 =	por p2, p0  }
0x197: {  	[spmem:s1] =	stream.indirect.scatter.add.f32 [tilespmem:s10], [sflag:$0x6], $0x40, s22, s5, $0xb8;
	[tilespmem:$0x1EC40] =	vst v63  }
0x198: {  	s6 =	simm.s32 @!p0 $0x80;
	s25 =	simm.s32 @!p0 $0x1300;
	s31 =	simm.s32 @!p0 $0x7800  }
0x199: {  	[spmem:s2] =	stream.indirect.scatter.add.f32 @!p0 [tilespmem:s31], [sflag:$0x9], $0x10, s25, s6, $0xb8;
	[tilespmem:$0x1EC40] =	vst v63  }
0x19a: {  	p0 =	sge.u32 @!p1 s7, s26  }
0x19b: {  	p2 =	por p0, p1  }
0x19c: {  	s6 =	simm.s32 @!p2 $0x9  }
0x19d: {  	_ =	swait.ge @!p2 [sflag:s6], $0x800  }
0x19e: {  	p0 =	seq.s32 s23, $0x90;
	[sflag:s6] =	ssyncset.done @!p2 $0x0  }
0x19f: {  	[sflag:s6] =	ssyncadd.s32 @!p2 $0xFFFFF800;
	s6 =	simm.s32 @!p0 $0x0  }
0x1a0: {  	[tilespmem:s6], [sflag:$0x7] =	stream.linear.gather @!p0 [hbm4b:s20+s6], $0x600, $0x38;
	[tilespmem:$0x1EC40] =	vst v63  }
0x1a1: {  	s7 =	simm.s32 @!p0 $0xC00  }
0x1a2: {  	[tilespmem:s7], [sflag:$0x7] =	stream.linear.gather @!p0 [hbm4b:s21+s6], $0x600, $0x38;
	[tilespmem:$0x1EC40] =	vst v63  }
0x1a3: {  	_ =	swait.ge [sflag:s16], $0x2000  }
0x1a4: {  	s25 =	sld [smem:$0x7DE]  }
0x1a5: {  	[sflag:s16] =	ssyncset.done $0x0  }
0x1a6: {  	[sflag:s16] =	ssyncadd.s32 $0xFFFFE000  }
0x1a7: {  	[tilespmem:s8], [sflag:$0x2] =	stream.indirect.gather [spmem:s3], $0x40, s25, s5, $0xb8;
	[tilespmem:$0x1EC40] =	vst v63  }
0x1a8: {  	s7 =	sadd.s32 $0xF, s23;
	_ =	swait.ge [sflag:s9], $0x2000  }
0x1a9: {  	p2 =	slt.u32 s7, s19;
	s31 =	sld [smem:$0x7DF]  }
0x1aa: {  	p3 =	sge.u32 @!p2 s7, s26;
	[sflag:s9] =	ssyncset.done $0x0  }
0x1ab: {  	p2 =	por p3, p2;
	[sflag:s9] =	ssyncadd.s32 $0xFFFFE000  }
0x1ac: {  	[spmem:s1] =	stream.indirect.scatter.add.f32 [tilespmem:s29], [sflag:$0x4], $0x40, s31, s5, $0xb8;
	[tilespmem:$0x1EC40] =	vst v63  }
0x1ad: {  	s6 =	simm.s32 @!p2 $0x80;
	s25 =	simm.s32 @!p2 $0x1380;
	s31 =	simm.s32 @!p2 $0x7800  }
0x1ae: {  	[spmem:s2] =	stream.indirect.scatter.add.f32 @!p2 [tilespmem:s31], [sflag:$0xA], $0x10, s25, s6, $0xb8;
	[tilespmem:$0x1EC40] =	vst v63  }
0x1af: {  	p2 =	slt.u32 s7, s28  }
0x1b0: {  	p3 =	sge.u32 @!p2 s7, s26  }
0x1b1: {  	p2 =	por p3, p2  }
0x1b2: {  	s6 =	simm.s32 @!p2 $0xA  }
0x1b3: {  	_ =	swait.ge @!p2 [sflag:s6], $0x800  }
0x1b4: {  	[sflag:s6] =	ssyncset.done @!p2 $0x0  }
0x1b5: {  	[sflag:s6] =	ssyncadd.s32 @!p2 $0xFFFFF800  }
0x1b6: {  	_ =	swait.ge [sflag:s17], $0x2000  }
0x1b7: {  	s7 =	sld [smem:$0x7E0]  }
0x1b8: {  	[sflag:s17] =	ssyncset.done $0x0  }
0x1b9: {  	[sflag:s17] =	ssyncadd.s32 $0xFFFFE000  }
0x1ba: {  	[tilespmem:s10], [sflag:$0x3] =	stream.indirect.gather [spmem:s3], $0x40, s7, s5, $0xb8;
	[tilespmem:$0x1EC40] =	vst v63  }
0x1bb: {  	s7 =	sadd.s32 $0x10, s23;
	_ =	swait.ge [sflag:s11], $0x2000  }
0x1bc: {  	p2 =	slt.u32 s7, s19;
	s22 =	sld [smem:$0x7E1]  }
0x1bd: {  	[sflag:s11] =	ssyncset.done $0x0;
	p3 =	sge.u32 @!p2 s7, s26  }
0x1be: {  	[sflag:s11] =	ssyncadd.s32 $0xFFFFE000;
	p2 =	por p3, p2  }
0x1bf: {  	[spmem:s1] =	stream.indirect.scatter.add.f32 [tilespmem:s8], [sflag:$0x5], $0x40, s22, s5, $0xb8;
	[tilespmem:$0x1EC40] =	vst v63  }
0x1c0: {  	s6 =	simm.s32 @!p2 $0x80;
	s25 =	simm.s32 @!p2 $0x1400;
	s31 =	simm.s32 @!p2 $0x7800  }
0x1c1: {  	[spmem:s2] =	stream.indirect.scatter.add.f32 @!p2 [tilespmem:s31], [sflag:$0x9], $0x10, s25, s6, $0xb8;
	[tilespmem:$0x1EC40] =	vst v63  }
0x1c2: {  	p2 =	sge.u32 @!p1 s7, s26  }
0x1c3: {  	p1 =	por p2, p1  }
0x1c4: {  	s6 =	simm.s32 @!p1 $0x9  }
0x1c5: {  	_ =	swait.ge @!p1 [sflag:s6], $0x800  }
0x1c6: {  	[sflag:s6] =	ssyncset.done @!p1 $0x0  }
0x1c7: {  	[sflag:s6] =	ssyncadd.s32 @!p1 $0xFFFFF800  }
0x1c8: {  	_ =	swait.ge [sflag:s12], $0x2000  }
0x1c9: {  	s25 =	sld [smem:$0x7E2]  }
0x1ca: {  	[sflag:s12] =	ssyncset.done $0x0  }
0x1cb: {  	[sflag:s12] =	ssyncadd.s32 $0xFFFFE000  }
0x1cc: {  	[tilespmem:s29], [sflag:$0x1] =	stream.indirect.gather [spmem:s3], $0x40, s25, s5, $0xb8;
	[tilespmem:$0x1EC40] =	vst v63  }
0x1cd: {  	s7 =	sadd.s32 $0x11, s23;
	_ =	swait.ge [sflag:s13], $0x2000  }
0x1ce: {  	p1 =	slt.u32 s7, s19;
	s31 =	sld [smem:$0x7E3]  }
0x1cf: {  	p2 =	sge.u32 @!p1 s7, s26;
	[sflag:s13] =	ssyncset.done $0x0  }
0x1d0: {  	p1 =	por p2, p1;
	[sflag:s13] =	ssyncadd.s32 $0xFFFFE000  }
0x1d1: {  	[spmem:s1] =	stream.indirect.scatter.add.f32 [tilespmem:s10], [sflag:$0x6], $0x40, s31, s5, $0xb8;
	[tilespmem:$0x1EC40] =	vst v63  }
0x1d2: {  	s6 =	simm.s32 @!p1 $0x80;
	s25 =	simm.s32 @!p1 $0x1480;
	s31 =	simm.s32 @!p1 $0x7800  }
0x1d3: {  	[spmem:s2] =	stream.indirect.scatter.add.f32 @!p1 [tilespmem:s31], [sflag:$0xA], $0x10, s25, s6, $0xb8;
	[tilespmem:$0x1EC40] =	vst v63  }
0x1d4: {  	p1 =	slt.u32 s7, s28  }
0x1d5: {  	p2 =	sge.u32 @!p1 s7, s26  }
0x1d6: {  	p1 =	por p2, p1  }
0x1d7: {  	s6 =	simm.s32 @!p1 $0xA  }
0x1d8: {  	_ =	swait.ge @!p1 [sflag:s6], $0x800  }
0x1d9: {  	[sflag:s6] =	ssyncset.done @!p1 $0x0  }
0x1da: {  	[sflag:s6] =	ssyncadd.s32 @!p1 $0xFFFFF800  }
0x1db: {  	_ =	swait.ge [sflag:s16], $0x2000  }
0x1dc: {  	s7 =	sld [smem:$0x7E5]  }
0x1dd: {  	[sflag:s16] =	ssyncset.done $0x0  }
0x1de: {  	[sflag:s16] =	ssyncadd.s32 $0xFFFFE000  }
0x1df: {  	[tilespmem:s8], [sflag:$0x2] =	stream.indirect.gather [spmem:s3], $0x40, s7, s5, $0xb8;
	[tilespmem:$0x1EC40] =	vst v63  }
0x1e0: {  	s7 =	sadd.s32 $0x12, s23;
	_ =	swait.ge [sflag:s9], $0x2000  }
0x1e1: {  	p1 =	slt.u32 s7, s19;
	s22 =	sld [smem:$0x7E6]  }
0x1e2: {  	[sflag:s9] =	ssyncset.done $0x0;
	p2 =	sge.u32 @!p1 s7, s26  }
0x1e3: {  	[sflag:s9] =	ssyncadd.s32 $0xFFFFE000;
	p1 =	por p2, p1  }
0x1e4: {  	[spmem:s1] =	stream.indirect.scatter.add.f32 [tilespmem:s29], [sflag:$0x4], $0x40, s22, s5, $0xb8;
	[tilespmem:$0x1EC40] =	vst v63  }
0x1e5: {  	s6 =	simm.s32 @!p1 $0x80;
	s25 =	simm.s32 @!p1 $0x1500;
	s31 =	simm.s32 @!p1 $0x7800  }
0x1e6: {  	[spmem:s2] =	stream.indirect.scatter.add.f32 @!p1 [tilespmem:s31], [sflag:$0x9], $0x10, s25, s6, $0xb8;
	[tilespmem:$0x1EC40] =	vst v63  }
0x1e7: {  	p1 =	sle.u32 s7, s19  }
0x1e8: {  	p2 =	sge.u32 @!p1 s7, s26  }
0x1e9: {  	p1 =	por p2, p1  }
0x1ea: {  	s6 =	simm.s32 @!p1 $0x9  }
0x1eb: {  	_ =	swait.ge @!p1 [sflag:s6], $0x800  }
0x1ec: {  	[sflag:s6] =	ssyncset.done @!p1 $0x0  }
0x1ed: {  	[sflag:s6] =	ssyncadd.s32 @!p1 $0xFFFFF800  }
0x1ee: {  	_ =	swait.ge [sflag:s17], $0x2000  }
0x1ef: {  	s25 =	sld [smem:$0x7E8]  }
0x1f0: {  	[sflag:s17] =	ssyncset.done $0x0  }
0x1f1: {  	[sflag:s17] =	ssyncadd.s32 $0xFFFFE000  }
0x1f2: {  	[tilespmem:s10], [sflag:$0x3] =	stream.indirect.gather [spmem:s3], $0x40, s25, s5, $0xb8;
	[tilespmem:$0x1EC40] =	vst v63  }
0x1f3: {  	s7 =	sadd.s32 $0x13, s23;
	_ =	swait.ge [sflag:s11], $0x2000  }
0x1f4: {  	p1 =	slt.u32 s7, s19;
	s31 =	sld [smem:$0x7E9]  }
0x1f5: {  	p2 =	sge.u32 @!p1 s7, s26;
	[sflag:s11] =	ssyncset.done $0x0  }
0x1f6: {  	p1 =	por p2, p1;
	[sflag:s11] =	ssyncadd.s32 $0xFFFFE000  }
0x1f7: {  	[spmem:s1] =	stream.indirect.scatter.add.f32 [tilespmem:s8], [sflag:$0x5], $0x40, s31, s5, $0xb8;
	[tilespmem:$0x1EC40] =	vst v63  }
0x1f8: {  	s6 =	simm.s32 @!p1 $0x80;
	s25 =	simm.s32 @!p1 $0x1580;
	s31 =	simm.s32 @!p1 $0x7800  }
0x1f9: {  	[spmem:s2] =	stream.indirect.scatter.add.f32 @!p1 [tilespmem:s31], [sflag:$0xA], $0x10, s25, s6, $0xb8;
	[tilespmem:$0x1EC40] =	vst v63  }
0x1fa: {  	p1 =	slt.u32 s7, s28  }
0x1fb: {  	p2 =	sge.u32 @!p1 s7, s26  }
0x1fc: {  	p1 =	por p2, p1  }
0x1fd: {  	s6 =	simm.s32 @!p1 $0xA  }
0x1fe: {  	_ =	swait.ge @!p1 [sflag:s6], $0x800  }
0x1ff: {  	[sflag:s6] =	ssyncset.done @!p1 $0x0  }
0x200: {  	[sflag:s6] =	ssyncadd.s32 @!p1 $0xFFFFF800  }
0x201: {  	_ =	swait.ge [sflag:s12], $0x2000  }
0x202: {  	s7 =	sld [smem:$0x7EB]  }
0x203: {  	[sflag:s12] =	ssyncset.done $0x0  }
0x204: {  	[sflag:s12] =	ssyncadd.s32 $0xFFFFE000  }
0x205: {  	[tilespmem:s29], [sflag:$0x1] =	stream.indirect.gather [spmem:s3], $0x40, s7, s5, $0xb8;
	[tilespmem:$0x1EC40] =	vst v63  }
0x206: {  	s7 =	sadd.s32 $0x14, s23;
	_ =	swait.ge [sflag:s13], $0x2000  }
0x207: {  	p1 =	slt.u32 s7, s19;
	s22 =	sld [smem:$0x7EC]  }
0x208: {  	[sflag:s13] =	ssyncset.done $0x0;
	p2 =	sge.u32 @!p1 s7, s26  }
0x209: {  	[sflag:s13] =	ssyncadd.s32 $0xFFFFE000;
	p1 =	por p2, p1  }
0x20a: {  	[spmem:s1] =	stream.indirect.scatter.add.f32 [tilespmem:s10], [sflag:$0x6], $0x40, s22, s5, $0xb8;
	[tilespmem:$0x1EC40] =	vst v63  }
0x20b: {  	s6 =	simm.s32 @!p1 $0x80;
	s25 =	simm.s32 @!p1 $0x1600;
	s31 =	simm.s32 @!p1 $0x7800  }
0x20c: {  	[spmem:s2] =	stream.indirect.scatter.add.f32 @!p1 [tilespmem:s31], [sflag:$0x9], $0x10, s25, s6, $0xb8;
	[tilespmem:$0x1EC40] =	vst v63  }
0x20d: {  	p1 =	sle.u32 s7, s19  }
0x20e: {  	p2 =	sge.u32 @!p1 s7, s26  }
0x20f: {  	p1 =	por p2, p1  }
0x210: {  	s6 =	simm.s32 @!p1 $0x9  }
0x211: {  	_ =	swait.ge @!p1 [sflag:s6], $0x800  }
0x212: {  	[sflag:s6] =	ssyncset.done @!p1 $0x0  }
0x213: {  	[sflag:s6] =	ssyncadd.s32 @!p1 $0xFFFFF800  }
0x214: {  	_ =	swait.ge [sflag:s16], $0x2000  }
0x215: {  	s25 =	sld [smem:$0x7ED]  }
0x216: {  	[sflag:s16] =	ssyncset.done $0x0  }
0x217: {  	[sflag:s16] =	ssyncadd.s32 $0xFFFFE000  }
0x218: {  	[tilespmem:s8], [sflag:$0x2] =	stream.indirect.gather [spmem:s3], $0x40, s25, s5, $0xb8;
	[tilespmem:$0x1EC40] =	vst v63  }
0x219: {  	s7 =	sadd.s32 $0x15, s23;
	_ =	swait.ge [sflag:s9], $0x2000  }
0x21a: {  	p1 =	slt.u32 s7, s19;
	s31 =	sld [smem:$0x7EE]  }
0x21b: {  	p2 =	sge.u32 @!p1 s7, s26;
	[sflag:s9] =	ssyncset.done $0x0  }
0x21c: {  	p1 =	por p2, p1;
	[sflag:s9] =	ssyncadd.s32 $0xFFFFE000  }
0x21d: {  	[spmem:s1] =	stream.indirect.scatter.add.f32 [tilespmem:s29], [sflag:$0x4], $0x40, s31, s5, $0xb8;
	[tilespmem:$0x1EC40] =	vst v63  }
0x21e: {  	s6 =	simm.s32 @!p1 $0x80;
	s25 =	simm.s32 @!p1 $0x1680;
	s31 =	simm.s32 @!p1 $0x7800  }
0x21f: {  	[spmem:s2] =	stream.indirect.scatter.add.f32 @!p1 [tilespmem:s31], [sflag:$0xA], $0x10, s25, s6, $0xb8;
	[tilespmem:$0x1EC40] =	vst v63  }
0x220: {  	p1 =	slt.u32 s7, s28  }
0x221: {  	p2 =	sge.u32 @!p1 s7, s26  }
0x222: {  	p1 =	por p2, p1  }
0x223: {  	s6 =	simm.s32 @!p1 $0xA  }
0x224: {  	_ =	swait.ge @!p1 [sflag:s6], $0x800  }
0x225: {  	[sflag:s6] =	ssyncset.done @!p1 $0x0  }
0x226: {  	[sflag:s6] =	ssyncadd.s32 @!p1 $0xFFFFF800  }
0x227: {  	_ =	swait.ge [sflag:s17], $0x2000  }
0x228: {  	s22 =	sld [smem:$0x7F0]  }
0x229: {  	[sflag:s17] =	ssyncset.done $0x0  }
0x22a: {  	[sflag:s17] =	ssyncadd.s32 $0xFFFFE000  }
0x22b: {  	[tilespmem:s10], [sflag:$0x3] =	stream.indirect.gather [spmem:s3], $0x40, s22, s5, $0xb8;
	[tilespmem:$0x1EC40] =	vst v63  }
0x22c: {  	s7 =	sadd.s32 $0x16, s23;
	_ =	swait.ge [sflag:s11], $0x2000  }
0x22d: {  	p1 =	slt.u32 s7, s19;
	s25 =	sld [smem:$0x7F1]  }
0x22e: {  	p2 =	sge.u32 @!p1 s7, s26;
	[sflag:s11] =	ssyncset.done $0x0  }
0x22f: {  	p1 =	por p2, p1;
	[sflag:s11] =	ssyncadd.s32 $0xFFFFE000  }
0x230: {  	[spmem:s1] =	stream.indirect.scatter.add.f32 [tilespmem:s8], [sflag:$0x5], $0x40, s25, s5, $0xb8;
	[tilespmem:$0x1EC40] =	vst v63  }
0x231: {  	s6 =	simm.s32 @!p1 $0x80;
	s31 =	simm.s32 @!p1 $0x7800;
	s25 =	simm.s32 @!p1 $0x1700  }
0x232: {  	[spmem:s2] =	stream.indirect.scatter.add.f32 @!p1 [tilespmem:s31], [sflag:$0x9], $0x10, s25, s6, $0xb8;
	[tilespmem:$0x1EC40] =	vst v63  }
0x233: {  	p1 =	sle.u32 s7, s19  }
0x234: {  	p2 =	sge.u32 @!p1 s7, s26  }
0x235: {  	p1 =	por p2, p1  }
0x236: {  	s6 =	simm.s32 @!p1 $0x9  }
0x237: {  	_ =	swait.ge @!p1 [sflag:s6], $0x800  }
0x238: {  	[sflag:s6] =	ssyncset.done @!p1 $0x0  }
0x239: {  	[sflag:s6] =	ssyncadd.s32 @!p1 $0xFFFFF800;
	s6 =	simm.s32 @!p0 $0x7  }
0x23a: {  	_ =	swait.ge @!p0 [sflag:s6], $0x600  }
0x23b: {  	[sflag:s6] =	ssyncset.done @!p0 $0x0  }
0x23c: {  	[sflag:s6] =	ssyncadd.s32 @!p0 $0xFFFFFA00  }
0x23d: {  	_ =	swait.ge @!p0 [sflag:s6], $0x600  }
0x23e: {  	[sflag:s6] =	ssyncset.done @!p0 $0x0  }
0x23f: {  	[sflag:s6] =	ssyncadd.s32 @!p0 $0xFFFFFA00  }
0x240: {  	p0 =	sgt.u32 s24, $0xC;
	_ =	swait.ge [sflag:s12], $0x2000  }
0x241: {  	s6 =	simm.s32 @!p0 $0x80;
	[sflag:s12] =	ssyncset.done $0x0  }
0x242: {  	s7 =	simm.s32 @!p0 $0x0;
	s25 =	simm.s32 @!p0 $0x1800;
	[sflag:s12] =	ssyncadd.s32 $0xFFFFE000  }
0x243: {  	[tilespmem:s25], [sflag:$0x1] =	stream.indirect.gather @!p0 [spmem:s3], $0x40, s7, s6, $0xb8;
	[tilespmem:$0x1EC40] =	vst v63  }
0x244: {  	s25 =	sadd.s32 $0x17, s23;
	_ =	swait.ge [sflag:s13], $0x2000  }
0x245: {  	p1 =	slt.u32 s25, s19;
	s31 =	sld [smem:$0x7F2]  }
0x246: {  	[sflag:s13] =	ssyncset.done $0x0;
	p2 =	sge.u32 @!p1 s25, s26  }
0x247: {  	[sflag:s13] =	ssyncadd.s32 $0xFFFFE000;
	p1 =	por p2, p1  }
0x248: {  	[spmem:s1] =	stream.indirect.scatter.add.f32 [tilespmem:s10], [sflag:$0x6], $0x40, s31, s5, $0xb8;
	[tilespmem:$0x1EC40] =	vst v63  }
0x249: {  	s7 =	simm.s32 @!p1 $0x80;
	s22 =	simm.s32 @!p1 $0x7800;
	s31 =	simm.s32 @!p1 $0x1780  }
0x24a: {  	[spmem:s2] =	stream.indirect.scatter.add.f32 @!p1 [tilespmem:s22], [sflag:$0xA], $0x10, s31, s7, $0xb8;
	[tilespmem:$0x1EC40] =	vst v63  }
0x24b: {  	p1 =	slt.u32 s25, s28  }
0x24c: {  	p2 =	sge.u32 @!p1 s25, s26  }
0x24d: {  	p1 =	por p2, p1  }
0x24e: {  	s7 =	simm.s32 @!p1 $0xA  }
0x24f: {  	_ =	swait.ge @!p1 [sflag:s7], $0x800  }
0x250: {  	[sflag:s7] =	ssyncset.done @!p1 $0x0  }
0x251: {  	[sflag:s7] =	ssyncadd.s32 @!p1 $0xFFFFF800  }
0x252: {  	_ =	swait.ge [sflag:s16], $0x2000  }
0x253: {  	[sflag:s16] =	ssyncset.done $0x0  }
0x254: {  	s23 =	sadd.s32 $0x18, s23;
	s7 =	simm.s32 @!p0 $0x3800;
	[sflag:s16] =	ssyncadd.s32 $0xFFFFE000  }
0x255: {  	[tilespmem:s7], [sflag:$0x2] =	stream.indirect.gather @!p0 [spmem:s3], $0x40, s6, s6, $0xb8;
	[tilespmem:$0x1EC40] =	vst v63  }
0x256: {  	p0 =	sne.s32 s23, $0xA8  }
.Ltmp2:
0x257: {  	_ = 	snop;
	(pc) =	sbr.rel @p0 .LBB2_6-.Ltmp2, $2  }
0x258: {  	_ =	sdelay $0x2  }
0x259: {  	s20 =	sadd.s32 $0x180, s20;
	s21 =	sadd.s32 $0x180, s21;
	s24 =	sadd.s32 $0x2, s24  }
0x25a: {  	_ =	swait.ge [sflag:s17], $0x2000  }
0x25b: {  	[sflag:s17] =	ssyncset.done $0x0  }
0x25c: {  	s6 =	simm.s32 $0x9;
	[sflag:s17] =	ssyncadd.s32 $0xFFFFE000  }
0x25d: {  	_ =	swait.ge [sflag:s6], $0x800  }
0x25e: {  	[sflag:s6] =	ssyncset.done $0x0  }
0x25f: {  	s21 =	simm.s32 $0xA;
	[sflag:s6] =	ssyncadd.s32 $0xFFFFF800  }
0x260: {  	_ =	swait.ge [sflag:s21], $0x800  }
0x261: {  	[sflag:s21] =	ssyncset.done $0x0  }
0x262: {  	[sflag:s21] =	ssyncadd.s32 $0xFFFFF800  }
0x263: {  	[bflag:$0x0] =	sbarrier.arrive $0xFFFF  }
0x264: {  	s7 =	sld [smem:$0x7FC]  }
0x265: {  	s20 =	sld [smem:$0x7F6]  }
0x266: {  	s21 =	sld [smem:$0x7D8];
	_ =	sdelay $0x1  }
0x267: {  	s22 =	sshrl.u32 s7, $0x3  }
0x268: {  	[hbm:s20], [sflag:s21] =	dma.local [spmem:s22], $0x1400  }
0x269: {  	_ =	swait.ge [sflag:s30], $0x1400  }
0x26a: {  	s22 =	sld [smem:$0x7FD]  }
0x26b: {  	s24 =	sld [smem:$0x7F7]  }
0x26c: {  	[sflag:s30] =	ssyncset.done $0x0  }
0x26d: {  	[sflag:s30] =	ssyncadd.s32 $0xFFFFEC00;
	s23 =	sshrl.u32 s22, $0x3  }
0x26e: {  	[hbm:s24], [sflag:s21] =	dma.local [spmem:s23], $0x500  }
0x26f: {  	_ =	swait.ge [sflag:s30], $0x500  }
0x270: {  	s25 =	sld [smem:$0x7D9]  }
0x271: {  	s31 =	sld [smem:$0x7F8];
	_ =	sdelay $0x1  }
0x272: {  	s20 =	sadd.s32 $0x1, s25  }
0x273: {  	p0 =	sne.s32 s20, s31  }
.Ltmp3:
0x274: {  	_ = 	snop;
	(pc) =	sbr.rel @p0 .LBB2_1-.Ltmp3, $3  }
0x275: {  	_ =	sdelay $0x1  }
0x276: {  	[sflag:s30] =	ssyncset.done $0x0  }
0x277: {  	[sflag:s30] =	ssyncadd.s32 $0xFFFFFB00  }
0x278: {  	_ =	sfence.sel $0x180000  }
0x279: {  	[bflag:$0x0] =	sbarrier.arrive $0xFFFF  }
0x27a: {  	_ =	strace $0x90000047  }
0x27b: {  	s0 =	stileid.u32;
	[bflag:$0x2] =	sbarrier.arrive $0xFFFF  }
0x27c: {  	p0 =	sne.s32 s0, $0x0;
	s0 =	rddreg [dreg:$0x5]  }
0x27d: {  	s0 =	sadd.s32 @!p0 $0x100000, s0  }
0x27e: {  	[sflag:s0] =	ssyncadd.tile.s32 @!p0 $0x1;
	_ =	shalt  }
.Lfunc_end2:
_tile_overlayer_lowered:
.L_overlay_start_2:
0x27f: {  	(tag) =	ssettag $0x2  }
0x280: {  	s0 =	rddreg [dreg:$0x0];
	s2 =	stileid.u32  }
0x281: {  	s1 =	rddreg [dreg:$0x1];
	p0 =	sne.s32 s2, $0x0  }
0x282: {  	s3 =	rddreg [dreg:$0x2];
	[bflag:$0x3] =	sbarrier.arrive $0xFFFF;
	s2 =	simm.s32 @!p0 $0x1C0B  }
0x283: {  	[timem:s3], [sflag:s2] =	dma.local @!p0 [hbm:s0], s1  }
0x284: {  	s0 =	simm.s32 @!p0 $0xB  }
0x285: {  	_ =	swait.ge @!p0 [sflag:s0], s1  }
0x286: {  	s1 =	ssub.s32 @!p0 $0x0, s1;
	[sflag:s0] =	ssyncset.done @!p0 $0x0  }
0x287: {  	[sflag:s0] =	ssyncadd.s32 @!p0 s1  }
0x288: {  	[bflag:$0x3] =	sbarrier.arrive $0xFFFF  }
0x289: {  	_ =	shalt  }

</sc_bundles>
